<compile_context>
chip_gen: v7x
topology: tpu7x:2x2x1
jax: 0.10.2.dev20260603
libtpu: 0.0.44.dev20260713+nightly
codegen_flags: <defaults>
</compile_context>

<pallas_src>
import functools

import jax
import jax.numpy as jnp
from jax import lax
from jax.experimental import pallas as pl
from jax.experimental.pallas import tpu as pltpu
from jax.experimental.pallas import tpu_sc as plsc

NF = 19
NI = 128
NO = 256
VOCAB = 1000

NC = 2
NS = 16
NW = NC * NS
LANES = 16
NU = NO // 2

CH = 4
FA = 10
FB = NF - FA
ROWS_A = CH * FA
ROWS_B = CH * FB
ROWSP = 40
NBUF = 2


def _proj_body(emb_ref, w_ref, be_ref, bo_ref, p_ref):
    f = pl.program_id(0)
    e16 = emb_ref[0].astype(jnp.bfloat16)
    w16 = w_ref[0].astype(jnp.bfloat16)
    acc = jnp.dot(e16, w16, preferred_element_type=jnp.float32)
    is0 = (f == 0).astype(jnp.float32)
    acc_e = acc[:, :NU] + is0 * be_ref[0][None, :]
    acc_o = acc[:, NU:] + is0 * bo_ref[0][None, :]
    be = lax.bitcast_convert_type(acc_e, jnp.uint32) + jnp.uint32(0x8000)
    bo = lax.bitcast_convert_type(acc_o, jnp.uint32) + jnp.uint32(0x8000)
    p_ref[0] = (be >> 16) | (bo & jnp.uint32(0xFFFF0000))


def _project_tables(emb_tables, fc_W, fc_b):
    w3 = fc_W.reshape(NF, NI, NO)
    b_e = fc_b[:NU].reshape(1, NU)
    b_o = fc_b[NU:].reshape(1, NU)
    p = pl.pallas_call(
        _proj_body,
        grid=(NF,),
        in_specs=[
            pl.BlockSpec((1, VOCAB, NI), lambda f: (f, 0, 0)),
            pl.BlockSpec((1, NI, NO), lambda f: (f, 0, 0)),
            pl.BlockSpec((1, NU), lambda f: (0, 0)),
            pl.BlockSpec((1, NU), lambda f: (0, 0)),
        ],
        out_specs=pl.BlockSpec((1, VOCAB, NU), lambda f: (f, 0, 0)),
        out_shape=jax.ShapeDtypeStruct((NF, VOCAB, NU), jnp.uint32),
    )(emb_tables, w3, b_e, b_o)
    return p.reshape(NF * VOCAB, NU)


def _make_bag_kernel(bs):
    spw = bs // NW
    nchunk = spw // CH
    mesh = plsc.VectorSubcoreMesh(core_axis_name="c", subcore_axis_name="s")

    @functools.partial(
        pl.kernel,
        out_type=jax.ShapeDtypeStruct((bs, NO), jnp.float32),
        mesh=mesh,
        scratch_types=[
            pltpu.VMEM((nchunk, ROWSP), jnp.int32),
            pltpu.VMEM((ROWSP, NU), jnp.uint32),
            pltpu.VMEM((ROWSP, NU), jnp.uint32),
            pltpu.VMEM((spw, NO), jnp.float32),
            pltpu.VMEM_SHARED((FA * VOCAB, NU), jnp.uint32),
            pltpu.SemaphoreType.DMA,
            pltpu.SemaphoreType.DMA,
        ],
    )
    def bag(idxa_hbm, idxb_hbm, p_hbm, out_hbm, idx_v,
            rows0, rows1, out_v, psh, sem0, sem1):
        cid = lax.axis_index("c")
        sid = lax.axis_index("s")
        w = sid * NC + cid

        bufs = (rows0, rows1)
        sems = (sem0, sem1)
        himask = jnp.full((LANES,), 0xFFFF0000, jnp.uint32)

        def stage(nrows, hbm_off):
            per = (nrows // (NS * 8)) * 8
            tail = nrows - NS * per
            npiece = per // ROWSP
            rem = per - npiece * ROWSP
            base_h = hbm_off + sid * per
            base_s = sid * per

            def fetch(g, buf, sem):
                pltpu.async_copy(
                    p_hbm.at[pl.ds(base_h + g * ROWSP, ROWSP)], buf, sem)

            def fwait(g, buf, sem):
                pltpu.make_async_copy(
                    p_hbm.at[pl.ds(base_h + g * ROWSP, ROWSP)], buf,
                    sem).wait()

            def push(g, buf):
                pltpu.sync_copy(buf, psh.at[pl.ds(base_s + g * ROWSP, ROWSP)])

            fetch(0, rows0, sem0)

            def body(h, carry):
                g = 2 * h

                @pl.when(g + 1 < npiece)
                def _():
                    fetch(g + 1, rows1, sem1)

                fwait(g, rows0, sem0)
                push(g, rows0)

                @pl.when(g + 2 < npiece)
                def _():
                    fetch(g + 2, rows0, sem0)

                @pl.when(g + 1 < npiece)
                def _():
                    fwait(g + 1, rows1, sem1)
                    push(g + 1, rows1)

                return carry

            lax.fori_loop(0, (npiece + 1) // 2, body, 0)

            def hop(hbm_off_g, psh_off_g, n):
                src = p_hbm.at[pl.ds(hbm_off_g, n)]
                mid = rows0 if n == ROWSP else rows0.at[pl.ds(0, n)]
                pltpu.sync_copy(src, mid)
                pltpu.sync_copy(mid, psh.at[pl.ds(psh_off_g, n)])

            if rem:
                hop(base_h + npiece * ROWSP, base_s + npiece * ROWSP, rem)

            @pl.when(sid == NS - 1)
            def _():
                hop(hbm_off + NS * per, NS * per, tail)

        def make_compute(fpp, accumulate):
            def compute_chunk(j, rows):
                def cc_body(cc, carry):
                    col = pl.ds(cc * LANES, LANES)
                    colh = pl.ds(NU + cc * LANES, LANES)
                    for s in range(CH):
                        x = rows[s * fpp, col]
                        a0 = lax.bitcast_convert_type(x << 16, jnp.float32)
                        a1 = lax.bitcast_convert_type(x & himask, jnp.float32)
                        for f in range(1, fpp):
                            x = rows[s * fpp + f, col]
                            a0 = a0 + lax.bitcast_convert_type(
                                x << 16, jnp.float32)
                            a1 = a1 + lax.bitcast_convert_type(
                                x & himask, jnp.float32)
                        r = j * CH + s
                        if accumulate:
                            a0 = a0 + out_v[r, col]
                            a1 = a1 + out_v[r, colh]
                        out_v[r, col] = a0
                        out_v[r, colh] = a1
                    return carry

                lax.fori_loop(0, NU // LANES, cc_body, 0)
            return compute_chunk

        def run_pass(idx_v, compute_chunk):
            def gather(j, b):
                pltpu.async_copy(psh.at[idx_v.at[j]], bufs[b], sems[b])

            def wait(j, b):
                pltpu.make_async_copy(
                    psh.at[idx_v.at[j]], bufs[b], sems[b]).wait()

            for b in range(NBUF):
                gather(b, b)

            def loop_body(g, carry):
                base = g * NBUF
                for b in range(NBUF):
                    j = base + b
                    wait(j, b)
                    compute_chunk(j, bufs[b])

                    @pl.when(j + NBUF < nchunk)
                    def _():
                        gather(j + NBUF, b)
                return carry

            lax.fori_loop(0, nchunk // NBUF, loop_body, 0)

        stage(FA * VOCAB, 0)
        pltpu.sync_copy(idxa_hbm.at[w], idx_v)
        plsc.subcore_barrier()
        run_pass(idx_v, make_compute(FA, accumulate=False))
        plsc.subcore_barrier()

        stage(FB * VOCAB, FA * VOCAB)
        pltpu.sync_copy(idxb_hbm.at[w], idx_v)
        plsc.subcore_barrier()
        run_pass(idx_v, make_compute(FB, accumulate=True))

        pltpu.sync_copy(out_v, out_hbm.at[pl.ds(w * spw, spw)])

    return bag


def kernel(feature, edge_index, emb_tables, fc_W, fc_b):
    del edge_index
    bs = feature.shape[0]
    spw = bs // NW
    nchunk = spw // CH

    fi = feature.astype(jnp.int32)
    offs = jnp.arange(NF, dtype=jnp.int32) * VOCAB
    idxa = (fi[:, :FA] + offs[None, :FA]).reshape(NW, nchunk, ROWS_A)
    idxb = (fi[:, FA:] + (offs[None, FA:] - FA * VOCAB)).reshape(
        NW, nchunk, ROWS_B)
    idxb = jnp.pad(idxb, ((0, 0), (0, 0), (0, ROWSP - ROWS_B)))

    p = _project_tables(emb_tables, fc_W, fc_b)
    return _make_bag_kernel(bs)(idxa, idxb, p)

# --- scband reference (transcript-rebuilt; emitter-appended) ---
"""Pipeline reference for scband-movie-layer-6846177870359 (READ-ONLY COPY).

The authoritative reference and input builder live on the scoring server;
editing this copy changes nothing except your own understanding.
"""

import jax, jax.numpy as jnp
import numpy as np

BS = 4096      # batch size
NF = 19        # n_nodes per sample graph (use_id=True)
NI = 128       # embedding dim / ni
NO = 256       # output dim / no
VOCAB = 1000   # each embedding_sizes[i]


def _fc_edges(n):
    # fully-connected directed edges without self loops: E = n*(n-1)
    src, dst = [], []
    for s in range(n):
        for d in range(n):
            if s != d:
                src.append(s)
                dst.append(d)
    return np.stack([np.array(src), np.array(dst)], axis=0)


def setup_inputs(seed: int = 0) -> dict:
    key = jax.random.key(seed)
    k1, k2, k3 = jax.random.split(key, 3)
    feature = jax.random.randint(k1, (BS, NF), 0, VOCAB, dtype=jnp.int32)
    # 19 embedding tables, all vocab=1000, dim=NI -> stacked [NF, VOCAB, NI]
    emb_tables = jax.random.normal(k2, (NF, VOCAB, NI), dtype=jnp.float32) * 0.02
    fc_W = jax.random.normal(k3, (NF * NI, NO), dtype=jnp.float32) * (1.0 / np.sqrt(NF * NI))
    fc_b = jnp.zeros((NO,), dtype=jnp.float32)
    edge_index = jnp.asarray(_fc_edges(NF), dtype=jnp.int32)  # [2, 342]
    return {"feature": feature, "edge_index": edge_index, "emb_tables": emb_tables, "fc_W": fc_W, "fc_b": fc_b}


def reference(feature, edge_index, emb_tables, fc_W, fc_b):
    bs = feature.shape[0]
    # embed(): concat of per-field embedding lookups -> h = g.ndata['h'], shape [bs, NF, NI]
    h = emb_tables[jnp.arange(NF)[None, :], feature]
    # update_all(gcn_msg, gcn_reduce): ms[dst] = sum of src h over fully-connected edges.
    # NOTE: in the original module gcn_reduce leaves 'h' unchanged and 'ms' is never used
    # for the returned value (x is discarded), so this aggregation is dead code; kept for fidelity.
    src = edge_index[0]
    dst = edge_index[1]
    ms = jnp.zeros_like(h).at[:, dst, :].add(h[:, src, :])  # [bs, NF, NI]
    del ms
    # return self.fc(h.reshape(bs, -1))
    out = h.reshape(bs, -1) @ fc_W + fc_b
    return out

if __name__ == "__main__":
    import jax
    _d = setup_inputs()
    print(jax.jit(kernel)(*tuple(_d.values())))

</pallas_src>

<mosaic_0001>
#map = affine_map<(d0, d1) -> (0, 0, 0)>
#map1 = affine_map<(d0, d1) -> (0, 0)>
module attributes {stable_mosaic.version = 14 : i64} {
  func.func @bag(%arg0: i32, %arg1: i32, %arg2: memref<32x32x40xi32, #tpu.memory_space<hbm>>, %arg3: memref<32x32x40xi32, #tpu.memory_space<hbm>>, %arg4: memref<19000x128xi32, #tpu.memory_space<hbm>>, %arg5: memref<4096x256xf32, #tpu.memory_space<hbm>>, %arg6: memref<32x40xi32, #tpu.memory_space<vmem>>, %arg7: memref<40x128xi32, #tpu.memory_space<vmem>>, %arg8: memref<40x128xi32, #tpu.memory_space<vmem>>, %arg9: memref<128x256xf32, #tpu.memory_space<vmem>>, %arg10: memref<10000x128xi32, #tpu.memory_space<vmem_shared>>, %arg11: memref<!tpu.dma_semaphore, #tpu.memory_space<semaphore_mem>>, %arg12: memref<!tpu.dma_semaphore, #tpu.memory_space<semaphore_mem>>) attributes {dimension_semantics = [#tpu.dimension_semantics<core_parallel>, #tpu.dimension_semantics<subcore_parallel>], iteration_bounds = array<i64: 2, 16>, scalar_prefetch = 0 : i64, scratch_operands = 7 : i64, tpu.core_type = #tpu.core_type<sc_vector_subcore>, window_params = [{transform_indices = #map}, {transform_indices = #map}, {transform_indices = #map1}, {transform_indices = #map1}]} {
    %mul3A = arith.constant 2 : i32
    %mul3A_0 = arith.muli %arg1, %mul3A : i32
    %add3A = arith.addi %mul3A_0, %arg0 : i32
    %broadcast_in_dim3A = arith.constant -65536 : i32
    %broadcast_in_dim3A_1 = vector.broadcast %broadcast_in_dim3A : i32 to vector<16xi32>
    %mul3A_2 = arith.constant 624 : i32
    %mul3A_3 = arith.muli %arg1, %mul3A_2 : i32
    %add3A_4 = arith.constant 0 : i32
    %add3A_5 = arith.addi %add3A_4, %mul3A_3 : i32
    %mul3A_6 = arith.constant 624 : i32
    %mul3A_7 = arith.muli %arg1, %mul3A_6 : i32
    %add3A_8 = arith.constant 0 : i32
    %add3A_9 = arith.addi %add3A_5, %add3A_8 : i32
    %dma_start3A = arith.constant 0 : i32
    %dma_start3A_10 = tpu.memref_slice %arg4[%add3A_9, %dma_start3A] : memref<19000x128xi32, #tpu.memory_space<hbm>> -> memref<40x128xi32, #tpu.memory_space<hbm>>
    %dma_start3A_11 = arith.constant 0 : i32
    %dma_start3A_12 = tpu.memref_slice %arg4[%add3A_9, %dma_start3A_11] : memref<19000x128xi32, #tpu.memory_space<hbm>> -> memref<40x128xi32, #tpu.memory_space<hbm>>
    tpu.enqueue_dma source(%dma_start3A_12 : memref<40x128xi32, #tpu.memory_space<hbm>>) target(%arg7 : memref<40x128xi32, #tpu.memory_space<vmem>>) target_semaphore(%arg11 : memref<!tpu.dma_semaphore, #tpu.memory_space<semaphore_mem>>)
    %scan3A = arith.constant 0 : i32
    %scan3A_13 = arith.constant 0 : i32
    %scan3A_14 = arith.constant 8 : i32
    %scan3A_15 = arith.addi %scan3A_13, %scan3A_14 : i32
    %scan3A_16 = arith.constant 1 : i32
    scf.for %scan3A_91 = %scan3A_13 to %scan3A_15 step %scan3A_16  : i32 {
      %mul3A_92 = arith.constant 2 : i32
      %mul3A_93 = arith.muli %mul3A_92, %scan3A_91 : i32
      %add3A_94 = arith.constant 1 : i32
      %add3A_95 = arith.addi %mul3A_93, %add3A_94 : i32
      %lt3A = arith.constant 15 : i32
      %lt3A_96 = arith.cmpi slt, %add3A_95, %lt3A : i32
      %convert_element_type3A_97 = arith.extui %lt3A_96 : i1 to i32
      %cond3A_98 = arith.constant 0 : i32
      %cond3A_99 = arith.cmpi ne, %convert_element_type3A_97, %cond3A_98 : i32
      scf.if %cond3A_99 {
        %add3A_123 = arith.constant 1 : i32
        %add3A_124 = arith.addi %mul3A_93, %add3A_123 : i32
        %mul3A_125 = arith.constant 40 : i32
        %mul3A_126 = arith.muli %add3A_124, %mul3A_125 : i32
        %add3A_127 = arith.addi %add3A_5, %mul3A_126 : i32
        %dma_start3A_128 = arith.constant 0 : i32
        %dma_start3A_129 = tpu.memref_slice %arg4[%add3A_127, %dma_start3A_128] : memref<19000x128xi32, #tpu.memory_space<hbm>> -> memref<40x128xi32, #tpu.memory_space<hbm>>
        %dma_start3A_130 = arith.constant 0 : i32
        %dma_start3A_131 = tpu.memref_slice %arg4[%add3A_127, %dma_start3A_130] : memref<19000x128xi32, #tpu.memory_space<hbm>> -> memref<40x128xi32, #tpu.memory_space<hbm>>
        tpu.enqueue_dma source(%dma_start3A_131 : memref<40x128xi32, #tpu.memory_space<hbm>>) target(%arg8 : memref<40x128xi32, #tpu.memory_space<vmem>>) target_semaphore(%arg12 : memref<!tpu.dma_semaphore, #tpu.memory_space<semaphore_mem>>)
      } else {
      }
      %mul3A_100 = arith.constant 40 : i32
      %mul3A_101 = arith.muli %mul3A_93, %mul3A_100 : i32
      %add3A_102 = arith.addi %add3A_5, %mul3A_101 : i32
      %dma_wait3A = arith.constant 0 : i32
      %dma_wait3A_103 = tpu.memref_slice %arg4[%add3A_102, %dma_wait3A] : memref<19000x128xi32, #tpu.memory_space<hbm>> -> memref<40x128xi32, #tpu.memory_space<hbm>>
      %dma_wait3A_104 = arith.constant 0 : i32
      %dma_wait3A_105 = tpu.memref_slice %arg4[%add3A_102, %dma_wait3A_104] : memref<19000x128xi32, #tpu.memory_space<hbm>> -> memref<40x128xi32, #tpu.memory_space<hbm>>
      tpu.wait_dma2 semaphore(%arg11 : memref<!tpu.dma_semaphore, #tpu.memory_space<semaphore_mem>>) src(%dma_wait3A_105 : memref<40x128xi32, #tpu.memory_space<hbm>>) dst(%arg7 : memref<40x128xi32, #tpu.memory_space<vmem>>)
      %mul3A_106 = arith.constant 40 : i32
      %mul3A_107 = arith.muli %mul3A_93, %mul3A_106 : i32
      %add3A_108 = arith.addi %mul3A_7, %mul3A_107 : i32
      "tpu.region"() ({
        %run_scoped3A = tpu.sem_alloc : memref<!tpu.dma_semaphore, #tpu.memory_space<semaphore_mem>>
        %dma_start3A_123 = arith.constant 0 : i32
        %dma_start3A_124 = tpu.memref_slice %arg10[%add3A_108, %dma_start3A_123] : memref<10000x128xi32, #tpu.memory_space<vmem_shared>> -> memref<40x128xi32, #tpu.memory_space<vmem_shared>>
        %dma_start3A_125 = arith.constant 0 : i32
        %dma_start3A_126 = tpu.memref_slice %arg10[%add3A_108, %dma_start3A_125] : memref<10000x128xi32, #tpu.memory_space<vmem_shared>> -> memref<40x128xi32, #tpu.memory_space<vmem_shared>>
        tpu.enqueue_dma source(%arg7 : memref<40x128xi32, #tpu.memory_space<vmem>>) target(%dma_start3A_126 : memref<40x128xi32, #tpu.memory_space<vmem_shared>>) target_semaphore(%run_scoped3A : memref<!tpu.dma_semaphore, #tpu.memory_space<semaphore_mem>>)
        %dma_wait3A_127 = arith.constant 0 : i32
        %dma_wait3A_128 = tpu.memref_slice %arg10[%add3A_108, %dma_wait3A_127] : memref<10000x128xi32, #tpu.memory_space<vmem_shared>> -> memref<40x128xi32, #tpu.memory_space<vmem_shared>>
        %dma_wait3A_129 = arith.constant 0 : i32
        %dma_wait3A_130 = tpu.memref_slice %arg10[%add3A_108, %dma_wait3A_129] : memref<10000x128xi32, #tpu.memory_space<vmem_shared>> -> memref<40x128xi32, #tpu.memory_space<vmem_shared>>
        tpu.wait_dma2 semaphore(%run_scoped3A : memref<!tpu.dma_semaphore, #tpu.memory_space<semaphore_mem>>) src(%arg7 : memref<40x128xi32, #tpu.memory_space<vmem>>) dst(%dma_wait3A_130 : memref<40x128xi32, #tpu.memory_space<vmem_shared>>)
        tpu.yield
      }) : () -> ()
      %add3A_109 = arith.constant 2 : i32
      %add3A_110 = arith.addi %mul3A_93, %add3A_109 : i32
      %lt3A_111 = arith.constant 15 : i32
      %lt3A_112 = arith.cmpi slt, %add3A_110, %lt3A_111 : i32
      %convert_element_type3A_113 = arith.extui %lt3A_112 : i1 to i32
      %cond3A_114 = arith.constant 0 : i32
      %cond3A_115 = arith.cmpi ne, %convert_element_type3A_113, %cond3A_114 : i32
      scf.if %cond3A_115 {
        %add3A_123 = arith.constant 2 : i32
        %add3A_124 = arith.addi %mul3A_93, %add3A_123 : i32
        %mul3A_125 = arith.constant 40 : i32
        %mul3A_126 = arith.muli %add3A_124, %mul3A_125 : i32
        %add3A_127 = arith.addi %add3A_5, %mul3A_126 : i32
        %dma_start3A_128 = arith.constant 0 : i32
        %dma_start3A_129 = tpu.memref_slice %arg4[%add3A_127, %dma_start3A_128] : memref<19000x128xi32, #tpu.memory_space<hbm>> -> memref<40x128xi32, #tpu.memory_space<hbm>>
        %dma_start3A_130 = arith.constant 0 : i32
        %dma_start3A_131 = tpu.memref_slice %arg4[%add3A_127, %dma_start3A_130] : memref<19000x128xi32, #tpu.memory_space<hbm>> -> memref<40x128xi32, #tpu.memory_space<hbm>>
        tpu.enqueue_dma source(%dma_start3A_131 : memref<40x128xi32, #tpu.memory_space<hbm>>) target(%arg7 : memref<40x128xi32, #tpu.memory_space<vmem>>) target_semaphore(%arg11 : memref<!tpu.dma_semaphore, #tpu.memory_space<semaphore_mem>>)
      } else {
      }
      %add3A_116 = arith.constant 1 : i32
      %add3A_117 = arith.addi %mul3A_93, %add3A_116 : i32
      %lt3A_118 = arith.constant 15 : i32
      %lt3A_119 = arith.cmpi slt, %add3A_117, %lt3A_118 : i32
      %convert_element_type3A_120 = arith.extui %lt3A_119 : i1 to i32
      %cond3A_121 = arith.constant 0 : i32
      %cond3A_122 = arith.cmpi ne, %convert_element_type3A_120, %cond3A_121 : i32
      scf.if %cond3A_122 {
        %add3A_123 = arith.constant 1 : i32
        %add3A_124 = arith.addi %mul3A_93, %add3A_123 : i32
        %mul3A_125 = arith.constant 40 : i32
        %mul3A_126 = arith.muli %add3A_124, %mul3A_125 : i32
        %add3A_127 = arith.addi %add3A_5, %mul3A_126 : i32
        %dma_wait3A_128 = arith.constant 0 : i32
        %dma_wait3A_129 = tpu.memref_slice %arg4[%add3A_127, %dma_wait3A_128] : memref<19000x128xi32, #tpu.memory_space<hbm>> -> memref<40x128xi32, #tpu.memory_space<hbm>>
        %dma_wait3A_130 = arith.constant 0 : i32
        %dma_wait3A_131 = tpu.memref_slice %arg4[%add3A_127, %dma_wait3A_130] : memref<19000x128xi32, #tpu.memory_space<hbm>> -> memref<40x128xi32, #tpu.memory_space<hbm>>
        tpu.wait_dma2 semaphore(%arg12 : memref<!tpu.dma_semaphore, #tpu.memory_space<semaphore_mem>>) src(%dma_wait3A_131 : memref<40x128xi32, #tpu.memory_space<hbm>>) dst(%arg8 : memref<40x128xi32, #tpu.memory_space<vmem>>)
        %add3A_132 = arith.constant 1 : i32
        %add3A_133 = arith.addi %mul3A_93, %add3A_132 : i32
        %mul3A_134 = arith.constant 40 : i32
        %mul3A_135 = arith.muli %add3A_133, %mul3A_134 : i32
        %add3A_136 = arith.addi %mul3A_7, %mul3A_135 : i32
        "tpu.region"() ({
          %run_scoped3A = tpu.sem_alloc : memref<!tpu.dma_semaphore, #tpu.memory_space<semaphore_mem>>
          %dma_start3A_137 = arith.constant 0 : i32
          %dma_start3A_138 = tpu.memref_slice %arg10[%add3A_136, %dma_start3A_137] : memref<10000x128xi32, #tpu.memory_space<vmem_shared>> -> memref<40x128xi32, #tpu.memory_space<vmem_shared>>
          %dma_start3A_139 = arith.constant 0 : i32
          %dma_start3A_140 = tpu.memref_slice %arg10[%add3A_136, %dma_start3A_139] : memref<10000x128xi32, #tpu.memory_space<vmem_shared>> -> memref<40x128xi32, #tpu.memory_space<vmem_shared>>
          tpu.enqueue_dma source(%arg8 : memref<40x128xi32, #tpu.memory_space<vmem>>) target(%dma_start3A_140 : memref<40x128xi32, #tpu.memory_space<vmem_shared>>) target_semaphore(%run_scoped3A : memref<!tpu.dma_semaphore, #tpu.memory_space<semaphore_mem>>)
          %dma_wait3A_141 = arith.constant 0 : i32
          %dma_wait3A_142 = tpu.memref_slice %arg10[%add3A_136, %dma_wait3A_141] : memref<10000x128xi32, #tpu.memory_space<vmem_shared>> -> memref<40x128xi32, #tpu.memory_space<vmem_shared>>
          %dma_wait3A_143 = arith.constant 0 : i32
          %dma_wait3A_144 = tpu.memref_slice %arg10[%add3A_136, %dma_wait3A_143] : memref<10000x128xi32, #tpu.memory_space<vmem_shared>> -> memref<40x128xi32, #tpu.memory_space<vmem_shared>>
          tpu.wait_dma2 semaphore(%run_scoped3A : memref<!tpu.dma_semaphore, #tpu.memory_space<semaphore_mem>>) src(%arg8 : memref<40x128xi32, #tpu.memory_space<vmem>>) dst(%dma_wait3A_144 : memref<40x128xi32, #tpu.memory_space<vmem_shared>>)
          tpu.yield
        }) : () -> ()
      } else {
      }
    }
    %scan3A_17 = arith.constant 8 : i32
    %add3A_18 = arith.constant 600 : i32
    %add3A_19 = arith.addi %add3A_5, %add3A_18 : i32
    %add3A_20 = arith.constant 600 : i32
    %add3A_21 = arith.addi %mul3A_7, %add3A_20 : i32
    "tpu.region"() ({
      %run_scoped3A = tpu.sem_alloc : memref<!tpu.dma_semaphore, #tpu.memory_space<semaphore_mem>>
      %dma_start3A_91 = arith.constant 0 : i32
      %dma_start3A_92 = arith.constant 0 : i32
      %dma_start3A_93 = tpu.memref_slice %arg7[%dma_start3A_91, %dma_start3A_92] : memref<40x128xi32, #tpu.memory_space<vmem>> -> memref<24x128xi32, #tpu.memory_space<vmem>>
      %dma_start3A_94 = arith.constant 0 : i32
      %dma_start3A_95 = tpu.memref_slice %arg4[%add3A_19, %dma_start3A_94] : memref<19000x128xi32, #tpu.memory_space<hbm>> -> memref<24x128xi32, #tpu.memory_space<hbm>>
      %dma_start3A_96 = arith.constant 0 : i32
      %dma_start3A_97 = arith.constant 0 : i32
      %dma_start3A_98 = tpu.memref_slice %arg7[%dma_start3A_96, %dma_start3A_97] : memref<40x128xi32, #tpu.memory_space<vmem>> -> memref<24x128xi32, #tpu.memory_space<vmem>>
      %dma_start3A_99 = arith.constant 0 : i32
      %dma_start3A_100 = tpu.memref_slice %arg4[%add3A_19, %dma_start3A_99] : memref<19000x128xi32, #tpu.memory_space<hbm>> -> memref<24x128xi32, #tpu.memory_space<hbm>>
      tpu.enqueue_dma source(%dma_start3A_100 : memref<24x128xi32, #tpu.memory_space<hbm>>) target(%dma_start3A_98 : memref<24x128xi32, #tpu.memory_space<vmem>>) target_semaphore(%run_scoped3A : memref<!tpu.dma_semaphore, #tpu.memory_space<semaphore_mem>>)
      %dma_wait3A = arith.constant 0 : i32
      %dma_wait3A_101 = arith.constant 0 : i32
      %dma_wait3A_102 = tpu.memref_slice %arg7[%dma_wait3A, %dma_wait3A_101] : memref<40x128xi32, #tpu.memory_space<vmem>> -> memref<24x128xi32, #tpu.memory_space<vmem>>
      %dma_wait3A_103 = arith.constant 0 : i32
      %dma_wait3A_104 = tpu.memref_slice %arg4[%add3A_19, %dma_wait3A_103] : memref<19000x128xi32, #tpu.memory_space<hbm>> -> memref<24x128xi32, #tpu.memory_space<hbm>>
      %dma_wait3A_105 = arith.constant 0 : i32
      %dma_wait3A_106 = arith.constant 0 : i32
      %dma_wait3A_107 = tpu.memref_slice %arg7[%dma_wait3A_105, %dma_wait3A_106] : memref<40x128xi32, #tpu.memory_space<vmem>> -> memref<24x128xi32, #tpu.memory_space<vmem>>
      %dma_wait3A_108 = arith.constant 0 : i32
      %dma_wait3A_109 = tpu.memref_slice %arg4[%add3A_19, %dma_wait3A_108] : memref<19000x128xi32, #tpu.memory_space<hbm>> -> memref<24x128xi32, #tpu.memory_space<hbm>>
      tpu.wait_dma2 semaphore(%run_scoped3A : memref<!tpu.dma_semaphore, #tpu.memory_space<semaphore_mem>>) src(%dma_wait3A_109 : memref<24x128xi32, #tpu.memory_space<hbm>>) dst(%dma_wait3A_107 : memref<24x128xi32, #tpu.memory_space<vmem>>)
      tpu.yield
    }) : () -> ()
    "tpu.region"() ({
      %run_scoped3A = tpu.sem_alloc : memref<!tpu.dma_semaphore, #tpu.memory_space<semaphore_mem>>
      %dma_start3A_91 = arith.constant 0 : i32
      %dma_start3A_92 = arith.constant 0 : i32
      %dma_start3A_93 = tpu.memref_slice %arg7[%dma_start3A_91, %dma_start3A_92] : memref<40x128xi32, #tpu.memory_space<vmem>> -> memref<24x128xi32, #tpu.memory_space<vmem>>
      %dma_start3A_94 = arith.constant 0 : i32
      %dma_start3A_95 = tpu.memref_slice %arg10[%add3A_21, %dma_start3A_94] : memref<10000x128xi32, #tpu.memory_space<vmem_shared>> -> memref<24x128xi32, #tpu.memory_space<vmem_shared>>
      %dma_start3A_96 = arith.constant 0 : i32
      %dma_start3A_97 = tpu.memref_slice %arg10[%add3A_21, %dma_start3A_96] : memref<10000x128xi32, #tpu.memory_space<vmem_shared>> -> memref<24x128xi32, #tpu.memory_space<vmem_shared>>
      %dma_start3A_98 = arith.constant 0 : i32
      %dma_start3A_99 = arith.constant 0 : i32
      %dma_start3A_100 = tpu.memref_slice %arg7[%dma_start3A_98, %dma_start3A_99] : memref<40x128xi32, #tpu.memory_space<vmem>> -> memref<24x128xi32, #tpu.memory_space<vmem>>
      tpu.enqueue_dma source(%dma_start3A_100 : memref<24x128xi32, #tpu.memory_space<vmem>>) target(%dma_start3A_97 : memref<24x128xi32, #tpu.memory_space<vmem_shared>>) target_semaphore(%run_scoped3A : memref<!tpu.dma_semaphore, #tpu.memory_space<semaphore_mem>>)
      %dma_wait3A = arith.constant 0 : i32
      %dma_wait3A_101 = arith.constant 0 : i32
      %dma_wait3A_102 = tpu.memref_slice %arg7[%dma_wait3A, %dma_wait3A_101] : memref<40x128xi32, #tpu.memory_space<vmem>> -> memref<24x128xi32, #tpu.memory_space<vmem>>
      %dma_wait3A_103 = arith.constant 0 : i32
      %dma_wait3A_104 = tpu.memref_slice %arg10[%add3A_21, %dma_wait3A_103] : memref<10000x128xi32, #tpu.memory_space<vmem_shared>> -> memref<24x128xi32, #tpu.memory_space<vmem_shared>>
      %dma_wait3A_105 = arith.constant 0 : i32
      %dma_wait3A_106 = tpu.memref_slice %arg10[%add3A_21, %dma_wait3A_105] : memref<10000x128xi32, #tpu.memory_space<vmem_shared>> -> memref<24x128xi32, #tpu.memory_space<vmem_shared>>
      %dma_wait3A_107 = arith.constant 0 : i32
      %dma_wait3A_108 = arith.constant 0 : i32
      %dma_wait3A_109 = tpu.memref_slice %arg7[%dma_wait3A_107, %dma_wait3A_108] : memref<40x128xi32, #tpu.memory_space<vmem>> -> memref<24x128xi32, #tpu.memory_space<vmem>>
      tpu.wait_dma2 semaphore(%run_scoped3A : memref<!tpu.dma_semaphore, #tpu.memory_space<semaphore_mem>>) src(%dma_wait3A_109 : memref<24x128xi32, #tpu.memory_space<vmem>>) dst(%dma_wait3A_106 : memref<24x128xi32, #tpu.memory_space<vmem_shared>>)
      tpu.yield
    }) : () -> ()
    %eq3A = arith.constant 15 : i32
    %eq3A_22 = arith.cmpi eq, %arg1, %eq3A : i32
    %convert_element_type3A = arith.extui %eq3A_22 : i1 to i32
    %cond3A = arith.constant 0 : i32
    %cond3A_23 = arith.cmpi ne, %convert_element_type3A, %cond3A : i32
    scf.if %cond3A_23 {
      "tpu.region"() ({
        %run_scoped3A = tpu.sem_alloc : memref<!tpu.dma_semaphore, #tpu.memory_space<semaphore_mem>>
        %dma_start3A_91 = arith.constant 0 : i32
        %dma_start3A_92 = arith.constant 0 : i32
        %dma_start3A_93 = tpu.memref_slice %arg7[%dma_start3A_91, %dma_start3A_92] : memref<40x128xi32, #tpu.memory_space<vmem>> -> memref<16x128xi32, #tpu.memory_space<vmem>>
        %dma_start3A_94 = arith.constant 9984 : i32
        %dma_start3A_95 = arith.constant 0 : i32
        %dma_start3A_96 = tpu.memref_slice %arg4[%dma_start3A_94, %dma_start3A_95] : memref<19000x128xi32, #tpu.memory_space<hbm>> -> memref<16x128xi32, #tpu.memory_space<hbm>>
        %dma_start3A_97 = arith.constant 0 : i32
        %dma_start3A_98 = arith.constant 0 : i32
        %dma_start3A_99 = tpu.memref_slice %arg7[%dma_start3A_97, %dma_start3A_98] : memref<40x128xi32, #tpu.memory_space<vmem>> -> memref<16x128xi32, #tpu.memory_space<vmem>>
        %dma_start3A_100 = arith.constant 9984 : i32
        %dma_start3A_101 = arith.constant 0 : i32
        %dma_start3A_102 = tpu.memref_slice %arg4[%dma_start3A_100, %dma_start3A_101] : memref<19000x128xi32, #tpu.memory_space<hbm>> -> memref<16x128xi32, #tpu.memory_space<hbm>>
        tpu.enqueue_dma source(%dma_start3A_102 : memref<16x128xi32, #tpu.memory_space<hbm>>) target(%dma_start3A_99 : memref<16x128xi32, #tpu.memory_space<vmem>>) target_semaphore(%run_scoped3A : memref<!tpu.dma_semaphore, #tpu.memory_space<semaphore_mem>>)
        %dma_wait3A = arith.constant 0 : i32
        %dma_wait3A_103 = arith.constant 0 : i32
        %dma_wait3A_104 = tpu.memref_slice %arg7[%dma_wait3A, %dma_wait3A_103] : memref<40x128xi32, #tpu.memory_space<vmem>> -> memref<16x128xi32, #tpu.memory_space<vmem>>
        %dma_wait3A_105 = arith.constant 9984 : i32
        %dma_wait3A_106 = arith.constant 0 : i32
        %dma_wait3A_107 = tpu.memref_slice %arg4[%dma_wait3A_105, %dma_wait3A_106] : memref<19000x128xi32, #tpu.memory_space<hbm>> -> memref<16x128xi32, #tpu.memory_space<hbm>>
        %dma_wait3A_108 = arith.constant 0 : i32
        %dma_wait3A_109 = arith.constant 0 : i32
        %dma_wait3A_110 = tpu.memref_slice %arg7[%dma_wait3A_108, %dma_wait3A_109] : memref<40x128xi32, #tpu.memory_space<vmem>> -> memref<16x128xi32, #tpu.memory_space<vmem>>
        %dma_wait3A_111 = arith.constant 9984 : i32
        %dma_wait3A_112 = arith.constant 0 : i32
        %dma_wait3A_113 = tpu.memref_slice %arg4[%dma_wait3A_111, %dma_wait3A_112] : memref<19000x128xi32, #tpu.memory_space<hbm>> -> memref<16x128xi32, #tpu.memory_space<hbm>>
        tpu.wait_dma2 semaphore(%run_scoped3A : memref<!tpu.dma_semaphore, #tpu.memory_space<semaphore_mem>>) src(%dma_wait3A_113 : memref<16x128xi32, #tpu.memory_space<hbm>>) dst(%dma_wait3A_110 : memref<16x128xi32, #tpu.memory_space<vmem>>)
        tpu.yield
      }) : () -> ()
      "tpu.region"() ({
        %run_scoped3A = tpu.sem_alloc : memref<!tpu.dma_semaphore, #tpu.memory_space<semaphore_mem>>
        %dma_start3A_91 = arith.constant 0 : i32
        %dma_start3A_92 = arith.constant 0 : i32
        %dma_start3A_93 = tpu.memref_slice %arg7[%dma_start3A_91, %dma_start3A_92] : memref<40x128xi32, #tpu.memory_space<vmem>> -> memref<16x128xi32, #tpu.memory_space<vmem>>
        %dma_start3A_94 = arith.constant 9984 : i32
        %dma_start3A_95 = arith.constant 0 : i32
        %dma_start3A_96 = tpu.memref_slice %arg10[%dma_start3A_94, %dma_start3A_95] : memref<10000x128xi32, #tpu.memory_space<vmem_shared>> -> memref<16x128xi32, #tpu.memory_space<vmem_shared>>
        %dma_start3A_97 = arith.constant 9984 : i32
        %dma_start3A_98 = arith.constant 0 : i32
        %dma_start3A_99 = tpu.memref_slice %arg10[%dma_start3A_97, %dma_start3A_98] : memref<10000x128xi32, #tpu.memory_space<vmem_shared>> -> memref<16x128xi32, #tpu.memory_space<vmem_shared>>
        %dma_start3A_100 = arith.constant 0 : i32
        %dma_start3A_101 = arith.constant 0 : i32
        %dma_start3A_102 = tpu.memref_slice %arg7[%dma_start3A_100, %dma_start3A_101] : memref<40x128xi32, #tpu.memory_space<vmem>> -> memref<16x128xi32, #tpu.memory_space<vmem>>
        tpu.enqueue_dma source(%dma_start3A_102 : memref<16x128xi32, #tpu.memory_space<vmem>>) target(%dma_start3A_99 : memref<16x128xi32, #tpu.memory_space<vmem_shared>>) target_semaphore(%run_scoped3A : memref<!tpu.dma_semaphore, #tpu.memory_space<semaphore_mem>>)
        %dma_wait3A = arith.constant 0 : i32
        %dma_wait3A_103 = arith.constant 0 : i32
        %dma_wait3A_104 = tpu.memref_slice %arg7[%dma_wait3A, %dma_wait3A_103] : memref<40x128xi32, #tpu.memory_space<vmem>> -> memref<16x128xi32, #tpu.memory_space<vmem>>
        %dma_wait3A_105 = arith.constant 9984 : i32
        %dma_wait3A_106 = arith.constant 0 : i32
        %dma_wait3A_107 = tpu.memref_slice %arg10[%dma_wait3A_105, %dma_wait3A_106] : memref<10000x128xi32, #tpu.memory_space<vmem_shared>> -> memref<16x128xi32, #tpu.memory_space<vmem_shared>>
        %dma_wait3A_108 = arith.constant 9984 : i32
        %dma_wait3A_109 = arith.constant 0 : i32
        %dma_wait3A_110 = tpu.memref_slice %arg10[%dma_wait3A_108, %dma_wait3A_109] : memref<10000x128xi32, #tpu.memory_space<vmem_shared>> -> memref<16x128xi32, #tpu.memory_space<vmem_shared>>
        %dma_wait3A_111 = arith.constant 0 : i32
        %dma_wait3A_112 = arith.constant 0 : i32
        %dma_wait3A_113 = tpu.memref_slice %arg7[%dma_wait3A_111, %dma_wait3A_112] : memref<40x128xi32, #tpu.memory_space<vmem>> -> memref<16x128xi32, #tpu.memory_space<vmem>>
        tpu.wait_dma2 semaphore(%run_scoped3A : memref<!tpu.dma_semaphore, #tpu.memory_space<semaphore_mem>>) src(%dma_wait3A_113 : memref<16x128xi32, #tpu.memory_space<vmem>>) dst(%dma_wait3A_110 : memref<16x128xi32, #tpu.memory_space<vmem_shared>>)
        tpu.yield
      }) : () -> ()
    } else {
    }
    "tpu.region"() ({
      %run_scoped3A = tpu.sem_alloc : memref<!tpu.dma_semaphore, #tpu.memory_space<semaphore_mem>>
      %dma_start3A_91 = arith.constant 0 : i32
      %dma_start3A_92 = arith.constant 0 : i32
      %dma_start3A_93 = tpu.memref_slice %arg2[%add3A, %dma_start3A_91, %dma_start3A_92] : memref<32x32x40xi32, #tpu.memory_space<hbm>> -> memref<1x32x40xi32, #tpu.memory_space<hbm>>
      %dma_start3A_94 = tpu.memref_squeeze %dma_start3A_93 : memref<1x32x40xi32, #tpu.memory_space<hbm>> -> memref<32x40xi32, #tpu.memory_space<hbm>>
      %dma_start3A_95 = arith.constant 0 : i32
      %dma_start3A_96 = arith.constant 0 : i32
      %dma_start3A_97 = tpu.memref_slice %arg2[%add3A, %dma_start3A_95, %dma_start3A_96] : memref<32x32x40xi32, #tpu.memory_space<hbm>> -> memref<1x32x40xi32, #tpu.memory_space<hbm>>
      %dma_start3A_98 = tpu.memref_squeeze %dma_start3A_97 : memref<1x32x40xi32, #tpu.memory_space<hbm>> -> memref<32x40xi32, #tpu.memory_space<hbm>>
      tpu.enqueue_dma source(%dma_start3A_98 : memref<32x40xi32, #tpu.memory_space<hbm>>) target(%arg6 : memref<32x40xi32, #tpu.memory_space<vmem>>) target_semaphore(%run_scoped3A : memref<!tpu.dma_semaphore, #tpu.memory_space<semaphore_mem>>)
      %dma_wait3A = arith.constant 0 : i32
      %dma_wait3A_99 = arith.constant 0 : i32
      %dma_wait3A_100 = tpu.memref_slice %arg2[%add3A, %dma_wait3A, %dma_wait3A_99] : memref<32x32x40xi32, #tpu.memory_space<hbm>> -> memref<1x32x40xi32, #tpu.memory_space<hbm>>
      %dma_wait3A_101 = tpu.memref_squeeze %dma_wait3A_100 : memref<1x32x40xi32, #tpu.memory_space<hbm>> -> memref<32x40xi32, #tpu.memory_space<hbm>>
      %dma_wait3A_102 = arith.constant 0 : i32
      %dma_wait3A_103 = arith.constant 0 : i32
      %dma_wait3A_104 = tpu.memref_slice %arg2[%add3A, %dma_wait3A_102, %dma_wait3A_103] : memref<32x32x40xi32, #tpu.memory_space<hbm>> -> memref<1x32x40xi32, #tpu.memory_space<hbm>>
      %dma_wait3A_105 = tpu.memref_squeeze %dma_wait3A_104 : memref<1x32x40xi32, #tpu.memory_space<hbm>> -> memref<32x40xi32, #tpu.memory_space<hbm>>
      tpu.wait_dma2 semaphore(%run_scoped3A : memref<!tpu.dma_semaphore, #tpu.memory_space<semaphore_mem>>) src(%dma_wait3A_105 : memref<32x40xi32, #tpu.memory_space<hbm>>) dst(%arg6 : memref<32x40xi32, #tpu.memory_space<vmem>>)
      tpu.yield
    }) : () -> ()
    %barrier3A = arith.constant 0 : index
    tpu.barrier barrier_id(%barrier3A)
    %dma_start3A_24 = arith.constant 0 : i32
    %dma_start3A_25 = arith.constant 0 : i32
    %dma_start3A_26 = tpu.memref_slice %arg6[%dma_start3A_24, %dma_start3A_25] : memref<32x40xi32, #tpu.memory_space<vmem>> -> memref<1x40xi32, #tpu.memory_space<vmem>>
    %dma_start3A_27 = tpu.memref_squeeze %dma_start3A_26 : memref<1x40xi32, #tpu.memory_space<vmem>> -> memref<40xi32, #tpu.memory_space<vmem>>
    %dma_start3A_28 = arith.constant 0 : i32
    %dma_start3A_29 = arith.constant 0 : i32
    %dma_start3A_30 = tpu.memref_slice %arg10[%dma_start3A_28, %dma_start3A_29] : memref<10000x128xi32, #tpu.memory_space<vmem_shared>> -> memref<10000x128xi32, #tpu.memory_space<vmem_shared>>
    tpu.enqueue_indirect_dma source(%dma_start3A_30 : memref<10000x128xi32, #tpu.memory_space<vmem_shared>>) target(%arg7 : memref<40x128xi32, #tpu.memory_space<vmem>>) offsets(%dma_start3A_27 : memref<40xi32, #tpu.memory_space<vmem>>) semaphore(%arg11 : memref<!tpu.dma_semaphore, #tpu.memory_space<semaphore_mem>>)
    %dma_start3A_31 = arith.constant 1 : i32
    %dma_start3A_32 = arith.constant 0 : i32
    %dma_start3A_33 = tpu.memref_slice %arg6[%dma_start3A_31, %dma_start3A_32] : memref<32x40xi32, #tpu.memory_space<vmem>> -> memref<1x40xi32, #tpu.memory_space<vmem>>
    %dma_start3A_34 = tpu.memref_squeeze %dma_start3A_33 : memref<1x40xi32, #tpu.memory_space<vmem>> -> memref<40xi32, #tpu.memory_space<vmem>>
    %dma_start3A_35 = arith.constant 0 : i32
    %dma_start3A_36 = arith.constant 0 : i32
    %dma_start3A_37 = tpu.memref_slice %arg10[%dma_start3A_35, %dma_start3A_36] : memref<10000x128xi32, #tpu.memory_space<vmem_shared>> -> memref<10000x128xi32, #tpu.memory_space<vmem_shared>>
    tpu.enqueue_indirect_dma source(%dma_start3A_37 : memref<10000x128xi32, #tpu.memory_space<vmem_shared>>) target(%arg8 : memref<40x128xi32, #tpu.memory_space<vmem>>) offsets(%dma_start3A_34 : memref<40xi32, #tpu.memory_space<vmem>>) semaphore(%arg12 : memref<!tpu.dma_semaphore, #tpu.memory_space<semaphore_mem>>)
    %scan3A_38 = arith.constant 0 : i32
    %scan3A_39 = arith.constant 0 : i32
    %scan3A_40 = arith.constant 16 : i32
    %scan3A_41 = arith.addi %scan3A_39, %scan3A_40 : i32
    %scan3A_42 = arith.constant 1 : i32
    scf.for %scan3A_91 = %scan3A_39 to %scan3A_41 step %scan3A_42  : i32 {
      %mul3A_92 = arith.constant 2 : i32
      %mul3A_93 = arith.muli %scan3A_91, %mul3A_92 : i32
      %add3A_94 = arith.constant 0 : i32
      %add3A_95 = arith.addi %mul3A_93, %add3A_94 : i32
      %dma_wait3A = arith.constant 0 : i32
      %dma_wait3A_96 = tpu.memref_slice %arg6[%add3A_95, %dma_wait3A] : memref<32x40xi32, #tpu.memory_space<vmem>> -> memref<1x40xi32, #tpu.memory_space<vmem>>
      %dma_wait3A_97 = tpu.memref_squeeze %dma_wait3A_96 : memref<1x40xi32, #tpu.memory_space<vmem>> -> memref<40xi32, #tpu.memory_space<vmem>>
      %dma_wait3A_98 = arith.constant 0 : i32
      %dma_wait3A_99 = arith.constant 0 : i32
      %dma_wait3A_100 = tpu.memref_slice %arg10[%dma_wait3A_98, %dma_wait3A_99] : memref<10000x128xi32, #tpu.memory_space<vmem_shared>> -> memref<10000x128xi32, #tpu.memory_space<vmem_shared>>
      tpu.wait_indirect_dma semaphore(%arg11 : memref<!tpu.dma_semaphore, #tpu.memory_space<semaphore_mem>>) src(%dma_wait3A_100 : memref<10000x128xi32, #tpu.memory_space<vmem_shared>>) dst(%arg7 : memref<40x128xi32, #tpu.memory_space<vmem>>)
      %scan3A_101 = arith.constant 0 : i32
      %scan3A_102 = arith.constant 0 : i32
      %scan3A_103 = arith.constant 8 : i32
      %scan3A_104 = arith.addi %scan3A_102, %scan3A_103 : i32
      %scan3A_105 = arith.constant 1 : i32
      scf.for %scan3A_134 = %scan3A_102 to %scan3A_104 step %scan3A_105  : i32 {
        %mul3A_135 = arith.constant 16 : i32
        %mul3A_136 = arith.muli %scan3A_134, %mul3A_135 : i32
        %mul3A_137 = arith.constant 16 : i32
        %mul3A_138 = arith.muli %scan3A_134, %mul3A_137 : i32
        %add3A_139 = arith.constant 128 : i32
        %add3A_140 = arith.addi %add3A_139, %mul3A_138 : i32
        %get3A = arith.constant 0 : i32
        %get3A_141 = arith.index_cast %get3A : i32 to index
        %get3A_142 = arith.index_cast %mul3A_136 : i32 to index
        %get3A_143 = tpu.vector_load %arg7[%get3A_141, %get3A_142] {strides = array<i32>} : memref<40x128xi32, #tpu.memory_space<vmem>>, vector<1x16xi32>,
        %get3A_144 = vector.shape_cast %get3A_143 : vector<1x16xi32> to vector<16xi32>
        %shift_left3A = arith.constant 16 : i32
        %shift_left3A_145 = vector.broadcast %shift_left3A : i32 to vector<16xi32>
        %shift_left3A_146 = arith.shli %get3A_144, %shift_left3A_145 : vector<16xi32>
        %bitcast_convert_type3A = tpu.bitcast %shift_left3A_146 : vector<16xi32> -> vector<16xf32>
        %and3A = arith.andi %get3A_144, %broadcast_in_dim3A_1 : vector<16xi32>
        %bitcast_convert_type3A_147 = tpu.bitcast %and3A : vector<16xi32> -> vector<16xf32>
        %get3A_148 = arith.constant 1 : i32
        %get3A_149 = arith.index_cast %get3A_148 : i32 to index
        %get3A_150 = arith.index_cast %mul3A_136 : i32 to index
        %get3A_151 = tpu.vector_load %arg7[%get3A_149, %get3A_150] {strides = array<i32>} : memref<40x128xi32, #tpu.memory_space<vmem>>, vector<1x16xi32>,
        %get3A_152 = vector.shape_cast %get3A_151 : vector<1x16xi32> to vector<16xi32>
        %shift_left3A_153 = arith.constant 16 : i32
        %shift_left3A_154 = vector.broadcast %shift_left3A_153 : i32 to vector<16xi32>
        %shift_left3A_155 = arith.shli %get3A_152, %shift_left3A_154 : vector<16xi32>
        %bitcast_convert_type3A_156 = tpu.bitcast %shift_left3A_155 : vector<16xi32> -> vector<16xf32>
        %add3A_157 = arith.addf %bitcast_convert_type3A, %bitcast_convert_type3A_156 : vector<16xf32>
        %and3A_158 = arith.andi %get3A_152, %broadcast_in_dim3A_1 : vector<16xi32>
        %bitcast_convert_type3A_159 = tpu.bitcast %and3A_158 : vector<16xi32> -> vector<16xf32>
        %add3A_160 = arith.addf %bitcast_convert_type3A_147, %bitcast_convert_type3A_159 : vector<16xf32>
        %get3A_161 = arith.constant 2 : i32
        %get3A_162 = arith.index_cast %get3A_161 : i32 to index
        %get3A_163 = arith.index_cast %mul3A_136 : i32 to index
        %get3A_164 = tpu.vector_load %arg7[%get3A_162, %get3A_163] {strides = array<i32>} : memref<40x128xi32, #tpu.memory_space<vmem>>, vector<1x16xi32>,
        %get3A_165 = vector.shape_cast %get3A_164 : vector<1x16xi32> to vector<16xi32>
        %shift_left3A_166 = arith.constant 16 : i32
        %shift_left3A_167 = vector.broadcast %shift_left3A_166 : i32 to vector<16xi32>
        %shift_left3A_168 = arith.shli %get3A_165, %shift_left3A_167 : vector<16xi32>
        %bitcast_convert_type3A_169 = tpu.bitcast %shift_left3A_168 : vector<16xi32> -> vector<16xf32>
        %add3A_170 = arith.addf %add3A_157, %bitcast_convert_type3A_169 : vector<16xf32>
        %and3A_171 = arith.andi %get3A_165, %broadcast_in_dim3A_1 : vector<16xi32>
        %bitcast_convert_type3A_172 = tpu.bitcast %and3A_171 : vector<16xi32> -> vector<16xf32>
        %add3A_173 = arith.addf %add3A_160, %bitcast_convert_type3A_172 : vector<16xf32>
        %get3A_174 = arith.constant 3 : i32
        %get3A_175 = arith.index_cast %get3A_174 : i32 to index
        %get3A_176 = arith.index_cast %mul3A_136 : i32 to index
        %get3A_177 = tpu.vector_load %arg7[%get3A_175, %get3A_176] {strides = array<i32>} : memref<40x128xi32, #tpu.memory_space<vmem>>, vector<1x16xi32>,
        %get3A_178 = vector.shape_cast %get3A_177 : vector<1x16xi32> to vector<16xi32>
        %shift_left3A_179 = arith.constant 16 : i32
        %shift_left3A_180 = vector.broadcast %shift_left3A_179 : i32 to vector<16xi32>
        %shift_left3A_181 = arith.shli %get3A_178, %shift_left3A_180 : vector<16xi32>
        %bitcast_convert_type3A_182 = tpu.bitcast %shift_left3A_181 : vector<16xi32> -> vector<16xf32>
        %add3A_183 = arith.addf %add3A_170, %bitcast_convert_type3A_182 : vector<16xf32>
        %and3A_184 = arith.andi %get3A_178, %broadcast_in_dim3A_1 : vector<16xi32>
        %bitcast_convert_type3A_185 = tpu.bitcast %and3A_184 : vector<16xi32> -> vector<16xf32>
        %add3A_186 = arith.addf %add3A_173, %bitcast_convert_type3A_185 : vector<16xf32>
        %get3A_187 = arith.constant 4 : i32
        %get3A_188 = arith.index_cast %get3A_187 : i32 to index
        %get3A_189 = arith.index_cast %mul3A_136 : i32 to index
        %get3A_190 = tpu.vector_load %arg7[%get3A_188, %get3A_189] {strides = array<i32>} : memref<40x128xi32, #tpu.memory_space<vmem>>, vector<1x16xi32>,
        %get3A_191 = vector.shape_cast %get3A_190 : vector<1x16xi32> to vector<16xi32>
        %shift_left3A_192 = arith.constant 16 : i32
        %shift_left3A_193 = vector.broadcast %shift_left3A_192 : i32 to vector<16xi32>
        %shift_left3A_194 = arith.shli %get3A_191, %shift_left3A_193 : vector<16xi32>
        %bitcast_convert_type3A_195 = tpu.bitcast %shift_left3A_194 : vector<16xi32> -> vector<16xf32>
        %add3A_196 = arith.addf %add3A_183, %bitcast_convert_type3A_195 : vector<16xf32>
        %and3A_197 = arith.andi %get3A_191, %broadcast_in_dim3A_1 : vector<16xi32>
        %bitcast_convert_type3A_198 = tpu.bitcast %and3A_197 : vector<16xi32> -> vector<16xf32>
        %add3A_199 = arith.addf %add3A_186, %bitcast_convert_type3A_198 : vector<16xf32>
        %get3A_200 = arith.constant 5 : i32
        %get3A_201 = arith.index_cast %get3A_200 : i32 to index
        %get3A_202 = arith.index_cast %mul3A_136 : i32 to index
        %get3A_203 = tpu.vector_load %arg7[%get3A_201, %get3A_202] {strides = array<i32>} : memref<40x128xi32, #tpu.memory_space<vmem>>, vector<1x16xi32>,
        %get3A_204 = vector.shape_cast %get3A_203 : vector<1x16xi32> to vector<16xi32>
        %shift_left3A_205 = arith.constant 16 : i32
        %shift_left3A_206 = vector.broadcast %shift_left3A_205 : i32 to vector<16xi32>
        %shift_left3A_207 = arith.shli %get3A_204, %shift_left3A_206 : vector<16xi32>
        %bitcast_convert_type3A_208 = tpu.bitcast %shift_left3A_207 : vector<16xi32> -> vector<16xf32>
        %add3A_209 = arith.addf %add3A_196, %bitcast_convert_type3A_208 : vector<16xf32>
        %and3A_210 = arith.andi %get3A_204, %broadcast_in_dim3A_1 : vector<16xi32>
        %bitcast_convert_type3A_211 = tpu.bitcast %and3A_210 : vector<16xi32> -> vector<16xf32>
        %add3A_212 = arith.addf %add3A_199, %bitcast_convert_type3A_211 : vector<16xf32>
        %get3A_213 = arith.constant 6 : i32
        %get3A_214 = arith.index_cast %get3A_213 : i32 to index
        %get3A_215 = arith.index_cast %mul3A_136 : i32 to index
        %get3A_216 = tpu.vector_load %arg7[%get3A_214, %get3A_215] {strides = array<i32>} : memref<40x128xi32, #tpu.memory_space<vmem>>, vector<1x16xi32>,
        %get3A_217 = vector.shape_cast %get3A_216 : vector<1x16xi32> to vector<16xi32>
        %shift_left3A_218 = arith.constant 16 : i32
        %shift_left3A_219 = vector.broadcast %shift_left3A_218 : i32 to vector<16xi32>
        %shift_left3A_220 = arith.shli %get3A_217, %shift_left3A_219 : vector<16xi32>
        %bitcast_convert_type3A_221 = tpu.bitcast %shift_left3A_220 : vector<16xi32> -> vector<16xf32>
        %add3A_222 = arith.addf %add3A_209, %bitcast_convert_type3A_221 : vector<16xf32>
        %and3A_223 = arith.andi %get3A_217, %broadcast_in_dim3A_1 : vector<16xi32>
        %bitcast_convert_type3A_224 = tpu.bitcast %and3A_223 : vector<16xi32> -> vector<16xf32>
        %add3A_225 = arith.addf %add3A_212, %bitcast_convert_type3A_224 : vector<16xf32>
        %get3A_226 = arith.constant 7 : i32
        %get3A_227 = arith.index_cast %get3A_226 : i32 to index
        %get3A_228 = arith.index_cast %mul3A_136 : i32 to index
        %get3A_229 = tpu.vector_load %arg7[%get3A_227, %get3A_228] {strides = array<i32>} : memref<40x128xi32, #tpu.memory_space<vmem>>, vector<1x16xi32>,
        %get3A_230 = vector.shape_cast %get3A_229 : vector<1x16xi32> to vector<16xi32>
        %shift_left3A_231 = arith.constant 16 : i32
        %shift_left3A_232 = vector.broadcast %shift_left3A_231 : i32 to vector<16xi32>
        %shift_left3A_233 = arith.shli %get3A_230, %shift_left3A_232 : vector<16xi32>
        %bitcast_convert_type3A_234 = tpu.bitcast %shift_left3A_233 : vector<16xi32> -> vector<16xf32>
        %add3A_235 = arith.addf %add3A_222, %bitcast_convert_type3A_234 : vector<16xf32>
        %and3A_236 = arith.andi %get3A_230, %broadcast_in_dim3A_1 : vector<16xi32>
        %bitcast_convert_type3A_237 = tpu.bitcast %and3A_236 : vector<16xi32> -> vector<16xf32>
        %add3A_238 = arith.addf %add3A_225, %bitcast_convert_type3A_237 : vector<16xf32>
        %get3A_239 = arith.constant 8 : i32
        %get3A_240 = arith.index_cast %get3A_239 : i32 to index
        %get3A_241 = arith.index_cast %mul3A_136 : i32 to index
        %get3A_242 = tpu.vector_load %arg7[%get3A_240, %get3A_241] {strides = array<i32>} : memref<40x128xi32, #tpu.memory_space<vmem>>, vector<1x16xi32>,
        %get3A_243 = vector.shape_cast %get3A_242 : vector<1x16xi32> to vector<16xi32>
        %shift_left3A_244 = arith.constant 16 : i32
        %shift_left3A_245 = vector.broadcast %shift_left3A_244 : i32 to vector<16xi32>
        %shift_left3A_246 = arith.shli %get3A_243, %shift_left3A_245 : vector<16xi32>
        %bitcast_convert_type3A_247 = tpu.bitcast %shift_left3A_246 : vector<16xi32> -> vector<16xf32>
        %add3A_248 = arith.addf %add3A_235, %bitcast_convert_type3A_247 : vector<16xf32>
        %and3A_249 = arith.andi %get3A_243, %broadcast_in_dim3A_1 : vector<16xi32>
        %bitcast_convert_type3A_250 = tpu.bitcast %and3A_249 : vector<16xi32> -> vector<16xf32>
        %add3A_251 = arith.addf %add3A_238, %bitcast_convert_type3A_250 : vector<16xf32>
        %get3A_252 = arith.constant 9 : i32
        %get3A_253 = arith.index_cast %get3A_252 : i32 to index
        %get3A_254 = arith.index_cast %mul3A_136 : i32 to index
        %get3A_255 = tpu.vector_load %arg7[%get3A_253, %get3A_254] {strides = array<i32>} : memref<40x128xi32, #tpu.memory_space<vmem>>, vector<1x16xi32>,
        %get3A_256 = vector.shape_cast %get3A_255 : vector<1x16xi32> to vector<16xi32>
        %shift_left3A_257 = arith.constant 16 : i32
        %shift_left3A_258 = vector.broadcast %shift_left3A_257 : i32 to vector<16xi32>
        %shift_left3A_259 = arith.shli %get3A_256, %shift_left3A_258 : vector<16xi32>
        %bitcast_convert_type3A_260 = tpu.bitcast %shift_left3A_259 : vector<16xi32> -> vector<16xf32>
        %add3A_261 = arith.addf %add3A_248, %bitcast_convert_type3A_260 : vector<16xf32>
        %and3A_262 = arith.andi %get3A_256, %broadcast_in_dim3A_1 : vector<16xi32>
        %bitcast_convert_type3A_263 = tpu.bitcast %and3A_262 : vector<16xi32> -> vector<16xf32>
        %add3A_264 = arith.addf %add3A_251, %bitcast_convert_type3A_263 : vector<16xf32>
        %mul3A_265 = arith.constant 4 : i32
        %mul3A_266 = arith.muli %add3A_95, %mul3A_265 : i32
        %add3A_267 = arith.constant 0 : i32
        %add3A_268 = arith.addi %mul3A_266, %add3A_267 : i32
        %swap3A = arith.index_cast %add3A_268 : i32 to index
        %swap3A_269 = arith.index_cast %mul3A_136 : i32 to index
        %swap3A_270 = tpu.vector_load %arg9[%swap3A, %swap3A_269] {strides = array<i32>} : memref<128x256xf32, #tpu.memory_space<vmem>>, vector<1x16xf32>,
        %swap3A_271 = vector.shape_cast %swap3A_270 : vector<1x16xf32> to vector<16xf32>
        %swap3A_272 = vector.shape_cast %add3A_261 : vector<16xf32> to vector<1x16xf32>
        tpu.vector_store %arg9[%swap3A, %swap3A_269], %swap3A_272 {strides = array<i32>} : memref<128x256xf32, #tpu.memory_space<vmem>>, vector<1x16xf32>,
        %swap3A_273 = arith.index_cast %add3A_268 : i32 to index
        %swap3A_274 = arith.index_cast %add3A_140 : i32 to index
        %swap3A_275 = tpu.vector_load %arg9[%swap3A_273, %swap3A_274] {strides = array<i32>} : memref<128x256xf32, #tpu.memory_space<vmem>>, vector<1x16xf32>,
        %swap3A_276 = vector.shape_cast %swap3A_275 : vector<1x16xf32> to vector<16xf32>
        %swap3A_277 = vector.shape_cast %add3A_264 : vector<16xf32> to vector<1x16xf32>
        tpu.vector_store %arg9[%swap3A_273, %swap3A_274], %swap3A_277 {strides = array<i32>} : memref<128x256xf32, #tpu.memory_space<vmem>>, vector<1x16xf32>,
        %get3A_278 = arith.constant 10 : i32
        %get3A_279 = arith.index_cast %get3A_278 : i32 to index
        %get3A_280 = arith.index_cast %mul3A_136 : i32 to index
        %get3A_281 = tpu.vector_load %arg7[%get3A_279, %get3A_280] {strides = array<i32>} : memref<40x128xi32, #tpu.memory_space<vmem>>, vector<1x16xi32>,
        %get3A_282 = vector.shape_cast %get3A_281 : vector<1x16xi32> to vector<16xi32>
        %shift_left3A_283 = arith.constant 16 : i32
        %shift_left3A_284 = vector.broadcast %shift_left3A_283 : i32 to vector<16xi32>
        %shift_left3A_285 = arith.shli %get3A_282, %shift_left3A_284 : vector<16xi32>
        %bitcast_convert_type3A_286 = tpu.bitcast %shift_left3A_285 : vector<16xi32> -> vector<16xf32>
        %and3A_287 = arith.andi %get3A_282, %broadcast_in_dim3A_1 : vector<16xi32>
        %bitcast_convert_type3A_288 = tpu.bitcast %and3A_287 : vector<16xi32> -> vector<16xf32>
        %get3A_289 = arith.constant 11 : i32
        %get3A_290 = arith.index_cast %get3A_289 : i32 to index
        %get3A_291 = arith.index_cast %mul3A_136 : i32 to index
        %get3A_292 = tpu.vector_load %arg7[%get3A_290, %get3A_291] {strides = array<i32>} : memref<40x128xi32, #tpu.memory_space<vmem>>, vector<1x16xi32>,
        %get3A_293 = vector.shape_cast %get3A_292 : vector<1x16xi32> to vector<16xi32>
        %shift_left3A_294 = arith.constant 16 : i32
        %shift_left3A_295 = vector.broadcast %shift_left3A_294 : i32 to vector<16xi32>
        %shift_left3A_296 = arith.shli %get3A_293, %shift_left3A_295 : vector<16xi32>
        %bitcast_convert_type3A_297 = tpu.bitcast %shift_left3A_296 : vector<16xi32> -> vector<16xf32>
        %add3A_298 = arith.addf %bitcast_convert_type3A_286, %bitcast_convert_type3A_297 : vector<16xf32>
        %and3A_299 = arith.andi %get3A_293, %broadcast_in_dim3A_1 : vector<16xi32>
        %bitcast_convert_type3A_300 = tpu.bitcast %and3A_299 : vector<16xi32> -> vector<16xf32>
        %add3A_301 = arith.addf %bitcast_convert_type3A_288, %bitcast_convert_type3A_300 : vector<16xf32>
        %get3A_302 = arith.constant 12 : i32
        %get3A_303 = arith.index_cast %get3A_302 : i32 to index
        %get3A_304 = arith.index_cast %mul3A_136 : i32 to index
        %get3A_305 = tpu.vector_load %arg7[%get3A_303, %get3A_304] {strides = array<i32>} : memref<40x128xi32, #tpu.memory_space<vmem>>, vector<1x16xi32>,
        %get3A_306 = vector.shape_cast %get3A_305 : vector<1x16xi32> to vector<16xi32>
        %shift_left3A_307 = arith.constant 16 : i32
        %shift_left3A_308 = vector.broadcast %shift_left3A_307 : i32 to vector<16xi32>
        %shift_left3A_309 = arith.shli %get3A_306, %shift_left3A_308 : vector<16xi32>
        %bitcast_convert_type3A_310 = tpu.bitcast %shift_left3A_309 : vector<16xi32> -> vector<16xf32>
        %add3A_311 = arith.addf %add3A_298, %bitcast_convert_type3A_310 : vector<16xf32>
        %and3A_312 = arith.andi %get3A_306, %broadcast_in_dim3A_1 : vector<16xi32>
        %bitcast_convert_type3A_313 = tpu.bitcast %and3A_312 : vector<16xi32> -> vector<16xf32>
        %add3A_314 = arith.addf %add3A_301, %bitcast_convert_type3A_313 : vector<16xf32>
        %get3A_315 = arith.constant 13 : i32
        %get3A_316 = arith.index_cast %get3A_315 : i32 to index
        %get3A_317 = arith.index_cast %mul3A_136 : i32 to index
        %get3A_318 = tpu.vector_load %arg7[%get3A_316, %get3A_317] {strides = array<i32>} : memref<40x128xi32, #tpu.memory_space<vmem>>, vector<1x16xi32>,
        %get3A_319 = vector.shape_cast %get3A_318 : vector<1x16xi32> to vector<16xi32>
        %shift_left3A_320 = arith.constant 16 : i32
        %shift_left3A_321 = vector.broadcast %shift_left3A_320 : i32 to vector<16xi32>
        %shift_left3A_322 = arith.shli %get3A_319, %shift_left3A_321 : vector<16xi32>
        %bitcast_convert_type3A_323 = tpu.bitcast %shift_left3A_322 : vector<16xi32> -> vector<16xf32>
        %add3A_324 = arith.addf %add3A_311, %bitcast_convert_type3A_323 : vector<16xf32>
        %and3A_325 = arith.andi %get3A_319, %broadcast_in_dim3A_1 : vector<16xi32>
        %bitcast_convert_type3A_326 = tpu.bitcast %and3A_325 : vector<16xi32> -> vector<16xf32>
        %add3A_327 = arith.addf %add3A_314, %bitcast_convert_type3A_326 : vector<16xf32>
        %get3A_328 = arith.constant 14 : i32
        %get3A_329 = arith.index_cast %get3A_328 : i32 to index
        %get3A_330 = arith.index_cast %mul3A_136 : i32 to index
        %get3A_331 = tpu.vector_load %arg7[%get3A_329, %get3A_330] {strides = array<i32>} : memref<40x128xi32, #tpu.memory_space<vmem>>, vector<1x16xi32>,
        %get3A_332 = vector.shape_cast %get3A_331 : vector<1x16xi32> to vector<16xi32>
        %shift_left3A_333 = arith.constant 16 : i32
        %shift_left3A_334 = vector.broadcast %shift_left3A_333 : i32 to vector<16xi32>
        %shift_left3A_335 = arith.shli %get3A_332, %shift_left3A_334 : vector<16xi32>
        %bitcast_convert_type3A_336 = tpu.bitcast %shift_left3A_335 : vector<16xi32> -> vector<16xf32>
        %add3A_337 = arith.addf %add3A_324, %bitcast_convert_type3A_336 : vector<16xf32>
        %and3A_338 = arith.andi %get3A_332, %broadcast_in_dim3A_1 : vector<16xi32>
        %bitcast_convert_type3A_339 = tpu.bitcast %and3A_338 : vector<16xi32> -> vector<16xf32>
        %add3A_340 = arith.addf %add3A_327, %bitcast_convert_type3A_339 : vector<16xf32>
        %get3A_341 = arith.constant 15 : i32
        %get3A_342 = arith.index_cast %get3A_341 : i32 to index
        %get3A_343 = arith.index_cast %mul3A_136 : i32 to index
        %get3A_344 = tpu.vector_load %arg7[%get3A_342, %get3A_343] {strides = array<i32>} : memref<40x128xi32, #tpu.memory_space<vmem>>, vector<1x16xi32>,
        %get3A_345 = vector.shape_cast %get3A_344 : vector<1x16xi32> to vector<16xi32>
        %shift_left3A_346 = arith.constant 16 : i32
        %shift_left3A_347 = vector.broadcast %shift_left3A_346 : i32 to vector<16xi32>
        %shift_left3A_348 = arith.shli %get3A_345, %shift_left3A_347 : vector<16xi32>
        %bitcast_convert_type3A_349 = tpu.bitcast %shift_left3A_348 : vector<16xi32> -> vector<16xf32>
        %add3A_350 = arith.addf %add3A_337, %bitcast_convert_type3A_349 : vector<16xf32>
        %and3A_351 = arith.andi %get3A_345, %broadcast_in_dim3A_1 : vector<16xi32>
        %bitcast_convert_type3A_352 = tpu.bitcast %and3A_351 : vector<16xi32> -> vector<16xf32>
        %add3A_353 = arith.addf %add3A_340, %bitcast_convert_type3A_352 : vector<16xf32>
        %get3A_354 = arith.constant 16 : i32
        %get3A_355 = arith.index_cast %get3A_354 : i32 to index
        %get3A_356 = arith.index_cast %mul3A_136 : i32 to index
        %get3A_357 = tpu.vector_load %arg7[%get3A_355, %get3A_356] {strides = array<i32>} : memref<40x128xi32, #tpu.memory_space<vmem>>, vector<1x16xi32>,
        %get3A_358 = vector.shape_cast %get3A_357 : vector<1x16xi32> to vector<16xi32>
        %shift_left3A_359 = arith.constant 16 : i32
        %shift_left3A_360 = vector.broadcast %shift_left3A_359 : i32 to vector<16xi32>
        %shift_left3A_361 = arith.shli %get3A_358, %shift_left3A_360 : vector<16xi32>
        %bitcast_convert_type3A_362 = tpu.bitcast %shift_left3A_361 : vector<16xi32> -> vector<16xf32>
        %add3A_363 = arith.addf %add3A_350, %bitcast_convert_type3A_362 : vector<16xf32>
        %and3A_364 = arith.andi %get3A_358, %broadcast_in_dim3A_1 : vector<16xi32>
        %bitcast_convert_type3A_365 = tpu.bitcast %and3A_364 : vector<16xi32> -> vector<16xf32>
        %add3A_366 = arith.addf %add3A_353, %bitcast_convert_type3A_365 : vector<16xf32>
        %get3A_367 = arith.constant 17 : i32
        %get3A_368 = arith.index_cast %get3A_367 : i32 to index
        %get3A_369 = arith.index_cast %mul3A_136 : i32 to index
        %get3A_370 = tpu.vector_load %arg7[%get3A_368, %get3A_369] {strides = array<i32>} : memref<40x128xi32, #tpu.memory_space<vmem>>, vector<1x16xi32>,
        %get3A_371 = vector.shape_cast %get3A_370 : vector<1x16xi32> to vector<16xi32>
        %shift_left3A_372 = arith.constant 16 : i32
        %shift_left3A_373 = vector.broadcast %shift_left3A_372 : i32 to vector<16xi32>
        %shift_left3A_374 = arith.shli %get3A_371, %shift_left3A_373 : vector<16xi32>
        %bitcast_convert_type3A_375 = tpu.bitcast %shift_left3A_374 : vector<16xi32> -> vector<16xf32>
        %add3A_376 = arith.addf %add3A_363, %bitcast_convert_type3A_375 : vector<16xf32>
        %and3A_377 = arith.andi %get3A_371, %broadcast_in_dim3A_1 : vector<16xi32>
        %bitcast_convert_type3A_378 = tpu.bitcast %and3A_377 : vector<16xi32> -> vector<16xf32>
        %add3A_379 = arith.addf %add3A_366, %bitcast_convert_type3A_378 : vector<16xf32>
        %get3A_380 = arith.constant 18 : i32
        %get3A_381 = arith.index_cast %get3A_380 : i32 to index
        %get3A_382 = arith.index_cast %mul3A_136 : i32 to index
        %get3A_383 = tpu.vector_load %arg7[%get3A_381, %get3A_382] {strides = array<i32>} : memref<40x128xi32, #tpu.memory_space<vmem>>, vector<1x16xi32>,
        %get3A_384 = vector.shape_cast %get3A_383 : vector<1x16xi32> to vector<16xi32>
        %shift_left3A_385 = arith.constant 16 : i32
        %shift_left3A_386 = vector.broadcast %shift_left3A_385 : i32 to vector<16xi32>
        %shift_left3A_387 = arith.shli %get3A_384, %shift_left3A_386 : vector<16xi32>
        %bitcast_convert_type3A_388 = tpu.bitcast %shift_left3A_387 : vector<16xi32> -> vector<16xf32>
        %add3A_389 = arith.addf %add3A_376, %bitcast_convert_type3A_388 : vector<16xf32>
        %and3A_390 = arith.andi %get3A_384, %broadcast_in_dim3A_1 : vector<16xi32>
        %bitcast_convert_type3A_391 = tpu.bitcast %and3A_390 : vector<16xi32> -> vector<16xf32>
        %add3A_392 = arith.addf %add3A_379, %bitcast_convert_type3A_391 : vector<16xf32>
        %get3A_393 = arith.constant 19 : i32
        %get3A_394 = arith.index_cast %get3A_393 : i32 to index
        %get3A_395 = arith.index_cast %mul3A_136 : i32 to index
        %get3A_396 = tpu.vector_load %arg7[%get3A_394, %get3A_395] {strides = array<i32>} : memref<40x128xi32, #tpu.memory_space<vmem>>, vector<1x16xi32>,
        %get3A_397 = vector.shape_cast %get3A_396 : vector<1x16xi32> to vector<16xi32>
        %shift_left3A_398 = arith.constant 16 : i32
        %shift_left3A_399 = vector.broadcast %shift_left3A_398 : i32 to vector<16xi32>
        %shift_left3A_400 = arith.shli %get3A_397, %shift_left3A_399 : vector<16xi32>
        %bitcast_convert_type3A_401 = tpu.bitcast %shift_left3A_400 : vector<16xi32> -> vector<16xf32>
        %add3A_402 = arith.addf %add3A_389, %bitcast_convert_type3A_401 : vector<16xf32>
        %and3A_403 = arith.andi %get3A_397, %broadcast_in_dim3A_1 : vector<16xi32>
        %bitcast_convert_type3A_404 = tpu.bitcast %and3A_403 : vector<16xi32> -> vector<16xf32>
        %add3A_405 = arith.addf %add3A_392, %bitcast_convert_type3A_404 : vector<16xf32>
        %mul3A_406 = arith.constant 4 : i32
        %mul3A_407 = arith.muli %add3A_95, %mul3A_406 : i32
        %add3A_408 = arith.constant 1 : i32
        %add3A_409 = arith.addi %mul3A_407, %add3A_408 : i32
        %swap3A_410 = arith.index_cast %add3A_409 : i32 to index
        %swap3A_411 = arith.index_cast %mul3A_136 : i32 to index
        %swap3A_412 = tpu.vector_load %arg9[%swap3A_410, %swap3A_411] {strides = array<i32>} : memref<128x256xf32, #tpu.memory_space<vmem>>, vector<1x16xf32>,
        %swap3A_413 = vector.shape_cast %swap3A_412 : vector<1x16xf32> to vector<16xf32>
        %swap3A_414 = vector.shape_cast %add3A_402 : vector<16xf32> to vector<1x16xf32>
        tpu.vector_store %arg9[%swap3A_410, %swap3A_411], %swap3A_414 {strides = array<i32>} : memref<128x256xf32, #tpu.memory_space<vmem>>, vector<1x16xf32>,
        %swap3A_415 = arith.index_cast %add3A_409 : i32 to index
        %swap3A_416 = arith.index_cast %add3A_140 : i32 to index
        %swap3A_417 = tpu.vector_load %arg9[%swap3A_415, %swap3A_416] {strides = array<i32>} : memref<128x256xf32, #tpu.memory_space<vmem>>, vector<1x16xf32>,
        %swap3A_418 = vector.shape_cast %swap3A_417 : vector<1x16xf32> to vector<16xf32>
        %swap3A_419 = vector.shape_cast %add3A_405 : vector<16xf32> to vector<1x16xf32>
        tpu.vector_store %arg9[%swap3A_415, %swap3A_416], %swap3A_419 {strides = array<i32>} : memref<128x256xf32, #tpu.memory_space<vmem>>, vector<1x16xf32>,
        %get3A_420 = arith.constant 20 : i32
        %get3A_421 = arith.index_cast %get3A_420 : i32 to index
        %get3A_422 = arith.index_cast %mul3A_136 : i32 to index
        %get3A_423 = tpu.vector_load %arg7[%get3A_421, %get3A_422] {strides = array<i32>} : memref<40x128xi32, #tpu.memory_space<vmem>>, vector<1x16xi32>,
        %get3A_424 = vector.shape_cast %get3A_423 : vector<1x16xi32> to vector<16xi32>
        %shift_left3A_425 = arith.constant 16 : i32
        %shift_left3A_426 = vector.broadcast %shift_left3A_425 : i32 to vector<16xi32>
        %shift_left3A_427 = arith.shli %get3A_424, %shift_left3A_426 : vector<16xi32>
        %bitcast_convert_type3A_428 = tpu.bitcast %shift_left3A_427 : vector<16xi32> -> vector<16xf32>
        %and3A_429 = arith.andi %get3A_424, %broadcast_in_dim3A_1 : vector<16xi32>
        %bitcast_convert_type3A_430 = tpu.bitcast %and3A_429 : vector<16xi32> -> vector<16xf32>
        %get3A_431 = arith.constant 21 : i32
        %get3A_432 = arith.index_cast %get3A_431 : i32 to index
        %get3A_433 = arith.index_cast %mul3A_136 : i32 to index
        %get3A_434 = tpu.vector_load %arg7[%get3A_432, %get3A_433] {strides = array<i32>} : memref<40x128xi32, #tpu.memory_space<vmem>>, vector<1x16xi32>,
        %get3A_435 = vector.shape_cast %get3A_434 : vector<1x16xi32> to vector<16xi32>
        %shift_left3A_436 = arith.constant 16 : i32
        %shift_left3A_437 = vector.broadcast %shift_left3A_436 : i32 to vector<16xi32>
        %shift_left3A_438 = arith.shli %get3A_435, %shift_left3A_437 : vector<16xi32>
        %bitcast_convert_type3A_439 = tpu.bitcast %shift_left3A_438 : vector<16xi32> -> vector<16xf32>
        %add3A_440 = arith.addf %bitcast_convert_type3A_428, %bitcast_convert_type3A_439 : vector<16xf32>
        %and3A_441 = arith.andi %get3A_435, %broadcast_in_dim3A_1 : vector<16xi32>
        %bitcast_convert_type3A_442 = tpu.bitcast %and3A_441 : vector<16xi32> -> vector<16xf32>
        %add3A_443 = arith.addf %bitcast_convert_type3A_430, %bitcast_convert_type3A_442 : vector<16xf32>
        %get3A_444 = arith.constant 22 : i32
        %get3A_445 = arith.index_cast %get3A_444 : i32 to index
        %get3A_446 = arith.index_cast %mul3A_136 : i32 to index
        %get3A_447 = tpu.vector_load %arg7[%get3A_445, %get3A_446] {strides = array<i32>} : memref<40x128xi32, #tpu.memory_space<vmem>>, vector<1x16xi32>,
        %get3A_448 = vector.shape_cast %get3A_447 : vector<1x16xi32> to vector<16xi32>
        %shift_left3A_449 = arith.constant 16 : i32
        %shift_left3A_450 = vector.broadcast %shift_left3A_449 : i32 to vector<16xi32>
        %shift_left3A_451 = arith.shli %get3A_448, %shift_left3A_450 : vector<16xi32>
        %bitcast_convert_type3A_452 = tpu.bitcast %shift_left3A_451 : vector<16xi32> -> vector<16xf32>
        %add3A_453 = arith.addf %add3A_440, %bitcast_convert_type3A_452 : vector<16xf32>
        %and3A_454 = arith.andi %get3A_448, %broadcast_in_dim3A_1 : vector<16xi32>
        %bitcast_convert_type3A_455 = tpu.bitcast %and3A_454 : vector<16xi32> -> vector<16xf32>
        %add3A_456 = arith.addf %add3A_443, %bitcast_convert_type3A_455 : vector<16xf32>
        %get3A_457 = arith.constant 23 : i32
        %get3A_458 = arith.index_cast %get3A_457 : i32 to index
        %get3A_459 = arith.index_cast %mul3A_136 : i32 to index
        %get3A_460 = tpu.vector_load %arg7[%get3A_458, %get3A_459] {strides = array<i32>} : memref<40x128xi32, #tpu.memory_space<vmem>>, vector<1x16xi32>,
        %get3A_461 = vector.shape_cast %get3A_460 : vector<1x16xi32> to vector<16xi32>
        %shift_left3A_462 = arith.constant 16 : i32
        %shift_left3A_463 = vector.broadcast %shift_left3A_462 : i32 to vector<16xi32>
        %shift_left3A_464 = arith.shli %get3A_461, %shift_left3A_463 : vector<16xi32>
        %bitcast_convert_type3A_465 = tpu.bitcast %shift_left3A_464 : vector<16xi32> -> vector<16xf32>
        %add3A_466 = arith.addf %add3A_453, %bitcast_convert_type3A_465 : vector<16xf32>
        %and3A_467 = arith.andi %get3A_461, %broadcast_in_dim3A_1 : vector<16xi32>
        %bitcast_convert_type3A_468 = tpu.bitcast %and3A_467 : vector<16xi32> -> vector<16xf32>
        %add3A_469 = arith.addf %add3A_456, %bitcast_convert_type3A_468 : vector<16xf32>
        %get3A_470 = arith.constant 24 : i32
        %get3A_471 = arith.index_cast %get3A_470 : i32 to index
        %get3A_472 = arith.index_cast %mul3A_136 : i32 to index
        %get3A_473 = tpu.vector_load %arg7[%get3A_471, %get3A_472] {strides = array<i32>} : memref<40x128xi32, #tpu.memory_space<vmem>>, vector<1x16xi32>,
        %get3A_474 = vector.shape_cast %get3A_473 : vector<1x16xi32> to vector<16xi32>
        %shift_left3A_475 = arith.constant 16 : i32
        %shift_left3A_476 = vector.broadcast %shift_left3A_475 : i32 to vector<16xi32>
        %shift_left3A_477 = arith.shli %get3A_474, %shift_left3A_476 : vector<16xi32>
        %bitcast_convert_type3A_478 = tpu.bitcast %shift_left3A_477 : vector<16xi32> -> vector<16xf32>
        %add3A_479 = arith.addf %add3A_466, %bitcast_convert_type3A_478 : vector<16xf32>
        %and3A_480 = arith.andi %get3A_474, %broadcast_in_dim3A_1 : vector<16xi32>
        %bitcast_convert_type3A_481 = tpu.bitcast %and3A_480 : vector<16xi32> -> vector<16xf32>
        %add3A_482 = arith.addf %add3A_469, %bitcast_convert_type3A_481 : vector<16xf32>
        %get3A_483 = arith.constant 25 : i32
        %get3A_484 = arith.index_cast %get3A_483 : i32 to index
        %get3A_485 = arith.index_cast %mul3A_136 : i32 to index
        %get3A_486 = tpu.vector_load %arg7[%get3A_484, %get3A_485] {strides = array<i32>} : memref<40x128xi32, #tpu.memory_space<vmem>>, vector<1x16xi32>,
        %get3A_487 = vector.shape_cast %get3A_486 : vector<1x16xi32> to vector<16xi32>
        %shift_left3A_488 = arith.constant 16 : i32
        %shift_left3A_489 = vector.broadcast %shift_left3A_488 : i32 to vector<16xi32>
        %shift_left3A_490 = arith.shli %get3A_487, %shift_left3A_489 : vector<16xi32>
        %bitcast_convert_type3A_491 = tpu.bitcast %shift_left3A_490 : vector<16xi32> -> vector<16xf32>
        %add3A_492 = arith.addf %add3A_479, %bitcast_convert_type3A_491 : vector<16xf32>
        %and3A_493 = arith.andi %get3A_487, %broadcast_in_dim3A_1 : vector<16xi32>
        %bitcast_convert_type3A_494 = tpu.bitcast %and3A_493 : vector<16xi32> -> vector<16xf32>
        %add3A_495 = arith.addf %add3A_482, %bitcast_convert_type3A_494 : vector<16xf32>
        %get3A_496 = arith.constant 26 : i32
        %get3A_497 = arith.index_cast %get3A_496 : i32 to index
        %get3A_498 = arith.index_cast %mul3A_136 : i32 to index
        %get3A_499 = tpu.vector_load %arg7[%get3A_497, %get3A_498] {strides = array<i32>} : memref<40x128xi32, #tpu.memory_space<vmem>>, vector<1x16xi32>,
        %get3A_500 = vector.shape_cast %get3A_499 : vector<1x16xi32> to vector<16xi32>
        %shift_left3A_501 = arith.constant 16 : i32
        %shift_left3A_502 = vector.broadcast %shift_left3A_501 : i32 to vector<16xi32>
        %shift_left3A_503 = arith.shli %get3A_500, %shift_left3A_502 : vector<16xi32>
        %bitcast_convert_type3A_504 = tpu.bitcast %shift_left3A_503 : vector<16xi32> -> vector<16xf32>
        %add3A_505 = arith.addf %add3A_492, %bitcast_convert_type3A_504 : vector<16xf32>
        %and3A_506 = arith.andi %get3A_500, %broadcast_in_dim3A_1 : vector<16xi32>
        %bitcast_convert_type3A_507 = tpu.bitcast %and3A_506 : vector<16xi32> -> vector<16xf32>
        %add3A_508 = arith.addf %add3A_495, %bitcast_convert_type3A_507 : vector<16xf32>
        %get3A_509 = arith.constant 27 : i32
        %get3A_510 = arith.index_cast %get3A_509 : i32 to index
        %get3A_511 = arith.index_cast %mul3A_136 : i32 to index
        %get3A_512 = tpu.vector_load %arg7[%get3A_510, %get3A_511] {strides = array<i32>} : memref<40x128xi32, #tpu.memory_space<vmem>>, vector<1x16xi32>,
        %get3A_513 = vector.shape_cast %get3A_512 : vector<1x16xi32> to vector<16xi32>
        %shift_left3A_514 = arith.constant 16 : i32
        %shift_left3A_515 = vector.broadcast %shift_left3A_514 : i32 to vector<16xi32>
        %shift_left3A_516 = arith.shli %get3A_513, %shift_left3A_515 : vector<16xi32>
        %bitcast_convert_type3A_517 = tpu.bitcast %shift_left3A_516 : vector<16xi32> -> vector<16xf32>
        %add3A_518 = arith.addf %add3A_505, %bitcast_convert_type3A_517 : vector<16xf32>
        %and3A_519 = arith.andi %get3A_513, %broadcast_in_dim3A_1 : vector<16xi32>
        %bitcast_convert_type3A_520 = tpu.bitcast %and3A_519 : vector<16xi32> -> vector<16xf32>
        %add3A_521 = arith.addf %add3A_508, %bitcast_convert_type3A_520 : vector<16xf32>
        %get3A_522 = arith.constant 28 : i32
        %get3A_523 = arith.index_cast %get3A_522 : i32 to index
        %get3A_524 = arith.index_cast %mul3A_136 : i32 to index
        %get3A_525 = tpu.vector_load %arg7[%get3A_523, %get3A_524] {strides = array<i32>} : memref<40x128xi32, #tpu.memory_space<vmem>>, vector<1x16xi32>,
        %get3A_526 = vector.shape_cast %get3A_525 : vector<1x16xi32> to vector<16xi32>
        %shift_left3A_527 = arith.constant 16 : i32
        %shift_left3A_528 = vector.broadcast %shift_left3A_527 : i32 to vector<16xi32>
        %shift_left3A_529 = arith.shli %get3A_526, %shift_left3A_528 : vector<16xi32>
        %bitcast_convert_type3A_530 = tpu.bitcast %shift_left3A_529 : vector<16xi32> -> vector<16xf32>
        %add3A_531 = arith.addf %add3A_518, %bitcast_convert_type3A_530 : vector<16xf32>
        %and3A_532 = arith.andi %get3A_526, %broadcast_in_dim3A_1 : vector<16xi32>
        %bitcast_convert_type3A_533 = tpu.bitcast %and3A_532 : vector<16xi32> -> vector<16xf32>
        %add3A_534 = arith.addf %add3A_521, %bitcast_convert_type3A_533 : vector<16xf32>
        %get3A_535 = arith.constant 29 : i32
        %get3A_536 = arith.index_cast %get3A_535 : i32 to index
        %get3A_537 = arith.index_cast %mul3A_136 : i32 to index
        %get3A_538 = tpu.vector_load %arg7[%get3A_536, %get3A_537] {strides = array<i32>} : memref<40x128xi32, #tpu.memory_space<vmem>>, vector<1x16xi32>,
        %get3A_539 = vector.shape_cast %get3A_538 : vector<1x16xi32> to vector<16xi32>
        %shift_left3A_540 = arith.constant 16 : i32
        %shift_left3A_541 = vector.broadcast %shift_left3A_540 : i32 to vector<16xi32>
        %shift_left3A_542 = arith.shli %get3A_539, %shift_left3A_541 : vector<16xi32>
        %bitcast_convert_type3A_543 = tpu.bitcast %shift_left3A_542 : vector<16xi32> -> vector<16xf32>
        %add3A_544 = arith.addf %add3A_531, %bitcast_convert_type3A_543 : vector<16xf32>
        %and3A_545 = arith.andi %get3A_539, %broadcast_in_dim3A_1 : vector<16xi32>
        %bitcast_convert_type3A_546 = tpu.bitcast %and3A_545 : vector<16xi32> -> vector<16xf32>
        %add3A_547 = arith.addf %add3A_534, %bitcast_convert_type3A_546 : vector<16xf32>
        %mul3A_548 = arith.constant 4 : i32
        %mul3A_549 = arith.muli %add3A_95, %mul3A_548 : i32
        %add3A_550 = arith.constant 2 : i32
        %add3A_551 = arith.addi %mul3A_549, %add3A_550 : i32
        %swap3A_552 = arith.index_cast %add3A_551 : i32 to index
        %swap3A_553 = arith.index_cast %mul3A_136 : i32 to index
        %swap3A_554 = tpu.vector_load %arg9[%swap3A_552, %swap3A_553] {strides = array<i32>} : memref<128x256xf32, #tpu.memory_space<vmem>>, vector<1x16xf32>,
        %swap3A_555 = vector.shape_cast %swap3A_554 : vector<1x16xf32> to vector<16xf32>
        %swap3A_556 = vector.shape_cast %add3A_544 : vector<16xf32> to vector<1x16xf32>
        tpu.vector_store %arg9[%swap3A_552, %swap3A_553], %swap3A_556 {strides = array<i32>} : memref<128x256xf32, #tpu.memory_space<vmem>>, vector<1x16xf32>,
        %swap3A_557 = arith.index_cast %add3A_551 : i32 to index
        %swap3A_558 = arith.index_cast %add3A_140 : i32 to index
        %swap3A_559 = tpu.vector_load %arg9[%swap3A_557, %swap3A_558] {strides = array<i32>} : memref<128x256xf32, #tpu.memory_space<vmem>>, vector<1x16xf32>,
        %swap3A_560 = vector.shape_cast %swap3A_559 : vector<1x16xf32> to vector<16xf32>
        %swap3A_561 = vector.shape_cast %add3A_547 : vector<16xf32> to vector<1x16xf32>
        tpu.vector_store %arg9[%swap3A_557, %swap3A_558], %swap3A_561 {strides = array<i32>} : memref<128x256xf32, #tpu.memory_space<vmem>>, vector<1x16xf32>,
        %get3A_562 = arith.constant 30 : i32
        %get3A_563 = arith.index_cast %get3A_562 : i32 to index
        %get3A_564 = arith.index_cast %mul3A_136 : i32 to index
        %get3A_565 = tpu.vector_load %arg7[%get3A_563, %get3A_564] {strides = array<i32>} : memref<40x128xi32, #tpu.memory_space<vmem>>, vector<1x16xi32>,
        %get3A_566 = vector.shape_cast %get3A_565 : vector<1x16xi32> to vector<16xi32>
        %shift_left3A_567 = arith.constant 16 : i32
        %shift_left3A_568 = vector.broadcast %shift_left3A_567 : i32 to vector<16xi32>
        %shift_left3A_569 = arith.shli %get3A_566, %shift_left3A_568 : vector<16xi32>
        %bitcast_convert_type3A_570 = tpu.bitcast %shift_left3A_569 : vector<16xi32> -> vector<16xf32>
        %and3A_571 = arith.andi %get3A_566, %broadcast_in_dim3A_1 : vector<16xi32>
        %bitcast_convert_type3A_572 = tpu.bitcast %and3A_571 : vector<16xi32> -> vector<16xf32>
        %get3A_573 = arith.constant 31 : i32
        %get3A_574 = arith.index_cast %get3A_573 : i32 to index
        %get3A_575 = arith.index_cast %mul3A_136 : i32 to index
        %get3A_576 = tpu.vector_load %arg7[%get3A_574, %get3A_575] {strides = array<i32>} : memref<40x128xi32, #tpu.memory_space<vmem>>, vector<1x16xi32>,
        %get3A_577 = vector.shape_cast %get3A_576 : vector<1x16xi32> to vector<16xi32>
        %shift_left3A_578 = arith.constant 16 : i32
        %shift_left3A_579 = vector.broadcast %shift_left3A_578 : i32 to vector<16xi32>
        %shift_left3A_580 = arith.shli %get3A_577, %shift_left3A_579 : vector<16xi32>
        %bitcast_convert_type3A_581 = tpu.bitcast %shift_left3A_580 : vector<16xi32> -> vector<16xf32>
        %add3A_582 = arith.addf %bitcast_convert_type3A_570, %bitcast_convert_type3A_581 : vector<16xf32>
        %and3A_583 = arith.andi %get3A_577, %broadcast_in_dim3A_1 : vector<16xi32>
        %bitcast_convert_type3A_584 = tpu.bitcast %and3A_583 : vector<16xi32> -> vector<16xf32>
        %add3A_585 = arith.addf %bitcast_convert_type3A_572, %bitcast_convert_type3A_584 : vector<16xf32>
        %get3A_586 = arith.constant 32 : i32
        %get3A_587 = arith.index_cast %get3A_586 : i32 to index
        %get3A_588 = arith.index_cast %mul3A_136 : i32 to index
        %get3A_589 = tpu.vector_load %arg7[%get3A_587, %get3A_588] {strides = array<i32>} : memref<40x128xi32, #tpu.memory_space<vmem>>, vector<1x16xi32>,
        %get3A_590 = vector.shape_cast %get3A_589 : vector<1x16xi32> to vector<16xi32>
        %shift_left3A_591 = arith.constant 16 : i32
        %shift_left3A_592 = vector.broadcast %shift_left3A_591 : i32 to vector<16xi32>
        %shift_left3A_593 = arith.shli %get3A_590, %shift_left3A_592 : vector<16xi32>
        %bitcast_convert_type3A_594 = tpu.bitcast %shift_left3A_593 : vector<16xi32> -> vector<16xf32>
        %add3A_595 = arith.addf %add3A_582, %bitcast_convert_type3A_594 : vector<16xf32>
        %and3A_596 = arith.andi %get3A_590, %broadcast_in_dim3A_1 : vector<16xi32>
        %bitcast_convert_type3A_597 = tpu.bitcast %and3A_596 : vector<16xi32> -> vector<16xf32>
        %add3A_598 = arith.addf %add3A_585, %bitcast_convert_type3A_597 : vector<16xf32>
        %get3A_599 = arith.constant 33 : i32
        %get3A_600 = arith.index_cast %get3A_599 : i32 to index
        %get3A_601 = arith.index_cast %mul3A_136 : i32 to index
        %get3A_602 = tpu.vector_load %arg7[%get3A_600, %get3A_601] {strides = array<i32>} : memref<40x128xi32, #tpu.memory_space<vmem>>, vector<1x16xi32>,
        %get3A_603 = vector.shape_cast %get3A_602 : vector<1x16xi32> to vector<16xi32>
        %shift_left3A_604 = arith.constant 16 : i32
        %shift_left3A_605 = vector.broadcast %shift_left3A_604 : i32 to vector<16xi32>
        %shift_left3A_606 = arith.shli %get3A_603, %shift_left3A_605 : vector<16xi32>
        %bitcast_convert_type3A_607 = tpu.bitcast %shift_left3A_606 : vector<16xi32> -> vector<16xf32>
        %add3A_608 = arith.addf %add3A_595, %bitcast_convert_type3A_607 : vector<16xf32>
        %and3A_609 = arith.andi %get3A_603, %broadcast_in_dim3A_1 : vector<16xi32>
        %bitcast_convert_type3A_610 = tpu.bitcast %and3A_609 : vector<16xi32> -> vector<16xf32>
        %add3A_611 = arith.addf %add3A_598, %bitcast_convert_type3A_610 : vector<16xf32>
        %get3A_612 = arith.constant 34 : i32
        %get3A_613 = arith.index_cast %get3A_612 : i32 to index
        %get3A_614 = arith.index_cast %mul3A_136 : i32 to index
        %get3A_615 = tpu.vector_load %arg7[%get3A_613, %get3A_614] {strides = array<i32>} : memref<40x128xi32, #tpu.memory_space<vmem>>, vector<1x16xi32>,
        %get3A_616 = vector.shape_cast %get3A_615 : vector<1x16xi32> to vector<16xi32>
        %shift_left3A_617 = arith.constant 16 : i32
        %shift_left3A_618 = vector.broadcast %shift_left3A_617 : i32 to vector<16xi32>
        %shift_left3A_619 = arith.shli %get3A_616, %shift_left3A_618 : vector<16xi32>
        %bitcast_convert_type3A_620 = tpu.bitcast %shift_left3A_619 : vector<16xi32> -> vector<16xf32>
        %add3A_621 = arith.addf %add3A_608, %bitcast_convert_type3A_620 : vector<16xf32>
        %and3A_622 = arith.andi %get3A_616, %broadcast_in_dim3A_1 : vector<16xi32>
        %bitcast_convert_type3A_623 = tpu.bitcast %and3A_622 : vector<16xi32> -> vector<16xf32>
        %add3A_624 = arith.addf %add3A_611, %bitcast_convert_type3A_623 : vector<16xf32>
        %get3A_625 = arith.constant 35 : i32
        %get3A_626 = arith.index_cast %get3A_625 : i32 to index
        %get3A_627 = arith.index_cast %mul3A_136 : i32 to index
        %get3A_628 = tpu.vector_load %arg7[%get3A_626, %get3A_627] {strides = array<i32>} : memref<40x128xi32, #tpu.memory_space<vmem>>, vector<1x16xi32>,
        %get3A_629 = vector.shape_cast %get3A_628 : vector<1x16xi32> to vector<16xi32>
        %shift_left3A_630 = arith.constant 16 : i32
        %shift_left3A_631 = vector.broadcast %shift_left3A_630 : i32 to vector<16xi32>
        %shift_left3A_632 = arith.shli %get3A_629, %shift_left3A_631 : vector<16xi32>
        %bitcast_convert_type3A_633 = tpu.bitcast %shift_left3A_632 : vector<16xi32> -> vector<16xf32>
        %add3A_634 = arith.addf %add3A_621, %bitcast_convert_type3A_633 : vector<16xf32>
        %and3A_635 = arith.andi %get3A_629, %broadcast_in_dim3A_1 : vector<16xi32>
        %bitcast_convert_type3A_636 = tpu.bitcast %and3A_635 : vector<16xi32> -> vector<16xf32>
        %add3A_637 = arith.addf %add3A_624, %bitcast_convert_type3A_636 : vector<16xf32>
        %get3A_638 = arith.constant 36 : i32
        %get3A_639 = arith.index_cast %get3A_638 : i32 to index
        %get3A_640 = arith.index_cast %mul3A_136 : i32 to index
        %get3A_641 = tpu.vector_load %arg7[%get3A_639, %get3A_640] {strides = array<i32>} : memref<40x128xi32, #tpu.memory_space<vmem>>, vector<1x16xi32>,
        %get3A_642 = vector.shape_cast %get3A_641 : vector<1x16xi32> to vector<16xi32>
        %shift_left3A_643 = arith.constant 16 : i32
        %shift_left3A_644 = vector.broadcast %shift_left3A_643 : i32 to vector<16xi32>
        %shift_left3A_645 = arith.shli %get3A_642, %shift_left3A_644 : vector<16xi32>
        %bitcast_convert_type3A_646 = tpu.bitcast %shift_left3A_645 : vector<16xi32> -> vector<16xf32>
        %add3A_647 = arith.addf %add3A_634, %bitcast_convert_type3A_646 : vector<16xf32>
        %and3A_648 = arith.andi %get3A_642, %broadcast_in_dim3A_1 : vector<16xi32>
        %bitcast_convert_type3A_649 = tpu.bitcast %and3A_648 : vector<16xi32> -> vector<16xf32>
        %add3A_650 = arith.addf %add3A_637, %bitcast_convert_type3A_649 : vector<16xf32>
        %get3A_651 = arith.constant 37 : i32
        %get3A_652 = arith.index_cast %get3A_651 : i32 to index
        %get3A_653 = arith.index_cast %mul3A_136 : i32 to index
        %get3A_654 = tpu.vector_load %arg7[%get3A_652, %get3A_653] {strides = array<i32>} : memref<40x128xi32, #tpu.memory_space<vmem>>, vector<1x16xi32>,
        %get3A_655 = vector.shape_cast %get3A_654 : vector<1x16xi32> to vector<16xi32>
        %shift_left3A_656 = arith.constant 16 : i32
        %shift_left3A_657 = vector.broadcast %shift_left3A_656 : i32 to vector<16xi32>
        %shift_left3A_658 = arith.shli %get3A_655, %shift_left3A_657 : vector<16xi32>
        %bitcast_convert_type3A_659 = tpu.bitcast %shift_left3A_658 : vector<16xi32> -> vector<16xf32>
        %add3A_660 = arith.addf %add3A_647, %bitcast_convert_type3A_659 : vector<16xf32>
        %and3A_661 = arith.andi %get3A_655, %broadcast_in_dim3A_1 : vector<16xi32>
        %bitcast_convert_type3A_662 = tpu.bitcast %and3A_661 : vector<16xi32> -> vector<16xf32>
        %add3A_663 = arith.addf %add3A_650, %bitcast_convert_type3A_662 : vector<16xf32>
        %get3A_664 = arith.constant 38 : i32
        %get3A_665 = arith.index_cast %get3A_664 : i32 to index
        %get3A_666 = arith.index_cast %mul3A_136 : i32 to index
        %get3A_667 = tpu.vector_load %arg7[%get3A_665, %get3A_666] {strides = array<i32>} : memref<40x128xi32, #tpu.memory_space<vmem>>, vector<1x16xi32>,
        %get3A_668 = vector.shape_cast %get3A_667 : vector<1x16xi32> to vector<16xi32>
        %shift_left3A_669 = arith.constant 16 : i32
        %shift_left3A_670 = vector.broadcast %shift_left3A_669 : i32 to vector<16xi32>
        %shift_left3A_671 = arith.shli %get3A_668, %shift_left3A_670 : vector<16xi32>
        %bitcast_convert_type3A_672 = tpu.bitcast %shift_left3A_671 : vector<16xi32> -> vector<16xf32>
        %add3A_673 = arith.addf %add3A_660, %bitcast_convert_type3A_672 : vector<16xf32>
        %and3A_674 = arith.andi %get3A_668, %broadcast_in_dim3A_1 : vector<16xi32>
        %bitcast_convert_type3A_675 = tpu.bitcast %and3A_674 : vector<16xi32> -> vector<16xf32>
        %add3A_676 = arith.addf %add3A_663, %bitcast_convert_type3A_675 : vector<16xf32>
        %get3A_677 = arith.constant 39 : i32
        %get3A_678 = arith.index_cast %get3A_677 : i32 to index
        %get3A_679 = arith.index_cast %mul3A_136 : i32 to index
        %get3A_680 = tpu.vector_load %arg7[%get3A_678, %get3A_679] {strides = array<i32>} : memref<40x128xi32, #tpu.memory_space<vmem>>, vector<1x16xi32>,
        %get3A_681 = vector.shape_cast %get3A_680 : vector<1x16xi32> to vector<16xi32>
        %shift_left3A_682 = arith.constant 16 : i32
        %shift_left3A_683 = vector.broadcast %shift_left3A_682 : i32 to vector<16xi32>
        %shift_left3A_684 = arith.shli %get3A_681, %shift_left3A_683 : vector<16xi32>
        %bitcast_convert_type3A_685 = tpu.bitcast %shift_left3A_684 : vector<16xi32> -> vector<16xf32>
        %add3A_686 = arith.addf %add3A_673, %bitcast_convert_type3A_685 : vector<16xf32>
        %and3A_687 = arith.andi %get3A_681, %broadcast_in_dim3A_1 : vector<16xi32>
        %bitcast_convert_type3A_688 = tpu.bitcast %and3A_687 : vector<16xi32> -> vector<16xf32>
        %add3A_689 = arith.addf %add3A_676, %bitcast_convert_type3A_688 : vector<16xf32>
        %mul3A_690 = arith.constant 4 : i32
        %mul3A_691 = arith.muli %add3A_95, %mul3A_690 : i32
        %add3A_692 = arith.constant 3 : i32
        %add3A_693 = arith.addi %mul3A_691, %add3A_692 : i32
        %swap3A_694 = arith.index_cast %add3A_693 : i32 to index
        %swap3A_695 = arith.index_cast %mul3A_136 : i32 to index
        %swap3A_696 = tpu.vector_load %arg9[%swap3A_694, %swap3A_695] {strides = array<i32>} : memref<128x256xf32, #tpu.memory_space<vmem>>, vector<1x16xf32>,
        %swap3A_697 = vector.shape_cast %swap3A_696 : vector<1x16xf32> to vector<16xf32>
        %swap3A_698 = vector.shape_cast %add3A_686 : vector<16xf32> to vector<1x16xf32>
        tpu.vector_store %arg9[%swap3A_694, %swap3A_695], %swap3A_698 {strides = array<i32>} : memref<128x256xf32, #tpu.memory_space<vmem>>, vector<1x16xf32>,
        %swap3A_699 = arith.index_cast %add3A_693 : i32 to index
        %swap3A_700 = arith.index_cast %add3A_140 : i32 to index
        %swap3A_701 = tpu.vector_load %arg9[%swap3A_699, %swap3A_700] {strides = array<i32>} : memref<128x256xf32, #tpu.memory_space<vmem>>, vector<1x16xf32>,
        %swap3A_702 = vector.shape_cast %swap3A_701 : vector<1x16xf32> to vector<16xf32>
        %swap3A_703 = vector.shape_cast %add3A_689 : vector<16xf32> to vector<1x16xf32>
        tpu.vector_store %arg9[%swap3A_699, %swap3A_700], %swap3A_703 {strides = array<i32>} : memref<128x256xf32, #tpu.memory_space<vmem>>, vector<1x16xf32>,
      }
      %scan3A_106 = arith.constant 8 : i32
      %add3A_107 = arith.constant 2 : i32
      %add3A_108 = arith.addi %add3A_95, %add3A_107 : i32
      %lt3A = arith.constant 32 : i32
      %lt3A_109 = arith.cmpi slt, %add3A_108, %lt3A : i32
      %convert_element_type3A_110 = arith.extui %lt3A_109 : i1 to i32
      %cond3A_111 = arith.constant 0 : i32
      %cond3A_112 = arith.cmpi ne, %convert_element_type3A_110, %cond3A_111 : i32
      scf.if %cond3A_112 {
        %add3A_134 = arith.constant 2 : i32
        %add3A_135 = arith.addi %add3A_95, %add3A_134 : i32
        %dma_start3A_136 = arith.constant 0 : i32
        %dma_start3A_137 = tpu.memref_slice %arg6[%add3A_135, %dma_start3A_136] : memref<32x40xi32, #tpu.memory_space<vmem>> -> memref<1x40xi32, #tpu.memory_space<vmem>>
        %dma_start3A_138 = tpu.memref_squeeze %dma_start3A_137 : memref<1x40xi32, #tpu.memory_space<vmem>> -> memref<40xi32, #tpu.memory_space<vmem>>
        %dma_start3A_139 = arith.constant 0 : i32
        %dma_start3A_140 = arith.constant 0 : i32
        %dma_start3A_141 = tpu.memref_slice %arg10[%dma_start3A_139, %dma_start3A_140] : memref<10000x128xi32, #tpu.memory_space<vmem_shared>> -> memref<10000x128xi32, #tpu.memory_space<vmem_shared>>
        tpu.enqueue_indirect_dma source(%dma_start3A_141 : memref<10000x128xi32, #tpu.memory_space<vmem_shared>>) target(%arg7 : memref<40x128xi32, #tpu.memory_space<vmem>>) offsets(%dma_start3A_138 : memref<40xi32, #tpu.memory_space<vmem>>) semaphore(%arg11 : memref<!tpu.dma_semaphore, #tpu.memory_space<semaphore_mem>>)
      } else {
      }
      %add3A_113 = arith.constant 1 : i32
      %add3A_114 = arith.addi %mul3A_93, %add3A_113 : i32
      %dma_wait3A_115 = arith.constant 0 : i32
      %dma_wait3A_116 = tpu.memref_slice %arg6[%add3A_114, %dma_wait3A_115] : memref<32x40xi32, #tpu.memory_space<vmem>> -> memref<1x40xi32, #tpu.memory_space<vmem>>
      %dma_wait3A_117 = tpu.memref_squeeze %dma_wait3A_116 : memref<1x40xi32, #tpu.memory_space<vmem>> -> memref<40xi32, #tpu.memory_space<vmem>>
      %dma_wait3A_118 = arith.constant 0 : i32
      %dma_wait3A_119 = arith.constant 0 : i32
      %dma_wait3A_120 = tpu.memref_slice %arg10[%dma_wait3A_118, %dma_wait3A_119] : memref<10000x128xi32, #tpu.memory_space<vmem_shared>> -> memref<10000x128xi32, #tpu.memory_space<vmem_shared>>
      tpu.wait_indirect_dma semaphore(%arg12 : memref<!tpu.dma_semaphore, #tpu.memory_space<semaphore_mem>>) src(%dma_wait3A_120 : memref<10000x128xi32, #tpu.memory_space<vmem_shared>>) dst(%arg8 : memref<40x128xi32, #tpu.memory_space<vmem>>)
      %scan3A_121 = arith.constant 0 : i32
      %scan3A_122 = arith.constant 0 : i32
      %scan3A_123 = arith.constant 8 : i32
      %scan3A_124 = arith.addi %scan3A_122, %scan3A_123 : i32
      %scan3A_125 = arith.constant 1 : i32
      scf.for %scan3A_134 = %scan3A_122 to %scan3A_124 step %scan3A_125  : i32 {
        %mul3A_135 = arith.constant 16 : i32
        %mul3A_136 = arith.muli %scan3A_134, %mul3A_135 : i32
        %mul3A_137 = arith.constant 16 : i32
        %mul3A_138 = arith.muli %scan3A_134, %mul3A_137 : i32
        %add3A_139 = arith.constant 128 : i32
        %add3A_140 = arith.addi %add3A_139, %mul3A_138 : i32
        %get3A = arith.constant 0 : i32
        %get3A_141 = arith.index_cast %get3A : i32 to index
        %get3A_142 = arith.index_cast %mul3A_136 : i32 to index
        %get3A_143 = tpu.vector_load %arg8[%get3A_141, %get3A_142] {strides = array<i32>} : memref<40x128xi32, #tpu.memory_space<vmem>>, vector<1x16xi32>,
        %get3A_144 = vector.shape_cast %get3A_143 : vector<1x16xi32> to vector<16xi32>
        %shift_left3A = arith.constant 16 : i32
        %shift_left3A_145 = vector.broadcast %shift_left3A : i32 to vector<16xi32>
        %shift_left3A_146 = arith.shli %get3A_144, %shift_left3A_145 : vector<16xi32>
        %bitcast_convert_type3A = tpu.bitcast %shift_left3A_146 : vector<16xi32> -> vector<16xf32>
        %and3A = arith.andi %get3A_144, %broadcast_in_dim3A_1 : vector<16xi32>
        %bitcast_convert_type3A_147 = tpu.bitcast %and3A : vector<16xi32> -> vector<16xf32>
        %get3A_148 = arith.constant 1 : i32
        %get3A_149 = arith.index_cast %get3A_148 : i32 to index
        %get3A_150 = arith.index_cast %mul3A_136 : i32 to index
        %get3A_151 = tpu.vector_load %arg8[%get3A_149, %get3A_150] {strides = array<i32>} : memref<40x128xi32, #tpu.memory_space<vmem>>, vector<1x16xi32>,
        %get3A_152 = vector.shape_cast %get3A_151 : vector<1x16xi32> to vector<16xi32>
        %shift_left3A_153 = arith.constant 16 : i32
        %shift_left3A_154 = vector.broadcast %shift_left3A_153 : i32 to vector<16xi32>
        %shift_left3A_155 = arith.shli %get3A_152, %shift_left3A_154 : vector<16xi32>
        %bitcast_convert_type3A_156 = tpu.bitcast %shift_left3A_155 : vector<16xi32> -> vector<16xf32>
        %add3A_157 = arith.addf %bitcast_convert_type3A, %bitcast_convert_type3A_156 : vector<16xf32>
        %and3A_158 = arith.andi %get3A_152, %broadcast_in_dim3A_1 : vector<16xi32>
        %bitcast_convert_type3A_159 = tpu.bitcast %and3A_158 : vector<16xi32> -> vector<16xf32>
        %add3A_160 = arith.addf %bitcast_convert_type3A_147, %bitcast_convert_type3A_159 : vector<16xf32>
        %get3A_161 = arith.constant 2 : i32
        %get3A_162 = arith.index_cast %get3A_161 : i32 to index
        %get3A_163 = arith.index_cast %mul3A_136 : i32 to index
        %get3A_164 = tpu.vector_load %arg8[%get3A_162, %get3A_163] {strides = array<i32>} : memref<40x128xi32, #tpu.memory_space<vmem>>, vector<1x16xi32>,
        %get3A_165 = vector.shape_cast %get3A_164 : vector<1x16xi32> to vector<16xi32>
        %shift_left3A_166 = arith.constant 16 : i32
        %shift_left3A_167 = vector.broadcast %shift_left3A_166 : i32 to vector<16xi32>
        %shift_left3A_168 = arith.shli %get3A_165, %shift_left3A_167 : vector<16xi32>
        %bitcast_convert_type3A_169 = tpu.bitcast %shift_left3A_168 : vector<16xi32> -> vector<16xf32>
        %add3A_170 = arith.addf %add3A_157, %bitcast_convert_type3A_169 : vector<16xf32>
        %and3A_171 = arith.andi %get3A_165, %broadcast_in_dim3A_1 : vector<16xi32>
        %bitcast_convert_type3A_172 = tpu.bitcast %and3A_171 : vector<16xi32> -> vector<16xf32>
        %add3A_173 = arith.addf %add3A_160, %bitcast_convert_type3A_172 : vector<16xf32>
        %get3A_174 = arith.constant 3 : i32
        %get3A_175 = arith.index_cast %get3A_174 : i32 to index
        %get3A_176 = arith.index_cast %mul3A_136 : i32 to index
        %get3A_177 = tpu.vector_load %arg8[%get3A_175, %get3A_176] {strides = array<i32>} : memref<40x128xi32, #tpu.memory_space<vmem>>, vector<1x16xi32>,
        %get3A_178 = vector.shape_cast %get3A_177 : vector<1x16xi32> to vector<16xi32>
        %shift_left3A_179 = arith.constant 16 : i32
        %shift_left3A_180 = vector.broadcast %shift_left3A_179 : i32 to vector<16xi32>
        %shift_left3A_181 = arith.shli %get3A_178, %shift_left3A_180 : vector<16xi32>
        %bitcast_convert_type3A_182 = tpu.bitcast %shift_left3A_181 : vector<16xi32> -> vector<16xf32>
        %add3A_183 = arith.addf %add3A_170, %bitcast_convert_type3A_182 : vector<16xf32>
        %and3A_184 = arith.andi %get3A_178, %broadcast_in_dim3A_1 : vector<16xi32>
        %bitcast_convert_type3A_185 = tpu.bitcast %and3A_184 : vector<16xi32> -> vector<16xf32>
        %add3A_186 = arith.addf %add3A_173, %bitcast_convert_type3A_185 : vector<16xf32>
        %get3A_187 = arith.constant 4 : i32
        %get3A_188 = arith.index_cast %get3A_187 : i32 to index
        %get3A_189 = arith.index_cast %mul3A_136 : i32 to index
        %get3A_190 = tpu.vector_load %arg8[%get3A_188, %get3A_189] {strides = array<i32>} : memref<40x128xi32, #tpu.memory_space<vmem>>, vector<1x16xi32>,
        %get3A_191 = vector.shape_cast %get3A_190 : vector<1x16xi32> to vector<16xi32>
        %shift_left3A_192 = arith.constant 16 : i32
        %shift_left3A_193 = vector.broadcast %shift_left3A_192 : i32 to vector<16xi32>
        %shift_left3A_194 = arith.shli %get3A_191, %shift_left3A_193 : vector<16xi32>
        %bitcast_convert_type3A_195 = tpu.bitcast %shift_left3A_194 : vector<16xi32> -> vector<16xf32>
        %add3A_196 = arith.addf %add3A_183, %bitcast_convert_type3A_195 : vector<16xf32>
        %and3A_197 = arith.andi %get3A_191, %broadcast_in_dim3A_1 : vector<16xi32>
        %bitcast_convert_type3A_198 = tpu.bitcast %and3A_197 : vector<16xi32> -> vector<16xf32>
        %add3A_199 = arith.addf %add3A_186, %bitcast_convert_type3A_198 : vector<16xf32>
        %get3A_200 = arith.constant 5 : i32
        %get3A_201 = arith.index_cast %get3A_200 : i32 to index
        %get3A_202 = arith.index_cast %mul3A_136 : i32 to index
        %get3A_203 = tpu.vector_load %arg8[%get3A_201, %get3A_202] {strides = array<i32>} : memref<40x128xi32, #tpu.memory_space<vmem>>, vector<1x16xi32>,
        %get3A_204 = vector.shape_cast %get3A_203 : vector<1x16xi32> to vector<16xi32>
        %shift_left3A_205 = arith.constant 16 : i32
        %shift_left3A_206 = vector.broadcast %shift_left3A_205 : i32 to vector<16xi32>
        %shift_left3A_207 = arith.shli %get3A_204, %shift_left3A_206 : vector<16xi32>
        %bitcast_convert_type3A_208 = tpu.bitcast %shift_left3A_207 : vector<16xi32> -> vector<16xf32>
        %add3A_209 = arith.addf %add3A_196, %bitcast_convert_type3A_208 : vector<16xf32>
        %and3A_210 = arith.andi %get3A_204, %broadcast_in_dim3A_1 : vector<16xi32>
        %bitcast_convert_type3A_211 = tpu.bitcast %and3A_210 : vector<16xi32> -> vector<16xf32>
        %add3A_212 = arith.addf %add3A_199, %bitcast_convert_type3A_211 : vector<16xf32>
        %get3A_213 = arith.constant 6 : i32
        %get3A_214 = arith.index_cast %get3A_213 : i32 to index
        %get3A_215 = arith.index_cast %mul3A_136 : i32 to index
        %get3A_216 = tpu.vector_load %arg8[%get3A_214, %get3A_215] {strides = array<i32>} : memref<40x128xi32, #tpu.memory_space<vmem>>, vector<1x16xi32>,
        %get3A_217 = vector.shape_cast %get3A_216 : vector<1x16xi32> to vector<16xi32>
        %shift_left3A_218 = arith.constant 16 : i32
        %shift_left3A_219 = vector.broadcast %shift_left3A_218 : i32 to vector<16xi32>
        %shift_left3A_220 = arith.shli %get3A_217, %shift_left3A_219 : vector<16xi32>
        %bitcast_convert_type3A_221 = tpu.bitcast %shift_left3A_220 : vector<16xi32> -> vector<16xf32>
        %add3A_222 = arith.addf %add3A_209, %bitcast_convert_type3A_221 : vector<16xf32>
        %and3A_223 = arith.andi %get3A_217, %broadcast_in_dim3A_1 : vector<16xi32>
        %bitcast_convert_type3A_224 = tpu.bitcast %and3A_223 : vector<16xi32> -> vector<16xf32>
        %add3A_225 = arith.addf %add3A_212, %bitcast_convert_type3A_224 : vector<16xf32>
        %get3A_226 = arith.constant 7 : i32
        %get3A_227 = arith.index_cast %get3A_226 : i32 to index
        %get3A_228 = arith.index_cast %mul3A_136 : i32 to index
        %get3A_229 = tpu.vector_load %arg8[%get3A_227, %get3A_228] {strides = array<i32>} : memref<40x128xi32, #tpu.memory_space<vmem>>, vector<1x16xi32>,
        %get3A_230 = vector.shape_cast %get3A_229 : vector<1x16xi32> to vector<16xi32>
        %shift_left3A_231 = arith.constant 16 : i32
        %shift_left3A_232 = vector.broadcast %shift_left3A_231 : i32 to vector<16xi32>
        %shift_left3A_233 = arith.shli %get3A_230, %shift_left3A_232 : vector<16xi32>
        %bitcast_convert_type3A_234 = tpu.bitcast %shift_left3A_233 : vector<16xi32> -> vector<16xf32>
        %add3A_235 = arith.addf %add3A_222, %bitcast_convert_type3A_234 : vector<16xf32>
        %and3A_236 = arith.andi %get3A_230, %broadcast_in_dim3A_1 : vector<16xi32>
        %bitcast_convert_type3A_237 = tpu.bitcast %and3A_236 : vector<16xi32> -> vector<16xf32>
        %add3A_238 = arith.addf %add3A_225, %bitcast_convert_type3A_237 : vector<16xf32>
        %get3A_239 = arith.constant 8 : i32
        %get3A_240 = arith.index_cast %get3A_239 : i32 to index
        %get3A_241 = arith.index_cast %mul3A_136 : i32 to index
        %get3A_242 = tpu.vector_load %arg8[%get3A_240, %get3A_241] {strides = array<i32>} : memref<40x128xi32, #tpu.memory_space<vmem>>, vector<1x16xi32>,
        %get3A_243 = vector.shape_cast %get3A_242 : vector<1x16xi32> to vector<16xi32>
        %shift_left3A_244 = arith.constant 16 : i32
        %shift_left3A_245 = vector.broadcast %shift_left3A_244 : i32 to vector<16xi32>
        %shift_left3A_246 = arith.shli %get3A_243, %shift_left3A_245 : vector<16xi32>
        %bitcast_convert_type3A_247 = tpu.bitcast %shift_left3A_246 : vector<16xi32> -> vector<16xf32>
        %add3A_248 = arith.addf %add3A_235, %bitcast_convert_type3A_247 : vector<16xf32>
        %and3A_249 = arith.andi %get3A_243, %broadcast_in_dim3A_1 : vector<16xi32>
        %bitcast_convert_type3A_250 = tpu.bitcast %and3A_249 : vector<16xi32> -> vector<16xf32>
        %add3A_251 = arith.addf %add3A_238, %bitcast_convert_type3A_250 : vector<16xf32>
        %get3A_252 = arith.constant 9 : i32
        %get3A_253 = arith.index_cast %get3A_252 : i32 to index
        %get3A_254 = arith.index_cast %mul3A_136 : i32 to index
        %get3A_255 = tpu.vector_load %arg8[%get3A_253, %get3A_254] {strides = array<i32>} : memref<40x128xi32, #tpu.memory_space<vmem>>, vector<1x16xi32>,
        %get3A_256 = vector.shape_cast %get3A_255 : vector<1x16xi32> to vector<16xi32>
        %shift_left3A_257 = arith.constant 16 : i32
        %shift_left3A_258 = vector.broadcast %shift_left3A_257 : i32 to vector<16xi32>
        %shift_left3A_259 = arith.shli %get3A_256, %shift_left3A_258 : vector<16xi32>
        %bitcast_convert_type3A_260 = tpu.bitcast %shift_left3A_259 : vector<16xi32> -> vector<16xf32>
        %add3A_261 = arith.addf %add3A_248, %bitcast_convert_type3A_260 : vector<16xf32>
        %and3A_262 = arith.andi %get3A_256, %broadcast_in_dim3A_1 : vector<16xi32>
        %bitcast_convert_type3A_263 = tpu.bitcast %and3A_262 : vector<16xi32> -> vector<16xf32>
        %add3A_264 = arith.addf %add3A_251, %bitcast_convert_type3A_263 : vector<16xf32>
        %mul3A_265 = arith.constant 4 : i32
        %mul3A_266 = arith.muli %add3A_114, %mul3A_265 : i32
        %add3A_267 = arith.constant 0 : i32
        %add3A_268 = arith.addi %mul3A_266, %add3A_267 : i32
        %swap3A = arith.index_cast %add3A_268 : i32 to index
        %swap3A_269 = arith.index_cast %mul3A_136 : i32 to index
        %swap3A_270 = tpu.vector_load %arg9[%swap3A, %swap3A_269] {strides = array<i32>} : memref<128x256xf32, #tpu.memory_space<vmem>>, vector<1x16xf32>,
        %swap3A_271 = vector.shape_cast %swap3A_270 : vector<1x16xf32> to vector<16xf32>
        %swap3A_272 = vector.shape_cast %add3A_261 : vector<16xf32> to vector<1x16xf32>
        tpu.vector_store %arg9[%swap3A, %swap3A_269], %swap3A_272 {strides = array<i32>} : memref<128x256xf32, #tpu.memory_space<vmem>>, vector<1x16xf32>,
        %swap3A_273 = arith.index_cast %add3A_268 : i32 to index
        %swap3A_274 = arith.index_cast %add3A_140 : i32 to index
        %swap3A_275 = tpu.vector_load %arg9[%swap3A_273, %swap3A_274] {strides = array<i32>} : memref<128x256xf32, #tpu.memory_space<vmem>>, vector<1x16xf32>,
        %swap3A_276 = vector.shape_cast %swap3A_275 : vector<1x16xf32> to vector<16xf32>
        %swap3A_277 = vector.shape_cast %add3A_264 : vector<16xf32> to vector<1x16xf32>
        tpu.vector_store %arg9[%swap3A_273, %swap3A_274], %swap3A_277 {strides = array<i32>} : memref<128x256xf32, #tpu.memory_space<vmem>>, vector<1x16xf32>,
        %get3A_278 = arith.constant 10 : i32
        %get3A_279 = arith.index_cast %get3A_278 : i32 to index
        %get3A_280 = arith.index_cast %mul3A_136 : i32 to index
        %get3A_281 = tpu.vector_load %arg8[%get3A_279, %get3A_280] {strides = array<i32>} : memref<40x128xi32, #tpu.memory_space<vmem>>, vector<1x16xi32>,
        %get3A_282 = vector.shape_cast %get3A_281 : vector<1x16xi32> to vector<16xi32>
        %shift_left3A_283 = arith.constant 16 : i32
        %shift_left3A_284 = vector.broadcast %shift_left3A_283 : i32 to vector<16xi32>
        %shift_left3A_285 = arith.shli %get3A_282, %shift_left3A_284 : vector<16xi32>
        %bitcast_convert_type3A_286 = tpu.bitcast %shift_left3A_285 : vector<16xi32> -> vector<16xf32>
        %and3A_287 = arith.andi %get3A_282, %broadcast_in_dim3A_1 : vector<16xi32>
        %bitcast_convert_type3A_288 = tpu.bitcast %and3A_287 : vector<16xi32> -> vector<16xf32>
        %get3A_289 = arith.constant 11 : i32
        %get3A_290 = arith.index_cast %get3A_289 : i32 to index
        %get3A_291 = arith.index_cast %mul3A_136 : i32 to index
        %get3A_292 = tpu.vector_load %arg8[%get3A_290, %get3A_291] {strides = array<i32>} : memref<40x128xi32, #tpu.memory_space<vmem>>, vector<1x16xi32>,
        %get3A_293 = vector.shape_cast %get3A_292 : vector<1x16xi32> to vector<16xi32>
        %shift_left3A_294 = arith.constant 16 : i32
        %shift_left3A_295 = vector.broadcast %shift_left3A_294 : i32 to vector<16xi32>
        %shift_left3A_296 = arith.shli %get3A_293, %shift_left3A_295 : vector<16xi32>
        %bitcast_convert_type3A_297 = tpu.bitcast %shift_left3A_296 : vector<16xi32> -> vector<16xf32>
        %add3A_298 = arith.addf %bitcast_convert_type3A_286, %bitcast_convert_type3A_297 : vector<16xf32>
        %and3A_299 = arith.andi %get3A_293, %broadcast_in_dim3A_1 : vector<16xi32>
        %bitcast_convert_type3A_300 = tpu.bitcast %and3A_299 : vector<16xi32> -> vector<16xf32>
        %add3A_301 = arith.addf %bitcast_convert_type3A_288, %bitcast_convert_type3A_300 : vector<16xf32>
        %get3A_302 = arith.constant 12 : i32
        %get3A_303 = arith.index_cast %get3A_302 : i32 to index
        %get3A_304 = arith.index_cast %mul3A_136 : i32 to index
        %get3A_305 = tpu.vector_load %arg8[%get3A_303, %get3A_304] {strides = array<i32>} : memref<40x128xi32, #tpu.memory_space<vmem>>, vector<1x16xi32>,
        %get3A_306 = vector.shape_cast %get3A_305 : vector<1x16xi32> to vector<16xi32>
        %shift_left3A_307 = arith.constant 16 : i32
        %shift_left3A_308 = vector.broadcast %shift_left3A_307 : i32 to vector<16xi32>
        %shift_left3A_309 = arith.shli %get3A_306, %shift_left3A_308 : vector<16xi32>
        %bitcast_convert_type3A_310 = tpu.bitcast %shift_left3A_309 : vector<16xi32> -> vector<16xf32>
        %add3A_311 = arith.addf %add3A_298, %bitcast_convert_type3A_310 : vector<16xf32>
        %and3A_312 = arith.andi %get3A_306, %broadcast_in_dim3A_1 : vector<16xi32>
        %bitcast_convert_type3A_313 = tpu.bitcast %and3A_312 : vector<16xi32> -> vector<16xf32>
        %add3A_314 = arith.addf %add3A_301, %bitcast_convert_type3A_313 : vector<16xf32>
        %get3A_315 = arith.constant 13 : i32
        %get3A_316 = arith.index_cast %get3A_315 : i32 to index
        %get3A_317 = arith.index_cast %mul3A_136 : i32 to index
        %get3A_318 = tpu.vector_load %arg8[%get3A_316, %get3A_317] {strides = array<i32>} : memref<40x128xi32, #tpu.memory_space<vmem>>, vector<1x16xi32>,
        %get3A_319 = vector.shape_cast %get3A_318 : vector<1x16xi32> to vector<16xi32>
        %shift_left3A_320 = arith.constant 16 : i32
        %shift_left3A_321 = vector.broadcast %shift_left3A_320 : i32 to vector<16xi32>
        %shift_left3A_322 = arith.shli %get3A_319, %shift_left3A_321 : vector<16xi32>
        %bitcast_convert_type3A_323 = tpu.bitcast %shift_left3A_322 : vector<16xi32> -> vector<16xf32>
        %add3A_324 = arith.addf %add3A_311, %bitcast_convert_type3A_323 : vector<16xf32>
        %and3A_325 = arith.andi %get3A_319, %broadcast_in_dim3A_1 : vector<16xi32>
        %bitcast_convert_type3A_326 = tpu.bitcast %and3A_325 : vector<16xi32> -> vector<16xf32>
        %add3A_327 = arith.addf %add3A_314, %bitcast_convert_type3A_326 : vector<16xf32>
        %get3A_328 = arith.constant 14 : i32
        %get3A_329 = arith.index_cast %get3A_328 : i32 to index
        %get3A_330 = arith.index_cast %mul3A_136 : i32 to index
        %get3A_331 = tpu.vector_load %arg8[%get3A_329, %get3A_330] {strides = array<i32>} : memref<40x128xi32, #tpu.memory_space<vmem>>, vector<1x16xi32>,
        %get3A_332 = vector.shape_cast %get3A_331 : vector<1x16xi32> to vector<16xi32>
        %shift_left3A_333 = arith.constant 16 : i32
        %shift_left3A_334 = vector.broadcast %shift_left3A_333 : i32 to vector<16xi32>
        %shift_left3A_335 = arith.shli %get3A_332, %shift_left3A_334 : vector<16xi32>
        %bitcast_convert_type3A_336 = tpu.bitcast %shift_left3A_335 : vector<16xi32> -> vector<16xf32>
        %add3A_337 = arith.addf %add3A_324, %bitcast_convert_type3A_336 : vector<16xf32>
        %and3A_338 = arith.andi %get3A_332, %broadcast_in_dim3A_1 : vector<16xi32>
        %bitcast_convert_type3A_339 = tpu.bitcast %and3A_338 : vector<16xi32> -> vector<16xf32>
        %add3A_340 = arith.addf %add3A_327, %bitcast_convert_type3A_339 : vector<16xf32>
        %get3A_341 = arith.constant 15 : i32
        %get3A_342 = arith.index_cast %get3A_341 : i32 to index
        %get3A_343 = arith.index_cast %mul3A_136 : i32 to index
        %get3A_344 = tpu.vector_load %arg8[%get3A_342, %get3A_343] {strides = array<i32>} : memref<40x128xi32, #tpu.memory_space<vmem>>, vector<1x16xi32>,
        %get3A_345 = vector.shape_cast %get3A_344 : vector<1x16xi32> to vector<16xi32>
        %shift_left3A_346 = arith.constant 16 : i32
        %shift_left3A_347 = vector.broadcast %shift_left3A_346 : i32 to vector<16xi32>
        %shift_left3A_348 = arith.shli %get3A_345, %shift_left3A_347 : vector<16xi32>
        %bitcast_convert_type3A_349 = tpu.bitcast %shift_left3A_348 : vector<16xi32> -> vector<16xf32>
        %add3A_350 = arith.addf %add3A_337, %bitcast_convert_type3A_349 : vector<16xf32>
        %and3A_351 = arith.andi %get3A_345, %broadcast_in_dim3A_1 : vector<16xi32>
        %bitcast_convert_type3A_352 = tpu.bitcast %and3A_351 : vector<16xi32> -> vector<16xf32>
        %add3A_353 = arith.addf %add3A_340, %bitcast_convert_type3A_352 : vector<16xf32>
        %get3A_354 = arith.constant 16 : i32
        %get3A_355 = arith.index_cast %get3A_354 : i32 to index
        %get3A_356 = arith.index_cast %mul3A_136 : i32 to index
        %get3A_357 = tpu.vector_load %arg8[%get3A_355, %get3A_356] {strides = array<i32>} : memref<40x128xi32, #tpu.memory_space<vmem>>, vector<1x16xi32>,
        %get3A_358 = vector.shape_cast %get3A_357 : vector<1x16xi32> to vector<16xi32>
        %shift_left3A_359 = arith.constant 16 : i32
        %shift_left3A_360 = vector.broadcast %shift_left3A_359 : i32 to vector<16xi32>
        %shift_left3A_361 = arith.shli %get3A_358, %shift_left3A_360 : vector<16xi32>
        %bitcast_convert_type3A_362 = tpu.bitcast %shift_left3A_361 : vector<16xi32> -> vector<16xf32>
        %add3A_363 = arith.addf %add3A_350, %bitcast_convert_type3A_362 : vector<16xf32>
        %and3A_364 = arith.andi %get3A_358, %broadcast_in_dim3A_1 : vector<16xi32>
        %bitcast_convert_type3A_365 = tpu.bitcast %and3A_364 : vector<16xi32> -> vector<16xf32>
        %add3A_366 = arith.addf %add3A_353, %bitcast_convert_type3A_365 : vector<16xf32>
        %get3A_367 = arith.constant 17 : i32
        %get3A_368 = arith.index_cast %get3A_367 : i32 to index
        %get3A_369 = arith.index_cast %mul3A_136 : i32 to index
        %get3A_370 = tpu.vector_load %arg8[%get3A_368, %get3A_369] {strides = array<i32>} : memref<40x128xi32, #tpu.memory_space<vmem>>, vector<1x16xi32>,
        %get3A_371 = vector.shape_cast %get3A_370 : vector<1x16xi32> to vector<16xi32>
        %shift_left3A_372 = arith.constant 16 : i32
        %shift_left3A_373 = vector.broadcast %shift_left3A_372 : i32 to vector<16xi32>
        %shift_left3A_374 = arith.shli %get3A_371, %shift_left3A_373 : vector<16xi32>
        %bitcast_convert_type3A_375 = tpu.bitcast %shift_left3A_374 : vector<16xi32> -> vector<16xf32>
        %add3A_376 = arith.addf %add3A_363, %bitcast_convert_type3A_375 : vector<16xf32>
        %and3A_377 = arith.andi %get3A_371, %broadcast_in_dim3A_1 : vector<16xi32>
        %bitcast_convert_type3A_378 = tpu.bitcast %and3A_377 : vector<16xi32> -> vector<16xf32>
        %add3A_379 = arith.addf %add3A_366, %bitcast_convert_type3A_378 : vector<16xf32>
        %get3A_380 = arith.constant 18 : i32
        %get3A_381 = arith.index_cast %get3A_380 : i32 to index
        %get3A_382 = arith.index_cast %mul3A_136 : i32 to index
        %get3A_383 = tpu.vector_load %arg8[%get3A_381, %get3A_382] {strides = array<i32>} : memref<40x128xi32, #tpu.memory_space<vmem>>, vector<1x16xi32>,
        %get3A_384 = vector.shape_cast %get3A_383 : vector<1x16xi32> to vector<16xi32>
        %shift_left3A_385 = arith.constant 16 : i32
        %shift_left3A_386 = vector.broadcast %shift_left3A_385 : i32 to vector<16xi32>
        %shift_left3A_387 = arith.shli %get3A_384, %shift_left3A_386 : vector<16xi32>
        %bitcast_convert_type3A_388 = tpu.bitcast %shift_left3A_387 : vector<16xi32> -> vector<16xf32>
        %add3A_389 = arith.addf %add3A_376, %bitcast_convert_type3A_388 : vector<16xf32>
        %and3A_390 = arith.andi %get3A_384, %broadcast_in_dim3A_1 : vector<16xi32>
        %bitcast_convert_type3A_391 = tpu.bitcast %and3A_390 : vector<16xi32> -> vector<16xf32>
        %add3A_392 = arith.addf %add3A_379, %bitcast_convert_type3A_391 : vector<16xf32>
        %get3A_393 = arith.constant 19 : i32
        %get3A_394 = arith.index_cast %get3A_393 : i32 to index
        %get3A_395 = arith.index_cast %mul3A_136 : i32 to index
        %get3A_396 = tpu.vector_load %arg8[%get3A_394, %get3A_395] {strides = array<i32>} : memref<40x128xi32, #tpu.memory_space<vmem>>, vector<1x16xi32>,
        %get3A_397 = vector.shape_cast %get3A_396 : vector<1x16xi32> to vector<16xi32>
        %shift_left3A_398 = arith.constant 16 : i32
        %shift_left3A_399 = vector.broadcast %shift_left3A_398 : i32 to vector<16xi32>
        %shift_left3A_400 = arith.shli %get3A_397, %shift_left3A_399 : vector<16xi32>
        %bitcast_convert_type3A_401 = tpu.bitcast %shift_left3A_400 : vector<16xi32> -> vector<16xf32>
        %add3A_402 = arith.addf %add3A_389, %bitcast_convert_type3A_401 : vector<16xf32>
        %and3A_403 = arith.andi %get3A_397, %broadcast_in_dim3A_1 : vector<16xi32>
        %bitcast_convert_type3A_404 = tpu.bitcast %and3A_403 : vector<16xi32> -> vector<16xf32>
        %add3A_405 = arith.addf %add3A_392, %bitcast_convert_type3A_404 : vector<16xf32>
        %mul3A_406 = arith.constant 4 : i32
        %mul3A_407 = arith.muli %add3A_114, %mul3A_406 : i32
        %add3A_408 = arith.constant 1 : i32
        %add3A_409 = arith.addi %mul3A_407, %add3A_408 : i32
        %swap3A_410 = arith.index_cast %add3A_409 : i32 to index
        %swap3A_411 = arith.index_cast %mul3A_136 : i32 to index
        %swap3A_412 = tpu.vector_load %arg9[%swap3A_410, %swap3A_411] {strides = array<i32>} : memref<128x256xf32, #tpu.memory_space<vmem>>, vector<1x16xf32>,
        %swap3A_413 = vector.shape_cast %swap3A_412 : vector<1x16xf32> to vector<16xf32>
        %swap3A_414 = vector.shape_cast %add3A_402 : vector<16xf32> to vector<1x16xf32>
        tpu.vector_store %arg9[%swap3A_410, %swap3A_411], %swap3A_414 {strides = array<i32>} : memref<128x256xf32, #tpu.memory_space<vmem>>, vector<1x16xf32>,
        %swap3A_415 = arith.index_cast %add3A_409 : i32 to index
        %swap3A_416 = arith.index_cast %add3A_140 : i32 to index
        %swap3A_417 = tpu.vector_load %arg9[%swap3A_415, %swap3A_416] {strides = array<i32>} : memref<128x256xf32, #tpu.memory_space<vmem>>, vector<1x16xf32>,
        %swap3A_418 = vector.shape_cast %swap3A_417 : vector<1x16xf32> to vector<16xf32>
        %swap3A_419 = vector.shape_cast %add3A_405 : vector<16xf32> to vector<1x16xf32>
        tpu.vector_store %arg9[%swap3A_415, %swap3A_416], %swap3A_419 {strides = array<i32>} : memref<128x256xf32, #tpu.memory_space<vmem>>, vector<1x16xf32>,
        %get3A_420 = arith.constant 20 : i32
        %get3A_421 = arith.index_cast %get3A_420 : i32 to index
        %get3A_422 = arith.index_cast %mul3A_136 : i32 to index
        %get3A_423 = tpu.vector_load %arg8[%get3A_421, %get3A_422] {strides = array<i32>} : memref<40x128xi32, #tpu.memory_space<vmem>>, vector<1x16xi32>,
        %get3A_424 = vector.shape_cast %get3A_423 : vector<1x16xi32> to vector<16xi32>
        %shift_left3A_425 = arith.constant 16 : i32
        %shift_left3A_426 = vector.broadcast %shift_left3A_425 : i32 to vector<16xi32>
        %shift_left3A_427 = arith.shli %get3A_424, %shift_left3A_426 : vector<16xi32>
        %bitcast_convert_type3A_428 = tpu.bitcast %shift_left3A_427 : vector<16xi32> -> vector<16xf32>
        %and3A_429 = arith.andi %get3A_424, %broadcast_in_dim3A_1 : vector<16xi32>
        %bitcast_convert_type3A_430 = tpu.bitcast %and3A_429 : vector<16xi32> -> vector<16xf32>
        %get3A_431 = arith.constant 21 : i32
        %get3A_432 = arith.index_cast %get3A_431 : i32 to index
        %get3A_433 = arith.index_cast %mul3A_136 : i32 to index
        %get3A_434 = tpu.vector_load %arg8[%get3A_432, %get3A_433] {strides = array<i32>} : memref<40x128xi32, #tpu.memory_space<vmem>>, vector<1x16xi32>,
        %get3A_435 = vector.shape_cast %get3A_434 : vector<1x16xi32> to vector<16xi32>
        %shift_left3A_436 = arith.constant 16 : i32
        %shift_left3A_437 = vector.broadcast %shift_left3A_436 : i32 to vector<16xi32>
        %shift_left3A_438 = arith.shli %get3A_435, %shift_left3A_437 : vector<16xi32>
        %bitcast_convert_type3A_439 = tpu.bitcast %shift_left3A_438 : vector<16xi32> -> vector<16xf32>
        %add3A_440 = arith.addf %bitcast_convert_type3A_428, %bitcast_convert_type3A_439 : vector<16xf32>
        %and3A_441 = arith.andi %get3A_435, %broadcast_in_dim3A_1 : vector<16xi32>
        %bitcast_convert_type3A_442 = tpu.bitcast %and3A_441 : vector<16xi32> -> vector<16xf32>
        %add3A_443 = arith.addf %bitcast_convert_type3A_430, %bitcast_convert_type3A_442 : vector<16xf32>
        %get3A_444 = arith.constant 22 : i32
        %get3A_445 = arith.index_cast %get3A_444 : i32 to index
        %get3A_446 = arith.index_cast %mul3A_136 : i32 to index
        %get3A_447 = tpu.vector_load %arg8[%get3A_445, %get3A_446] {strides = array<i32>} : memref<40x128xi32, #tpu.memory_space<vmem>>, vector<1x16xi32>,
        %get3A_448 = vector.shape_cast %get3A_447 : vector<1x16xi32> to vector<16xi32>
        %shift_left3A_449 = arith.constant 16 : i32
        %shift_left3A_450 = vector.broadcast %shift_left3A_449 : i32 to vector<16xi32>
        %shift_left3A_451 = arith.shli %get3A_448, %shift_left3A_450 : vector<16xi32>
        %bitcast_convert_type3A_452 = tpu.bitcast %shift_left3A_451 : vector<16xi32> -> vector<16xf32>
        %add3A_453 = arith.addf %add3A_440, %bitcast_convert_type3A_452 : vector<16xf32>
        %and3A_454 = arith.andi %get3A_448, %broadcast_in_dim3A_1 : vector<16xi32>
        %bitcast_convert_type3A_455 = tpu.bitcast %and3A_454 : vector<16xi32> -> vector<16xf32>
        %add3A_456 = arith.addf %add3A_443, %bitcast_convert_type3A_455 : vector<16xf32>
        %get3A_457 = arith.constant 23 : i32
        %get3A_458 = arith.index_cast %get3A_457 : i32 to index
        %get3A_459 = arith.index_cast %mul3A_136 : i32 to index
        %get3A_460 = tpu.vector_load %arg8[%get3A_458, %get3A_459] {strides = array<i32>} : memref<40x128xi32, #tpu.memory_space<vmem>>, vector<1x16xi32>,
        %get3A_461 = vector.shape_cast %get3A_460 : vector<1x16xi32> to vector<16xi32>
        %shift_left3A_462 = arith.constant 16 : i32
        %shift_left3A_463 = vector.broadcast %shift_left3A_462 : i32 to vector<16xi32>
        %shift_left3A_464 = arith.shli %get3A_461, %shift_left3A_463 : vector<16xi32>
        %bitcast_convert_type3A_465 = tpu.bitcast %shift_left3A_464 : vector<16xi32> -> vector<16xf32>
        %add3A_466 = arith.addf %add3A_453, %bitcast_convert_type3A_465 : vector<16xf32>
        %and3A_467 = arith.andi %get3A_461, %broadcast_in_dim3A_1 : vector<16xi32>
        %bitcast_convert_type3A_468 = tpu.bitcast %and3A_467 : vector<16xi32> -> vector<16xf32>
        %add3A_469 = arith.addf %add3A_456, %bitcast_convert_type3A_468 : vector<16xf32>
        %get3A_470 = arith.constant 24 : i32
        %get3A_471 = arith.index_cast %get3A_470 : i32 to index
        %get3A_472 = arith.index_cast %mul3A_136 : i32 to index
        %get3A_473 = tpu.vector_load %arg8[%get3A_471, %get3A_472] {strides = array<i32>} : memref<40x128xi32, #tpu.memory_space<vmem>>, vector<1x16xi32>,
        %get3A_474 = vector.shape_cast %get3A_473 : vector<1x16xi32> to vector<16xi32>
        %shift_left3A_475 = arith.constant 16 : i32
        %shift_left3A_476 = vector.broadcast %shift_left3A_475 : i32 to vector<16xi32>
        %shift_left3A_477 = arith.shli %get3A_474, %shift_left3A_476 : vector<16xi32>
        %bitcast_convert_type3A_478 = tpu.bitcast %shift_left3A_477 : vector<16xi32> -> vector<16xf32>
        %add3A_479 = arith.addf %add3A_466, %bitcast_convert_type3A_478 : vector<16xf32>
        %and3A_480 = arith.andi %get3A_474, %broadcast_in_dim3A_1 : vector<16xi32>
        %bitcast_convert_type3A_481 = tpu.bitcast %and3A_480 : vector<16xi32> -> vector<16xf32>
        %add3A_482 = arith.addf %add3A_469, %bitcast_convert_type3A_481 : vector<16xf32>
        %get3A_483 = arith.constant 25 : i32
        %get3A_484 = arith.index_cast %get3A_483 : i32 to index
        %get3A_485 = arith.index_cast %mul3A_136 : i32 to index
        %get3A_486 = tpu.vector_load %arg8[%get3A_484, %get3A_485] {strides = array<i32>} : memref<40x128xi32, #tpu.memory_space<vmem>>, vector<1x16xi32>,
        %get3A_487 = vector.shape_cast %get3A_486 : vector<1x16xi32> to vector<16xi32>
        %shift_left3A_488 = arith.constant 16 : i32
        %shift_left3A_489 = vector.broadcast %shift_left3A_488 : i32 to vector<16xi32>
        %shift_left3A_490 = arith.shli %get3A_487, %shift_left3A_489 : vector<16xi32>
        %bitcast_convert_type3A_491 = tpu.bitcast %shift_left3A_490 : vector<16xi32> -> vector<16xf32>
        %add3A_492 = arith.addf %add3A_479, %bitcast_convert_type3A_491 : vector<16xf32>
        %and3A_493 = arith.andi %get3A_487, %broadcast_in_dim3A_1 : vector<16xi32>
        %bitcast_convert_type3A_494 = tpu.bitcast %and3A_493 : vector<16xi32> -> vector<16xf32>
        %add3A_495 = arith.addf %add3A_482, %bitcast_convert_type3A_494 : vector<16xf32>
        %get3A_496 = arith.constant 26 : i32
        %get3A_497 = arith.index_cast %get3A_496 : i32 to index
        %get3A_498 = arith.index_cast %mul3A_136 : i32 to index
        %get3A_499 = tpu.vector_load %arg8[%get3A_497, %get3A_498] {strides = array<i32>} : memref<40x128xi32, #tpu.memory_space<vmem>>, vector<1x16xi32>,
        %get3A_500 = vector.shape_cast %get3A_499 : vector<1x16xi32> to vector<16xi32>
        %shift_left3A_501 = arith.constant 16 : i32
        %shift_left3A_502 = vector.broadcast %shift_left3A_501 : i32 to vector<16xi32>
        %shift_left3A_503 = arith.shli %get3A_500, %shift_left3A_502 : vector<16xi32>
        %bitcast_convert_type3A_504 = tpu.bitcast %shift_left3A_503 : vector<16xi32> -> vector<16xf32>
        %add3A_505 = arith.addf %add3A_492, %bitcast_convert_type3A_504 : vector<16xf32>
        %and3A_506 = arith.andi %get3A_500, %broadcast_in_dim3A_1 : vector<16xi32>
        %bitcast_convert_type3A_507 = tpu.bitcast %and3A_506 : vector<16xi32> -> vector<16xf32>
        %add3A_508 = arith.addf %add3A_495, %bitcast_convert_type3A_507 : vector<16xf32>
        %get3A_509 = arith.constant 27 : i32
        %get3A_510 = arith.index_cast %get3A_509 : i32 to index
        %get3A_511 = arith.index_cast %mul3A_136 : i32 to index
        %get3A_512 = tpu.vector_load %arg8[%get3A_510, %get3A_511] {strides = array<i32>} : memref<40x128xi32, #tpu.memory_space<vmem>>, vector<1x16xi32>,
        %get3A_513 = vector.shape_cast %get3A_512 : vector<1x16xi32> to vector<16xi32>
        %shift_left3A_514 = arith.constant 16 : i32
        %shift_left3A_515 = vector.broadcast %shift_left3A_514 : i32 to vector<16xi32>
        %shift_left3A_516 = arith.shli %get3A_513, %shift_left3A_515 : vector<16xi32>
        %bitcast_convert_type3A_517 = tpu.bitcast %shift_left3A_516 : vector<16xi32> -> vector<16xf32>
        %add3A_518 = arith.addf %add3A_505, %bitcast_convert_type3A_517 : vector<16xf32>
        %and3A_519 = arith.andi %get3A_513, %broadcast_in_dim3A_1 : vector<16xi32>
        %bitcast_convert_type3A_520 = tpu.bitcast %and3A_519 : vector<16xi32> -> vector<16xf32>
        %add3A_521 = arith.addf %add3A_508, %bitcast_convert_type3A_520 : vector<16xf32>
        %get3A_522 = arith.constant 28 : i32
        %get3A_523 = arith.index_cast %get3A_522 : i32 to index
        %get3A_524 = arith.index_cast %mul3A_136 : i32 to index
        %get3A_525 = tpu.vector_load %arg8[%get3A_523, %get3A_524] {strides = array<i32>} : memref<40x128xi32, #tpu.memory_space<vmem>>, vector<1x16xi32>,
        %get3A_526 = vector.shape_cast %get3A_525 : vector<1x16xi32> to vector<16xi32>
        %shift_left3A_527 = arith.constant 16 : i32
        %shift_left3A_528 = vector.broadcast %shift_left3A_527 : i32 to vector<16xi32>
        %shift_left3A_529 = arith.shli %get3A_526, %shift_left3A_528 : vector<16xi32>
        %bitcast_convert_type3A_530 = tpu.bitcast %shift_left3A_529 : vector<16xi32> -> vector<16xf32>
        %add3A_531 = arith.addf %add3A_518, %bitcast_convert_type3A_530 : vector<16xf32>
        %and3A_532 = arith.andi %get3A_526, %broadcast_in_dim3A_1 : vector<16xi32>
        %bitcast_convert_type3A_533 = tpu.bitcast %and3A_532 : vector<16xi32> -> vector<16xf32>
        %add3A_534 = arith.addf %add3A_521, %bitcast_convert_type3A_533 : vector<16xf32>
        %get3A_535 = arith.constant 29 : i32
        %get3A_536 = arith.index_cast %get3A_535 : i32 to index
        %get3A_537 = arith.index_cast %mul3A_136 : i32 to index
        %get3A_538 = tpu.vector_load %arg8[%get3A_536, %get3A_537] {strides = array<i32>} : memref<40x128xi32, #tpu.memory_space<vmem>>, vector<1x16xi32>,
        %get3A_539 = vector.shape_cast %get3A_538 : vector<1x16xi32> to vector<16xi32>
        %shift_left3A_540 = arith.constant 16 : i32
        %shift_left3A_541 = vector.broadcast %shift_left3A_540 : i32 to vector<16xi32>
        %shift_left3A_542 = arith.shli %get3A_539, %shift_left3A_541 : vector<16xi32>
        %bitcast_convert_type3A_543 = tpu.bitcast %shift_left3A_542 : vector<16xi32> -> vector<16xf32>
        %add3A_544 = arith.addf %add3A_531, %bitcast_convert_type3A_543 : vector<16xf32>
        %and3A_545 = arith.andi %get3A_539, %broadcast_in_dim3A_1 : vector<16xi32>
        %bitcast_convert_type3A_546 = tpu.bitcast %and3A_545 : vector<16xi32> -> vector<16xf32>
        %add3A_547 = arith.addf %add3A_534, %bitcast_convert_type3A_546 : vector<16xf32>
        %mul3A_548 = arith.constant 4 : i32
        %mul3A_549 = arith.muli %add3A_114, %mul3A_548 : i32
        %add3A_550 = arith.constant 2 : i32
        %add3A_551 = arith.addi %mul3A_549, %add3A_550 : i32
        %swap3A_552 = arith.index_cast %add3A_551 : i32 to index
        %swap3A_553 = arith.index_cast %mul3A_136 : i32 to index
        %swap3A_554 = tpu.vector_load %arg9[%swap3A_552, %swap3A_553] {strides = array<i32>} : memref<128x256xf32, #tpu.memory_space<vmem>>, vector<1x16xf32>,
        %swap3A_555 = vector.shape_cast %swap3A_554 : vector<1x16xf32> to vector<16xf32>
        %swap3A_556 = vector.shape_cast %add3A_544 : vector<16xf32> to vector<1x16xf32>
        tpu.vector_store %arg9[%swap3A_552, %swap3A_553], %swap3A_556 {strides = array<i32>} : memref<128x256xf32, #tpu.memory_space<vmem>>, vector<1x16xf32>,
        %swap3A_557 = arith.index_cast %add3A_551 : i32 to index
        %swap3A_558 = arith.index_cast %add3A_140 : i32 to index
        %swap3A_559 = tpu.vector_load %arg9[%swap3A_557, %swap3A_558] {strides = array<i32>} : memref<128x256xf32, #tpu.memory_space<vmem>>, vector<1x16xf32>,
        %swap3A_560 = vector.shape_cast %swap3A_559 : vector<1x16xf32> to vector<16xf32>
        %swap3A_561 = vector.shape_cast %add3A_547 : vector<16xf32> to vector<1x16xf32>
        tpu.vector_store %arg9[%swap3A_557, %swap3A_558], %swap3A_561 {strides = array<i32>} : memref<128x256xf32, #tpu.memory_space<vmem>>, vector<1x16xf32>,
        %get3A_562 = arith.constant 30 : i32
        %get3A_563 = arith.index_cast %get3A_562 : i32 to index
        %get3A_564 = arith.index_cast %mul3A_136 : i32 to index
        %get3A_565 = tpu.vector_load %arg8[%get3A_563, %get3A_564] {strides = array<i32>} : memref<40x128xi32, #tpu.memory_space<vmem>>, vector<1x16xi32>,
        %get3A_566 = vector.shape_cast %get3A_565 : vector<1x16xi32> to vector<16xi32>
        %shift_left3A_567 = arith.constant 16 : i32
        %shift_left3A_568 = vector.broadcast %shift_left3A_567 : i32 to vector<16xi32>
        %shift_left3A_569 = arith.shli %get3A_566, %shift_left3A_568 : vector<16xi32>
        %bitcast_convert_type3A_570 = tpu.bitcast %shift_left3A_569 : vector<16xi32> -> vector<16xf32>
        %and3A_571 = arith.andi %get3A_566, %broadcast_in_dim3A_1 : vector<16xi32>
        %bitcast_convert_type3A_572 = tpu.bitcast %and3A_571 : vector<16xi32> -> vector<16xf32>
        %get3A_573 = arith.constant 31 : i32
        %get3A_574 = arith.index_cast %get3A_573 : i32 to index
        %get3A_575 = arith.index_cast %mul3A_136 : i32 to index
        %get3A_576 = tpu.vector_load %arg8[%get3A_574, %get3A_575] {strides = array<i32>} : memref<40x128xi32, #tpu.memory_space<vmem>>, vector<1x16xi32>,
        %get3A_577 = vector.shape_cast %get3A_576 : vector<1x16xi32> to vector<16xi32>
        %shift_left3A_578 = arith.constant 16 : i32
        %shift_left3A_579 = vector.broadcast %shift_left3A_578 : i32 to vector<16xi32>
        %shift_left3A_580 = arith.shli %get3A_577, %shift_left3A_579 : vector<16xi32>
        %bitcast_convert_type3A_581 = tpu.bitcast %shift_left3A_580 : vector<16xi32> -> vector<16xf32>
        %add3A_582 = arith.addf %bitcast_convert_type3A_570, %bitcast_convert_type3A_581 : vector<16xf32>
        %and3A_583 = arith.andi %get3A_577, %broadcast_in_dim3A_1 : vector<16xi32>
        %bitcast_convert_type3A_584 = tpu.bitcast %and3A_583 : vector<16xi32> -> vector<16xf32>
        %add3A_585 = arith.addf %bitcast_convert_type3A_572, %bitcast_convert_type3A_584 : vector<16xf32>
        %get3A_586 = arith.constant 32 : i32
        %get3A_587 = arith.index_cast %get3A_586 : i32 to index
        %get3A_588 = arith.index_cast %mul3A_136 : i32 to index
        %get3A_589 = tpu.vector_load %arg8[%get3A_587, %get3A_588] {strides = array<i32>} : memref<40x128xi32, #tpu.memory_space<vmem>>, vector<1x16xi32>,
        %get3A_590 = vector.shape_cast %get3A_589 : vector<1x16xi32> to vector<16xi32>
        %shift_left3A_591 = arith.constant 16 : i32
        %shift_left3A_592 = vector.broadcast %shift_left3A_591 : i32 to vector<16xi32>
        %shift_left3A_593 = arith.shli %get3A_590, %shift_left3A_592 : vector<16xi32>
        %bitcast_convert_type3A_594 = tpu.bitcast %shift_left3A_593 : vector<16xi32> -> vector<16xf32>
        %add3A_595 = arith.addf %add3A_582, %bitcast_convert_type3A_594 : vector<16xf32>
        %and3A_596 = arith.andi %get3A_590, %broadcast_in_dim3A_1 : vector<16xi32>
        %bitcast_convert_type3A_597 = tpu.bitcast %and3A_596 : vector<16xi32> -> vector<16xf32>
        %add3A_598 = arith.addf %add3A_585, %bitcast_convert_type3A_597 : vector<16xf32>
        %get3A_599 = arith.constant 33 : i32
        %get3A_600 = arith.index_cast %get3A_599 : i32 to index
        %get3A_601 = arith.index_cast %mul3A_136 : i32 to index
        %get3A_602 = tpu.vector_load %arg8[%get3A_600, %get3A_601] {strides = array<i32>} : memref<40x128xi32, #tpu.memory_space<vmem>>, vector<1x16xi32>,
        %get3A_603 = vector.shape_cast %get3A_602 : vector<1x16xi32> to vector<16xi32>
        %shift_left3A_604 = arith.constant 16 : i32
        %shift_left3A_605 = vector.broadcast %shift_left3A_604 : i32 to vector<16xi32>
        %shift_left3A_606 = arith.shli %get3A_603, %shift_left3A_605 : vector<16xi32>
        %bitcast_convert_type3A_607 = tpu.bitcast %shift_left3A_606 : vector<16xi32> -> vector<16xf32>
        %add3A_608 = arith.addf %add3A_595, %bitcast_convert_type3A_607 : vector<16xf32>
        %and3A_609 = arith.andi %get3A_603, %broadcast_in_dim3A_1 : vector<16xi32>
        %bitcast_convert_type3A_610 = tpu.bitcast %and3A_609 : vector<16xi32> -> vector<16xf32>
        %add3A_611 = arith.addf %add3A_598, %bitcast_convert_type3A_610 : vector<16xf32>
        %get3A_612 = arith.constant 34 : i32
        %get3A_613 = arith.index_cast %get3A_612 : i32 to index
        %get3A_614 = arith.index_cast %mul3A_136 : i32 to index
        %get3A_615 = tpu.vector_load %arg8[%get3A_613, %get3A_614] {strides = array<i32>} : memref<40x128xi32, #tpu.memory_space<vmem>>, vector<1x16xi32>,
        %get3A_616 = vector.shape_cast %get3A_615 : vector<1x16xi32> to vector<16xi32>
        %shift_left3A_617 = arith.constant 16 : i32
        %shift_left3A_618 = vector.broadcast %shift_left3A_617 : i32 to vector<16xi32>
        %shift_left3A_619 = arith.shli %get3A_616, %shift_left3A_618 : vector<16xi32>
        %bitcast_convert_type3A_620 = tpu.bitcast %shift_left3A_619 : vector<16xi32> -> vector<16xf32>
        %add3A_621 = arith.addf %add3A_608, %bitcast_convert_type3A_620 : vector<16xf32>
        %and3A_622 = arith.andi %get3A_616, %broadcast_in_dim3A_1 : vector<16xi32>
        %bitcast_convert_type3A_623 = tpu.bitcast %and3A_622 : vector<16xi32> -> vector<16xf32>
        %add3A_624 = arith.addf %add3A_611, %bitcast_convert_type3A_623 : vector<16xf32>
        %get3A_625 = arith.constant 35 : i32
        %get3A_626 = arith.index_cast %get3A_625 : i32 to index
        %get3A_627 = arith.index_cast %mul3A_136 : i32 to index
        %get3A_628 = tpu.vector_load %arg8[%get3A_626, %get3A_627] {strides = array<i32>} : memref<40x128xi32, #tpu.memory_space<vmem>>, vector<1x16xi32>,
        %get3A_629 = vector.shape_cast %get3A_628 : vector<1x16xi32> to vector<16xi32>
        %shift_left3A_630 = arith.constant 16 : i32
        %shift_left3A_631 = vector.broadcast %shift_left3A_630 : i32 to vector<16xi32>
        %shift_left3A_632 = arith.shli %get3A_629, %shift_left3A_631 : vector<16xi32>
        %bitcast_convert_type3A_633 = tpu.bitcast %shift_left3A_632 : vector<16xi32> -> vector<16xf32>
        %add3A_634 = arith.addf %add3A_621, %bitcast_convert_type3A_633 : vector<16xf32>
        %and3A_635 = arith.andi %get3A_629, %broadcast_in_dim3A_1 : vector<16xi32>
        %bitcast_convert_type3A_636 = tpu.bitcast %and3A_635 : vector<16xi32> -> vector<16xf32>
        %add3A_637 = arith.addf %add3A_624, %bitcast_convert_type3A_636 : vector<16xf32>
        %get3A_638 = arith.constant 36 : i32
        %get3A_639 = arith.index_cast %get3A_638 : i32 to index
        %get3A_640 = arith.index_cast %mul3A_136 : i32 to index
        %get3A_641 = tpu.vector_load %arg8[%get3A_639, %get3A_640] {strides = array<i32>} : memref<40x128xi32, #tpu.memory_space<vmem>>, vector<1x16xi32>,
        %get3A_642 = vector.shape_cast %get3A_641 : vector<1x16xi32> to vector<16xi32>
        %shift_left3A_643 = arith.constant 16 : i32
        %shift_left3A_644 = vector.broadcast %shift_left3A_643 : i32 to vector<16xi32>
        %shift_left3A_645 = arith.shli %get3A_642, %shift_left3A_644 : vector<16xi32>
        %bitcast_convert_type3A_646 = tpu.bitcast %shift_left3A_645 : vector<16xi32> -> vector<16xf32>
        %add3A_647 = arith.addf %add3A_634, %bitcast_convert_type3A_646 : vector<16xf32>
        %and3A_648 = arith.andi %get3A_642, %broadcast_in_dim3A_1 : vector<16xi32>
        %bitcast_convert_type3A_649 = tpu.bitcast %and3A_648 : vector<16xi32> -> vector<16xf32>
        %add3A_650 = arith.addf %add3A_637, %bitcast_convert_type3A_649 : vector<16xf32>
        %get3A_651 = arith.constant 37 : i32
        %get3A_652 = arith.index_cast %get3A_651 : i32 to index
        %get3A_653 = arith.index_cast %mul3A_136 : i32 to index
        %get3A_654 = tpu.vector_load %arg8[%get3A_652, %get3A_653] {strides = array<i32>} : memref<40x128xi32, #tpu.memory_space<vmem>>, vector<1x16xi32>,
        %get3A_655 = vector.shape_cast %get3A_654 : vector<1x16xi32> to vector<16xi32>
        %shift_left3A_656 = arith.constant 16 : i32
        %shift_left3A_657 = vector.broadcast %shift_left3A_656 : i32 to vector<16xi32>
        %shift_left3A_658 = arith.shli %get3A_655, %shift_left3A_657 : vector<16xi32>
        %bitcast_convert_type3A_659 = tpu.bitcast %shift_left3A_658 : vector<16xi32> -> vector<16xf32>
        %add3A_660 = arith.addf %add3A_647, %bitcast_convert_type3A_659 : vector<16xf32>
        %and3A_661 = arith.andi %get3A_655, %broadcast_in_dim3A_1 : vector<16xi32>
        %bitcast_convert_type3A_662 = tpu.bitcast %and3A_661 : vector<16xi32> -> vector<16xf32>
        %add3A_663 = arith.addf %add3A_650, %bitcast_convert_type3A_662 : vector<16xf32>
        %get3A_664 = arith.constant 38 : i32
        %get3A_665 = arith.index_cast %get3A_664 : i32 to index
        %get3A_666 = arith.index_cast %mul3A_136 : i32 to index
        %get3A_667 = tpu.vector_load %arg8[%get3A_665, %get3A_666] {strides = array<i32>} : memref<40x128xi32, #tpu.memory_space<vmem>>, vector<1x16xi32>,
        %get3A_668 = vector.shape_cast %get3A_667 : vector<1x16xi32> to vector<16xi32>
        %shift_left3A_669 = arith.constant 16 : i32
        %shift_left3A_670 = vector.broadcast %shift_left3A_669 : i32 to vector<16xi32>
        %shift_left3A_671 = arith.shli %get3A_668, %shift_left3A_670 : vector<16xi32>
        %bitcast_convert_type3A_672 = tpu.bitcast %shift_left3A_671 : vector<16xi32> -> vector<16xf32>
        %add3A_673 = arith.addf %add3A_660, %bitcast_convert_type3A_672 : vector<16xf32>
        %and3A_674 = arith.andi %get3A_668, %broadcast_in_dim3A_1 : vector<16xi32>
        %bitcast_convert_type3A_675 = tpu.bitcast %and3A_674 : vector<16xi32> -> vector<16xf32>
        %add3A_676 = arith.addf %add3A_663, %bitcast_convert_type3A_675 : vector<16xf32>
        %get3A_677 = arith.constant 39 : i32
        %get3A_678 = arith.index_cast %get3A_677 : i32 to index
        %get3A_679 = arith.index_cast %mul3A_136 : i32 to index
        %get3A_680 = tpu.vector_load %arg8[%get3A_678, %get3A_679] {strides = array<i32>} : memref<40x128xi32, #tpu.memory_space<vmem>>, vector<1x16xi32>,
        %get3A_681 = vector.shape_cast %get3A_680 : vector<1x16xi32> to vector<16xi32>
        %shift_left3A_682 = arith.constant 16 : i32
        %shift_left3A_683 = vector.broadcast %shift_left3A_682 : i32 to vector<16xi32>
        %shift_left3A_684 = arith.shli %get3A_681, %shift_left3A_683 : vector<16xi32>
        %bitcast_convert_type3A_685 = tpu.bitcast %shift_left3A_684 : vector<16xi32> -> vector<16xf32>
        %add3A_686 = arith.addf %add3A_673, %bitcast_convert_type3A_685 : vector<16xf32>
        %and3A_687 = arith.andi %get3A_681, %broadcast_in_dim3A_1 : vector<16xi32>
        %bitcast_convert_type3A_688 = tpu.bitcast %and3A_687 : vector<16xi32> -> vector<16xf32>
        %add3A_689 = arith.addf %add3A_676, %bitcast_convert_type3A_688 : vector<16xf32>
        %mul3A_690 = arith.constant 4 : i32
        %mul3A_691 = arith.muli %add3A_114, %mul3A_690 : i32
        %add3A_692 = arith.constant 3 : i32
        %add3A_693 = arith.addi %mul3A_691, %add3A_692 : i32
        %swap3A_694 = arith.index_cast %add3A_693 : i32 to index
        %swap3A_695 = arith.index_cast %mul3A_136 : i32 to index
        %swap3A_696 = tpu.vector_load %arg9[%swap3A_694, %swap3A_695] {strides = array<i32>} : memref<128x256xf32, #tpu.memory_space<vmem>>, vector<1x16xf32>,
        %swap3A_697 = vector.shape_cast %swap3A_696 : vector<1x16xf32> to vector<16xf32>
        %swap3A_698 = vector.shape_cast %add3A_686 : vector<16xf32> to vector<1x16xf32>
        tpu.vector_store %arg9[%swap3A_694, %swap3A_695], %swap3A_698 {strides = array<i32>} : memref<128x256xf32, #tpu.memory_space<vmem>>, vector<1x16xf32>,
        %swap3A_699 = arith.index_cast %add3A_693 : i32 to index
        %swap3A_700 = arith.index_cast %add3A_140 : i32 to index
        %swap3A_701 = tpu.vector_load %arg9[%swap3A_699, %swap3A_700] {strides = array<i32>} : memref<128x256xf32, #tpu.memory_space<vmem>>, vector<1x16xf32>,
        %swap3A_702 = vector.shape_cast %swap3A_701 : vector<1x16xf32> to vector<16xf32>
        %swap3A_703 = vector.shape_cast %add3A_689 : vector<16xf32> to vector<1x16xf32>
        tpu.vector_store %arg9[%swap3A_699, %swap3A_700], %swap3A_703 {strides = array<i32>} : memref<128x256xf32, #tpu.memory_space<vmem>>, vector<1x16xf32>,
      }
      %scan3A_126 = arith.constant 8 : i32
      %add3A_127 = arith.constant 2 : i32
      %add3A_128 = arith.addi %add3A_114, %add3A_127 : i32
      %lt3A_129 = arith.constant 32 : i32
      %lt3A_130 = arith.cmpi slt, %add3A_128, %lt3A_129 : i32
      %convert_element_type3A_131 = arith.extui %lt3A_130 : i1 to i32
      %cond3A_132 = arith.constant 0 : i32
      %cond3A_133 = arith.cmpi ne, %convert_element_type3A_131, %cond3A_132 : i32
      scf.if %cond3A_133 {
        %add3A_134 = arith.constant 2 : i32
        %add3A_135 = arith.addi %add3A_114, %add3A_134 : i32
        %dma_start3A_136 = arith.constant 0 : i32
        %dma_start3A_137 = tpu.memref_slice %arg6[%add3A_135, %dma_start3A_136] : memref<32x40xi32, #tpu.memory_space<vmem>> -> memref<1x40xi32, #tpu.memory_space<vmem>>
        %dma_start3A_138 = tpu.memref_squeeze %dma_start3A_137 : memref<1x40xi32, #tpu.memory_space<vmem>> -> memref<40xi32, #tpu.memory_space<vmem>>
        %dma_start3A_139 = arith.constant 0 : i32
        %dma_start3A_140 = arith.constant 0 : i32
        %dma_start3A_141 = tpu.memref_slice %arg10[%dma_start3A_139, %dma_start3A_140] : memref<10000x128xi32, #tpu.memory_space<vmem_shared>> -> memref<10000x128xi32, #tpu.memory_space<vmem_shared>>
        tpu.enqueue_indirect_dma source(%dma_start3A_141 : memref<10000x128xi32, #tpu.memory_space<vmem_shared>>) target(%arg8 : memref<40x128xi32, #tpu.memory_space<vmem>>) offsets(%dma_start3A_138 : memref<40xi32, #tpu.memory_space<vmem>>) semaphore(%arg12 : memref<!tpu.dma_semaphore, #tpu.memory_space<semaphore_mem>>)
      } else {
      }
    }
    %scan3A_43 = arith.constant 16 : i32
    %barrier3A_44 = arith.constant 0 : index
    tpu.barrier barrier_id(%barrier3A_44)
    %mul3A_45 = arith.constant 560 : i32
    %mul3A_46 = arith.muli %arg1, %mul3A_45 : i32
    %add3A_47 = arith.constant 10000 : i32
    %add3A_48 = arith.addi %add3A_47, %mul3A_46 : i32
    %mul3A_49 = arith.constant 560 : i32
    %mul3A_50 = arith.muli %arg1, %mul3A_49 : i32
    %add3A_51 = arith.constant 0 : i32
    %add3A_52 = arith.addi %add3A_48, %add3A_51 : i32
    %dma_start3A_53 = arith.constant 0 : i32
    %dma_start3A_54 = tpu.memref_slice %arg4[%add3A_52, %dma_start3A_53] : memref<19000x128xi32, #tpu.memory_space<hbm>> -> memref<40x128xi32, #tpu.memory_space<hbm>>
    %dma_start3A_55 = arith.constant 0 : i32
    %dma_start3A_56 = tpu.memref_slice %arg4[%add3A_52, %dma_start3A_55] : memref<19000x128xi32, #tpu.memory_space<hbm>> -> memref<40x128xi32, #tpu.memory_space<hbm>>
    tpu.enqueue_dma source(%dma_start3A_56 : memref<40x128xi32, #tpu.memory_space<hbm>>) target(%arg7 : memref<40x128xi32, #tpu.memory_space<vmem>>) target_semaphore(%arg11 : memref<!tpu.dma_semaphore, #tpu.memory_space<semaphore_mem>>)
    %scan3A_57 = arith.constant 0 : i32
    %scan3A_58 = arith.constant 0 : i32
    %scan3A_59 = arith.constant 7 : i32
    %scan3A_60 = arith.addi %scan3A_58, %scan3A_59 : i32
    %scan3A_61 = arith.constant 1 : i32
    scf.for %scan3A_91 = %scan3A_58 to %scan3A_60 step %scan3A_61  : i32 {
      %mul3A_92 = arith.constant 2 : i32
      %mul3A_93 = arith.muli %mul3A_92, %scan3A_91 : i32
      %add3A_94 = arith.constant 1 : i32
      %add3A_95 = arith.addi %mul3A_93, %add3A_94 : i32
      %lt3A = arith.constant 14 : i32
      %lt3A_96 = arith.cmpi slt, %add3A_95, %lt3A : i32
      %convert_element_type3A_97 = arith.extui %lt3A_96 : i1 to i32
      %cond3A_98 = arith.constant 0 : i32
      %cond3A_99 = arith.cmpi ne, %convert_element_type3A_97, %cond3A_98 : i32
      scf.if %cond3A_99 {
        %add3A_123 = arith.constant 1 : i32
        %add3A_124 = arith.addi %mul3A_93, %add3A_123 : i32
        %mul3A_125 = arith.constant 40 : i32
        %mul3A_126 = arith.muli %add3A_124, %mul3A_125 : i32
        %add3A_127 = arith.addi %add3A_48, %mul3A_126 : i32
        %dma_start3A_128 = arith.constant 0 : i32
        %dma_start3A_129 = tpu.memref_slice %arg4[%add3A_127, %dma_start3A_128] : memref<19000x128xi32, #tpu.memory_space<hbm>> -> memref<40x128xi32, #tpu.memory_space<hbm>>
        %dma_start3A_130 = arith.constant 0 : i32
        %dma_start3A_131 = tpu.memref_slice %arg4[%add3A_127, %dma_start3A_130] : memref<19000x128xi32, #tpu.memory_space<hbm>> -> memref<40x128xi32, #tpu.memory_space<hbm>>
        tpu.enqueue_dma source(%dma_start3A_131 : memref<40x128xi32, #tpu.memory_space<hbm>>) target(%arg8 : memref<40x128xi32, #tpu.memory_space<vmem>>) target_semaphore(%arg12 : memref<!tpu.dma_semaphore, #tpu.memory_space<semaphore_mem>>)
      } else {
      }
      %mul3A_100 = arith.constant 40 : i32
      %mul3A_101 = arith.muli %mul3A_93, %mul3A_100 : i32
      %add3A_102 = arith.addi %add3A_48, %mul3A_101 : i32
      %dma_wait3A = arith.constant 0 : i32
      %dma_wait3A_103 = tpu.memref_slice %arg4[%add3A_102, %dma_wait3A] : memref<19000x128xi32, #tpu.memory_space<hbm>> -> memref<40x128xi32, #tpu.memory_space<hbm>>
      %dma_wait3A_104 = arith.constant 0 : i32
      %dma_wait3A_105 = tpu.memref_slice %arg4[%add3A_102, %dma_wait3A_104] : memref<19000x128xi32, #tpu.memory_space<hbm>> -> memref<40x128xi32, #tpu.memory_space<hbm>>
      tpu.wait_dma2 semaphore(%arg11 : memref<!tpu.dma_semaphore, #tpu.memory_space<semaphore_mem>>) src(%dma_wait3A_105 : memref<40x128xi32, #tpu.memory_space<hbm>>) dst(%arg7 : memref<40x128xi32, #tpu.memory_space<vmem>>)
      %mul3A_106 = arith.constant 40 : i32
      %mul3A_107 = arith.muli %mul3A_93, %mul3A_106 : i32
      %add3A_108 = arith.addi %mul3A_50, %mul3A_107 : i32
      "tpu.region"() ({
        %run_scoped3A = tpu.sem_alloc : memref<!tpu.dma_semaphore, #tpu.memory_space<semaphore_mem>>
        %dma_start3A_123 = arith.constant 0 : i32
        %dma_start3A_124 = tpu.memref_slice %arg10[%add3A_108, %dma_start3A_123] : memref<10000x128xi32, #tpu.memory_space<vmem_shared>> -> memref<40x128xi32, #tpu.memory_space<vmem_shared>>
        %dma_start3A_125 = arith.constant 0 : i32
        %dma_start3A_126 = tpu.memref_slice %arg10[%add3A_108, %dma_start3A_125] : memref<10000x128xi32, #tpu.memory_space<vmem_shared>> -> memref<40x128xi32, #tpu.memory_space<vmem_shared>>
        tpu.enqueue_dma source(%arg7 : memref<40x128xi32, #tpu.memory_space<vmem>>) target(%dma_start3A_126 : memref<40x128xi32, #tpu.memory_space<vmem_shared>>) target_semaphore(%run_scoped3A : memref<!tpu.dma_semaphore, #tpu.memory_space<semaphore_mem>>)
        %dma_wait3A_127 = arith.constant 0 : i32
        %dma_wait3A_128 = tpu.memref_slice %arg10[%add3A_108, %dma_wait3A_127] : memref<10000x128xi32, #tpu.memory_space<vmem_shared>> -> memref<40x128xi32, #tpu.memory_space<vmem_shared>>
        %dma_wait3A_129 = arith.constant 0 : i32
        %dma_wait3A_130 = tpu.memref_slice %arg10[%add3A_108, %dma_wait3A_129] : memref<10000x128xi32, #tpu.memory_space<vmem_shared>> -> memref<40x128xi32, #tpu.memory_space<vmem_shared>>
        tpu.wait_dma2 semaphore(%run_scoped3A : memref<!tpu.dma_semaphore, #tpu.memory_space<semaphore_mem>>) src(%arg7 : memref<40x128xi32, #tpu.memory_space<vmem>>) dst(%dma_wait3A_130 : memref<40x128xi32, #tpu.memory_space<vmem_shared>>)
        tpu.yield
      }) : () -> ()
      %add3A_109 = arith.constant 2 : i32
      %add3A_110 = arith.addi %mul3A_93, %add3A_109 : i32
      %lt3A_111 = arith.constant 14 : i32
      %lt3A_112 = arith.cmpi slt, %add3A_110, %lt3A_111 : i32
      %convert_element_type3A_113 = arith.extui %lt3A_112 : i1 to i32
      %cond3A_114 = arith.constant 0 : i32
      %cond3A_115 = arith.cmpi ne, %convert_element_type3A_113, %cond3A_114 : i32
      scf.if %cond3A_115 {
        %add3A_123 = arith.constant 2 : i32
        %add3A_124 = arith.addi %mul3A_93, %add3A_123 : i32
        %mul3A_125 = arith.constant 40 : i32
        %mul3A_126 = arith.muli %add3A_124, %mul3A_125 : i32
        %add3A_127 = arith.addi %add3A_48, %mul3A_126 : i32
        %dma_start3A_128 = arith.constant 0 : i32
        %dma_start3A_129 = tpu.memref_slice %arg4[%add3A_127, %dma_start3A_128] : memref<19000x128xi32, #tpu.memory_space<hbm>> -> memref<40x128xi32, #tpu.memory_space<hbm>>
        %dma_start3A_130 = arith.constant 0 : i32
        %dma_start3A_131 = tpu.memref_slice %arg4[%add3A_127, %dma_start3A_130] : memref<19000x128xi32, #tpu.memory_space<hbm>> -> memref<40x128xi32, #tpu.memory_space<hbm>>
        tpu.enqueue_dma source(%dma_start3A_131 : memref<40x128xi32, #tpu.memory_space<hbm>>) target(%arg7 : memref<40x128xi32, #tpu.memory_space<vmem>>) target_semaphore(%arg11 : memref<!tpu.dma_semaphore, #tpu.memory_space<semaphore_mem>>)
      } else {
      }
      %add3A_116 = arith.constant 1 : i32
      %add3A_117 = arith.addi %mul3A_93, %add3A_116 : i32
      %lt3A_118 = arith.constant 14 : i32
      %lt3A_119 = arith.cmpi slt, %add3A_117, %lt3A_118 : i32
      %convert_element_type3A_120 = arith.extui %lt3A_119 : i1 to i32
      %cond3A_121 = arith.constant 0 : i32
      %cond3A_122 = arith.cmpi ne, %convert_element_type3A_120, %cond3A_121 : i32
      scf.if %cond3A_122 {
        %add3A_123 = arith.constant 1 : i32
        %add3A_124 = arith.addi %mul3A_93, %add3A_123 : i32
        %mul3A_125 = arith.constant 40 : i32
        %mul3A_126 = arith.muli %add3A_124, %mul3A_125 : i32
        %add3A_127 = arith.addi %add3A_48, %mul3A_126 : i32
        %dma_wait3A_128 = arith.constant 0 : i32
        %dma_wait3A_129 = tpu.memref_slice %arg4[%add3A_127, %dma_wait3A_128] : memref<19000x128xi32, #tpu.memory_space<hbm>> -> memref<40x128xi32, #tpu.memory_space<hbm>>
        %dma_wait3A_130 = arith.constant 0 : i32
        %dma_wait3A_131 = tpu.memref_slice %arg4[%add3A_127, %dma_wait3A_130] : memref<19000x128xi32, #tpu.memory_space<hbm>> -> memref<40x128xi32, #tpu.memory_space<hbm>>
        tpu.wait_dma2 semaphore(%arg12 : memref<!tpu.dma_semaphore, #tpu.memory_space<semaphore_mem>>) src(%dma_wait3A_131 : memref<40x128xi32, #tpu.memory_space<hbm>>) dst(%arg8 : memref<40x128xi32, #tpu.memory_space<vmem>>)
        %add3A_132 = arith.constant 1 : i32
        %add3A_133 = arith.addi %mul3A_93, %add3A_132 : i32
        %mul3A_134 = arith.constant 40 : i32
        %mul3A_135 = arith.muli %add3A_133, %mul3A_134 : i32
        %add3A_136 = arith.addi %mul3A_50, %mul3A_135 : i32
        "tpu.region"() ({
          %run_scoped3A = tpu.sem_alloc : memref<!tpu.dma_semaphore, #tpu.memory_space<semaphore_mem>>
          %dma_start3A_137 = arith.constant 0 : i32
          %dma_start3A_138 = tpu.memref_slice %arg10[%add3A_136, %dma_start3A_137] : memref<10000x128xi32, #tpu.memory_space<vmem_shared>> -> memref<40x128xi32, #tpu.memory_space<vmem_shared>>
          %dma_start3A_139 = arith.constant 0 : i32
          %dma_start3A_140 = tpu.memref_slice %arg10[%add3A_136, %dma_start3A_139] : memref<10000x128xi32, #tpu.memory_space<vmem_shared>> -> memref<40x128xi32, #tpu.memory_space<vmem_shared>>
          tpu.enqueue_dma source(%arg8 : memref<40x128xi32, #tpu.memory_space<vmem>>) target(%dma_start3A_140 : memref<40x128xi32, #tpu.memory_space<vmem_shared>>) target_semaphore(%run_scoped3A : memref<!tpu.dma_semaphore, #tpu.memory_space<semaphore_mem>>)
          %dma_wait3A_141 = arith.constant 0 : i32
          %dma_wait3A_142 = tpu.memref_slice %arg10[%add3A_136, %dma_wait3A_141] : memref<10000x128xi32, #tpu.memory_space<vmem_shared>> -> memref<40x128xi32, #tpu.memory_space<vmem_shared>>
          %dma_wait3A_143 = arith.constant 0 : i32
          %dma_wait3A_144 = tpu.memref_slice %arg10[%add3A_136, %dma_wait3A_143] : memref<10000x128xi32, #tpu.memory_space<vmem_shared>> -> memref<40x128xi32, #tpu.memory_space<vmem_shared>>
          tpu.wait_dma2 semaphore(%run_scoped3A : memref<!tpu.dma_semaphore, #tpu.memory_space<semaphore_mem>>) src(%arg8 : memref<40x128xi32, #tpu.memory_space<vmem>>) dst(%dma_wait3A_144 : memref<40x128xi32, #tpu.memory_space<vmem_shared>>)
          tpu.yield
        }) : () -> ()
      } else {
      }
    }
    %scan3A_62 = arith.constant 7 : i32
    %eq3A_63 = arith.constant 15 : i32
    %eq3A_64 = arith.cmpi eq, %arg1, %eq3A_63 : i32
    %convert_element_type3A_65 = arith.extui %eq3A_64 : i1 to i32
    %cond3A_66 = arith.constant 0 : i32
    %cond3A_67 = arith.cmpi ne, %convert_element_type3A_65, %cond3A_66 : i32
    scf.if %cond3A_67 {
      "tpu.region"() ({
        %run_scoped3A = tpu.sem_alloc : memref<!tpu.dma_semaphore, #tpu.memory_space<semaphore_mem>>
        %dma_start3A_91 = arith.constant 18960 : i32
        %dma_start3A_92 = arith.constant 0 : i32
        %dma_start3A_93 = tpu.memref_slice %arg4[%dma_start3A_91, %dma_start3A_92] : memref<19000x128xi32, #tpu.memory_space<hbm>> -> memref<40x128xi32, #tpu.memory_space<hbm>>
        %dma_start3A_94 = arith.constant 18960 : i32
        %dma_start3A_95 = arith.constant 0 : i32
        %dma_start3A_96 = tpu.memref_slice %arg4[%dma_start3A_94, %dma_start3A_95] : memref<19000x128xi32, #tpu.memory_space<hbm>> -> memref<40x128xi32, #tpu.memory_space<hbm>>
        tpu.enqueue_dma source(%dma_start3A_96 : memref<40x128xi32, #tpu.memory_space<hbm>>) target(%arg7 : memref<40x128xi32, #tpu.memory_space<vmem>>) target_semaphore(%run_scoped3A : memref<!tpu.dma_semaphore, #tpu.memory_space<semaphore_mem>>)
        %dma_wait3A = arith.constant 18960 : i32
        %dma_wait3A_97 = arith.constant 0 : i32
        %dma_wait3A_98 = tpu.memref_slice %arg4[%dma_wait3A, %dma_wait3A_97] : memref<19000x128xi32, #tpu.memory_space<hbm>> -> memref<40x128xi32, #tpu.memory_space<hbm>>
        %dma_wait3A_99 = arith.constant 18960 : i32
        %dma_wait3A_100 = arith.constant 0 : i32
        %dma_wait3A_101 = tpu.memref_slice %arg4[%dma_wait3A_99, %dma_wait3A_100] : memref<19000x128xi32, #tpu.memory_space<hbm>> -> memref<40x128xi32, #tpu.memory_space<hbm>>
        tpu.wait_dma2 semaphore(%run_scoped3A : memref<!tpu.dma_semaphore, #tpu.memory_space<semaphore_mem>>) src(%dma_wait3A_101 : memref<40x128xi32, #tpu.memory_space<hbm>>) dst(%arg7 : memref<40x128xi32, #tpu.memory_space<vmem>>)
        tpu.yield
      }) : () -> ()
      "tpu.region"() ({
        %run_scoped3A = tpu.sem_alloc : memref<!tpu.dma_semaphore, #tpu.memory_space<semaphore_mem>>
        %dma_start3A_91 = arith.constant 8960 : i32
        %dma_start3A_92 = arith.constant 0 : i32
        %dma_start3A_93 = tpu.memref_slice %arg10[%dma_start3A_91, %dma_start3A_92] : memref<10000x128xi32, #tpu.memory_space<vmem_shared>> -> memref<40x128xi32, #tpu.memory_space<vmem_shared>>
        %dma_start3A_94 = arith.constant 8960 : i32
        %dma_start3A_95 = arith.constant 0 : i32
        %dma_start3A_96 = tpu.memref_slice %arg10[%dma_start3A_94, %dma_start3A_95] : memref<10000x128xi32, #tpu.memory_space<vmem_shared>> -> memref<40x128xi32, #tpu.memory_space<vmem_shared>>
        tpu.enqueue_dma source(%arg7 : memref<40x128xi32, #tpu.memory_space<vmem>>) target(%dma_start3A_96 : memref<40x128xi32, #tpu.memory_space<vmem_shared>>) target_semaphore(%run_scoped3A : memref<!tpu.dma_semaphore, #tpu.memory_space<semaphore_mem>>)
        %dma_wait3A = arith.constant 8960 : i32
        %dma_wait3A_97 = arith.constant 0 : i32
        %dma_wait3A_98 = tpu.memref_slice %arg10[%dma_wait3A, %dma_wait3A_97] : memref<10000x128xi32, #tpu.memory_space<vmem_shared>> -> memref<40x128xi32, #tpu.memory_space<vmem_shared>>
        %dma_wait3A_99 = arith.constant 8960 : i32
        %dma_wait3A_100 = arith.constant 0 : i32
        %dma_wait3A_101 = tpu.memref_slice %arg10[%dma_wait3A_99, %dma_wait3A_100] : memref<10000x128xi32, #tpu.memory_space<vmem_shared>> -> memref<40x128xi32, #tpu.memory_space<vmem_shared>>
        tpu.wait_dma2 semaphore(%run_scoped3A : memref<!tpu.dma_semaphore, #tpu.memory_space<semaphore_mem>>) src(%arg7 : memref<40x128xi32, #tpu.memory_space<vmem>>) dst(%dma_wait3A_101 : memref<40x128xi32, #tpu.memory_space<vmem_shared>>)
        tpu.yield
      }) : () -> ()
    } else {
    }
    "tpu.region"() ({
      %run_scoped3A = tpu.sem_alloc : memref<!tpu.dma_semaphore, #tpu.memory_space<semaphore_mem>>
      %dma_start3A_91 = arith.constant 0 : i32
      %dma_start3A_92 = arith.constant 0 : i32
      %dma_start3A_93 = tpu.memref_slice %arg3[%add3A, %dma_start3A_91, %dma_start3A_92] : memref<32x32x40xi32, #tpu.memory_space<hbm>> -> memref<1x32x40xi32, #tpu.memory_space<hbm>>
      %dma_start3A_94 = tpu.memref_squeeze %dma_start3A_93 : memref<1x32x40xi32, #tpu.memory_space<hbm>> -> memref<32x40xi32, #tpu.memory_space<hbm>>
      %dma_start3A_95 = arith.constant 0 : i32
      %dma_start3A_96 = arith.constant 0 : i32
      %dma_start3A_97 = tpu.memref_slice %arg3[%add3A, %dma_start3A_95, %dma_start3A_96] : memref<32x32x40xi32, #tpu.memory_space<hbm>> -> memref<1x32x40xi32, #tpu.memory_space<hbm>>
      %dma_start3A_98 = tpu.memref_squeeze %dma_start3A_97 : memref<1x32x40xi32, #tpu.memory_space<hbm>> -> memref<32x40xi32, #tpu.memory_space<hbm>>
      tpu.enqueue_dma source(%dma_start3A_98 : memref<32x40xi32, #tpu.memory_space<hbm>>) target(%arg6 : memref<32x40xi32, #tpu.memory_space<vmem>>) target_semaphore(%run_scoped3A : memref<!tpu.dma_semaphore, #tpu.memory_space<semaphore_mem>>)
      %dma_wait3A = arith.constant 0 : i32
      %dma_wait3A_99 = arith.constant 0 : i32
      %dma_wait3A_100 = tpu.memref_slice %arg3[%add3A, %dma_wait3A, %dma_wait3A_99] : memref<32x32x40xi32, #tpu.memory_space<hbm>> -> memref<1x32x40xi32, #tpu.memory_space<hbm>>
      %dma_wait3A_101 = tpu.memref_squeeze %dma_wait3A_100 : memref<1x32x40xi32, #tpu.memory_space<hbm>> -> memref<32x40xi32, #tpu.memory_space<hbm>>
      %dma_wait3A_102 = arith.constant 0 : i32
      %dma_wait3A_103 = arith.constant 0 : i32
      %dma_wait3A_104 = tpu.memref_slice %arg3[%add3A, %dma_wait3A_102, %dma_wait3A_103] : memref<32x32x40xi32, #tpu.memory_space<hbm>> -> memref<1x32x40xi32, #tpu.memory_space<hbm>>
      %dma_wait3A_105 = tpu.memref_squeeze %dma_wait3A_104 : memref<1x32x40xi32, #tpu.memory_space<hbm>> -> memref<32x40xi32, #tpu.memory_space<hbm>>
      tpu.wait_dma2 semaphore(%run_scoped3A : memref<!tpu.dma_semaphore, #tpu.memory_space<semaphore_mem>>) src(%dma_wait3A_105 : memref<32x40xi32, #tpu.memory_space<hbm>>) dst(%arg6 : memref<32x40xi32, #tpu.memory_space<vmem>>)
      tpu.yield
    }) : () -> ()
    %barrier3A_68 = arith.constant 0 : index
    tpu.barrier barrier_id(%barrier3A_68)
    %dma_start3A_69 = arith.constant 0 : i32
    %dma_start3A_70 = arith.constant 0 : i32
    %dma_start3A_71 = tpu.memref_slice %arg6[%dma_start3A_69, %dma_start3A_70] : memref<32x40xi32, #tpu.memory_space<vmem>> -> memref<1x40xi32, #tpu.memory_space<vmem>>
    %dma_start3A_72 = tpu.memref_squeeze %dma_start3A_71 : memref<1x40xi32, #tpu.memory_space<vmem>> -> memref<40xi32, #tpu.memory_space<vmem>>
    %dma_start3A_73 = arith.constant 0 : i32
    %dma_start3A_74 = arith.constant 0 : i32
    %dma_start3A_75 = tpu.memref_slice %arg10[%dma_start3A_73, %dma_start3A_74] : memref<10000x128xi32, #tpu.memory_space<vmem_shared>> -> memref<10000x128xi32, #tpu.memory_space<vmem_shared>>
    tpu.enqueue_indirect_dma source(%dma_start3A_75 : memref<10000x128xi32, #tpu.memory_space<vmem_shared>>) target(%arg7 : memref<40x128xi32, #tpu.memory_space<vmem>>) offsets(%dma_start3A_72 : memref<40xi32, #tpu.memory_space<vmem>>) semaphore(%arg11 : memref<!tpu.dma_semaphore, #tpu.memory_space<semaphore_mem>>)
    %dma_start3A_76 = arith.constant 1 : i32
    %dma_start3A_77 = arith.constant 0 : i32
    %dma_start3A_78 = tpu.memref_slice %arg6[%dma_start3A_76, %dma_start3A_77] : memref<32x40xi32, #tpu.memory_space<vmem>> -> memref<1x40xi32, #tpu.memory_space<vmem>>
    %dma_start3A_79 = tpu.memref_squeeze %dma_start3A_78 : memref<1x40xi32, #tpu.memory_space<vmem>> -> memref<40xi32, #tpu.memory_space<vmem>>
    %dma_start3A_80 = arith.constant 0 : i32
    %dma_start3A_81 = arith.constant 0 : i32
    %dma_start3A_82 = tpu.memref_slice %arg10[%dma_start3A_80, %dma_start3A_81] : memref<10000x128xi32, #tpu.memory_space<vmem_shared>> -> memref<10000x128xi32, #tpu.memory_space<vmem_shared>>
    tpu.enqueue_indirect_dma source(%dma_start3A_82 : memref<10000x128xi32, #tpu.memory_space<vmem_shared>>) target(%arg8 : memref<40x128xi32, #tpu.memory_space<vmem>>) offsets(%dma_start3A_79 : memref<40xi32, #tpu.memory_space<vmem>>) semaphore(%arg12 : memref<!tpu.dma_semaphore, #tpu.memory_space<semaphore_mem>>)
    %scan3A_83 = arith.constant 0 : i32
    %scan3A_84 = arith.constant 0 : i32
    %scan3A_85 = arith.constant 16 : i32
    %scan3A_86 = arith.addi %scan3A_84, %scan3A_85 : i32
    %scan3A_87 = arith.constant 1 : i32
    scf.for %scan3A_91 = %scan3A_84 to %scan3A_86 step %scan3A_87  : i32 {
      %mul3A_92 = arith.constant 2 : i32
      %mul3A_93 = arith.muli %scan3A_91, %mul3A_92 : i32
      %add3A_94 = arith.constant 0 : i32
      %add3A_95 = arith.addi %mul3A_93, %add3A_94 : i32
      %dma_wait3A = arith.constant 0 : i32
      %dma_wait3A_96 = tpu.memref_slice %arg6[%add3A_95, %dma_wait3A] : memref<32x40xi32, #tpu.memory_space<vmem>> -> memref<1x40xi32, #tpu.memory_space<vmem>>
      %dma_wait3A_97 = tpu.memref_squeeze %dma_wait3A_96 : memref<1x40xi32, #tpu.memory_space<vmem>> -> memref<40xi32, #tpu.memory_space<vmem>>
      %dma_wait3A_98 = arith.constant 0 : i32
      %dma_wait3A_99 = arith.constant 0 : i32
      %dma_wait3A_100 = tpu.memref_slice %arg10[%dma_wait3A_98, %dma_wait3A_99] : memref<10000x128xi32, #tpu.memory_space<vmem_shared>> -> memref<10000x128xi32, #tpu.memory_space<vmem_shared>>
      tpu.wait_indirect_dma semaphore(%arg11 : memref<!tpu.dma_semaphore, #tpu.memory_space<semaphore_mem>>) src(%dma_wait3A_100 : memref<10000x128xi32, #tpu.memory_space<vmem_shared>>) dst(%arg7 : memref<40x128xi32, #tpu.memory_space<vmem>>)
      %scan3A_101 = arith.constant 0 : i32
      %scan3A_102 = arith.constant 0 : i32
      %scan3A_103 = arith.constant 8 : i32
      %scan3A_104 = arith.addi %scan3A_102, %scan3A_103 : i32
      %scan3A_105 = arith.constant 1 : i32
      scf.for %scan3A_134 = %scan3A_102 to %scan3A_104 step %scan3A_105  : i32 {
        %mul3A_135 = arith.constant 16 : i32
        %mul3A_136 = arith.muli %scan3A_134, %mul3A_135 : i32
        %mul3A_137 = arith.constant 16 : i32
        %mul3A_138 = arith.muli %scan3A_134, %mul3A_137 : i32
        %add3A_139 = arith.constant 128 : i32
        %add3A_140 = arith.addi %add3A_139, %mul3A_138 : i32
        %get3A = arith.constant 0 : i32
        %get3A_141 = arith.index_cast %get3A : i32 to index
        %get3A_142 = arith.index_cast %mul3A_136 : i32 to index
        %get3A_143 = tpu.vector_load %arg7[%get3A_141, %get3A_142] {strides = array<i32>} : memref<40x128xi32, #tpu.memory_space<vmem>>, vector<1x16xi32>,
        %get3A_144 = vector.shape_cast %get3A_143 : vector<1x16xi32> to vector<16xi32>
        %shift_left3A = arith.constant 16 : i32
        %shift_left3A_145 = vector.broadcast %shift_left3A : i32 to vector<16xi32>
        %shift_left3A_146 = arith.shli %get3A_144, %shift_left3A_145 : vector<16xi32>
        %bitcast_convert_type3A = tpu.bitcast %shift_left3A_146 : vector<16xi32> -> vector<16xf32>
        %and3A = arith.andi %get3A_144, %broadcast_in_dim3A_1 : vector<16xi32>
        %bitcast_convert_type3A_147 = tpu.bitcast %and3A : vector<16xi32> -> vector<16xf32>
        %get3A_148 = arith.constant 1 : i32
        %get3A_149 = arith.index_cast %get3A_148 : i32 to index
        %get3A_150 = arith.index_cast %mul3A_136 : i32 to index
        %get3A_151 = tpu.vector_load %arg7[%get3A_149, %get3A_150] {strides = array<i32>} : memref<40x128xi32, #tpu.memory_space<vmem>>, vector<1x16xi32>,
        %get3A_152 = vector.shape_cast %get3A_151 : vector<1x16xi32> to vector<16xi32>
        %shift_left3A_153 = arith.constant 16 : i32
        %shift_left3A_154 = vector.broadcast %shift_left3A_153 : i32 to vector<16xi32>
        %shift_left3A_155 = arith.shli %get3A_152, %shift_left3A_154 : vector<16xi32>
        %bitcast_convert_type3A_156 = tpu.bitcast %shift_left3A_155 : vector<16xi32> -> vector<16xf32>
        %add3A_157 = arith.addf %bitcast_convert_type3A, %bitcast_convert_type3A_156 : vector<16xf32>
        %and3A_158 = arith.andi %get3A_152, %broadcast_in_dim3A_1 : vector<16xi32>
        %bitcast_convert_type3A_159 = tpu.bitcast %and3A_158 : vector<16xi32> -> vector<16xf32>
        %add3A_160 = arith.addf %bitcast_convert_type3A_147, %bitcast_convert_type3A_159 : vector<16xf32>
        %get3A_161 = arith.constant 2 : i32
        %get3A_162 = arith.index_cast %get3A_161 : i32 to index
        %get3A_163 = arith.index_cast %mul3A_136 : i32 to index
        %get3A_164 = tpu.vector_load %arg7[%get3A_162, %get3A_163] {strides = array<i32>} : memref<40x128xi32, #tpu.memory_space<vmem>>, vector<1x16xi32>,
        %get3A_165 = vector.shape_cast %get3A_164 : vector<1x16xi32> to vector<16xi32>
        %shift_left3A_166 = arith.constant 16 : i32
        %shift_left3A_167 = vector.broadcast %shift_left3A_166 : i32 to vector<16xi32>
        %shift_left3A_168 = arith.shli %get3A_165, %shift_left3A_167 : vector<16xi32>
        %bitcast_convert_type3A_169 = tpu.bitcast %shift_left3A_168 : vector<16xi32> -> vector<16xf32>
        %add3A_170 = arith.addf %add3A_157, %bitcast_convert_type3A_169 : vector<16xf32>
        %and3A_171 = arith.andi %get3A_165, %broadcast_in_dim3A_1 : vector<16xi32>
        %bitcast_convert_type3A_172 = tpu.bitcast %and3A_171 : vector<16xi32> -> vector<16xf32>
        %add3A_173 = arith.addf %add3A_160, %bitcast_convert_type3A_172 : vector<16xf32>
        %get3A_174 = arith.constant 3 : i32
        %get3A_175 = arith.index_cast %get3A_174 : i32 to index
        %get3A_176 = arith.index_cast %mul3A_136 : i32 to index
        %get3A_177 = tpu.vector_load %arg7[%get3A_175, %get3A_176] {strides = array<i32>} : memref<40x128xi32, #tpu.memory_space<vmem>>, vector<1x16xi32>,
        %get3A_178 = vector.shape_cast %get3A_177 : vector<1x16xi32> to vector<16xi32>
        %shift_left3A_179 = arith.constant 16 : i32
        %shift_left3A_180 = vector.broadcast %shift_left3A_179 : i32 to vector<16xi32>
        %shift_left3A_181 = arith.shli %get3A_178, %shift_left3A_180 : vector<16xi32>
        %bitcast_convert_type3A_182 = tpu.bitcast %shift_left3A_181 : vector<16xi32> -> vector<16xf32>
        %add3A_183 = arith.addf %add3A_170, %bitcast_convert_type3A_182 : vector<16xf32>
        %and3A_184 = arith.andi %get3A_178, %broadcast_in_dim3A_1 : vector<16xi32>
        %bitcast_convert_type3A_185 = tpu.bitcast %and3A_184 : vector<16xi32> -> vector<16xf32>
        %add3A_186 = arith.addf %add3A_173, %bitcast_convert_type3A_185 : vector<16xf32>
        %get3A_187 = arith.constant 4 : i32
        %get3A_188 = arith.index_cast %get3A_187 : i32 to index
        %get3A_189 = arith.index_cast %mul3A_136 : i32 to index
        %get3A_190 = tpu.vector_load %arg7[%get3A_188, %get3A_189] {strides = array<i32>} : memref<40x128xi32, #tpu.memory_space<vmem>>, vector<1x16xi32>,
        %get3A_191 = vector.shape_cast %get3A_190 : vector<1x16xi32> to vector<16xi32>
        %shift_left3A_192 = arith.constant 16 : i32
        %shift_left3A_193 = vector.broadcast %shift_left3A_192 : i32 to vector<16xi32>
        %shift_left3A_194 = arith.shli %get3A_191, %shift_left3A_193 : vector<16xi32>
        %bitcast_convert_type3A_195 = tpu.bitcast %shift_left3A_194 : vector<16xi32> -> vector<16xf32>
        %add3A_196 = arith.addf %add3A_183, %bitcast_convert_type3A_195 : vector<16xf32>
        %and3A_197 = arith.andi %get3A_191, %broadcast_in_dim3A_1 : vector<16xi32>
        %bitcast_convert_type3A_198 = tpu.bitcast %and3A_197 : vector<16xi32> -> vector<16xf32>
        %add3A_199 = arith.addf %add3A_186, %bitcast_convert_type3A_198 : vector<16xf32>
        %get3A_200 = arith.constant 5 : i32
        %get3A_201 = arith.index_cast %get3A_200 : i32 to index
        %get3A_202 = arith.index_cast %mul3A_136 : i32 to index
        %get3A_203 = tpu.vector_load %arg7[%get3A_201, %get3A_202] {strides = array<i32>} : memref<40x128xi32, #tpu.memory_space<vmem>>, vector<1x16xi32>,
        %get3A_204 = vector.shape_cast %get3A_203 : vector<1x16xi32> to vector<16xi32>
        %shift_left3A_205 = arith.constant 16 : i32
        %shift_left3A_206 = vector.broadcast %shift_left3A_205 : i32 to vector<16xi32>
        %shift_left3A_207 = arith.shli %get3A_204, %shift_left3A_206 : vector<16xi32>
        %bitcast_convert_type3A_208 = tpu.bitcast %shift_left3A_207 : vector<16xi32> -> vector<16xf32>
        %add3A_209 = arith.addf %add3A_196, %bitcast_convert_type3A_208 : vector<16xf32>
        %and3A_210 = arith.andi %get3A_204, %broadcast_in_dim3A_1 : vector<16xi32>
        %bitcast_convert_type3A_211 = tpu.bitcast %and3A_210 : vector<16xi32> -> vector<16xf32>
        %add3A_212 = arith.addf %add3A_199, %bitcast_convert_type3A_211 : vector<16xf32>
        %get3A_213 = arith.constant 6 : i32
        %get3A_214 = arith.index_cast %get3A_213 : i32 to index
        %get3A_215 = arith.index_cast %mul3A_136 : i32 to index
        %get3A_216 = tpu.vector_load %arg7[%get3A_214, %get3A_215] {strides = array<i32>} : memref<40x128xi32, #tpu.memory_space<vmem>>, vector<1x16xi32>,
        %get3A_217 = vector.shape_cast %get3A_216 : vector<1x16xi32> to vector<16xi32>
        %shift_left3A_218 = arith.constant 16 : i32
        %shift_left3A_219 = vector.broadcast %shift_left3A_218 : i32 to vector<16xi32>
        %shift_left3A_220 = arith.shli %get3A_217, %shift_left3A_219 : vector<16xi32>
        %bitcast_convert_type3A_221 = tpu.bitcast %shift_left3A_220 : vector<16xi32> -> vector<16xf32>
        %add3A_222 = arith.addf %add3A_209, %bitcast_convert_type3A_221 : vector<16xf32>
        %and3A_223 = arith.andi %get3A_217, %broadcast_in_dim3A_1 : vector<16xi32>
        %bitcast_convert_type3A_224 = tpu.bitcast %and3A_223 : vector<16xi32> -> vector<16xf32>
        %add3A_225 = arith.addf %add3A_212, %bitcast_convert_type3A_224 : vector<16xf32>
        %get3A_226 = arith.constant 7 : i32
        %get3A_227 = arith.index_cast %get3A_226 : i32 to index
        %get3A_228 = arith.index_cast %mul3A_136 : i32 to index
        %get3A_229 = tpu.vector_load %arg7[%get3A_227, %get3A_228] {strides = array<i32>} : memref<40x128xi32, #tpu.memory_space<vmem>>, vector<1x16xi32>,
        %get3A_230 = vector.shape_cast %get3A_229 : vector<1x16xi32> to vector<16xi32>
        %shift_left3A_231 = arith.constant 16 : i32
        %shift_left3A_232 = vector.broadcast %shift_left3A_231 : i32 to vector<16xi32>
        %shift_left3A_233 = arith.shli %get3A_230, %shift_left3A_232 : vector<16xi32>
        %bitcast_convert_type3A_234 = tpu.bitcast %shift_left3A_233 : vector<16xi32> -> vector<16xf32>
        %add3A_235 = arith.addf %add3A_222, %bitcast_convert_type3A_234 : vector<16xf32>
        %and3A_236 = arith.andi %get3A_230, %broadcast_in_dim3A_1 : vector<16xi32>
        %bitcast_convert_type3A_237 = tpu.bitcast %and3A_236 : vector<16xi32> -> vector<16xf32>
        %add3A_238 = arith.addf %add3A_225, %bitcast_convert_type3A_237 : vector<16xf32>
        %get3A_239 = arith.constant 8 : i32
        %get3A_240 = arith.index_cast %get3A_239 : i32 to index
        %get3A_241 = arith.index_cast %mul3A_136 : i32 to index
        %get3A_242 = tpu.vector_load %arg7[%get3A_240, %get3A_241] {strides = array<i32>} : memref<40x128xi32, #tpu.memory_space<vmem>>, vector<1x16xi32>,
        %get3A_243 = vector.shape_cast %get3A_242 : vector<1x16xi32> to vector<16xi32>
        %shift_left3A_244 = arith.constant 16 : i32
        %shift_left3A_245 = vector.broadcast %shift_left3A_244 : i32 to vector<16xi32>
        %shift_left3A_246 = arith.shli %get3A_243, %shift_left3A_245 : vector<16xi32>
        %bitcast_convert_type3A_247 = tpu.bitcast %shift_left3A_246 : vector<16xi32> -> vector<16xf32>
        %add3A_248 = arith.addf %add3A_235, %bitcast_convert_type3A_247 : vector<16xf32>
        %and3A_249 = arith.andi %get3A_243, %broadcast_in_dim3A_1 : vector<16xi32>
        %bitcast_convert_type3A_250 = tpu.bitcast %and3A_249 : vector<16xi32> -> vector<16xf32>
        %add3A_251 = arith.addf %add3A_238, %bitcast_convert_type3A_250 : vector<16xf32>
        %mul3A_252 = arith.constant 4 : i32
        %mul3A_253 = arith.muli %add3A_95, %mul3A_252 : i32
        %add3A_254 = arith.constant 0 : i32
        %add3A_255 = arith.addi %mul3A_253, %add3A_254 : i32
        %get3A_256 = arith.index_cast %add3A_255 : i32 to index
        %get3A_257 = arith.index_cast %mul3A_136 : i32 to index
        %get3A_258 = tpu.vector_load %arg9[%get3A_256, %get3A_257] {strides = array<i32>} : memref<128x256xf32, #tpu.memory_space<vmem>>, vector<1x16xf32>,
        %get3A_259 = vector.shape_cast %get3A_258 : vector<1x16xf32> to vector<16xf32>
        %add3A_260 = arith.addf %add3A_248, %get3A_259 : vector<16xf32>
        %get3A_261 = arith.index_cast %add3A_255 : i32 to index
        %get3A_262 = arith.index_cast %add3A_140 : i32 to index
        %get3A_263 = tpu.vector_load %arg9[%get3A_261, %get3A_262] {strides = array<i32>} : memref<128x256xf32, #tpu.memory_space<vmem>>, vector<1x16xf32>,
        %get3A_264 = vector.shape_cast %get3A_263 : vector<1x16xf32> to vector<16xf32>
        %add3A_265 = arith.addf %add3A_251, %get3A_264 : vector<16xf32>
        %swap3A = arith.index_cast %add3A_255 : i32 to index
        %swap3A_266 = arith.index_cast %mul3A_136 : i32 to index
        %swap3A_267 = tpu.vector_load %arg9[%swap3A, %swap3A_266] {strides = array<i32>} : memref<128x256xf32, #tpu.memory_space<vmem>>, vector<1x16xf32>,
        %swap3A_268 = vector.shape_cast %swap3A_267 : vector<1x16xf32> to vector<16xf32>
        %swap3A_269 = vector.shape_cast %add3A_260 : vector<16xf32> to vector<1x16xf32>
        tpu.vector_store %arg9[%swap3A, %swap3A_266], %swap3A_269 {strides = array<i32>} : memref<128x256xf32, #tpu.memory_space<vmem>>, vector<1x16xf32>,
        %swap3A_270 = arith.index_cast %add3A_255 : i32 to index
        %swap3A_271 = arith.index_cast %add3A_140 : i32 to index
        %swap3A_272 = tpu.vector_load %arg9[%swap3A_270, %swap3A_271] {strides = array<i32>} : memref<128x256xf32, #tpu.memory_space<vmem>>, vector<1x16xf32>,
        %swap3A_273 = vector.shape_cast %swap3A_272 : vector<1x16xf32> to vector<16xf32>
        %swap3A_274 = vector.shape_cast %add3A_265 : vector<16xf32> to vector<1x16xf32>
        tpu.vector_store %arg9[%swap3A_270, %swap3A_271], %swap3A_274 {strides = array<i32>} : memref<128x256xf32, #tpu.memory_space<vmem>>, vector<1x16xf32>,
        %get3A_275 = arith.constant 9 : i32
        %get3A_276 = arith.index_cast %get3A_275 : i32 to index
        %get3A_277 = arith.index_cast %mul3A_136 : i32 to index
        %get3A_278 = tpu.vector_load %arg7[%get3A_276, %get3A_277] {strides = array<i32>} : memref<40x128xi32, #tpu.memory_space<vmem>>, vector<1x16xi32>,
        %get3A_279 = vector.shape_cast %get3A_278 : vector<1x16xi32> to vector<16xi32>
        %shift_left3A_280 = arith.constant 16 : i32
        %shift_left3A_281 = vector.broadcast %shift_left3A_280 : i32 to vector<16xi32>
        %shift_left3A_282 = arith.shli %get3A_279, %shift_left3A_281 : vector<16xi32>
        %bitcast_convert_type3A_283 = tpu.bitcast %shift_left3A_282 : vector<16xi32> -> vector<16xf32>
        %and3A_284 = arith.andi %get3A_279, %broadcast_in_dim3A_1 : vector<16xi32>
        %bitcast_convert_type3A_285 = tpu.bitcast %and3A_284 : vector<16xi32> -> vector<16xf32>
        %get3A_286 = arith.constant 10 : i32
        %get3A_287 = arith.index_cast %get3A_286 : i32 to index
        %get3A_288 = arith.index_cast %mul3A_136 : i32 to index
        %get3A_289 = tpu.vector_load %arg7[%get3A_287, %get3A_288] {strides = array<i32>} : memref<40x128xi32, #tpu.memory_space<vmem>>, vector<1x16xi32>,
        %get3A_290 = vector.shape_cast %get3A_289 : vector<1x16xi32> to vector<16xi32>
        %shift_left3A_291 = arith.constant 16 : i32
        %shift_left3A_292 = vector.broadcast %shift_left3A_291 : i32 to vector<16xi32>
        %shift_left3A_293 = arith.shli %get3A_290, %shift_left3A_292 : vector<16xi32>
        %bitcast_convert_type3A_294 = tpu.bitcast %shift_left3A_293 : vector<16xi32> -> vector<16xf32>
        %add3A_295 = arith.addf %bitcast_convert_type3A_283, %bitcast_convert_type3A_294 : vector<16xf32>
        %and3A_296 = arith.andi %get3A_290, %broadcast_in_dim3A_1 : vector<16xi32>
        %bitcast_convert_type3A_297 = tpu.bitcast %and3A_296 : vector<16xi32> -> vector<16xf32>
        %add3A_298 = arith.addf %bitcast_convert_type3A_285, %bitcast_convert_type3A_297 : vector<16xf32>
        %get3A_299 = arith.constant 11 : i32
        %get3A_300 = arith.index_cast %get3A_299 : i32 to index
        %get3A_301 = arith.index_cast %mul3A_136 : i32 to index
        %get3A_302 = tpu.vector_load %arg7[%get3A_300, %get3A_301] {strides = array<i32>} : memref<40x128xi32, #tpu.memory_space<vmem>>, vector<1x16xi32>,
        %get3A_303 = vector.shape_cast %get3A_302 : vector<1x16xi32> to vector<16xi32>
        %shift_left3A_304 = arith.constant 16 : i32
        %shift_left3A_305 = vector.broadcast %shift_left3A_304 : i32 to vector<16xi32>
        %shift_left3A_306 = arith.shli %get3A_303, %shift_left3A_305 : vector<16xi32>
        %bitcast_convert_type3A_307 = tpu.bitcast %shift_left3A_306 : vector<16xi32> -> vector<16xf32>
        %add3A_308 = arith.addf %add3A_295, %bitcast_convert_type3A_307 : vector<16xf32>
        %and3A_309 = arith.andi %get3A_303, %broadcast_in_dim3A_1 : vector<16xi32>
        %bitcast_convert_type3A_310 = tpu.bitcast %and3A_309 : vector<16xi32> -> vector<16xf32>
        %add3A_311 = arith.addf %add3A_298, %bitcast_convert_type3A_310 : vector<16xf32>
        %get3A_312 = arith.constant 12 : i32
        %get3A_313 = arith.index_cast %get3A_312 : i32 to index
        %get3A_314 = arith.index_cast %mul3A_136 : i32 to index
        %get3A_315 = tpu.vector_load %arg7[%get3A_313, %get3A_314] {strides = array<i32>} : memref<40x128xi32, #tpu.memory_space<vmem>>, vector<1x16xi32>,
        %get3A_316 = vector.shape_cast %get3A_315 : vector<1x16xi32> to vector<16xi32>
        %shift_left3A_317 = arith.constant 16 : i32
        %shift_left3A_318 = vector.broadcast %shift_left3A_317 : i32 to vector<16xi32>
        %shift_left3A_319 = arith.shli %get3A_316, %shift_left3A_318 : vector<16xi32>
        %bitcast_convert_type3A_320 = tpu.bitcast %shift_left3A_319 : vector<16xi32> -> vector<16xf32>
        %add3A_321 = arith.addf %add3A_308, %bitcast_convert_type3A_320 : vector<16xf32>
        %and3A_322 = arith.andi %get3A_316, %broadcast_in_dim3A_1 : vector<16xi32>
        %bitcast_convert_type3A_323 = tpu.bitcast %and3A_322 : vector<16xi32> -> vector<16xf32>
        %add3A_324 = arith.addf %add3A_311, %bitcast_convert_type3A_323 : vector<16xf32>
        %get3A_325 = arith.constant 13 : i32
        %get3A_326 = arith.index_cast %get3A_325 : i32 to index
        %get3A_327 = arith.index_cast %mul3A_136 : i32 to index
        %get3A_328 = tpu.vector_load %arg7[%get3A_326, %get3A_327] {strides = array<i32>} : memref<40x128xi32, #tpu.memory_space<vmem>>, vector<1x16xi32>,
        %get3A_329 = vector.shape_cast %get3A_328 : vector<1x16xi32> to vector<16xi32>
        %shift_left3A_330 = arith.constant 16 : i32
        %shift_left3A_331 = vector.broadcast %shift_left3A_330 : i32 to vector<16xi32>
        %shift_left3A_332 = arith.shli %get3A_329, %shift_left3A_331 : vector<16xi32>
        %bitcast_convert_type3A_333 = tpu.bitcast %shift_left3A_332 : vector<16xi32> -> vector<16xf32>
        %add3A_334 = arith.addf %add3A_321, %bitcast_convert_type3A_333 : vector<16xf32>
        %and3A_335 = arith.andi %get3A_329, %broadcast_in_dim3A_1 : vector<16xi32>
        %bitcast_convert_type3A_336 = tpu.bitcast %and3A_335 : vector<16xi32> -> vector<16xf32>
        %add3A_337 = arith.addf %add3A_324, %bitcast_convert_type3A_336 : vector<16xf32>
        %get3A_338 = arith.constant 14 : i32
        %get3A_339 = arith.index_cast %get3A_338 : i32 to index
        %get3A_340 = arith.index_cast %mul3A_136 : i32 to index
        %get3A_341 = tpu.vector_load %arg7[%get3A_339, %get3A_340] {strides = array<i32>} : memref<40x128xi32, #tpu.memory_space<vmem>>, vector<1x16xi32>,
        %get3A_342 = vector.shape_cast %get3A_341 : vector<1x16xi32> to vector<16xi32>
        %shift_left3A_343 = arith.constant 16 : i32
        %shift_left3A_344 = vector.broadcast %shift_left3A_343 : i32 to vector<16xi32>
        %shift_left3A_345 = arith.shli %get3A_342, %shift_left3A_344 : vector<16xi32>
        %bitcast_convert_type3A_346 = tpu.bitcast %shift_left3A_345 : vector<16xi32> -> vector<16xf32>
        %add3A_347 = arith.addf %add3A_334, %bitcast_convert_type3A_346 : vector<16xf32>
        %and3A_348 = arith.andi %get3A_342, %broadcast_in_dim3A_1 : vector<16xi32>
        %bitcast_convert_type3A_349 = tpu.bitcast %and3A_348 : vector<16xi32> -> vector<16xf32>
        %add3A_350 = arith.addf %add3A_337, %bitcast_convert_type3A_349 : vector<16xf32>
        %get3A_351 = arith.constant 15 : i32
        %get3A_352 = arith.index_cast %get3A_351 : i32 to index
        %get3A_353 = arith.index_cast %mul3A_136 : i32 to index
        %get3A_354 = tpu.vector_load %arg7[%get3A_352, %get3A_353] {strides = array<i32>} : memref<40x128xi32, #tpu.memory_space<vmem>>, vector<1x16xi32>,
        %get3A_355 = vector.shape_cast %get3A_354 : vector<1x16xi32> to vector<16xi32>
        %shift_left3A_356 = arith.constant 16 : i32
        %shift_left3A_357 = vector.broadcast %shift_left3A_356 : i32 to vector<16xi32>
        %shift_left3A_358 = arith.shli %get3A_355, %shift_left3A_357 : vector<16xi32>
        %bitcast_convert_type3A_359 = tpu.bitcast %shift_left3A_358 : vector<16xi32> -> vector<16xf32>
        %add3A_360 = arith.addf %add3A_347, %bitcast_convert_type3A_359 : vector<16xf32>
        %and3A_361 = arith.andi %get3A_355, %broadcast_in_dim3A_1 : vector<16xi32>
        %bitcast_convert_type3A_362 = tpu.bitcast %and3A_361 : vector<16xi32> -> vector<16xf32>
        %add3A_363 = arith.addf %add3A_350, %bitcast_convert_type3A_362 : vector<16xf32>
        %get3A_364 = arith.constant 16 : i32
        %get3A_365 = arith.index_cast %get3A_364 : i32 to index
        %get3A_366 = arith.index_cast %mul3A_136 : i32 to index
        %get3A_367 = tpu.vector_load %arg7[%get3A_365, %get3A_366] {strides = array<i32>} : memref<40x128xi32, #tpu.memory_space<vmem>>, vector<1x16xi32>,
        %get3A_368 = vector.shape_cast %get3A_367 : vector<1x16xi32> to vector<16xi32>
        %shift_left3A_369 = arith.constant 16 : i32
        %shift_left3A_370 = vector.broadcast %shift_left3A_369 : i32 to vector<16xi32>
        %shift_left3A_371 = arith.shli %get3A_368, %shift_left3A_370 : vector<16xi32>
        %bitcast_convert_type3A_372 = tpu.bitcast %shift_left3A_371 : vector<16xi32> -> vector<16xf32>
        %add3A_373 = arith.addf %add3A_360, %bitcast_convert_type3A_372 : vector<16xf32>
        %and3A_374 = arith.andi %get3A_368, %broadcast_in_dim3A_1 : vector<16xi32>
        %bitcast_convert_type3A_375 = tpu.bitcast %and3A_374 : vector<16xi32> -> vector<16xf32>
        %add3A_376 = arith.addf %add3A_363, %bitcast_convert_type3A_375 : vector<16xf32>
        %get3A_377 = arith.constant 17 : i32
        %get3A_378 = arith.index_cast %get3A_377 : i32 to index
        %get3A_379 = arith.index_cast %mul3A_136 : i32 to index
        %get3A_380 = tpu.vector_load %arg7[%get3A_378, %get3A_379] {strides = array<i32>} : memref<40x128xi32, #tpu.memory_space<vmem>>, vector<1x16xi32>,
        %get3A_381 = vector.shape_cast %get3A_380 : vector<1x16xi32> to vector<16xi32>
        %shift_left3A_382 = arith.constant 16 : i32
        %shift_left3A_383 = vector.broadcast %shift_left3A_382 : i32 to vector<16xi32>
        %shift_left3A_384 = arith.shli %get3A_381, %shift_left3A_383 : vector<16xi32>
        %bitcast_convert_type3A_385 = tpu.bitcast %shift_left3A_384 : vector<16xi32> -> vector<16xf32>
        %add3A_386 = arith.addf %add3A_373, %bitcast_convert_type3A_385 : vector<16xf32>
        %and3A_387 = arith.andi %get3A_381, %broadcast_in_dim3A_1 : vector<16xi32>
        %bitcast_convert_type3A_388 = tpu.bitcast %and3A_387 : vector<16xi32> -> vector<16xf32>
        %add3A_389 = arith.addf %add3A_376, %bitcast_convert_type3A_388 : vector<16xf32>
        %mul3A_390 = arith.constant 4 : i32
        %mul3A_391 = arith.muli %add3A_95, %mul3A_390 : i32
        %add3A_392 = arith.constant 1 : i32
        %add3A_393 = arith.addi %mul3A_391, %add3A_392 : i32
        %get3A_394 = arith.index_cast %add3A_393 : i32 to index
        %get3A_395 = arith.index_cast %mul3A_136 : i32 to index
        %get3A_396 = tpu.vector_load %arg9[%get3A_394, %get3A_395] {strides = array<i32>} : memref<128x256xf32, #tpu.memory_space<vmem>>, vector<1x16xf32>,
        %get3A_397 = vector.shape_cast %get3A_396 : vector<1x16xf32> to vector<16xf32>
        %add3A_398 = arith.addf %add3A_386, %get3A_397 : vector<16xf32>
        %get3A_399 = arith.index_cast %add3A_393 : i32 to index
        %get3A_400 = arith.index_cast %add3A_140 : i32 to index
        %get3A_401 = tpu.vector_load %arg9[%get3A_399, %get3A_400] {strides = array<i32>} : memref<128x256xf32, #tpu.memory_space<vmem>>, vector<1x16xf32>,
        %get3A_402 = vector.shape_cast %get3A_401 : vector<1x16xf32> to vector<16xf32>
        %add3A_403 = arith.addf %add3A_389, %get3A_402 : vector<16xf32>
        %swap3A_404 = arith.index_cast %add3A_393 : i32 to index
        %swap3A_405 = arith.index_cast %mul3A_136 : i32 to index
        %swap3A_406 = tpu.vector_load %arg9[%swap3A_404, %swap3A_405] {strides = array<i32>} : memref<128x256xf32, #tpu.memory_space<vmem>>, vector<1x16xf32>,
        %swap3A_407 = vector.shape_cast %swap3A_406 : vector<1x16xf32> to vector<16xf32>
        %swap3A_408 = vector.shape_cast %add3A_398 : vector<16xf32> to vector<1x16xf32>
        tpu.vector_store %arg9[%swap3A_404, %swap3A_405], %swap3A_408 {strides = array<i32>} : memref<128x256xf32, #tpu.memory_space<vmem>>, vector<1x16xf32>,
        %swap3A_409 = arith.index_cast %add3A_393 : i32 to index
        %swap3A_410 = arith.index_cast %add3A_140 : i32 to index
        %swap3A_411 = tpu.vector_load %arg9[%swap3A_409, %swap3A_410] {strides = array<i32>} : memref<128x256xf32, #tpu.memory_space<vmem>>, vector<1x16xf32>,
        %swap3A_412 = vector.shape_cast %swap3A_411 : vector<1x16xf32> to vector<16xf32>
        %swap3A_413 = vector.shape_cast %add3A_403 : vector<16xf32> to vector<1x16xf32>
        tpu.vector_store %arg9[%swap3A_409, %swap3A_410], %swap3A_413 {strides = array<i32>} : memref<128x256xf32, #tpu.memory_space<vmem>>, vector<1x16xf32>,
        %get3A_414 = arith.constant 18 : i32
        %get3A_415 = arith.index_cast %get3A_414 : i32 to index
        %get3A_416 = arith.index_cast %mul3A_136 : i32 to index
        %get3A_417 = tpu.vector_load %arg7[%get3A_415, %get3A_416] {strides = array<i32>} : memref<40x128xi32, #tpu.memory_space<vmem>>, vector<1x16xi32>,
        %get3A_418 = vector.shape_cast %get3A_417 : vector<1x16xi32> to vector<16xi32>
        %shift_left3A_419 = arith.constant 16 : i32
        %shift_left3A_420 = vector.broadcast %shift_left3A_419 : i32 to vector<16xi32>
        %shift_left3A_421 = arith.shli %get3A_418, %shift_left3A_420 : vector<16xi32>
        %bitcast_convert_type3A_422 = tpu.bitcast %shift_left3A_421 : vector<16xi32> -> vector<16xf32>
        %and3A_423 = arith.andi %get3A_418, %broadcast_in_dim3A_1 : vector<16xi32>
        %bitcast_convert_type3A_424 = tpu.bitcast %and3A_423 : vector<16xi32> -> vector<16xf32>
        %get3A_425 = arith.constant 19 : i32
        %get3A_426 = arith.index_cast %get3A_425 : i32 to index
        %get3A_427 = arith.index_cast %mul3A_136 : i32 to index
        %get3A_428 = tpu.vector_load %arg7[%get3A_426, %get3A_427] {strides = array<i32>} : memref<40x128xi32, #tpu.memory_space<vmem>>, vector<1x16xi32>,
        %get3A_429 = vector.shape_cast %get3A_428 : vector<1x16xi32> to vector<16xi32>
        %shift_left3A_430 = arith.constant 16 : i32
        %shift_left3A_431 = vector.broadcast %shift_left3A_430 : i32 to vector<16xi32>
        %shift_left3A_432 = arith.shli %get3A_429, %shift_left3A_431 : vector<16xi32>
        %bitcast_convert_type3A_433 = tpu.bitcast %shift_left3A_432 : vector<16xi32> -> vector<16xf32>
        %add3A_434 = arith.addf %bitcast_convert_type3A_422, %bitcast_convert_type3A_433 : vector<16xf32>
        %and3A_435 = arith.andi %get3A_429, %broadcast_in_dim3A_1 : vector<16xi32>
        %bitcast_convert_type3A_436 = tpu.bitcast %and3A_435 : vector<16xi32> -> vector<16xf32>
        %add3A_437 = arith.addf %bitcast_convert_type3A_424, %bitcast_convert_type3A_436 : vector<16xf32>
        %get3A_438 = arith.constant 20 : i32
        %get3A_439 = arith.index_cast %get3A_438 : i32 to index
        %get3A_440 = arith.index_cast %mul3A_136 : i32 to index
        %get3A_441 = tpu.vector_load %arg7[%get3A_439, %get3A_440] {strides = array<i32>} : memref<40x128xi32, #tpu.memory_space<vmem>>, vector<1x16xi32>,
        %get3A_442 = vector.shape_cast %get3A_441 : vector<1x16xi32> to vector<16xi32>
        %shift_left3A_443 = arith.constant 16 : i32
        %shift_left3A_444 = vector.broadcast %shift_left3A_443 : i32 to vector<16xi32>
        %shift_left3A_445 = arith.shli %get3A_442, %shift_left3A_444 : vector<16xi32>
        %bitcast_convert_type3A_446 = tpu.bitcast %shift_left3A_445 : vector<16xi32> -> vector<16xf32>
        %add3A_447 = arith.addf %add3A_434, %bitcast_convert_type3A_446 : vector<16xf32>
        %and3A_448 = arith.andi %get3A_442, %broadcast_in_dim3A_1 : vector<16xi32>
        %bitcast_convert_type3A_449 = tpu.bitcast %and3A_448 : vector<16xi32> -> vector<16xf32>
        %add3A_450 = arith.addf %add3A_437, %bitcast_convert_type3A_449 : vector<16xf32>
        %get3A_451 = arith.constant 21 : i32
        %get3A_452 = arith.index_cast %get3A_451 : i32 to index
        %get3A_453 = arith.index_cast %mul3A_136 : i32 to index
        %get3A_454 = tpu.vector_load %arg7[%get3A_452, %get3A_453] {strides = array<i32>} : memref<40x128xi32, #tpu.memory_space<vmem>>, vector<1x16xi32>,
        %get3A_455 = vector.shape_cast %get3A_454 : vector<1x16xi32> to vector<16xi32>
        %shift_left3A_456 = arith.constant 16 : i32
        %shift_left3A_457 = vector.broadcast %shift_left3A_456 : i32 to vector<16xi32>
        %shift_left3A_458 = arith.shli %get3A_455, %shift_left3A_457 : vector<16xi32>
        %bitcast_convert_type3A_459 = tpu.bitcast %shift_left3A_458 : vector<16xi32> -> vector<16xf32>
        %add3A_460 = arith.addf %add3A_447, %bitcast_convert_type3A_459 : vector<16xf32>
        %and3A_461 = arith.andi %get3A_455, %broadcast_in_dim3A_1 : vector<16xi32>
        %bitcast_convert_type3A_462 = tpu.bitcast %and3A_461 : vector<16xi32> -> vector<16xf32>
        %add3A_463 = arith.addf %add3A_450, %bitcast_convert_type3A_462 : vector<16xf32>
        %get3A_464 = arith.constant 22 : i32
        %get3A_465 = arith.index_cast %get3A_464 : i32 to index
        %get3A_466 = arith.index_cast %mul3A_136 : i32 to index
        %get3A_467 = tpu.vector_load %arg7[%get3A_465, %get3A_466] {strides = array<i32>} : memref<40x128xi32, #tpu.memory_space<vmem>>, vector<1x16xi32>,
        %get3A_468 = vector.shape_cast %get3A_467 : vector<1x16xi32> to vector<16xi32>
        %shift_left3A_469 = arith.constant 16 : i32
        %shift_left3A_470 = vector.broadcast %shift_left3A_469 : i32 to vector<16xi32>
        %shift_left3A_471 = arith.shli %get3A_468, %shift_left3A_470 : vector<16xi32>
        %bitcast_convert_type3A_472 = tpu.bitcast %shift_left3A_471 : vector<16xi32> -> vector<16xf32>
        %add3A_473 = arith.addf %add3A_460, %bitcast_convert_type3A_472 : vector<16xf32>
        %and3A_474 = arith.andi %get3A_468, %broadcast_in_dim3A_1 : vector<16xi32>
        %bitcast_convert_type3A_475 = tpu.bitcast %and3A_474 : vector<16xi32> -> vector<16xf32>
        %add3A_476 = arith.addf %add3A_463, %bitcast_convert_type3A_475 : vector<16xf32>
        %get3A_477 = arith.constant 23 : i32
        %get3A_478 = arith.index_cast %get3A_477 : i32 to index
        %get3A_479 = arith.index_cast %mul3A_136 : i32 to index
        %get3A_480 = tpu.vector_load %arg7[%get3A_478, %get3A_479] {strides = array<i32>} : memref<40x128xi32, #tpu.memory_space<vmem>>, vector<1x16xi32>,
        %get3A_481 = vector.shape_cast %get3A_480 : vector<1x16xi32> to vector<16xi32>
        %shift_left3A_482 = arith.constant 16 : i32
        %shift_left3A_483 = vector.broadcast %shift_left3A_482 : i32 to vector<16xi32>
        %shift_left3A_484 = arith.shli %get3A_481, %shift_left3A_483 : vector<16xi32>
        %bitcast_convert_type3A_485 = tpu.bitcast %shift_left3A_484 : vector<16xi32> -> vector<16xf32>
        %add3A_486 = arith.addf %add3A_473, %bitcast_convert_type3A_485 : vector<16xf32>
        %and3A_487 = arith.andi %get3A_481, %broadcast_in_dim3A_1 : vector<16xi32>
        %bitcast_convert_type3A_488 = tpu.bitcast %and3A_487 : vector<16xi32> -> vector<16xf32>
        %add3A_489 = arith.addf %add3A_476, %bitcast_convert_type3A_488 : vector<16xf32>
        %get3A_490 = arith.constant 24 : i32
        %get3A_491 = arith.index_cast %get3A_490 : i32 to index
        %get3A_492 = arith.index_cast %mul3A_136 : i32 to index
        %get3A_493 = tpu.vector_load %arg7[%get3A_491, %get3A_492] {strides = array<i32>} : memref<40x128xi32, #tpu.memory_space<vmem>>, vector<1x16xi32>,
        %get3A_494 = vector.shape_cast %get3A_493 : vector<1x16xi32> to vector<16xi32>
        %shift_left3A_495 = arith.constant 16 : i32
        %shift_left3A_496 = vector.broadcast %shift_left3A_495 : i32 to vector<16xi32>
        %shift_left3A_497 = arith.shli %get3A_494, %shift_left3A_496 : vector<16xi32>
        %bitcast_convert_type3A_498 = tpu.bitcast %shift_left3A_497 : vector<16xi32> -> vector<16xf32>
        %add3A_499 = arith.addf %add3A_486, %bitcast_convert_type3A_498 : vector<16xf32>
        %and3A_500 = arith.andi %get3A_494, %broadcast_in_dim3A_1 : vector<16xi32>
        %bitcast_convert_type3A_501 = tpu.bitcast %and3A_500 : vector<16xi32> -> vector<16xf32>
        %add3A_502 = arith.addf %add3A_489, %bitcast_convert_type3A_501 : vector<16xf32>
        %get3A_503 = arith.constant 25 : i32
        %get3A_504 = arith.index_cast %get3A_503 : i32 to index
        %get3A_505 = arith.index_cast %mul3A_136 : i32 to index
        %get3A_506 = tpu.vector_load %arg7[%get3A_504, %get3A_505] {strides = array<i32>} : memref<40x128xi32, #tpu.memory_space<vmem>>, vector<1x16xi32>,
        %get3A_507 = vector.shape_cast %get3A_506 : vector<1x16xi32> to vector<16xi32>
        %shift_left3A_508 = arith.constant 16 : i32
        %shift_left3A_509 = vector.broadcast %shift_left3A_508 : i32 to vector<16xi32>
        %shift_left3A_510 = arith.shli %get3A_507, %shift_left3A_509 : vector<16xi32>
        %bitcast_convert_type3A_511 = tpu.bitcast %shift_left3A_510 : vector<16xi32> -> vector<16xf32>
        %add3A_512 = arith.addf %add3A_499, %bitcast_convert_type3A_511 : vector<16xf32>
        %and3A_513 = arith.andi %get3A_507, %broadcast_in_dim3A_1 : vector<16xi32>
        %bitcast_convert_type3A_514 = tpu.bitcast %and3A_513 : vector<16xi32> -> vector<16xf32>
        %add3A_515 = arith.addf %add3A_502, %bitcast_convert_type3A_514 : vector<16xf32>
        %get3A_516 = arith.constant 26 : i32
        %get3A_517 = arith.index_cast %get3A_516 : i32 to index
        %get3A_518 = arith.index_cast %mul3A_136 : i32 to index
        %get3A_519 = tpu.vector_load %arg7[%get3A_517, %get3A_518] {strides = array<i32>} : memref<40x128xi32, #tpu.memory_space<vmem>>, vector<1x16xi32>,
        %get3A_520 = vector.shape_cast %get3A_519 : vector<1x16xi32> to vector<16xi32>
        %shift_left3A_521 = arith.constant 16 : i32
        %shift_left3A_522 = vector.broadcast %shift_left3A_521 : i32 to vector<16xi32>
        %shift_left3A_523 = arith.shli %get3A_520, %shift_left3A_522 : vector<16xi32>
        %bitcast_convert_type3A_524 = tpu.bitcast %shift_left3A_523 : vector<16xi32> -> vector<16xf32>
        %add3A_525 = arith.addf %add3A_512, %bitcast_convert_type3A_524 : vector<16xf32>
        %and3A_526 = arith.andi %get3A_520, %broadcast_in_dim3A_1 : vector<16xi32>
        %bitcast_convert_type3A_527 = tpu.bitcast %and3A_526 : vector<16xi32> -> vector<16xf32>
        %add3A_528 = arith.addf %add3A_515, %bitcast_convert_type3A_527 : vector<16xf32>
        %mul3A_529 = arith.constant 4 : i32
        %mul3A_530 = arith.muli %add3A_95, %mul3A_529 : i32
        %add3A_531 = arith.constant 2 : i32
        %add3A_532 = arith.addi %mul3A_530, %add3A_531 : i32
        %get3A_533 = arith.index_cast %add3A_532 : i32 to index
        %get3A_534 = arith.index_cast %mul3A_136 : i32 to index
        %get3A_535 = tpu.vector_load %arg9[%get3A_533, %get3A_534] {strides = array<i32>} : memref<128x256xf32, #tpu.memory_space<vmem>>, vector<1x16xf32>,
        %get3A_536 = vector.shape_cast %get3A_535 : vector<1x16xf32> to vector<16xf32>
        %add3A_537 = arith.addf %add3A_525, %get3A_536 : vector<16xf32>
        %get3A_538 = arith.index_cast %add3A_532 : i32 to index
        %get3A_539 = arith.index_cast %add3A_140 : i32 to index
        %get3A_540 = tpu.vector_load %arg9[%get3A_538, %get3A_539] {strides = array<i32>} : memref<128x256xf32, #tpu.memory_space<vmem>>, vector<1x16xf32>,
        %get3A_541 = vector.shape_cast %get3A_540 : vector<1x16xf32> to vector<16xf32>
        %add3A_542 = arith.addf %add3A_528, %get3A_541 : vector<16xf32>
        %swap3A_543 = arith.index_cast %add3A_532 : i32 to index
        %swap3A_544 = arith.index_cast %mul3A_136 : i32 to index
        %swap3A_545 = tpu.vector_load %arg9[%swap3A_543, %swap3A_544] {strides = array<i32>} : memref<128x256xf32, #tpu.memory_space<vmem>>, vector<1x16xf32>,
        %swap3A_546 = vector.shape_cast %swap3A_545 : vector<1x16xf32> to vector<16xf32>
        %swap3A_547 = vector.shape_cast %add3A_537 : vector<16xf32> to vector<1x16xf32>
        tpu.vector_store %arg9[%swap3A_543, %swap3A_544], %swap3A_547 {strides = array<i32>} : memref<128x256xf32, #tpu.memory_space<vmem>>, vector<1x16xf32>,
        %swap3A_548 = arith.index_cast %add3A_532 : i32 to index
        %swap3A_549 = arith.index_cast %add3A_140 : i32 to index
        %swap3A_550 = tpu.vector_load %arg9[%swap3A_548, %swap3A_549] {strides = array<i32>} : memref<128x256xf32, #tpu.memory_space<vmem>>, vector<1x16xf32>,
        %swap3A_551 = vector.shape_cast %swap3A_550 : vector<1x16xf32> to vector<16xf32>
        %swap3A_552 = vector.shape_cast %add3A_542 : vector<16xf32> to vector<1x16xf32>
        tpu.vector_store %arg9[%swap3A_548, %swap3A_549], %swap3A_552 {strides = array<i32>} : memref<128x256xf32, #tpu.memory_space<vmem>>, vector<1x16xf32>,
        %get3A_553 = arith.constant 27 : i32
        %get3A_554 = arith.index_cast %get3A_553 : i32 to index
        %get3A_555 = arith.index_cast %mul3A_136 : i32 to index
        %get3A_556 = tpu.vector_load %arg7[%get3A_554, %get3A_555] {strides = array<i32>} : memref<40x128xi32, #tpu.memory_space<vmem>>, vector<1x16xi32>,
        %get3A_557 = vector.shape_cast %get3A_556 : vector<1x16xi32> to vector<16xi32>
        %shift_left3A_558 = arith.constant 16 : i32
        %shift_left3A_559 = vector.broadcast %shift_left3A_558 : i32 to vector<16xi32>
        %shift_left3A_560 = arith.shli %get3A_557, %shift_left3A_559 : vector<16xi32>
        %bitcast_convert_type3A_561 = tpu.bitcast %shift_left3A_560 : vector<16xi32> -> vector<16xf32>
        %and3A_562 = arith.andi %get3A_557, %broadcast_in_dim3A_1 : vector<16xi32>
        %bitcast_convert_type3A_563 = tpu.bitcast %and3A_562 : vector<16xi32> -> vector<16xf32>
        %get3A_564 = arith.constant 28 : i32
        %get3A_565 = arith.index_cast %get3A_564 : i32 to index
        %get3A_566 = arith.index_cast %mul3A_136 : i32 to index
        %get3A_567 = tpu.vector_load %arg7[%get3A_565, %get3A_566] {strides = array<i32>} : memref<40x128xi32, #tpu.memory_space<vmem>>, vector<1x16xi32>,
        %get3A_568 = vector.shape_cast %get3A_567 : vector<1x16xi32> to vector<16xi32>
        %shift_left3A_569 = arith.constant 16 : i32
        %shift_left3A_570 = vector.broadcast %shift_left3A_569 : i32 to vector<16xi32>
        %shift_left3A_571 = arith.shli %get3A_568, %shift_left3A_570 : vector<16xi32>
        %bitcast_convert_type3A_572 = tpu.bitcast %shift_left3A_571 : vector<16xi32> -> vector<16xf32>
        %add3A_573 = arith.addf %bitcast_convert_type3A_561, %bitcast_convert_type3A_572 : vector<16xf32>
        %and3A_574 = arith.andi %get3A_568, %broadcast_in_dim3A_1 : vector<16xi32>
        %bitcast_convert_type3A_575 = tpu.bitcast %and3A_574 : vector<16xi32> -> vector<16xf32>
        %add3A_576 = arith.addf %bitcast_convert_type3A_563, %bitcast_convert_type3A_575 : vector<16xf32>
        %get3A_577 = arith.constant 29 : i32
        %get3A_578 = arith.index_cast %get3A_577 : i32 to index
        %get3A_579 = arith.index_cast %mul3A_136 : i32 to index
        %get3A_580 = tpu.vector_load %arg7[%get3A_578, %get3A_579] {strides = array<i32>} : memref<40x128xi32, #tpu.memory_space<vmem>>, vector<1x16xi32>,
        %get3A_581 = vector.shape_cast %get3A_580 : vector<1x16xi32> to vector<16xi32>
        %shift_left3A_582 = arith.constant 16 : i32
        %shift_left3A_583 = vector.broadcast %shift_left3A_582 : i32 to vector<16xi32>
        %shift_left3A_584 = arith.shli %get3A_581, %shift_left3A_583 : vector<16xi32>
        %bitcast_convert_type3A_585 = tpu.bitcast %shift_left3A_584 : vector<16xi32> -> vector<16xf32>
        %add3A_586 = arith.addf %add3A_573, %bitcast_convert_type3A_585 : vector<16xf32>
        %and3A_587 = arith.andi %get3A_581, %broadcast_in_dim3A_1 : vector<16xi32>
        %bitcast_convert_type3A_588 = tpu.bitcast %and3A_587 : vector<16xi32> -> vector<16xf32>
        %add3A_589 = arith.addf %add3A_576, %bitcast_convert_type3A_588 : vector<16xf32>
        %get3A_590 = arith.constant 30 : i32
        %get3A_591 = arith.index_cast %get3A_590 : i32 to index
        %get3A_592 = arith.index_cast %mul3A_136 : i32 to index
        %get3A_593 = tpu.vector_load %arg7[%get3A_591, %get3A_592] {strides = array<i32>} : memref<40x128xi32, #tpu.memory_space<vmem>>, vector<1x16xi32>,
        %get3A_594 = vector.shape_cast %get3A_593 : vector<1x16xi32> to vector<16xi32>
        %shift_left3A_595 = arith.constant 16 : i32
        %shift_left3A_596 = vector.broadcast %shift_left3A_595 : i32 to vector<16xi32>
        %shift_left3A_597 = arith.shli %get3A_594, %shift_left3A_596 : vector<16xi32>
        %bitcast_convert_type3A_598 = tpu.bitcast %shift_left3A_597 : vector<16xi32> -> vector<16xf32>
        %add3A_599 = arith.addf %add3A_586, %bitcast_convert_type3A_598 : vector<16xf32>
        %and3A_600 = arith.andi %get3A_594, %broadcast_in_dim3A_1 : vector<16xi32>
        %bitcast_convert_type3A_601 = tpu.bitcast %and3A_600 : vector<16xi32> -> vector<16xf32>
        %add3A_602 = arith.addf %add3A_589, %bitcast_convert_type3A_601 : vector<16xf32>
        %get3A_603 = arith.constant 31 : i32
        %get3A_604 = arith.index_cast %get3A_603 : i32 to index
        %get3A_605 = arith.index_cast %mul3A_136 : i32 to index
        %get3A_606 = tpu.vector_load %arg7[%get3A_604, %get3A_605] {strides = array<i32>} : memref<40x128xi32, #tpu.memory_space<vmem>>, vector<1x16xi32>,
        %get3A_607 = vector.shape_cast %get3A_606 : vector<1x16xi32> to vector<16xi32>
        %shift_left3A_608 = arith.constant 16 : i32
        %shift_left3A_609 = vector.broadcast %shift_left3A_608 : i32 to vector<16xi32>
        %shift_left3A_610 = arith.shli %get3A_607, %shift_left3A_609 : vector<16xi32>
        %bitcast_convert_type3A_611 = tpu.bitcast %shift_left3A_610 : vector<16xi32> -> vector<16xf32>
        %add3A_612 = arith.addf %add3A_599, %bitcast_convert_type3A_611 : vector<16xf32>
        %and3A_613 = arith.andi %get3A_607, %broadcast_in_dim3A_1 : vector<16xi32>
        %bitcast_convert_type3A_614 = tpu.bitcast %and3A_613 : vector<16xi32> -> vector<16xf32>
        %add3A_615 = arith.addf %add3A_602, %bitcast_convert_type3A_614 : vector<16xf32>
        %get3A_616 = arith.constant 32 : i32
        %get3A_617 = arith.index_cast %get3A_616 : i32 to index
        %get3A_618 = arith.index_cast %mul3A_136 : i32 to index
        %get3A_619 = tpu.vector_load %arg7[%get3A_617, %get3A_618] {strides = array<i32>} : memref<40x128xi32, #tpu.memory_space<vmem>>, vector<1x16xi32>,
        %get3A_620 = vector.shape_cast %get3A_619 : vector<1x16xi32> to vector<16xi32>
        %shift_left3A_621 = arith.constant 16 : i32
        %shift_left3A_622 = vector.broadcast %shift_left3A_621 : i32 to vector<16xi32>
        %shift_left3A_623 = arith.shli %get3A_620, %shift_left3A_622 : vector<16xi32>
        %bitcast_convert_type3A_624 = tpu.bitcast %shift_left3A_623 : vector<16xi32> -> vector<16xf32>
        %add3A_625 = arith.addf %add3A_612, %bitcast_convert_type3A_624 : vector<16xf32>
        %and3A_626 = arith.andi %get3A_620, %broadcast_in_dim3A_1 : vector<16xi32>
        %bitcast_convert_type3A_627 = tpu.bitcast %and3A_626 : vector<16xi32> -> vector<16xf32>
        %add3A_628 = arith.addf %add3A_615, %bitcast_convert_type3A_627 : vector<16xf32>
        %get3A_629 = arith.constant 33 : i32
        %get3A_630 = arith.index_cast %get3A_629 : i32 to index
        %get3A_631 = arith.index_cast %mul3A_136 : i32 to index
        %get3A_632 = tpu.vector_load %arg7[%get3A_630, %get3A_631] {strides = array<i32>} : memref<40x128xi32, #tpu.memory_space<vmem>>, vector<1x16xi32>,
        %get3A_633 = vector.shape_cast %get3A_632 : vector<1x16xi32> to vector<16xi32>
        %shift_left3A_634 = arith.constant 16 : i32
        %shift_left3A_635 = vector.broadcast %shift_left3A_634 : i32 to vector<16xi32>
        %shift_left3A_636 = arith.shli %get3A_633, %shift_left3A_635 : vector<16xi32>
        %bitcast_convert_type3A_637 = tpu.bitcast %shift_left3A_636 : vector<16xi32> -> vector<16xf32>
        %add3A_638 = arith.addf %add3A_625, %bitcast_convert_type3A_637 : vector<16xf32>
        %and3A_639 = arith.andi %get3A_633, %broadcast_in_dim3A_1 : vector<16xi32>
        %bitcast_convert_type3A_640 = tpu.bitcast %and3A_639 : vector<16xi32> -> vector<16xf32>
        %add3A_641 = arith.addf %add3A_628, %bitcast_convert_type3A_640 : vector<16xf32>
        %get3A_642 = arith.constant 34 : i32
        %get3A_643 = arith.index_cast %get3A_642 : i32 to index
        %get3A_644 = arith.index_cast %mul3A_136 : i32 to index
        %get3A_645 = tpu.vector_load %arg7[%get3A_643, %get3A_644] {strides = array<i32>} : memref<40x128xi32, #tpu.memory_space<vmem>>, vector<1x16xi32>,
        %get3A_646 = vector.shape_cast %get3A_645 : vector<1x16xi32> to vector<16xi32>
        %shift_left3A_647 = arith.constant 16 : i32
        %shift_left3A_648 = vector.broadcast %shift_left3A_647 : i32 to vector<16xi32>
        %shift_left3A_649 = arith.shli %get3A_646, %shift_left3A_648 : vector<16xi32>
        %bitcast_convert_type3A_650 = tpu.bitcast %shift_left3A_649 : vector<16xi32> -> vector<16xf32>
        %add3A_651 = arith.addf %add3A_638, %bitcast_convert_type3A_650 : vector<16xf32>
        %and3A_652 = arith.andi %get3A_646, %broadcast_in_dim3A_1 : vector<16xi32>
        %bitcast_convert_type3A_653 = tpu.bitcast %and3A_652 : vector<16xi32> -> vector<16xf32>
        %add3A_654 = arith.addf %add3A_641, %bitcast_convert_type3A_653 : vector<16xf32>
        %get3A_655 = arith.constant 35 : i32
        %get3A_656 = arith.index_cast %get3A_655 : i32 to index
        %get3A_657 = arith.index_cast %mul3A_136 : i32 to index
        %get3A_658 = tpu.vector_load %arg7[%get3A_656, %get3A_657] {strides = array<i32>} : memref<40x128xi32, #tpu.memory_space<vmem>>, vector<1x16xi32>,
        %get3A_659 = vector.shape_cast %get3A_658 : vector<1x16xi32> to vector<16xi32>
        %shift_left3A_660 = arith.constant 16 : i32
        %shift_left3A_661 = vector.broadcast %shift_left3A_660 : i32 to vector<16xi32>
        %shift_left3A_662 = arith.shli %get3A_659, %shift_left3A_661 : vector<16xi32>
        %bitcast_convert_type3A_663 = tpu.bitcast %shift_left3A_662 : vector<16xi32> -> vector<16xf32>
        %add3A_664 = arith.addf %add3A_651, %bitcast_convert_type3A_663 : vector<16xf32>
        %and3A_665 = arith.andi %get3A_659, %broadcast_in_dim3A_1 : vector<16xi32>
        %bitcast_convert_type3A_666 = tpu.bitcast %and3A_665 : vector<16xi32> -> vector<16xf32>
        %add3A_667 = arith.addf %add3A_654, %bitcast_convert_type3A_666 : vector<16xf32>
        %mul3A_668 = arith.constant 4 : i32
        %mul3A_669 = arith.muli %add3A_95, %mul3A_668 : i32
        %add3A_670 = arith.constant 3 : i32
        %add3A_671 = arith.addi %mul3A_669, %add3A_670 : i32
        %get3A_672 = arith.index_cast %add3A_671 : i32 to index
        %get3A_673 = arith.index_cast %mul3A_136 : i32 to index
        %get3A_674 = tpu.vector_load %arg9[%get3A_672, %get3A_673] {strides = array<i32>} : memref<128x256xf32, #tpu.memory_space<vmem>>, vector<1x16xf32>,
        %get3A_675 = vector.shape_cast %get3A_674 : vector<1x16xf32> to vector<16xf32>
        %add3A_676 = arith.addf %add3A_664, %get3A_675 : vector<16xf32>
        %get3A_677 = arith.index_cast %add3A_671 : i32 to index
        %get3A_678 = arith.index_cast %add3A_140 : i32 to index
        %get3A_679 = tpu.vector_load %arg9[%get3A_677, %get3A_678] {strides = array<i32>} : memref<128x256xf32, #tpu.memory_space<vmem>>, vector<1x16xf32>,
        %get3A_680 = vector.shape_cast %get3A_679 : vector<1x16xf32> to vector<16xf32>
        %add3A_681 = arith.addf %add3A_667, %get3A_680 : vector<16xf32>
        %swap3A_682 = arith.index_cast %add3A_671 : i32 to index
        %swap3A_683 = arith.index_cast %mul3A_136 : i32 to index
        %swap3A_684 = tpu.vector_load %arg9[%swap3A_682, %swap3A_683] {strides = array<i32>} : memref<128x256xf32, #tpu.memory_space<vmem>>, vector<1x16xf32>,
        %swap3A_685 = vector.shape_cast %swap3A_684 : vector<1x16xf32> to vector<16xf32>
        %swap3A_686 = vector.shape_cast %add3A_676 : vector<16xf32> to vector<1x16xf32>
        tpu.vector_store %arg9[%swap3A_682, %swap3A_683], %swap3A_686 {strides = array<i32>} : memref<128x256xf32, #tpu.memory_space<vmem>>, vector<1x16xf32>,
        %swap3A_687 = arith.index_cast %add3A_671 : i32 to index
        %swap3A_688 = arith.index_cast %add3A_140 : i32 to index
        %swap3A_689 = tpu.vector_load %arg9[%swap3A_687, %swap3A_688] {strides = array<i32>} : memref<128x256xf32, #tpu.memory_space<vmem>>, vector<1x16xf32>,
        %swap3A_690 = vector.shape_cast %swap3A_689 : vector<1x16xf32> to vector<16xf32>
        %swap3A_691 = vector.shape_cast %add3A_681 : vector<16xf32> to vector<1x16xf32>
        tpu.vector_store %arg9[%swap3A_687, %swap3A_688], %swap3A_691 {strides = array<i32>} : memref<128x256xf32, #tpu.memory_space<vmem>>, vector<1x16xf32>,
      }
      %scan3A_106 = arith.constant 8 : i32
      %add3A_107 = arith.constant 2 : i32
      %add3A_108 = arith.addi %add3A_95, %add3A_107 : i32
      %lt3A = arith.constant 32 : i32
      %lt3A_109 = arith.cmpi slt, %add3A_108, %lt3A : i32
      %convert_element_type3A_110 = arith.extui %lt3A_109 : i1 to i32
      %cond3A_111 = arith.constant 0 : i32
      %cond3A_112 = arith.cmpi ne, %convert_element_type3A_110, %cond3A_111 : i32
      scf.if %cond3A_112 {
        %add3A_134 = arith.constant 2 : i32
        %add3A_135 = arith.addi %add3A_95, %add3A_134 : i32
        %dma_start3A_136 = arith.constant 0 : i32
        %dma_start3A_137 = tpu.memref_slice %arg6[%add3A_135, %dma_start3A_136] : memref<32x40xi32, #tpu.memory_space<vmem>> -> memref<1x40xi32, #tpu.memory_space<vmem>>
        %dma_start3A_138 = tpu.memref_squeeze %dma_start3A_137 : memref<1x40xi32, #tpu.memory_space<vmem>> -> memref<40xi32, #tpu.memory_space<vmem>>
        %dma_start3A_139 = arith.constant 0 : i32
        %dma_start3A_140 = arith.constant 0 : i32
        %dma_start3A_141 = tpu.memref_slice %arg10[%dma_start3A_139, %dma_start3A_140] : memref<10000x128xi32, #tpu.memory_space<vmem_shared>> -> memref<10000x128xi32, #tpu.memory_space<vmem_shared>>
        tpu.enqueue_indirect_dma source(%dma_start3A_141 : memref<10000x128xi32, #tpu.memory_space<vmem_shared>>) target(%arg7 : memref<40x128xi32, #tpu.memory_space<vmem>>) offsets(%dma_start3A_138 : memref<40xi32, #tpu.memory_space<vmem>>) semaphore(%arg11 : memref<!tpu.dma_semaphore, #tpu.memory_space<semaphore_mem>>)
      } else {
      }
      %add3A_113 = arith.constant 1 : i32
      %add3A_114 = arith.addi %mul3A_93, %add3A_113 : i32
      %dma_wait3A_115 = arith.constant 0 : i32
      %dma_wait3A_116 = tpu.memref_slice %arg6[%add3A_114, %dma_wait3A_115] : memref<32x40xi32, #tpu.memory_space<vmem>> -> memref<1x40xi32, #tpu.memory_space<vmem>>
      %dma_wait3A_117 = tpu.memref_squeeze %dma_wait3A_116 : memref<1x40xi32, #tpu.memory_space<vmem>> -> memref<40xi32, #tpu.memory_space<vmem>>
      %dma_wait3A_118 = arith.constant 0 : i32
      %dma_wait3A_119 = arith.constant 0 : i32
      %dma_wait3A_120 = tpu.memref_slice %arg10[%dma_wait3A_118, %dma_wait3A_119] : memref<10000x128xi32, #tpu.memory_space<vmem_shared>> -> memref<10000x128xi32, #tpu.memory_space<vmem_shared>>
      tpu.wait_indirect_dma semaphore(%arg12 : memref<!tpu.dma_semaphore, #tpu.memory_space<semaphore_mem>>) src(%dma_wait3A_120 : memref<10000x128xi32, #tpu.memory_space<vmem_shared>>) dst(%arg8 : memref<40x128xi32, #tpu.memory_space<vmem>>)
      %scan3A_121 = arith.constant 0 : i32
      %scan3A_122 = arith.constant 0 : i32
      %scan3A_123 = arith.constant 8 : i32
      %scan3A_124 = arith.addi %scan3A_122, %scan3A_123 : i32
      %scan3A_125 = arith.constant 1 : i32
      scf.for %scan3A_134 = %scan3A_122 to %scan3A_124 step %scan3A_125  : i32 {
        %mul3A_135 = arith.constant 16 : i32
        %mul3A_136 = arith.muli %scan3A_134, %mul3A_135 : i32
        %mul3A_137 = arith.constant 16 : i32
        %mul3A_138 = arith.muli %scan3A_134, %mul3A_137 : i32
        %add3A_139 = arith.constant 128 : i32
        %add3A_140 = arith.addi %add3A_139, %mul3A_138 : i32
        %get3A = arith.constant 0 : i32
        %get3A_141 = arith.index_cast %get3A : i32 to index
        %get3A_142 = arith.index_cast %mul3A_136 : i32 to index
        %get3A_143 = tpu.vector_load %arg8[%get3A_141, %get3A_142] {strides = array<i32>} : memref<40x128xi32, #tpu.memory_space<vmem>>, vector<1x16xi32>,
        %get3A_144 = vector.shape_cast %get3A_143 : vector<1x16xi32> to vector<16xi32>
        %shift_left3A = arith.constant 16 : i32
        %shift_left3A_145 = vector.broadcast %shift_left3A : i32 to vector<16xi32>
        %shift_left3A_146 = arith.shli %get3A_144, %shift_left3A_145 : vector<16xi32>
        %bitcast_convert_type3A = tpu.bitcast %shift_left3A_146 : vector<16xi32> -> vector<16xf32>
        %and3A = arith.andi %get3A_144, %broadcast_in_dim3A_1 : vector<16xi32>
        %bitcast_convert_type3A_147 = tpu.bitcast %and3A : vector<16xi32> -> vector<16xf32>
        %get3A_148 = arith.constant 1 : i32
        %get3A_149 = arith.index_cast %get3A_148 : i32 to index
        %get3A_150 = arith.index_cast %mul3A_136 : i32 to index
        %get3A_151 = tpu.vector_load %arg8[%get3A_149, %get3A_150] {strides = array<i32>} : memref<40x128xi32, #tpu.memory_space<vmem>>, vector<1x16xi32>,
        %get3A_152 = vector.shape_cast %get3A_151 : vector<1x16xi32> to vector<16xi32>
        %shift_left3A_153 = arith.constant 16 : i32
        %shift_left3A_154 = vector.broadcast %shift_left3A_153 : i32 to vector<16xi32>
        %shift_left3A_155 = arith.shli %get3A_152, %shift_left3A_154 : vector<16xi32>
        %bitcast_convert_type3A_156 = tpu.bitcast %shift_left3A_155 : vector<16xi32> -> vector<16xf32>
        %add3A_157 = arith.addf %bitcast_convert_type3A, %bitcast_convert_type3A_156 : vector<16xf32>
        %and3A_158 = arith.andi %get3A_152, %broadcast_in_dim3A_1 : vector<16xi32>
        %bitcast_convert_type3A_159 = tpu.bitcast %and3A_158 : vector<16xi32> -> vector<16xf32>
        %add3A_160 = arith.addf %bitcast_convert_type3A_147, %bitcast_convert_type3A_159 : vector<16xf32>
        %get3A_161 = arith.constant 2 : i32
        %get3A_162 = arith.index_cast %get3A_161 : i32 to index
        %get3A_163 = arith.index_cast %mul3A_136 : i32 to index
        %get3A_164 = tpu.vector_load %arg8[%get3A_162, %get3A_163] {strides = array<i32>} : memref<40x128xi32, #tpu.memory_space<vmem>>, vector<1x16xi32>,
        %get3A_165 = vector.shape_cast %get3A_164 : vector<1x16xi32> to vector<16xi32>
        %shift_left3A_166 = arith.constant 16 : i32
        %shift_left3A_167 = vector.broadcast %shift_left3A_166 : i32 to vector<16xi32>
        %shift_left3A_168 = arith.shli %get3A_165, %shift_left3A_167 : vector<16xi32>
        %bitcast_convert_type3A_169 = tpu.bitcast %shift_left3A_168 : vector<16xi32> -> vector<16xf32>
        %add3A_170 = arith.addf %add3A_157, %bitcast_convert_type3A_169 : vector<16xf32>
        %and3A_171 = arith.andi %get3A_165, %broadcast_in_dim3A_1 : vector<16xi32>
        %bitcast_convert_type3A_172 = tpu.bitcast %and3A_171 : vector<16xi32> -> vector<16xf32>
        %add3A_173 = arith.addf %add3A_160, %bitcast_convert_type3A_172 : vector<16xf32>
        %get3A_174 = arith.constant 3 : i32
        %get3A_175 = arith.index_cast %get3A_174 : i32 to index
        %get3A_176 = arith.index_cast %mul3A_136 : i32 to index
        %get3A_177 = tpu.vector_load %arg8[%get3A_175, %get3A_176] {strides = array<i32>} : memref<40x128xi32, #tpu.memory_space<vmem>>, vector<1x16xi32>,
        %get3A_178 = vector.shape_cast %get3A_177 : vector<1x16xi32> to vector<16xi32>
        %shift_left3A_179 = arith.constant 16 : i32
        %shift_left3A_180 = vector.broadcast %shift_left3A_179 : i32 to vector<16xi32>
        %shift_left3A_181 = arith.shli %get3A_178, %shift_left3A_180 : vector<16xi32>
        %bitcast_convert_type3A_182 = tpu.bitcast %shift_left3A_181 : vector<16xi32> -> vector<16xf32>
        %add3A_183 = arith.addf %add3A_170, %bitcast_convert_type3A_182 : vector<16xf32>
        %and3A_184 = arith.andi %get3A_178, %broadcast_in_dim3A_1 : vector<16xi32>
        %bitcast_convert_type3A_185 = tpu.bitcast %and3A_184 : vector<16xi32> -> vector<16xf32>
        %add3A_186 = arith.addf %add3A_173, %bitcast_convert_type3A_185 : vector<16xf32>
        %get3A_187 = arith.constant 4 : i32
        %get3A_188 = arith.index_cast %get3A_187 : i32 to index
        %get3A_189 = arith.index_cast %mul3A_136 : i32 to index
        %get3A_190 = tpu.vector_load %arg8[%get3A_188, %get3A_189] {strides = array<i32>} : memref<40x128xi32, #tpu.memory_space<vmem>>, vector<1x16xi32>,
        %get3A_191 = vector.shape_cast %get3A_190 : vector<1x16xi32> to vector<16xi32>
        %shift_left3A_192 = arith.constant 16 : i32
        %shift_left3A_193 = vector.broadcast %shift_left3A_192 : i32 to vector<16xi32>
        %shift_left3A_194 = arith.shli %get3A_191, %shift_left3A_193 : vector<16xi32>
        %bitcast_convert_type3A_195 = tpu.bitcast %shift_left3A_194 : vector<16xi32> -> vector<16xf32>
        %add3A_196 = arith.addf %add3A_183, %bitcast_convert_type3A_195 : vector<16xf32>
        %and3A_197 = arith.andi %get3A_191, %broadcast_in_dim3A_1 : vector<16xi32>
        %bitcast_convert_type3A_198 = tpu.bitcast %and3A_197 : vector<16xi32> -> vector<16xf32>
        %add3A_199 = arith.addf %add3A_186, %bitcast_convert_type3A_198 : vector<16xf32>
        %get3A_200 = arith.constant 5 : i32
        %get3A_201 = arith.index_cast %get3A_200 : i32 to index
        %get3A_202 = arith.index_cast %mul3A_136 : i32 to index
        %get3A_203 = tpu.vector_load %arg8[%get3A_201, %get3A_202] {strides = array<i32>} : memref<40x128xi32, #tpu.memory_space<vmem>>, vector<1x16xi32>,
        %get3A_204 = vector.shape_cast %get3A_203 : vector<1x16xi32> to vector<16xi32>
        %shift_left3A_205 = arith.constant 16 : i32
        %shift_left3A_206 = vector.broadcast %shift_left3A_205 : i32 to vector<16xi32>
        %shift_left3A_207 = arith.shli %get3A_204, %shift_left3A_206 : vector<16xi32>
        %bitcast_convert_type3A_208 = tpu.bitcast %shift_left3A_207 : vector<16xi32> -> vector<16xf32>
        %add3A_209 = arith.addf %add3A_196, %bitcast_convert_type3A_208 : vector<16xf32>
        %and3A_210 = arith.andi %get3A_204, %broadcast_in_dim3A_1 : vector<16xi32>
        %bitcast_convert_type3A_211 = tpu.bitcast %and3A_210 : vector<16xi32> -> vector<16xf32>
        %add3A_212 = arith.addf %add3A_199, %bitcast_convert_type3A_211 : vector<16xf32>
        %get3A_213 = arith.constant 6 : i32
        %get3A_214 = arith.index_cast %get3A_213 : i32 to index
        %get3A_215 = arith.index_cast %mul3A_136 : i32 to index
        %get3A_216 = tpu.vector_load %arg8[%get3A_214, %get3A_215] {strides = array<i32>} : memref<40x128xi32, #tpu.memory_space<vmem>>, vector<1x16xi32>,
        %get3A_217 = vector.shape_cast %get3A_216 : vector<1x16xi32> to vector<16xi32>
        %shift_left3A_218 = arith.constant 16 : i32
        %shift_left3A_219 = vector.broadcast %shift_left3A_218 : i32 to vector<16xi32>
        %shift_left3A_220 = arith.shli %get3A_217, %shift_left3A_219 : vector<16xi32>
        %bitcast_convert_type3A_221 = tpu.bitcast %shift_left3A_220 : vector<16xi32> -> vector<16xf32>
        %add3A_222 = arith.addf %add3A_209, %bitcast_convert_type3A_221 : vector<16xf32>
        %and3A_223 = arith.andi %get3A_217, %broadcast_in_dim3A_1 : vector<16xi32>
        %bitcast_convert_type3A_224 = tpu.bitcast %and3A_223 : vector<16xi32> -> vector<16xf32>
        %add3A_225 = arith.addf %add3A_212, %bitcast_convert_type3A_224 : vector<16xf32>
        %get3A_226 = arith.constant 7 : i32
        %get3A_227 = arith.index_cast %get3A_226 : i32 to index
        %get3A_228 = arith.index_cast %mul3A_136 : i32 to index
        %get3A_229 = tpu.vector_load %arg8[%get3A_227, %get3A_228] {strides = array<i32>} : memref<40x128xi32, #tpu.memory_space<vmem>>, vector<1x16xi32>,
        %get3A_230 = vector.shape_cast %get3A_229 : vector<1x16xi32> to vector<16xi32>
        %shift_left3A_231 = arith.constant 16 : i32
        %shift_left3A_232 = vector.broadcast %shift_left3A_231 : i32 to vector<16xi32>
        %shift_left3A_233 = arith.shli %get3A_230, %shift_left3A_232 : vector<16xi32>
        %bitcast_convert_type3A_234 = tpu.bitcast %shift_left3A_233 : vector<16xi32> -> vector<16xf32>
        %add3A_235 = arith.addf %add3A_222, %bitcast_convert_type3A_234 : vector<16xf32>
        %and3A_236 = arith.andi %get3A_230, %broadcast_in_dim3A_1 : vector<16xi32>
        %bitcast_convert_type3A_237 = tpu.bitcast %and3A_236 : vector<16xi32> -> vector<16xf32>
        %add3A_238 = arith.addf %add3A_225, %bitcast_convert_type3A_237 : vector<16xf32>
        %get3A_239 = arith.constant 8 : i32
        %get3A_240 = arith.index_cast %get3A_239 : i32 to index
        %get3A_241 = arith.index_cast %mul3A_136 : i32 to index
        %get3A_242 = tpu.vector_load %arg8[%get3A_240, %get3A_241] {strides = array<i32>} : memref<40x128xi32, #tpu.memory_space<vmem>>, vector<1x16xi32>,
        %get3A_243 = vector.shape_cast %get3A_242 : vector<1x16xi32> to vector<16xi32>
        %shift_left3A_244 = arith.constant 16 : i32
        %shift_left3A_245 = vector.broadcast %shift_left3A_244 : i32 to vector<16xi32>
        %shift_left3A_246 = arith.shli %get3A_243, %shift_left3A_245 : vector<16xi32>
        %bitcast_convert_type3A_247 = tpu.bitcast %shift_left3A_246 : vector<16xi32> -> vector<16xf32>
        %add3A_248 = arith.addf %add3A_235, %bitcast_convert_type3A_247 : vector<16xf32>
        %and3A_249 = arith.andi %get3A_243, %broadcast_in_dim3A_1 : vector<16xi32>
        %bitcast_convert_type3A_250 = tpu.bitcast %and3A_249 : vector<16xi32> -> vector<16xf32>
        %add3A_251 = arith.addf %add3A_238, %bitcast_convert_type3A_250 : vector<16xf32>
        %mul3A_252 = arith.constant 4 : i32
        %mul3A_253 = arith.muli %add3A_114, %mul3A_252 : i32
        %add3A_254 = arith.constant 0 : i32
        %add3A_255 = arith.addi %mul3A_253, %add3A_254 : i32
        %get3A_256 = arith.index_cast %add3A_255 : i32 to index
        %get3A_257 = arith.index_cast %mul3A_136 : i32 to index
        %get3A_258 = tpu.vector_load %arg9[%get3A_256, %get3A_257] {strides = array<i32>} : memref<128x256xf32, #tpu.memory_space<vmem>>, vector<1x16xf32>,
        %get3A_259 = vector.shape_cast %get3A_258 : vector<1x16xf32> to vector<16xf32>
        %add3A_260 = arith.addf %add3A_248, %get3A_259 : vector<16xf32>
        %get3A_261 = arith.index_cast %add3A_255 : i32 to index
        %get3A_262 = arith.index_cast %add3A_140 : i32 to index
        %get3A_263 = tpu.vector_load %arg9[%get3A_261, %get3A_262] {strides = array<i32>} : memref<128x256xf32, #tpu.memory_space<vmem>>, vector<1x16xf32>,
        %get3A_264 = vector.shape_cast %get3A_263 : vector<1x16xf32> to vector<16xf32>
        %add3A_265 = arith.addf %add3A_251, %get3A_264 : vector<16xf32>
        %swap3A = arith.index_cast %add3A_255 : i32 to index
        %swap3A_266 = arith.index_cast %mul3A_136 : i32 to index
        %swap3A_267 = tpu.vector_load %arg9[%swap3A, %swap3A_266] {strides = array<i32>} : memref<128x256xf32, #tpu.memory_space<vmem>>, vector<1x16xf32>,
        %swap3A_268 = vector.shape_cast %swap3A_267 : vector<1x16xf32> to vector<16xf32>
        %swap3A_269 = vector.shape_cast %add3A_260 : vector<16xf32> to vector<1x16xf32>
        tpu.vector_store %arg9[%swap3A, %swap3A_266], %swap3A_269 {strides = array<i32>} : memref<128x256xf32, #tpu.memory_space<vmem>>, vector<1x16xf32>,
        %swap3A_270 = arith.index_cast %add3A_255 : i32 to index
        %swap3A_271 = arith.index_cast %add3A_140 : i32 to index
        %swap3A_272 = tpu.vector_load %arg9[%swap3A_270, %swap3A_271] {strides = array<i32>} : memref<128x256xf32, #tpu.memory_space<vmem>>, vector<1x16xf32>,
        %swap3A_273 = vector.shape_cast %swap3A_272 : vector<1x16xf32> to vector<16xf32>
        %swap3A_274 = vector.shape_cast %add3A_265 : vector<16xf32> to vector<1x16xf32>
        tpu.vector_store %arg9[%swap3A_270, %swap3A_271], %swap3A_274 {strides = array<i32>} : memref<128x256xf32, #tpu.memory_space<vmem>>, vector<1x16xf32>,
        %get3A_275 = arith.constant 9 : i32
        %get3A_276 = arith.index_cast %get3A_275 : i32 to index
        %get3A_277 = arith.index_cast %mul3A_136 : i32 to index
        %get3A_278 = tpu.vector_load %arg8[%get3A_276, %get3A_277] {strides = array<i32>} : memref<40x128xi32, #tpu.memory_space<vmem>>, vector<1x16xi32>,
        %get3A_279 = vector.shape_cast %get3A_278 : vector<1x16xi32> to vector<16xi32>
        %shift_left3A_280 = arith.constant 16 : i32
        %shift_left3A_281 = vector.broadcast %shift_left3A_280 : i32 to vector<16xi32>
        %shift_left3A_282 = arith.shli %get3A_279, %shift_left3A_281 : vector<16xi32>
        %bitcast_convert_type3A_283 = tpu.bitcast %shift_left3A_282 : vector<16xi32> -> vector<16xf32>
        %and3A_284 = arith.andi %get3A_279, %broadcast_in_dim3A_1 : vector<16xi32>
        %bitcast_convert_type3A_285 = tpu.bitcast %and3A_284 : vector<16xi32> -> vector<16xf32>
        %get3A_286 = arith.constant 10 : i32
        %get3A_287 = arith.index_cast %get3A_286 : i32 to index
        %get3A_288 = arith.index_cast %mul3A_136 : i32 to index
        %get3A_289 = tpu.vector_load %arg8[%get3A_287, %get3A_288] {strides = array<i32>} : memref<40x128xi32, #tpu.memory_space<vmem>>, vector<1x16xi32>,
        %get3A_290 = vector.shape_cast %get3A_289 : vector<1x16xi32> to vector<16xi32>
        %shift_left3A_291 = arith.constant 16 : i32
        %shift_left3A_292 = vector.broadcast %shift_left3A_291 : i32 to vector<16xi32>
        %shift_left3A_293 = arith.shli %get3A_290, %shift_left3A_292 : vector<16xi32>
        %bitcast_convert_type3A_294 = tpu.bitcast %shift_left3A_293 : vector<16xi32> -> vector<16xf32>
        %add3A_295 = arith.addf %bitcast_convert_type3A_283, %bitcast_convert_type3A_294 : vector<16xf32>
        %and3A_296 = arith.andi %get3A_290, %broadcast_in_dim3A_1 : vector<16xi32>
        %bitcast_convert_type3A_297 = tpu.bitcast %and3A_296 : vector<16xi32> -> vector<16xf32>
        %add3A_298 = arith.addf %bitcast_convert_type3A_285, %bitcast_convert_type3A_297 : vector<16xf32>
        %get3A_299 = arith.constant 11 : i32
        %get3A_300 = arith.index_cast %get3A_299 : i32 to index
        %get3A_301 = arith.index_cast %mul3A_136 : i32 to index
        %get3A_302 = tpu.vector_load %arg8[%get3A_300, %get3A_301] {strides = array<i32>} : memref<40x128xi32, #tpu.memory_space<vmem>>, vector<1x16xi32>,
        %get3A_303 = vector.shape_cast %get3A_302 : vector<1x16xi32> to vector<16xi32>
        %shift_left3A_304 = arith.constant 16 : i32
        %shift_left3A_305 = vector.broadcast %shift_left3A_304 : i32 to vector<16xi32>
        %shift_left3A_306 = arith.shli %get3A_303, %shift_left3A_305 : vector<16xi32>
        %bitcast_convert_type3A_307 = tpu.bitcast %shift_left3A_306 : vector<16xi32> -> vector<16xf32>
        %add3A_308 = arith.addf %add3A_295, %bitcast_convert_type3A_307 : vector<16xf32>
        %and3A_309 = arith.andi %get3A_303, %broadcast_in_dim3A_1 : vector<16xi32>
        %bitcast_convert_type3A_310 = tpu.bitcast %and3A_309 : vector<16xi32> -> vector<16xf32>
        %add3A_311 = arith.addf %add3A_298, %bitcast_convert_type3A_310 : vector<16xf32>
        %get3A_312 = arith.constant 12 : i32
        %get3A_313 = arith.index_cast %get3A_312 : i32 to index
        %get3A_314 = arith.index_cast %mul3A_136 : i32 to index
        %get3A_315 = tpu.vector_load %arg8[%get3A_313, %get3A_314] {strides = array<i32>} : memref<40x128xi32, #tpu.memory_space<vmem>>, vector<1x16xi32>,
        %get3A_316 = vector.shape_cast %get3A_315 : vector<1x16xi32> to vector<16xi32>
        %shift_left3A_317 = arith.constant 16 : i32
        %shift_left3A_318 = vector.broadcast %shift_left3A_317 : i32 to vector<16xi32>
        %shift_left3A_319 = arith.shli %get3A_316, %shift_left3A_318 : vector<16xi32>
        %bitcast_convert_type3A_320 = tpu.bitcast %shift_left3A_319 : vector<16xi32> -> vector<16xf32>
        %add3A_321 = arith.addf %add3A_308, %bitcast_convert_type3A_320 : vector<16xf32>
        %and3A_322 = arith.andi %get3A_316, %broadcast_in_dim3A_1 : vector<16xi32>
        %bitcast_convert_type3A_323 = tpu.bitcast %and3A_322 : vector<16xi32> -> vector<16xf32>
        %add3A_324 = arith.addf %add3A_311, %bitcast_convert_type3A_323 : vector<16xf32>
        %get3A_325 = arith.constant 13 : i32
        %get3A_326 = arith.index_cast %get3A_325 : i32 to index
        %get3A_327 = arith.index_cast %mul3A_136 : i32 to index
        %get3A_328 = tpu.vector_load %arg8[%get3A_326, %get3A_327] {strides = array<i32>} : memref<40x128xi32, #tpu.memory_space<vmem>>, vector<1x16xi32>,
        %get3A_329 = vector.shape_cast %get3A_328 : vector<1x16xi32> to vector<16xi32>
        %shift_left3A_330 = arith.constant 16 : i32
        %shift_left3A_331 = vector.broadcast %shift_left3A_330 : i32 to vector<16xi32>
        %shift_left3A_332 = arith.shli %get3A_329, %shift_left3A_331 : vector<16xi32>
        %bitcast_convert_type3A_333 = tpu.bitcast %shift_left3A_332 : vector<16xi32> -> vector<16xf32>
        %add3A_334 = arith.addf %add3A_321, %bitcast_convert_type3A_333 : vector<16xf32>
        %and3A_335 = arith.andi %get3A_329, %broadcast_in_dim3A_1 : vector<16xi32>
        %bitcast_convert_type3A_336 = tpu.bitcast %and3A_335 : vector<16xi32> -> vector<16xf32>
        %add3A_337 = arith.addf %add3A_324, %bitcast_convert_type3A_336 : vector<16xf32>
        %get3A_338 = arith.constant 14 : i32
        %get3A_339 = arith.index_cast %get3A_338 : i32 to index
        %get3A_340 = arith.index_cast %mul3A_136 : i32 to index
        %get3A_341 = tpu.vector_load %arg8[%get3A_339, %get3A_340] {strides = array<i32>} : memref<40x128xi32, #tpu.memory_space<vmem>>, vector<1x16xi32>,
        %get3A_342 = vector.shape_cast %get3A_341 : vector<1x16xi32> to vector<16xi32>
        %shift_left3A_343 = arith.constant 16 : i32
        %shift_left3A_344 = vector.broadcast %shift_left3A_343 : i32 to vector<16xi32>
        %shift_left3A_345 = arith.shli %get3A_342, %shift_left3A_344 : vector<16xi32>
        %bitcast_convert_type3A_346 = tpu.bitcast %shift_left3A_345 : vector<16xi32> -> vector<16xf32>
        %add3A_347 = arith.addf %add3A_334, %bitcast_convert_type3A_346 : vector<16xf32>
        %and3A_348 = arith.andi %get3A_342, %broadcast_in_dim3A_1 : vector<16xi32>
        %bitcast_convert_type3A_349 = tpu.bitcast %and3A_348 : vector<16xi32> -> vector<16xf32>
        %add3A_350 = arith.addf %add3A_337, %bitcast_convert_type3A_349 : vector<16xf32>
        %get3A_351 = arith.constant 15 : i32
        %get3A_352 = arith.index_cast %get3A_351 : i32 to index
        %get3A_353 = arith.index_cast %mul3A_136 : i32 to index
        %get3A_354 = tpu.vector_load %arg8[%get3A_352, %get3A_353] {strides = array<i32>} : memref<40x128xi32, #tpu.memory_space<vmem>>, vector<1x16xi32>,
        %get3A_355 = vector.shape_cast %get3A_354 : vector<1x16xi32> to vector<16xi32>
        %shift_left3A_356 = arith.constant 16 : i32
        %shift_left3A_357 = vector.broadcast %shift_left3A_356 : i32 to vector<16xi32>
        %shift_left3A_358 = arith.shli %get3A_355, %shift_left3A_357 : vector<16xi32>
        %bitcast_convert_type3A_359 = tpu.bitcast %shift_left3A_358 : vector<16xi32> -> vector<16xf32>
        %add3A_360 = arith.addf %add3A_347, %bitcast_convert_type3A_359 : vector<16xf32>
        %and3A_361 = arith.andi %get3A_355, %broadcast_in_dim3A_1 : vector<16xi32>
        %bitcast_convert_type3A_362 = tpu.bitcast %and3A_361 : vector<16xi32> -> vector<16xf32>
        %add3A_363 = arith.addf %add3A_350, %bitcast_convert_type3A_362 : vector<16xf32>
        %get3A_364 = arith.constant 16 : i32
        %get3A_365 = arith.index_cast %get3A_364 : i32 to index
        %get3A_366 = arith.index_cast %mul3A_136 : i32 to index
        %get3A_367 = tpu.vector_load %arg8[%get3A_365, %get3A_366] {strides = array<i32>} : memref<40x128xi32, #tpu.memory_space<vmem>>, vector<1x16xi32>,
        %get3A_368 = vector.shape_cast %get3A_367 : vector<1x16xi32> to vector<16xi32>
        %shift_left3A_369 = arith.constant 16 : i32
        %shift_left3A_370 = vector.broadcast %shift_left3A_369 : i32 to vector<16xi32>
        %shift_left3A_371 = arith.shli %get3A_368, %shift_left3A_370 : vector<16xi32>
        %bitcast_convert_type3A_372 = tpu.bitcast %shift_left3A_371 : vector<16xi32> -> vector<16xf32>
        %add3A_373 = arith.addf %add3A_360, %bitcast_convert_type3A_372 : vector<16xf32>
        %and3A_374 = arith.andi %get3A_368, %broadcast_in_dim3A_1 : vector<16xi32>
        %bitcast_convert_type3A_375 = tpu.bitcast %and3A_374 : vector<16xi32> -> vector<16xf32>
        %add3A_376 = arith.addf %add3A_363, %bitcast_convert_type3A_375 : vector<16xf32>
        %get3A_377 = arith.constant 17 : i32
        %get3A_378 = arith.index_cast %get3A_377 : i32 to index
        %get3A_379 = arith.index_cast %mul3A_136 : i32 to index
        %get3A_380 = tpu.vector_load %arg8[%get3A_378, %get3A_379] {strides = array<i32>} : memref<40x128xi32, #tpu.memory_space<vmem>>, vector<1x16xi32>,
        %get3A_381 = vector.shape_cast %get3A_380 : vector<1x16xi32> to vector<16xi32>
        %shift_left3A_382 = arith.constant 16 : i32
        %shift_left3A_383 = vector.broadcast %shift_left3A_382 : i32 to vector<16xi32>
        %shift_left3A_384 = arith.shli %get3A_381, %shift_left3A_383 : vector<16xi32>
        %bitcast_convert_type3A_385 = tpu.bitcast %shift_left3A_384 : vector<16xi32> -> vector<16xf32>
        %add3A_386 = arith.addf %add3A_373, %bitcast_convert_type3A_385 : vector<16xf32>
        %and3A_387 = arith.andi %get3A_381, %broadcast_in_dim3A_1 : vector<16xi32>
        %bitcast_convert_type3A_388 = tpu.bitcast %and3A_387 : vector<16xi32> -> vector<16xf32>
        %add3A_389 = arith.addf %add3A_376, %bitcast_convert_type3A_388 : vector<16xf32>
        %mul3A_390 = arith.constant 4 : i32
        %mul3A_391 = arith.muli %add3A_114, %mul3A_390 : i32
        %add3A_392 = arith.constant 1 : i32
        %add3A_393 = arith.addi %mul3A_391, %add3A_392 : i32
        %get3A_394 = arith.index_cast %add3A_393 : i32 to index
        %get3A_395 = arith.index_cast %mul3A_136 : i32 to index
        %get3A_396 = tpu.vector_load %arg9[%get3A_394, %get3A_395] {strides = array<i32>} : memref<128x256xf32, #tpu.memory_space<vmem>>, vector<1x16xf32>,
        %get3A_397 = vector.shape_cast %get3A_396 : vector<1x16xf32> to vector<16xf32>
        %add3A_398 = arith.addf %add3A_386, %get3A_397 : vector<16xf32>
        %get3A_399 = arith.index_cast %add3A_393 : i32 to index
        %get3A_400 = arith.index_cast %add3A_140 : i32 to index
        %get3A_401 = tpu.vector_load %arg9[%get3A_399, %get3A_400] {strides = array<i32>} : memref<128x256xf32, #tpu.memory_space<vmem>>, vector<1x16xf32>,
        %get3A_402 = vector.shape_cast %get3A_401 : vector<1x16xf32> to vector<16xf32>
        %add3A_403 = arith.addf %add3A_389, %get3A_402 : vector<16xf32>
        %swap3A_404 = arith.index_cast %add3A_393 : i32 to index
        %swap3A_405 = arith.index_cast %mul3A_136 : i32 to index
        %swap3A_406 = tpu.vector_load %arg9[%swap3A_404, %swap3A_405] {strides = array<i32>} : memref<128x256xf32, #tpu.memory_space<vmem>>, vector<1x16xf32>,
        %swap3A_407 = vector.shape_cast %swap3A_406 : vector<1x16xf32> to vector<16xf32>
        %swap3A_408 = vector.shape_cast %add3A_398 : vector<16xf32> to vector<1x16xf32>
        tpu.vector_store %arg9[%swap3A_404, %swap3A_405], %swap3A_408 {strides = array<i32>} : memref<128x256xf32, #tpu.memory_space<vmem>>, vector<1x16xf32>,
        %swap3A_409 = arith.index_cast %add3A_393 : i32 to index
        %swap3A_410 = arith.index_cast %add3A_140 : i32 to index
        %swap3A_411 = tpu.vector_load %arg9[%swap3A_409, %swap3A_410] {strides = array<i32>} : memref<128x256xf32, #tpu.memory_space<vmem>>, vector<1x16xf32>,
        %swap3A_412 = vector.shape_cast %swap3A_411 : vector<1x16xf32> to vector<16xf32>
        %swap3A_413 = vector.shape_cast %add3A_403 : vector<16xf32> to vector<1x16xf32>
        tpu.vector_store %arg9[%swap3A_409, %swap3A_410], %swap3A_413 {strides = array<i32>} : memref<128x256xf32, #tpu.memory_space<vmem>>, vector<1x16xf32>,
        %get3A_414 = arith.constant 18 : i32
        %get3A_415 = arith.index_cast %get3A_414 : i32 to index
        %get3A_416 = arith.index_cast %mul3A_136 : i32 to index
        %get3A_417 = tpu.vector_load %arg8[%get3A_415, %get3A_416] {strides = array<i32>} : memref<40x128xi32, #tpu.memory_space<vmem>>, vector<1x16xi32>,
        %get3A_418 = vector.shape_cast %get3A_417 : vector<1x16xi32> to vector<16xi32>
        %shift_left3A_419 = arith.constant 16 : i32
        %shift_left3A_420 = vector.broadcast %shift_left3A_419 : i32 to vector<16xi32>
        %shift_left3A_421 = arith.shli %get3A_418, %shift_left3A_420 : vector<16xi32>
        %bitcast_convert_type3A_422 = tpu.bitcast %shift_left3A_421 : vector<16xi32> -> vector<16xf32>
        %and3A_423 = arith.andi %get3A_418, %broadcast_in_dim3A_1 : vector<16xi32>
        %bitcast_convert_type3A_424 = tpu.bitcast %and3A_423 : vector<16xi32> -> vector<16xf32>
        %get3A_425 = arith.constant 19 : i32
        %get3A_426 = arith.index_cast %get3A_425 : i32 to index
        %get3A_427 = arith.index_cast %mul3A_136 : i32 to index
        %get3A_428 = tpu.vector_load %arg8[%get3A_426, %get3A_427] {strides = array<i32>} : memref<40x128xi32, #tpu.memory_space<vmem>>, vector<1x16xi32>,
        %get3A_429 = vector.shape_cast %get3A_428 : vector<1x16xi32> to vector<16xi32>
        %shift_left3A_430 = arith.constant 16 : i32
        %shift_left3A_431 = vector.broadcast %shift_left3A_430 : i32 to vector<16xi32>
        %shift_left3A_432 = arith.shli %get3A_429, %shift_left3A_431 : vector<16xi32>
        %bitcast_convert_type3A_433 = tpu.bitcast %shift_left3A_432 : vector<16xi32> -> vector<16xf32>
        %add3A_434 = arith.addf %bitcast_convert_type3A_422, %bitcast_convert_type3A_433 : vector<16xf32>
        %and3A_435 = arith.andi %get3A_429, %broadcast_in_dim3A_1 : vector<16xi32>
        %bitcast_convert_type3A_436 = tpu.bitcast %and3A_435 : vector<16xi32> -> vector<16xf32>
        %add3A_437 = arith.addf %bitcast_convert_type3A_424, %bitcast_convert_type3A_436 : vector<16xf32>
        %get3A_438 = arith.constant 20 : i32
        %get3A_439 = arith.index_cast %get3A_438 : i32 to index
        %get3A_440 = arith.index_cast %mul3A_136 : i32 to index
        %get3A_441 = tpu.vector_load %arg8[%get3A_439, %get3A_440] {strides = array<i32>} : memref<40x128xi32, #tpu.memory_space<vmem>>, vector<1x16xi32>,
        %get3A_442 = vector.shape_cast %get3A_441 : vector<1x16xi32> to vector<16xi32>
        %shift_left3A_443 = arith.constant 16 : i32
        %shift_left3A_444 = vector.broadcast %shift_left3A_443 : i32 to vector<16xi32>
        %shift_left3A_445 = arith.shli %get3A_442, %shift_left3A_444 : vector<16xi32>
        %bitcast_convert_type3A_446 = tpu.bitcast %shift_left3A_445 : vector<16xi32> -> vector<16xf32>
        %add3A_447 = arith.addf %add3A_434, %bitcast_convert_type3A_446 : vector<16xf32>
        %and3A_448 = arith.andi %get3A_442, %broadcast_in_dim3A_1 : vector<16xi32>
        %bitcast_convert_type3A_449 = tpu.bitcast %and3A_448 : vector<16xi32> -> vector<16xf32>
        %add3A_450 = arith.addf %add3A_437, %bitcast_convert_type3A_449 : vector<16xf32>
        %get3A_451 = arith.constant 21 : i32
        %get3A_452 = arith.index_cast %get3A_451 : i32 to index
        %get3A_453 = arith.index_cast %mul3A_136 : i32 to index
        %get3A_454 = tpu.vector_load %arg8[%get3A_452, %get3A_453] {strides = array<i32>} : memref<40x128xi32, #tpu.memory_space<vmem>>, vector<1x16xi32>,
        %get3A_455 = vector.shape_cast %get3A_454 : vector<1x16xi32> to vector<16xi32>
        %shift_left3A_456 = arith.constant 16 : i32
        %shift_left3A_457 = vector.broadcast %shift_left3A_456 : i32 to vector<16xi32>
        %shift_left3A_458 = arith.shli %get3A_455, %shift_left3A_457 : vector<16xi32>
        %bitcast_convert_type3A_459 = tpu.bitcast %shift_left3A_458 : vector<16xi32> -> vector<16xf32>
        %add3A_460 = arith.addf %add3A_447, %bitcast_convert_type3A_459 : vector<16xf32>
        %and3A_461 = arith.andi %get3A_455, %broadcast_in_dim3A_1 : vector<16xi32>
        %bitcast_convert_type3A_462 = tpu.bitcast %and3A_461 : vector<16xi32> -> vector<16xf32>
        %add3A_463 = arith.addf %add3A_450, %bitcast_convert_type3A_462 : vector<16xf32>
        %get3A_464 = arith.constant 22 : i32
        %get3A_465 = arith.index_cast %get3A_464 : i32 to index
        %get3A_466 = arith.index_cast %mul3A_136 : i32 to index
        %get3A_467 = tpu.vector_load %arg8[%get3A_465, %get3A_466] {strides = array<i32>} : memref<40x128xi32, #tpu.memory_space<vmem>>, vector<1x16xi32>,
        %get3A_468 = vector.shape_cast %get3A_467 : vector<1x16xi32> to vector<16xi32>
        %shift_left3A_469 = arith.constant 16 : i32
        %shift_left3A_470 = vector.broadcast %shift_left3A_469 : i32 to vector<16xi32>
        %shift_left3A_471 = arith.shli %get3A_468, %shift_left3A_470 : vector<16xi32>
        %bitcast_convert_type3A_472 = tpu.bitcast %shift_left3A_471 : vector<16xi32> -> vector<16xf32>
        %add3A_473 = arith.addf %add3A_460, %bitcast_convert_type3A_472 : vector<16xf32>
        %and3A_474 = arith.andi %get3A_468, %broadcast_in_dim3A_1 : vector<16xi32>
        %bitcast_convert_type3A_475 = tpu.bitcast %and3A_474 : vector<16xi32> -> vector<16xf32>
        %add3A_476 = arith.addf %add3A_463, %bitcast_convert_type3A_475 : vector<16xf32>
        %get3A_477 = arith.constant 23 : i32
        %get3A_478 = arith.index_cast %get3A_477 : i32 to index
        %get3A_479 = arith.index_cast %mul3A_136 : i32 to index
        %get3A_480 = tpu.vector_load %arg8[%get3A_478, %get3A_479] {strides = array<i32>} : memref<40x128xi32, #tpu.memory_space<vmem>>, vector<1x16xi32>,
        %get3A_481 = vector.shape_cast %get3A_480 : vector<1x16xi32> to vector<16xi32>
        %shift_left3A_482 = arith.constant 16 : i32
        %shift_left3A_483 = vector.broadcast %shift_left3A_482 : i32 to vector<16xi32>
        %shift_left3A_484 = arith.shli %get3A_481, %shift_left3A_483 : vector<16xi32>
        %bitcast_convert_type3A_485 = tpu.bitcast %shift_left3A_484 : vector<16xi32> -> vector<16xf32>
        %add3A_486 = arith.addf %add3A_473, %bitcast_convert_type3A_485 : vector<16xf32>
        %and3A_487 = arith.andi %get3A_481, %broadcast_in_dim3A_1 : vector<16xi32>
        %bitcast_convert_type3A_488 = tpu.bitcast %and3A_487 : vector<16xi32> -> vector<16xf32>
        %add3A_489 = arith.addf %add3A_476, %bitcast_convert_type3A_488 : vector<16xf32>
        %get3A_490 = arith.constant 24 : i32
        %get3A_491 = arith.index_cast %get3A_490 : i32 to index
        %get3A_492 = arith.index_cast %mul3A_136 : i32 to index
        %get3A_493 = tpu.vector_load %arg8[%get3A_491, %get3A_492] {strides = array<i32>} : memref<40x128xi32, #tpu.memory_space<vmem>>, vector<1x16xi32>,
        %get3A_494 = vector.shape_cast %get3A_493 : vector<1x16xi32> to vector<16xi32>
        %shift_left3A_495 = arith.constant 16 : i32
        %shift_left3A_496 = vector.broadcast %shift_left3A_495 : i32 to vector<16xi32>
        %shift_left3A_497 = arith.shli %get3A_494, %shift_left3A_496 : vector<16xi32>
        %bitcast_convert_type3A_498 = tpu.bitcast %shift_left3A_497 : vector<16xi32> -> vector<16xf32>
        %add3A_499 = arith.addf %add3A_486, %bitcast_convert_type3A_498 : vector<16xf32>
        %and3A_500 = arith.andi %get3A_494, %broadcast_in_dim3A_1 : vector<16xi32>
        %bitcast_convert_type3A_501 = tpu.bitcast %and3A_500 : vector<16xi32> -> vector<16xf32>
        %add3A_502 = arith.addf %add3A_489, %bitcast_convert_type3A_501 : vector<16xf32>
        %get3A_503 = arith.constant 25 : i32
        %get3A_504 = arith.index_cast %get3A_503 : i32 to index
        %get3A_505 = arith.index_cast %mul3A_136 : i32 to index
        %get3A_506 = tpu.vector_load %arg8[%get3A_504, %get3A_505] {strides = array<i32>} : memref<40x128xi32, #tpu.memory_space<vmem>>, vector<1x16xi32>,
        %get3A_507 = vector.shape_cast %get3A_506 : vector<1x16xi32> to vector<16xi32>
        %shift_left3A_508 = arith.constant 16 : i32
        %shift_left3A_509 = vector.broadcast %shift_left3A_508 : i32 to vector<16xi32>
        %shift_left3A_510 = arith.shli %get3A_507, %shift_left3A_509 : vector<16xi32>
        %bitcast_convert_type3A_511 = tpu.bitcast %shift_left3A_510 : vector<16xi32> -> vector<16xf32>
        %add3A_512 = arith.addf %add3A_499, %bitcast_convert_type3A_511 : vector<16xf32>
        %and3A_513 = arith.andi %get3A_507, %broadcast_in_dim3A_1 : vector<16xi32>
        %bitcast_convert_type3A_514 = tpu.bitcast %and3A_513 : vector<16xi32> -> vector<16xf32>
        %add3A_515 = arith.addf %add3A_502, %bitcast_convert_type3A_514 : vector<16xf32>
        %get3A_516 = arith.constant 26 : i32
        %get3A_517 = arith.index_cast %get3A_516 : i32 to index
        %get3A_518 = arith.index_cast %mul3A_136 : i32 to index
        %get3A_519 = tpu.vector_load %arg8[%get3A_517, %get3A_518] {strides = array<i32>} : memref<40x128xi32, #tpu.memory_space<vmem>>, vector<1x16xi32>,
        %get3A_520 = vector.shape_cast %get3A_519 : vector<1x16xi32> to vector<16xi32>
        %shift_left3A_521 = arith.constant 16 : i32
        %shift_left3A_522 = vector.broadcast %shift_left3A_521 : i32 to vector<16xi32>
        %shift_left3A_523 = arith.shli %get3A_520, %shift_left3A_522 : vector<16xi32>
        %bitcast_convert_type3A_524 = tpu.bitcast %shift_left3A_523 : vector<16xi32> -> vector<16xf32>
        %add3A_525 = arith.addf %add3A_512, %bitcast_convert_type3A_524 : vector<16xf32>
        %and3A_526 = arith.andi %get3A_520, %broadcast_in_dim3A_1 : vector<16xi32>
        %bitcast_convert_type3A_527 = tpu.bitcast %and3A_526 : vector<16xi32> -> vector<16xf32>
        %add3A_528 = arith.addf %add3A_515, %bitcast_convert_type3A_527 : vector<16xf32>
        %mul3A_529 = arith.constant 4 : i32
        %mul3A_530 = arith.muli %add3A_114, %mul3A_529 : i32
        %add3A_531 = arith.constant 2 : i32
        %add3A_532 = arith.addi %mul3A_530, %add3A_531 : i32
        %get3A_533 = arith.index_cast %add3A_532 : i32 to index
        %get3A_534 = arith.index_cast %mul3A_136 : i32 to index
        %get3A_535 = tpu.vector_load %arg9[%get3A_533, %get3A_534] {strides = array<i32>} : memref<128x256xf32, #tpu.memory_space<vmem>>, vector<1x16xf32>,
        %get3A_536 = vector.shape_cast %get3A_535 : vector<1x16xf32> to vector<16xf32>
        %add3A_537 = arith.addf %add3A_525, %get3A_536 : vector<16xf32>
        %get3A_538 = arith.index_cast %add3A_532 : i32 to index
        %get3A_539 = arith.index_cast %add3A_140 : i32 to index
        %get3A_540 = tpu.vector_load %arg9[%get3A_538, %get3A_539] {strides = array<i32>} : memref<128x256xf32, #tpu.memory_space<vmem>>, vector<1x16xf32>,
        %get3A_541 = vector.shape_cast %get3A_540 : vector<1x16xf32> to vector<16xf32>
        %add3A_542 = arith.addf %add3A_528, %get3A_541 : vector<16xf32>
        %swap3A_543 = arith.index_cast %add3A_532 : i32 to index
        %swap3A_544 = arith.index_cast %mul3A_136 : i32 to index
        %swap3A_545 = tpu.vector_load %arg9[%swap3A_543, %swap3A_544] {strides = array<i32>} : memref<128x256xf32, #tpu.memory_space<vmem>>, vector<1x16xf32>,
        %swap3A_546 = vector.shape_cast %swap3A_545 : vector<1x16xf32> to vector<16xf32>
        %swap3A_547 = vector.shape_cast %add3A_537 : vector<16xf32> to vector<1x16xf32>
        tpu.vector_store %arg9[%swap3A_543, %swap3A_544], %swap3A_547 {strides = array<i32>} : memref<128x256xf32, #tpu.memory_space<vmem>>, vector<1x16xf32>,
        %swap3A_548 = arith.index_cast %add3A_532 : i32 to index
        %swap3A_549 = arith.index_cast %add3A_140 : i32 to index
        %swap3A_550 = tpu.vector_load %arg9[%swap3A_548, %swap3A_549] {strides = array<i32>} : memref<128x256xf32, #tpu.memory_space<vmem>>, vector<1x16xf32>,
        %swap3A_551 = vector.shape_cast %swap3A_550 : vector<1x16xf32> to vector<16xf32>
        %swap3A_552 = vector.shape_cast %add3A_542 : vector<16xf32> to vector<1x16xf32>
        tpu.vector_store %arg9[%swap3A_548, %swap3A_549], %swap3A_552 {strides = array<i32>} : memref<128x256xf32, #tpu.memory_space<vmem>>, vector<1x16xf32>,
        %get3A_553 = arith.constant 27 : i32
        %get3A_554 = arith.index_cast %get3A_553 : i32 to index
        %get3A_555 = arith.index_cast %mul3A_136 : i32 to index
        %get3A_556 = tpu.vector_load %arg8[%get3A_554, %get3A_555] {strides = array<i32>} : memref<40x128xi32, #tpu.memory_space<vmem>>, vector<1x16xi32>,
        %get3A_557 = vector.shape_cast %get3A_556 : vector<1x16xi32> to vector<16xi32>
        %shift_left3A_558 = arith.constant 16 : i32
        %shift_left3A_559 = vector.broadcast %shift_left3A_558 : i32 to vector<16xi32>
        %shift_left3A_560 = arith.shli %get3A_557, %shift_left3A_559 : vector<16xi32>
        %bitcast_convert_type3A_561 = tpu.bitcast %shift_left3A_560 : vector<16xi32> -> vector<16xf32>
        %and3A_562 = arith.andi %get3A_557, %broadcast_in_dim3A_1 : vector<16xi32>
        %bitcast_convert_type3A_563 = tpu.bitcast %and3A_562 : vector<16xi32> -> vector<16xf32>
        %get3A_564 = arith.constant 28 : i32
        %get3A_565 = arith.index_cast %get3A_564 : i32 to index
        %get3A_566 = arith.index_cast %mul3A_136 : i32 to index
        %get3A_567 = tpu.vector_load %arg8[%get3A_565, %get3A_566] {strides = array<i32>} : memref<40x128xi32, #tpu.memory_space<vmem>>, vector<1x16xi32>,
        %get3A_568 = vector.shape_cast %get3A_567 : vector<1x16xi32> to vector<16xi32>
        %shift_left3A_569 = arith.constant 16 : i32
        %shift_left3A_570 = vector.broadcast %shift_left3A_569 : i32 to vector<16xi32>
        %shift_left3A_571 = arith.shli %get3A_568, %shift_left3A_570 : vector<16xi32>
        %bitcast_convert_type3A_572 = tpu.bitcast %shift_left3A_571 : vector<16xi32> -> vector<16xf32>
        %add3A_573 = arith.addf %bitcast_convert_type3A_561, %bitcast_convert_type3A_572 : vector<16xf32>
        %and3A_574 = arith.andi %get3A_568, %broadcast_in_dim3A_1 : vector<16xi32>
        %bitcast_convert_type3A_575 = tpu.bitcast %and3A_574 : vector<16xi32> -> vector<16xf32>
        %add3A_576 = arith.addf %bitcast_convert_type3A_563, %bitcast_convert_type3A_575 : vector<16xf32>
        %get3A_577 = arith.constant 29 : i32
        %get3A_578 = arith.index_cast %get3A_577 : i32 to index
        %get3A_579 = arith.index_cast %mul3A_136 : i32 to index
        %get3A_580 = tpu.vector_load %arg8[%get3A_578, %get3A_579] {strides = array<i32>} : memref<40x128xi32, #tpu.memory_space<vmem>>, vector<1x16xi32>,
        %get3A_581 = vector.shape_cast %get3A_580 : vector<1x16xi32> to vector<16xi32>
        %shift_left3A_582 = arith.constant 16 : i32
        %shift_left3A_583 = vector.broadcast %shift_left3A_582 : i32 to vector<16xi32>
        %shift_left3A_584 = arith.shli %get3A_581, %shift_left3A_583 : vector<16xi32>
        %bitcast_convert_type3A_585 = tpu.bitcast %shift_left3A_584 : vector<16xi32> -> vector<16xf32>
        %add3A_586 = arith.addf %add3A_573, %bitcast_convert_type3A_585 : vector<16xf32>
        %and3A_587 = arith.andi %get3A_581, %broadcast_in_dim3A_1 : vector<16xi32>
        %bitcast_convert_type3A_588 = tpu.bitcast %and3A_587 : vector<16xi32> -> vector<16xf32>
        %add3A_589 = arith.addf %add3A_576, %bitcast_convert_type3A_588 : vector<16xf32>
        %get3A_590 = arith.constant 30 : i32
        %get3A_591 = arith.index_cast %get3A_590 : i32 to index
        %get3A_592 = arith.index_cast %mul3A_136 : i32 to index
        %get3A_593 = tpu.vector_load %arg8[%get3A_591, %get3A_592] {strides = array<i32>} : memref<40x128xi32, #tpu.memory_space<vmem>>, vector<1x16xi32>,
        %get3A_594 = vector.shape_cast %get3A_593 : vector<1x16xi32> to vector<16xi32>
        %shift_left3A_595 = arith.constant 16 : i32
        %shift_left3A_596 = vector.broadcast %shift_left3A_595 : i32 to vector<16xi32>
        %shift_left3A_597 = arith.shli %get3A_594, %shift_left3A_596 : vector<16xi32>
        %bitcast_convert_type3A_598 = tpu.bitcast %shift_left3A_597 : vector<16xi32> -> vector<16xf32>
        %add3A_599 = arith.addf %add3A_586, %bitcast_convert_type3A_598 : vector<16xf32>
        %and3A_600 = arith.andi %get3A_594, %broadcast_in_dim3A_1 : vector<16xi32>
        %bitcast_convert_type3A_601 = tpu.bitcast %and3A_600 : vector<16xi32> -> vector<16xf32>
        %add3A_602 = arith.addf %add3A_589, %bitcast_convert_type3A_601 : vector<16xf32>
        %get3A_603 = arith.constant 31 : i32
        %get3A_604 = arith.index_cast %get3A_603 : i32 to index
        %get3A_605 = arith.index_cast %mul3A_136 : i32 to index
        %get3A_606 = tpu.vector_load %arg8[%get3A_604, %get3A_605] {strides = array<i32>} : memref<40x128xi32, #tpu.memory_space<vmem>>, vector<1x16xi32>,
        %get3A_607 = vector.shape_cast %get3A_606 : vector<1x16xi32> to vector<16xi32>
        %shift_left3A_608 = arith.constant 16 : i32
        %shift_left3A_609 = vector.broadcast %shift_left3A_608 : i32 to vector<16xi32>
        %shift_left3A_610 = arith.shli %get3A_607, %shift_left3A_609 : vector<16xi32>
        %bitcast_convert_type3A_611 = tpu.bitcast %shift_left3A_610 : vector<16xi32> -> vector<16xf32>
        %add3A_612 = arith.addf %add3A_599, %bitcast_convert_type3A_611 : vector<16xf32>
        %and3A_613 = arith.andi %get3A_607, %broadcast_in_dim3A_1 : vector<16xi32>
        %bitcast_convert_type3A_614 = tpu.bitcast %and3A_613 : vector<16xi32> -> vector<16xf32>
        %add3A_615 = arith.addf %add3A_602, %bitcast_convert_type3A_614 : vector<16xf32>
        %get3A_616 = arith.constant 32 : i32
        %get3A_617 = arith.index_cast %get3A_616 : i32 to index
        %get3A_618 = arith.index_cast %mul3A_136 : i32 to index
        %get3A_619 = tpu.vector_load %arg8[%get3A_617, %get3A_618] {strides = array<i32>} : memref<40x128xi32, #tpu.memory_space<vmem>>, vector<1x16xi32>,
        %get3A_620 = vector.shape_cast %get3A_619 : vector<1x16xi32> to vector<16xi32>
        %shift_left3A_621 = arith.constant 16 : i32
        %shift_left3A_622 = vector.broadcast %shift_left3A_621 : i32 to vector<16xi32>
        %shift_left3A_623 = arith.shli %get3A_620, %shift_left3A_622 : vector<16xi32>
        %bitcast_convert_type3A_624 = tpu.bitcast %shift_left3A_623 : vector<16xi32> -> vector<16xf32>
        %add3A_625 = arith.addf %add3A_612, %bitcast_convert_type3A_624 : vector<16xf32>
        %and3A_626 = arith.andi %get3A_620, %broadcast_in_dim3A_1 : vector<16xi32>
        %bitcast_convert_type3A_627 = tpu.bitcast %and3A_626 : vector<16xi32> -> vector<16xf32>
        %add3A_628 = arith.addf %add3A_615, %bitcast_convert_type3A_627 : vector<16xf32>
        %get3A_629 = arith.constant 33 : i32
        %get3A_630 = arith.index_cast %get3A_629 : i32 to index
        %get3A_631 = arith.index_cast %mul3A_136 : i32 to index
        %get3A_632 = tpu.vector_load %arg8[%get3A_630, %get3A_631] {strides = array<i32>} : memref<40x128xi32, #tpu.memory_space<vmem>>, vector<1x16xi32>,
        %get3A_633 = vector.shape_cast %get3A_632 : vector<1x16xi32> to vector<16xi32>
        %shift_left3A_634 = arith.constant 16 : i32
        %shift_left3A_635 = vector.broadcast %shift_left3A_634 : i32 to vector<16xi32>
        %shift_left3A_636 = arith.shli %get3A_633, %shift_left3A_635 : vector<16xi32>
        %bitcast_convert_type3A_637 = tpu.bitcast %shift_left3A_636 : vector<16xi32> -> vector<16xf32>
        %add3A_638 = arith.addf %add3A_625, %bitcast_convert_type3A_637 : vector<16xf32>
        %and3A_639 = arith.andi %get3A_633, %broadcast_in_dim3A_1 : vector<16xi32>
        %bitcast_convert_type3A_640 = tpu.bitcast %and3A_639 : vector<16xi32> -> vector<16xf32>
        %add3A_641 = arith.addf %add3A_628, %bitcast_convert_type3A_640 : vector<16xf32>
        %get3A_642 = arith.constant 34 : i32
        %get3A_643 = arith.index_cast %get3A_642 : i32 to index
        %get3A_644 = arith.index_cast %mul3A_136 : i32 to index
        %get3A_645 = tpu.vector_load %arg8[%get3A_643, %get3A_644] {strides = array<i32>} : memref<40x128xi32, #tpu.memory_space<vmem>>, vector<1x16xi32>,
        %get3A_646 = vector.shape_cast %get3A_645 : vector<1x16xi32> to vector<16xi32>
        %shift_left3A_647 = arith.constant 16 : i32
        %shift_left3A_648 = vector.broadcast %shift_left3A_647 : i32 to vector<16xi32>
        %shift_left3A_649 = arith.shli %get3A_646, %shift_left3A_648 : vector<16xi32>
        %bitcast_convert_type3A_650 = tpu.bitcast %shift_left3A_649 : vector<16xi32> -> vector<16xf32>
        %add3A_651 = arith.addf %add3A_638, %bitcast_convert_type3A_650 : vector<16xf32>
        %and3A_652 = arith.andi %get3A_646, %broadcast_in_dim3A_1 : vector<16xi32>
        %bitcast_convert_type3A_653 = tpu.bitcast %and3A_652 : vector<16xi32> -> vector<16xf32>
        %add3A_654 = arith.addf %add3A_641, %bitcast_convert_type3A_653 : vector<16xf32>
        %get3A_655 = arith.constant 35 : i32
        %get3A_656 = arith.index_cast %get3A_655 : i32 to index
        %get3A_657 = arith.index_cast %mul3A_136 : i32 to index
        %get3A_658 = tpu.vector_load %arg8[%get3A_656, %get3A_657] {strides = array<i32>} : memref<40x128xi32, #tpu.memory_space<vmem>>, vector<1x16xi32>,
        %get3A_659 = vector.shape_cast %get3A_658 : vector<1x16xi32> to vector<16xi32>
        %shift_left3A_660 = arith.constant 16 : i32
        %shift_left3A_661 = vector.broadcast %shift_left3A_660 : i32 to vector<16xi32>
        %shift_left3A_662 = arith.shli %get3A_659, %shift_left3A_661 : vector<16xi32>
        %bitcast_convert_type3A_663 = tpu.bitcast %shift_left3A_662 : vector<16xi32> -> vector<16xf32>
        %add3A_664 = arith.addf %add3A_651, %bitcast_convert_type3A_663 : vector<16xf32>
        %and3A_665 = arith.andi %get3A_659, %broadcast_in_dim3A_1 : vector<16xi32>
        %bitcast_convert_type3A_666 = tpu.bitcast %and3A_665 : vector<16xi32> -> vector<16xf32>
        %add3A_667 = arith.addf %add3A_654, %bitcast_convert_type3A_666 : vector<16xf32>
        %mul3A_668 = arith.constant 4 : i32
        %mul3A_669 = arith.muli %add3A_114, %mul3A_668 : i32
        %add3A_670 = arith.constant 3 : i32
        %add3A_671 = arith.addi %mul3A_669, %add3A_670 : i32
        %get3A_672 = arith.index_cast %add3A_671 : i32 to index
        %get3A_673 = arith.index_cast %mul3A_136 : i32 to index
        %get3A_674 = tpu.vector_load %arg9[%get3A_672, %get3A_673] {strides = array<i32>} : memref<128x256xf32, #tpu.memory_space<vmem>>, vector<1x16xf32>,
        %get3A_675 = vector.shape_cast %get3A_674 : vector<1x16xf32> to vector<16xf32>
        %add3A_676 = arith.addf %add3A_664, %get3A_675 : vector<16xf32>
        %get3A_677 = arith.index_cast %add3A_671 : i32 to index
        %get3A_678 = arith.index_cast %add3A_140 : i32 to index
        %get3A_679 = tpu.vector_load %arg9[%get3A_677, %get3A_678] {strides = array<i32>} : memref<128x256xf32, #tpu.memory_space<vmem>>, vector<1x16xf32>,
        %get3A_680 = vector.shape_cast %get3A_679 : vector<1x16xf32> to vector<16xf32>
        %add3A_681 = arith.addf %add3A_667, %get3A_680 : vector<16xf32>
        %swap3A_682 = arith.index_cast %add3A_671 : i32 to index
        %swap3A_683 = arith.index_cast %mul3A_136 : i32 to index
        %swap3A_684 = tpu.vector_load %arg9[%swap3A_682, %swap3A_683] {strides = array<i32>} : memref<128x256xf32, #tpu.memory_space<vmem>>, vector<1x16xf32>,
        %swap3A_685 = vector.shape_cast %swap3A_684 : vector<1x16xf32> to vector<16xf32>
        %swap3A_686 = vector.shape_cast %add3A_676 : vector<16xf32> to vector<1x16xf32>
        tpu.vector_store %arg9[%swap3A_682, %swap3A_683], %swap3A_686 {strides = array<i32>} : memref<128x256xf32, #tpu.memory_space<vmem>>, vector<1x16xf32>,
        %swap3A_687 = arith.index_cast %add3A_671 : i32 to index
        %swap3A_688 = arith.index_cast %add3A_140 : i32 to index
        %swap3A_689 = tpu.vector_load %arg9[%swap3A_687, %swap3A_688] {strides = array<i32>} : memref<128x256xf32, #tpu.memory_space<vmem>>, vector<1x16xf32>,
        %swap3A_690 = vector.shape_cast %swap3A_689 : vector<1x16xf32> to vector<16xf32>
        %swap3A_691 = vector.shape_cast %add3A_681 : vector<16xf32> to vector<1x16xf32>
        tpu.vector_store %arg9[%swap3A_687, %swap3A_688], %swap3A_691 {strides = array<i32>} : memref<128x256xf32, #tpu.memory_space<vmem>>, vector<1x16xf32>,
      }
      %scan3A_126 = arith.constant 8 : i32
      %add3A_127 = arith.constant 2 : i32
      %add3A_128 = arith.addi %add3A_114, %add3A_127 : i32
      %lt3A_129 = arith.constant 32 : i32
      %lt3A_130 = arith.cmpi slt, %add3A_128, %lt3A_129 : i32
      %convert_element_type3A_131 = arith.extui %lt3A_130 : i1 to i32
      %cond3A_132 = arith.constant 0 : i32
      %cond3A_133 = arith.cmpi ne, %convert_element_type3A_131, %cond3A_132 : i32
      scf.if %cond3A_133 {
        %add3A_134 = arith.constant 2 : i32
        %add3A_135 = arith.addi %add3A_114, %add3A_134 : i32
        %dma_start3A_136 = arith.constant 0 : i32
        %dma_start3A_137 = tpu.memref_slice %arg6[%add3A_135, %dma_start3A_136] : memref<32x40xi32, #tpu.memory_space<vmem>> -> memref<1x40xi32, #tpu.memory_space<vmem>>
        %dma_start3A_138 = tpu.memref_squeeze %dma_start3A_137 : memref<1x40xi32, #tpu.memory_space<vmem>> -> memref<40xi32, #tpu.memory_space<vmem>>
        %dma_start3A_139 = arith.constant 0 : i32
        %dma_start3A_140 = arith.constant 0 : i32
        %dma_start3A_141 = tpu.memref_slice %arg10[%dma_start3A_139, %dma_start3A_140] : memref<10000x128xi32, #tpu.memory_space<vmem_shared>> -> memref<10000x128xi32, #tpu.memory_space<vmem_shared>>
        tpu.enqueue_indirect_dma source(%dma_start3A_141 : memref<10000x128xi32, #tpu.memory_space<vmem_shared>>) target(%arg8 : memref<40x128xi32, #tpu.memory_space<vmem>>) offsets(%dma_start3A_138 : memref<40xi32, #tpu.memory_space<vmem>>) semaphore(%arg12 : memref<!tpu.dma_semaphore, #tpu.memory_space<semaphore_mem>>)
      } else {
      }
    }
    %scan3A_88 = arith.constant 16 : i32
    %mul3A_89 = arith.constant 128 : i32
    %mul3A_90 = arith.muli %add3A, %mul3A_89 : i32
    "tpu.region"() ({
      %run_scoped3A = tpu.sem_alloc : memref<!tpu.dma_semaphore, #tpu.memory_space<semaphore_mem>>
      %dma_start3A_91 = arith.constant 0 : i32
      %dma_start3A_92 = tpu.memref_slice %arg5[%mul3A_90, %dma_start3A_91] : memref<4096x256xf32, #tpu.memory_space<hbm>> -> memref<128x256xf32, #tpu.memory_space<hbm>>
      %dma_start3A_93 = arith.constant 0 : i32
      %dma_start3A_94 = tpu.memref_slice %arg5[%mul3A_90, %dma_start3A_93] : memref<4096x256xf32, #tpu.memory_space<hbm>> -> memref<128x256xf32, #tpu.memory_space<hbm>>
      tpu.enqueue_dma source(%arg9 : memref<128x256xf32, #tpu.memory_space<vmem>>) target(%dma_start3A_94 : memref<128x256xf32, #tpu.memory_space<hbm>>) target_semaphore(%run_scoped3A : memref<!tpu.dma_semaphore, #tpu.memory_space<semaphore_mem>>)
      %dma_wait3A = arith.constant 0 : i32
      %dma_wait3A_95 = tpu.memref_slice %arg5[%mul3A_90, %dma_wait3A] : memref<4096x256xf32, #tpu.memory_space<hbm>> -> memref<128x256xf32, #tpu.memory_space<hbm>>
      %dma_wait3A_96 = arith.constant 0 : i32
      %dma_wait3A_97 = tpu.memref_slice %arg5[%mul3A_90, %dma_wait3A_96] : memref<4096x256xf32, #tpu.memory_space<hbm>> -> memref<128x256xf32, #tpu.memory_space<hbm>>
      tpu.wait_dma2 semaphore(%run_scoped3A : memref<!tpu.dma_semaphore, #tpu.memory_space<semaphore_mem>>) src(%arg9 : memref<128x256xf32, #tpu.memory_space<vmem>>) dst(%dma_wait3A_97 : memref<128x256xf32, #tpu.memory_space<hbm>>)
      tpu.yield
    }) : () -> ()
    return
  }
}

module attributes {stable_mosaic.version = 14 : i64} {
  func.func @_proj_body(%arg0: i32, %arg1: memref<1x1000x128xf32, #tpu.memory_space<vmem>>, %arg2: memref<1x128x256xf32, #tpu.memory_space<vmem>>, %arg3: memref<1x128xf32, #tpu.memory_space<vmem>>, %arg4: memref<1x128xf32, #tpu.memory_space<vmem>>, %arg5: memref<1x1000x128xi32, #tpu.memory_space<vmem>>) attributes {dimension_semantics = [#tpu.dimension_semantics<arbitrary>], iteration_bounds = array<i64: 19>, scalar_prefetch = 0 : i64, scratch_operands = 0 : i64, tpu.core_type = #tpu.core_type<tc>, window_params = [{transform_indices = @transform_0, window_bounds = array<i64: 1, 1000, 128>}, {transform_indices = @transform_1, window_bounds = array<i64: 1, 128, 256>}, {pipeline_mode = #tpu.pipeline_mode<synchronous>, transform_indices = @transform_2, window_bounds = array<i64: 1, 128>}, {pipeline_mode = #tpu.pipeline_mode<synchronous>, transform_indices = @transform_3, window_bounds = array<i64: 1, 128>}, {transform_indices = @transform_4, window_bounds = array<i64: 1, 1000, 128>}]} {
    %get3A = arith.constant 0 : index
    %get3A_0 = arith.constant 0 : index
    %get3A_1 = arith.constant 0 : index
    %get3A_2 = vector.load %arg1[%get3A, %get3A_0, %get3A_1] : memref<1x1000x128xf32, #tpu.memory_space<vmem>>, vector<1x1000x128xf32>
    %get3A_3 = vector.shape_cast %get3A_2 : vector<1x1000x128xf32> to vector<1000x128xf32>
    %convert_element_type3A = arith.truncf %get3A_3 : vector<1000x128xf32> to vector<1000x128xbf16>
    %get3A_4 = arith.constant 0 : index
    %get3A_5 = arith.constant 0 : index
    %get3A_6 = arith.constant 0 : index
    %get3A_7 = vector.load %arg2[%get3A_4, %get3A_5, %get3A_6] : memref<1x128x256xf32, #tpu.memory_space<vmem>>, vector<1x128x256xf32>
    %get3A_8 = vector.shape_cast %get3A_7 : vector<1x128x256xf32> to vector<128x256xf32>
    %convert_element_type3A_9 = arith.truncf %get3A_8 : vector<128x256xf32> to vector<128x256xbf16>
    %dot_general3A = arith.constant dense<0.000000e+00> : vector<1000x256xf32>
    %dot_general3A_10 = tpu.matmul %convert_element_type3A, %convert_element_type3A_9, %dot_general3A {dimension_numbers = #tpu.dot_dimension_numbers<[1], [0], [0], [1], [0, 0, 1, 1], [], []>, transpose_lhs_hint = false} : vector<1000x128xbf16>, vector<128x256xbf16>, vector<1000x256xf32> -> vector<1000x256xf32>
    %eq3A = arith.constant 0 : i32
    %eq3A_11 = arith.cmpi eq, %arg0, %eq3A : i32
    %convert_element_type3A_12 = arith.extui %eq3A_11 : i1 to i32
    %convert_element_type3A_13 = arith.sitofp %convert_element_type3A_12 : i32 to f32
    %slice3A = vector.extract_strided_slice %dot_general3A_10 {offsets = [0, 0], sizes = [1000, 128], strides = [1, 1]} : vector<1000x256xf32> to vector<1000x128xf32>
    %get3A_14 = arith.constant 0 : index
    %get3A_15 = arith.constant 0 : index
    %get3A_16 = vector.load %arg3[%get3A_14, %get3A_15] : memref<1x128xf32, #tpu.memory_space<vmem>>, vector<1x128xf32>
    %get3A_17 = vector.shape_cast %get3A_16 : vector<1x128xf32> to vector<128xf32>
    %broadcast_in_dim3A = vector.shape_cast %get3A_17 : vector<128xf32> to vector<1x128xf32>
    %mul3A = vector.broadcast %convert_element_type3A_13 : f32 to vector<1x128xf32>
    %mul3A_18 = arith.mulf %mul3A, %broadcast_in_dim3A : vector<1x128xf32>
    %add3A = vector.broadcast %mul3A_18 : vector<1x128xf32> to vector<1000x128xf32>
    %add3A_19 = arith.addf %slice3A, %add3A : vector<1000x128xf32>
    %slice3A_20 = vector.extract_strided_slice %dot_general3A_10 {offsets = [0, 128], sizes = [1000, 128], strides = [1, 1]} : vector<1000x256xf32> to vector<1000x128xf32>
    %get3A_21 = arith.constant 0 : index
    %get3A_22 = arith.constant 0 : index
    %get3A_23 = vector.load %arg4[%get3A_21, %get3A_22] : memref<1x128xf32, #tpu.memory_space<vmem>>, vector<1x128xf32>
    %get3A_24 = vector.shape_cast %get3A_23 : vector<1x128xf32> to vector<128xf32>
    %broadcast_in_dim3A_25 = vector.shape_cast %get3A_24 : vector<128xf32> to vector<1x128xf32>
    %mul3A_26 = vector.broadcast %convert_element_type3A_13 : f32 to vector<1x128xf32>
    %mul3A_27 = arith.mulf %mul3A_26, %broadcast_in_dim3A_25 : vector<1x128xf32>
    %add3A_28 = vector.broadcast %mul3A_27 : vector<1x128xf32> to vector<1000x128xf32>
    %add3A_29 = arith.addf %slice3A_20, %add3A_28 : vector<1000x128xf32>
    %bitcast_convert_type3A = tpu.bitcast %add3A_19 : vector<1000x128xf32> -> vector<1000x128xi32>
    %add3A_30 = arith.constant 32768 : i32
    %add3A_31 = vector.broadcast %add3A_30 : i32 to vector<1000x128xi32>
    %add3A_32 = arith.addi %bitcast_convert_type3A, %add3A_31 : vector<1000x128xi32>
    %bitcast_convert_type3A_33 = tpu.bitcast %add3A_29 : vector<1000x128xf32> -> vector<1000x128xi32>
    %add3A_34 = arith.constant 32768 : i32
    %add3A_35 = vector.broadcast %add3A_34 : i32 to vector<1000x128xi32>
    %add3A_36 = arith.addi %bitcast_convert_type3A_33, %add3A_35 : vector<1000x128xi32>
    %shift_right_logical3A = arith.constant 16 : i32
    %shift_right_logical3A_37 = vector.broadcast %shift_right_logical3A : i32 to vector<1000x128xi32>
    %shift_right_logical3A_38 = arith.shrui %add3A_32, %shift_right_logical3A_37 : vector<1000x128xi32>
    %and3A = arith.constant -65536 : i32
    %and3A_39 = vector.broadcast %and3A : i32 to vector<1000x128xi32>
    %and3A_40 = arith.andi %add3A_36, %and3A_39 : vector<1000x128xi32>
    %or3A = arith.ori %shift_right_logical3A_38, %and3A_40 : vector<1000x128xi32>
    %swap3A = arith.constant 0 : index
    %swap3A_41 = arith.constant 0 : index
    %swap3A_42 = arith.constant 0 : index
    %swap3A_43 = vector.load %arg5[%swap3A, %swap3A_41, %swap3A_42] : memref<1x1000x128xi32, #tpu.memory_space<vmem>>, vector<1x1000x128xi32>
    %swap3A_44 = vector.shape_cast %swap3A_43 : vector<1x1000x128xi32> to vector<1000x128xi32>
    %swap3A_45 = vector.shape_cast %or3A : vector<1000x128xi32> to vector<1x1000x128xi32>
    tpu.vector_store %arg5[%swap3A, %swap3A_41, %swap3A_42], %swap3A_45 {strides = array<i32>} : memref<1x1000x128xi32, #tpu.memory_space<vmem>>, vector<1x1000x128xi32>,
    return
  }
  func.func @transform_0(%arg0: i32) -> (i32, i32, i32) {
    %c0_i32 = arith.constant 0 : i32
    %c0_i32_0 = arith.constant 0 : i32
    %c0_i32_1 = arith.constant 0 : i32
    return %arg0, %c0_i32, %c0_i32_0 : i32, i32, i32
  }
  func.func @transform_1(%arg0: i32) -> (i32, i32, i32) {
    %c0_i32 = arith.constant 0 : i32
    %c0_i32_0 = arith.constant 0 : i32
    %c0_i32_1 = arith.constant 0 : i32
    return %arg0, %c0_i32, %c0_i32_0 : i32, i32, i32
  }
  func.func @transform_2(%arg0: i32) -> (i32, i32) {
    %c0_i32 = arith.constant 0 : i32
    %c0_i32_0 = arith.constant 0 : i32
    %c0_i32_1 = arith.constant 0 : i32
    return %c0_i32, %c0_i32_0 : i32, i32
  }
  func.func @transform_3(%arg0: i32) -> (i32, i32) {
    %c0_i32 = arith.constant 0 : i32
    %c0_i32_0 = arith.constant 0 : i32
    %c0_i32_1 = arith.constant 0 : i32
    return %c0_i32, %c0_i32_0 : i32, i32
  }
  func.func @transform_4(%arg0: i32) -> (i32, i32, i32) {
    %c0_i32 = arith.constant 0 : i32
    %c0_i32_0 = arith.constant 0 : i32
    %c0_i32_1 = arith.constant 0 : i32
    return %arg0, %c0_i32, %c0_i32_0 : i32, i32, i32
  }
}

</mosaic_0001>

<sc_bundles>
// kernel: kernel.4.cloned.1.call-start
scs
__scs_entry_jumppad:
0x0: {  	(pc) =	sbr.rel $0x88, $3  }
0x1: {  	(tag) =	ssettag $0x0;
	lr =	simm.s32 $0x1  }
0x2: {  	[smem:$0x3F9D] =	sst lr;
	_ =	strace $0xD0000000  }
0x3: {  	_ = 	snop  }
0x4: {  	_ = 	snop  }
0x5: {  	_ = 	snop  }
0x6: {  	_ = 	snop  }
0x7: {  	_ = 	snop  }
__scs_overlays_trampoline_lowered:
0x8: {  	[smem:$0x3FAC] =	sst s0  }
0x9: {  	[smem:$0x3FAD] =	sst s1  }
0xa: {  	[smem:$0x3FAE] =	sst s2  }
0xb: {  	[smem:$0x3FAF] =	sst s3  }
0xc: {  	[smem:$0x3FB0] =	sst s4  }
0xd: {  	[smem:$0x3FB1] =	sst s5  }
0xe: {  	[smem:$0x3FB2] =	sst s6  }
0xf: {  	[smem:$0x3FB3] =	sst s7  }
0x10: {  	[smem:$0x3FB4] =	sst s8  }
0x11: {  	[smem:$0x3FB5] =	sst s9;
	s0 =	simm.s32 @!p0 $0x0  }
0x12: {  	s1 =	sld [smem:$0x3F9B];
	s0 =	simm.s32 @p0 $0x1  }
0x13: {  	[smem:$0x3FB6] =	sst s0;
	s0 =	simm.s32 @!p1 $0x0  }
0x14: {  	s2 =	sld [smem:$0x3F9A];
	s0 =	simm.s32 @p1 $0x1  }
0x15: {  	[smem:$0x3FB7] =	sst s0;
	s0 =	simm.s32 @!p2 $0x0  }
0x16: {  	s3 =	sld [smem:$0x3FDB];
	s0 =	simm.s32 @p2 $0x1  }
0x17: {  	s4 =	simm.s32 $0x1BF5;
	[smem:$0x3FB9] =	sst s0  }
0x18: {  	s0 =	sld [smem:$0x3F9C];
	_ =	swait.ge [sflag:s4], $0x0  }
0x19: {  	s7 =	sld [smem:$0x3F9D]  }
0x1a: {  	s8 =	sadd.s32 $0xFFFFE003, lr  }
0x1b: {  	s9 =	sadd.s32 $0xFFFFFEF7, lr;
	s5 =	simm.s32 $0xFFFFFFFF;
	p2 =	slt.u32 s8, $0xFFFFF086  }
0x1c: {  	p1 =	slt.u32 s9, $0xF7A;
	s5 =	simm.s32 @!p2 $0x0  }
0x1d: {  	s5 =	simm.s32 @p1 $0x1;
	p0 =	seq.s32 s7, s2  }
0x1e: {  	s7 =	smul.u32 @!p0 $0xF7A, s2;
	p2 =	seq.s32 @!p0 s5, $0x0  }
0x1f: {  	s9 =	smul.u32 $0xF7A, s1;
	s8 =	simm.s32 @!p0 $0x1BF5;
	p2 =	por !p2, p0  }
0x20: {  	[sflag:s8] =	ssyncset.s32 @!p0 $0xFFFFF086;
	s6 =	sadd.s32 @!p0 s3, s7;
	s7 =	simm.s32 @!p0 $0x108  }
0x21: {  	s3 =	sadd.s32 s3, s9;
	s6 =	sadd.s32 @!p0 $0x88, s6;
	s7 =	simm.s32 @p2 $0x1082  }
0x22: {  	[simem:s7], [sflag:s8] =	dma.local @!p0 [hbm:s6], $0xF7A  }
0x23: {  	s9 =	sor.u32 $0xD0000000, s2;
	s6 =	simm.s32 $0x108;
	_ =	swait.ge @!p0 [sflag:s8], $0x0  }
0x24: {  	s3 =	sadd.s32 $0x88, s3;
	s6 =	simm.s32 @!p1 $0x1082;
	[sflag:s4] =	ssyncset.s32 $0xFFFFF086  }
0x25: {  	[simem:s6], [sflag:s4] =	dma.local [hbm:s3], $0xF7A  }
0x26: {  	[smem:$0x3F9D] =	sst s1;
	(tag) =	ssettag s2;
	_ =	strace s9  }
0x27: {  	s1 =	sld [smem:$0x3FAD]  }
0x28: {  	s2 =	sld [smem:$0x3FAE]  }
0x29: {  	s4 =	sld [smem:$0x3FB0]  }
0x2a: {  	p0 =	seq.s32 s5, $0x0;
	s5 =	sld [smem:$0x3FB1]  }
0x2b: {  	s6 =	sld [smem:$0x3FB2]  }
0x2c: {  	s7 =	sld [smem:$0x3FB3]  }
0x2d: {  	s3 =	simm.s32 $0x108;
	s8 =	sld [smem:$0x3FB4]  }
0x2e: {  	s3 =	simm.s32 @!p0 $0x1082;
	s9 =	sld [smem:$0x3FB5]  }
0x2f: {  	lr =	sadd.s32 s0, s3;
	s0 =	sld [smem:$0x3FAC]  }
0x30: {  	s3 =	sld [smem:$0x3FAF]  }
0x31: {  	[smem:$0x3FB8] =	sst s10  }
0x32: {  	s10 =	sld [smem:$0x3FB6];
	_ =	sdelay $0x3  }
0x33: {  	p0 =	seq.s32 s10, $0x1;
	s10 =	sld [smem:$0x3FB8];
	_ =	sdelay $0x3  }
0x34: {  	[smem:$0x3FB8] =	sst s10  }
0x35: {  	s10 =	sld [smem:$0x3FB7];
	_ =	sdelay $0x3  }
0x36: {  	p1 =	seq.s32 s10, $0x1;
	s10 =	sld [smem:$0x3FB8];
	_ =	sdelay $0x3  }
0x37: {  	[smem:$0x3FB8] =	sst s10  }
0x38: {  	s10 =	sld [smem:$0x3FB9]  }
0x39: {  	_ = 	snop;
	(pc) =	sbr.ind lr, $3  }
0x3a: {  	_ = 	snop  }
0x3b: {  	_ = 	snop  }
0x3c: {  	p2 =	seq.s32 s10, $0x1;
	s10 =	sld [smem:$0x3FB8]  }
0x3d: {  	_ =	shalt  }
0x3e: {  	_ =	shalt  }
0x3f: {  	_ =	shalt  }
0x40: {  	_ =	shalt  }
0x41: {  	_ =	shalt  }
0x42: {  	_ =	shalt  }
0x43: {  	_ =	shalt  }
0x44: {  	_ =	shalt  }
0x45: {  	_ =	shalt  }
0x46: {  	_ =	shalt  }
0x47: {  	_ =	shalt  }
0x48: {  	_ =	shalt  }
0x49: {  	_ =	shalt  }
0x4a: {  	_ =	shalt  }
0x4b: {  	_ =	shalt  }
0x4c: {  	_ =	shalt  }
0x4d: {  	_ =	shalt  }
0x4e: {  	_ =	shalt  }
0x4f: {  	_ =	shalt  }
0x50: {  	_ =	shalt  }
0x51: {  	_ =	shalt  }
0x52: {  	_ =	shalt  }
0x53: {  	_ =	shalt  }
0x54: {  	_ =	shalt  }
0x55: {  	_ =	shalt  }
0x56: {  	_ =	shalt  }
0x57: {  	_ =	shalt  }
0x58: {  	_ =	shalt  }
0x59: {  	_ =	shalt  }
0x5a: {  	_ =	shalt  }
0x5b: {  	_ =	shalt  }
0x5c: {  	_ =	shalt  }
0x5d: {  	_ =	shalt  }
0x5e: {  	_ =	shalt  }
0x5f: {  	_ =	shalt  }
0x60: {  	_ =	shalt  }
0x61: {  	_ =	shalt  }
0x62: {  	_ =	shalt  }
0x63: {  	_ =	shalt  }
0x64: {  	_ =	shalt  }
0x65: {  	_ =	shalt  }
0x66: {  	_ =	shalt  }
0x67: {  	_ =	shalt  }
0x68: {  	_ =	shalt  }
0x69: {  	_ =	shalt  }
0x6a: {  	_ =	shalt  }
0x6b: {  	_ =	shalt  }
0x6c: {  	_ =	shalt  }
0x6d: {  	_ =	shalt  }
0x6e: {  	_ =	shalt  }
0x6f: {  	_ =	shalt  }
0x70: {  	_ =	shalt  }
0x71: {  	_ =	shalt  }
0x72: {  	_ =	shalt  }
0x73: {  	_ =	shalt  }
0x74: {  	_ =	shalt  }
0x75: {  	_ =	shalt  }
0x76: {  	_ =	shalt  }
0x77: {  	_ =	shalt  }
0x78: {  	_ =	shalt  }
0x79: {  	_ =	shalt  }
0x7a: {  	_ =	shalt  }
0x7b: {  	_ =	shalt  }
0x7c: {  	_ =	shalt  }
0x7d: {  	_ =	shalt  }
0x7e: {  	_ =	shalt  }
0x7f: {  	_ =	shalt  }
0x80: {  	_ =	shalt  }
0x81: {  	_ =	shalt  }
0x82: {  	_ =	shalt  }
0x83: {  	_ =	shalt  }
0x84: {  	_ =	shalt  }
0x85: {  	_ =	shalt  }
0x86: {  	_ =	shalt  }
0x87: {  	_ =	shalt  }
.Lfunc_end0:
.L_simem_size_0:
called_computation_lowered:
.L_overlay_start_0:
0x88: {  	s2 =	sld [smem:$0x3FD9]  }
0x89: {  	s3 =	sld [smem:$0x3FFE];
	_ =	sdelay $0x1  }
0x8a: {  	s1 =	srdreg.scid  }
0x8b: {  	s0 =	sand.u32 $0x1, s1  }
0x8c: {  	s17 =	sshll.u32 s0, $0xA;
	s2 =	sadd.s32 s3, s2  }
0x8d: {  	s2 =	sadd.s32 s2, s17  }
0x8e: {  	[smem:$0x3FC4] =	sst s2  }
0x8f: {  	_ = 	snop  }
0x90: {  	s2 =	sld [smem:$0x3FD0];
	(tm) =	ssettm $0x1  }
0x91: {  	s18 =	sld [smem:$0x3FFB];
	_ =	sdelay $0x3  }
0x92: {  	_ =	strace s18  }
0x93: {  	s3 =	sld [smem:$0x3FFC];
	_ =	sdelay $0x3  }
0x94: {  	_ =	strace s3  }
0x95: {  	s3 =	sld [smem:$0x3FFD];
	_ =	sdelay $0x3  }
0x96: {  	_ =	strace s3  }
0x97: {  	_ =	strace $0x8FFFFFFF  }
0x98: {  	s19 =	sld [smem:$0x3FDB];
	_ =	sdelay $0x1  }
0x99: {  	s4 =	simm.s32 $_scs_section_size  }
0x9a: {  	s5 =	simm.s32 $_size__tile_overlayer_lowered;
	s6 =	simm.s32 $_tile_overlayer_lowered  }
0x9b: {  	s22 =	simm.s32 $0x1BFF;
	s21 =	sshll.u32 s6, $0x1;
	s3 =	sadd.s32 s4, s19  }
0x9c: {  	s7 =	simm.s32 $0x0;
	s20 =	sshll.u32 s5, $0x1;
	s5 =	sadd.s32 s21, s3  }
0x9d: {  	[timem:s7], [sflag:s22] =	dma.local [hbm:s5], s20  }
0x9e: {  	_ =	swait.ge [sflag:s22], s20  }
0x9f: {  	s4 =	ssub.s32 $0x0, s20;
	[sflag:s22] =	ssyncset.done $0x0  }
0xa0: {  	[sflag:s22] =	ssyncadd.s32 s4;
	_ =	sdelay $0x1  }
0xa1: {  	s23 =	simm.s32 $0x1B8B  }
0xa2: {  	_ =	swait.ge [sflag:s23], $0x1  }
0xa3: {  	[sflag:s23] =	ssyncset.done $0x0  }
0xa4: {  	s25 =	simm.s32 $0x1B8E;
	s24 =	sld [smem:$0x3FFE];
	[sflag:s23] =	ssyncadd.s32 $0xFFFFFFFF  }
0xa5: {  	s26 =	simm.s32 $execute0_lowered;
	[smem:$0x3FD2] =	sst s25  }
0xa6: {  	s5 =	sshll.u32 s26, $0x1;
	_ =	strace $0x80000046;
	[dreg:$0x1] =	wrdreg $0xFFFFFFFF  }
0xa7: {  	s28 =	simm.s32 $_size_execute0_lowered;
	s3 =	sadd.s32 s3, s5;
	[dreg:$0x0] =	wrdreg $0x0  }
0xa8: {  	s5 =	sshll.u32 s28, $0x1;
	[dreg:$0x2] =	wrdreg s3  }
0xa9: {  	[dreg:$0x3] =	wrdreg s5  }
0xaa: {  	[dreg:$0x4] =	wrdreg $0xC0  }
0xab: {  	_ =	task [dreg:s7], $0x5FFFF  }
0xac: {  	[dreg:$0x1] =	wrdreg $0xFFFFFFFF  }
0xad: {  	[dreg:$0x0] =	wrdreg $0x60  }
0xae: {  	[dreg:$0x2] =	wrdreg s24  }
0xaf: {  	[dreg:$0x3] =	wrdreg s2  }
0xb0: {  	[dreg:$0x4] =	wrdreg $0xB8000  }
0xb1: {  	[dreg:$0x5] =	wrdreg $0x9  }
0xb2: {  	_ =	task.clear_ibuf [dreg:s7], $0x6FFFF;
	_ =	strace $0x90000046  }
0xb3: {  	s29 =	simm.s32 $0x9;
	_ =	strace $0x80000048  }
0xb4: {  	_ =	swait.ge [sflag:s29], $0x1  }
0xb5: {  	[sflag:s29] =	ssyncadd.s32 $0xFFFFFFFF  }
0xb6: {  	_ =	strace $0x90000048  }
0xb7: {  	_ =	sfence  }
0xb8: {  	s30 =	sld [smem:$0x0];
	_ =	sdelay $0x2  }
0xb9: {  	s31 =	sshll.u32 s1, $0xD;
	s1 =	sshrl.u32 s1, $0x2  }
0xba: {  	s3 =	sand.u32 $0x4000, s31;
	s1 =	sadd.s32 s1, s30  }
0xbb: {  	s0 =	sor.u32 s3, s0;
	s1 =	sshll.u32 s1, $0x11  }
0xbc: {  	s0 =	sor.u32 s1, s0  }
0xbd: {  	s0 =	sadd.s32 $0x8F2B, s0  }
0xbe: {  	[sflag:s0] =	ssyncadd.remote.s32 $0x1  }
0xbf: {  	_ =	sfence.sel $0xFFFF  }
0xc0: {  	[dreg:$0x0] =	wrdreg $0xFFFFFFFF;
	(pc) =	sbr.abs _section_cstart, $3  }
0xc1: {  	[dreg:$0x1] =	wrdreg $0xFFFFFFFF  }
0xc2: {  	_ =	task.clear_ibuf [dreg:s7], $0x2FFFF;
	_ =	strace $0x9FFFFFFF  }
0xc3: {  	(tm) =	ssettm $0x7FFFFFFF  }
tec
execute0_lowered:
.L_overlay_start_1:
0x0: {  	(tag) =	ssettag $0x1  }
0x1: {  	s0 =	rddreg [dreg:$0x0]  }
0x2: {  	s1 =	rddreg [dreg:$0x1]  }
0x3: {  	s2 =	rddreg [dreg:$0x2];
	s3 =	simm.s32 $0x0;
	s4 =	srdreg.scid  }
0x4: {  	s26 =	stileid.u32;
	s28 =	simm.s32 $0x4;
	s29 =	simm.s32 $0x2  }
0x5: {  	s30 =	simm.s32 $0x3;
	s31 =	simm.s32 $0x28;
	s6 =	smul.u32 $0x270, s26  }
0x6: {  	[smem:$0x7FF] =	sst s3;
	s4 =	sand.u32 $0x1, s4;
	s8 =	smul.u32 $0x2700, s26  }
0x7: {  	s5 =	sshll.u32 s26, $0x1;
	s9 =	sadd.s32 $0x8C00, s0;
	s23 =	smul.u32 $0x2300, s26  }
0x8: {  	s24 =	sadd.s32 $0x2FC00, s0;
	s25 =	sadd.s32 $0x138000, s2;
	s11 =	sadd.s32 $0x52D00, s0  }
0x9: {  	s12 =	sadd.s32 $0x118000, s2;
	p0 =	sne.s32 s26, $0xF;
	_ =	strace $0x80000047  }
0xa: {  	s5 =	sor.u32 s4, s5;
	s4 =	ssub.s32 $0x2, s4;
	[dreg:$0x6] =	wrdreg s24  }
0xb: {  	[dreg:$0x7] =	wrdreg s25;
	s24 =	smul.u32 $0x46000, s26;
	s7 =	sshll.u32 s5, $0x9  }
0xc: {  	s10 =	sshrl.u32 s4, $0x1;
	s6 =	sadd.s32 $0x258, s6;
	s5 =	sshll.u32 s5, $0xC  }
0xd: {  	s7 =	sadd.s32 s7, s0;
	s15 =	ssub.s32 s4, s10;
	s4 =	sadd.s32 s9, s8  }
0xe: {  	s22 =	sshll.u32 s6, $0x4;
	s6 =	sshll.u32 s6, $0x7;
	s10 =	sadd.s32 s9, s23  }
0xf: {  	s23 =	smul.u32 $0x4E000, s26;
	s14 =	sadd.s32 s1, s5;
	s25 =	sshrl.u32 s24, $0x2  }
0x10: {  	s24 =	simm.s32 $0x1000;
	s26 =	simm.s32 $0x1;
	s1 =	simm.s32 $0x0  }
0x11: {  	s8 =	sadd.s32 s9, s22;
	s6 =	sadd.s32 s6, s2;
	s22 =	sadd.s32 $0x27100, s10  }
0x12: {  	s13 =	sadd.s32 $0x4C00, s7;
	s15 =	smax.u32 s15, $0x1;
	s18 =	sadd.s32 $0x29180, s10  }
.Ltmp0:
0x13: {  	s19 =	sadd.s32 s25, s2;
	[dreg:$0x4] =	wrdreg s8;
	(pc) =	sbr.rel .LBB2_1-.Ltmp0, $4  }
0x14: {  	s25 =	simm.s32 $0x2400;
	[dreg:$0x5] =	wrdreg s6;
	s8 =	sadd.s32 $0xC00, s7  }
0x15: {  	[dreg:$0x9] =	wrdreg s22;
	s0 =	sshrl.u32 s23, $0x2;
	s20 =	sadd.s32 $0xF000, s19  }
0x16: {  	s21 =	sadd.s32 $0x10400, s19;
	s22 =	sadd.s32 $0x280, s4;
	s16 =	sadd.s32 s0, s2  }
0x17: {  	s23 =	sadd.s32 $0x27600, s10;
	[dreg:$0x8] =	wrdreg s8;
	s17 =	sadd.s32 $0x11800, s16  }
.LBB2_19:
0x18: {  	s1 =	sadd.s32 $0x1, s1  }
0x19: {  	p1 =	sne.s32 s1, s15  }
.Ltmp1:
0x1a: {  	s0 =	simm.s32 $0x3800;
	(pc) =	sbr.rel @!p1 .LBB2_20-.Ltmp1, $4  }
0x1b: {  	[hbm4b:s14+s3] =	stream.linear.scatter [tilespmem:s0], [sflag:$0x3], $0x8000, $0x38;
	[tilespmem:$0x1F080] =	vst v63  }
0x1c: {  	_ =	swait.ge [sflag:s30], $0x8000  }
0x1d: {  	[sflag:s30] =	ssyncset.done $0x0  }
0x1e: {  	[sflag:s30] =	ssyncadd.s32 $0xFFFF8000  }
.LBB2_1:
0x1f: {  	[tilespmem:s24], [sflag:$0x1] =	stream.linear.gather [hbm4b:s4+s3], $0x1400, $0x38;
	[tilespmem:$0x1F080] =	vst v63  }
0x20: {  	_ = 	snop  }
0x21: {  	[tilespmem:s25], [sflag:$0x2] =	stream.linear.gather [hbm4b:s22+s3], $0x1400, $0x38;
	[tilespmem:$0x1F080] =	vst v63  }
0x22: {  	_ =	swait.ge [sflag:s26], $0x1400  }
0x23: {  	[sflag:s26] =	ssyncset.done $0x0  }
0x24: {  	s0 =	sadd.s32 $0x0, s16;
	[sflag:s26] =	ssyncadd.s32 $0xFFFFEC00  }
0x25: {  	[spmem:s0] =	stream.linear.scatter [tilespmem:s24], [sflag:$0x4], $0x1400, $0x38;
	[tilespmem:$0x1F080] =	vst v63  }
0x26: {  	_ =	swait.ge [sflag:s28], $0x1400  }
0x27: {  	[sflag:s28] =	ssyncset.done $0x0  }
0x28: {  	s5 =	sadd.s32 $0x280, s22;
	[sflag:s28] =	ssyncadd.s32 $0xFFFFEC00  }
0x29: {  	[tilespmem:s24], [sflag:$0x1] =	stream.linear.gather [hbm4b:s5+s3], $0x1400, $0x38;
	[tilespmem:$0x1F080] =	vst v63  }
0x2a: {  	_ =	swait.ge [sflag:s29], $0x1400  }
0x2b: {  	[sflag:s29] =	ssyncset.done $0x0  }
0x2c: {  	s0 =	sadd.s32 $0x1400, s0;
	[sflag:s29] =	ssyncadd.s32 $0xFFFFEC00  }
0x2d: {  	[spmem:s0] =	stream.linear.scatter [tilespmem:s25], [sflag:$0x3], $0x1400, $0x38;
	[tilespmem:$0x1F080] =	vst v63  }
0x2e: {  	_ =	swait.ge [sflag:s30], $0x1400  }
0x2f: {  	s5 =	smov.u32 s22;
	s0 =	simm.s32 $0xA000;
	[sflag:s30] =	ssyncset.done $0x0  }
.LBB2_2:
0x30: {  	p1 =	sne.s32 s0, $0x3C000;
	[sflag:s30] =	ssyncadd.s32 $0xFFFFEC00;
	s5 =	sadd.s32 $0x500, s5  }
0x31: {  	[tilespmem:s25], [sflag:$0x2] =	stream.linear.gather [hbm4b:s5+s3], $0x1400, $0x38;
	[tilespmem:$0x1F080] =	vst v63  }
0x32: {  	s6 =	smov.u32 s0;
	s0 =	sadd.s32 $0xA000, s0;
	_ =	swait.ge [sflag:s26], $0x1400  }
0x33: {  	s6 =	sshra.s32 s6, $0x2;
	[sflag:s26] =	ssyncset.done $0x0  }
0x34: {  	s6 =	sadd.s32 s6, s16;
	[sflag:s26] =	ssyncadd.s32 $0xFFFFEC00  }
0x35: {  	[spmem:s6] =	stream.linear.scatter [tilespmem:s24], [sflag:$0x4], $0x1400, $0x38;
	[tilespmem:$0x1F080] =	vst v63  }
0x36: {  	_ =	swait.ge [sflag:s28], $0x1400  }
0x37: {  	[sflag:s28] =	ssyncset.done $0x0  }
0x38: {  	s7 =	sadd.s32 $0x280, s5;
	[sflag:s28] =	ssyncadd.s32 $0xFFFFEC00  }
0x39: {  	[tilespmem:s24], [sflag:$0x1] =	stream.linear.gather [hbm4b:s7+s3], $0x1400, $0x38;
	[tilespmem:$0x1F080] =	vst v63  }
0x3a: {  	_ =	swait.ge [sflag:s29], $0x1400  }
.Ltmp2:
0x3b: {  	[sflag:s29] =	ssyncset.done $0x0;
	(pc) =	sbr.rel @p1 .LBB2_2-.Ltmp2, $4  }
0x3c: {  	s6 =	sadd.s32 $0x1400, s6;
	[sflag:s29] =	ssyncadd.s32 $0xFFFFEC00  }
0x3d: {  	[spmem:s6] =	stream.linear.scatter [tilespmem:s25], [sflag:$0x3], $0x1400, $0x38;
	[tilespmem:$0x1F080] =	vst v63  }
0x3e: {  	_ =	swait.ge [sflag:s30], $0x1400  }
0x3f: {  	[sflag:s30] =	ssyncset.done $0x0  }
0x40: {  	[sflag:s30] =	ssyncadd.s32 $0xFFFFEC00  }
0x41: {  	_ =	swait.ge [sflag:s26], $0x1400  }
0x42: {  	[sflag:s26] =	ssyncset.done $0x0  }
0x43: {  	[sflag:s26] =	ssyncadd.s32 $0xFFFFEC00  }
0x44: {  	[spmem:s17] =	stream.linear.scatter [tilespmem:s24], [sflag:$0x4], $0x1400, $0x38;
	[tilespmem:$0x1F080] =	vst v63  }
0x45: {  	_ =	swait.ge [sflag:s28], $0x1400  }
0x46: {  	[sflag:s28] =	ssyncset.done $0x0  }
0x47: {  	s0 =	rddreg [dreg:$0x4];
	[sflag:s28] =	ssyncadd.s32 $0xFFFFEC00  }
0x48: {  	[tilespmem:s24], [sflag:$0x3] =	stream.linear.gather [hbm4b:s0+s3], $0xC00, $0x38;
	[tilespmem:$0x1F080] =	vst v63  }
0x49: {  	_ =	swait.ge [sflag:s30], $0xC00  }
0x4a: {  	[sflag:s30] =	ssyncset.done $0x0  }
0x4b: {  	s8 =	rddreg [dreg:$0x5];
	[sflag:s30] =	ssyncadd.s32 $0xFFFFF400  }
0x4c: {  	[spmem:s8] =	stream.linear.scatter [tilespmem:s24], [sflag:$0x3], $0xC00, $0x38;
	[tilespmem:$0x1F080] =	vst v63  }
0x4d: {  	_ =	swait.ge [sflag:s30], $0xC00  }
0x4e: {  	s5 =	simm.s32 @!p0 $0x1000;
	[sflag:s30] =	ssyncset.done $0x0  }
0x4f: {  	s0 =	simm.s32 @!p0 $0x0;
	s6 =	rddreg [dreg:$0x6];
	[sflag:s30] =	ssyncadd.s32 $0xFFFFF400  }
0x50: {  	[tilespmem:s5], [sflag:$0x3] =	stream.linear.gather @!p0 [hbm4b:s6+s0], $0x800, $0x38;
	[tilespmem:$0x1F080] =	vst v63  }
0x51: {  	s0 =	simm.s32 @!p0 $0x3  }
0x52: {  	_ =	swait.ge @!p0 [sflag:s0], $0x800  }
0x53: {  	[sflag:s0] =	ssyncset.done @!p0 $0x0  }
0x54: {  	s6 =	rddreg [dreg:$0x7];
	[sflag:s0] =	ssyncadd.s32 @!p0 $0xFFFFF800  }
0x55: {  	[spmem:s6] =	stream.linear.scatter @!p0 [tilespmem:s5], [sflag:$0x3], $0x800, $0x38;
	[tilespmem:$0x1F080] =	vst v63  }
0x56: {  	_ =	swait.ge @!p0 [sflag:s0], $0x800  }
0x57: {  	[sflag:s0] =	ssyncset.done @!p0 $0x0  }
0x58: {  	s9 =	rddreg [dreg:$0x8];
	[sflag:s0] =	ssyncadd.s32 @!p0 $0xFFFFF800;
	s0 =	simm.s32 $0x0  }
0x59: {  	[tilespmem:s0], [sflag:$0x3] =	stream.linear.gather [hbm4b:s9+s0], $0x1000, $0x38;
	[tilespmem:$0x1F080] =	vst v63  }
0x5a: {  	_ =	swait.ge [sflag:s30], $0x1000  }
0x5b: {  	[sflag:s30] =	ssyncset.done $0x0  }
0x5c: {  	[sflag:s30] =	ssyncadd.s32 $0xFFFFF000  }
0x5d: {  	[bflag:$0x0] =	sbarrier.arrive $0xFFFF  }
0x5e: {  	[tilespmem:s24], [sflag:$0x1] =	stream.indirect.gather [spmem:s2], $0x80, s0, s31, $0xb8;
	[tilespmem:$0x1F080] =	vst v63  }
0x5f: {  	s10 =	simm.s32 $0x80;
	s5 =	simm.s32 $0x3D80;
	s6 =	simm.s32 $0x3F80  }
0x60: {  	[tilespmem:s25], [sflag:$0x2] =	stream.indirect.gather [spmem:s2], $0x80, s10, s31, $0xb8;
	[tilespmem:$0x1F080] =	vst v63  }
.LBB2_4:
0x61: {  	_ =	swait.ge [sflag:s26], $0x1400  }
0x62: {  	[sflag:s26] =	ssyncset.done $0x0  }
0x63: {  	s8 =	simm.s32 $0xFFFFFF80;
	[sflag:s26] =	ssyncadd.s32 $0xFFFFEC00  }
0x64: {  	v0 =	vld [tilespmem:s8+$0x1080]  }
0x65: {  	v1 =	vld [tilespmem:s8+$0x1100];
	_ =	sdelay $0x1  }
0x66: {  	v2 =	vld [tilespmem:s8+$0x1180];
	_ =	sdelay $0x1  }
0x67: {  	v3 =	vld [tilespmem:s8+$0x1200]  }
0x68: {  	v4 =	vshll.u32 v0, $0x10;
	v5 =	vshll.u32 v1, $0x10  }
0x69: {  	v0 =	vand.u32 $0xFFFF0000, v0;
	v1 =	vand.u32 $0xFFFF0000, v1;
	v4 =	vadd.f32 v5, v4;
	v5 =	vld [tilespmem:s8+$0x1280]  }
0x6a: {  	v0 =	vadd.f32 v1, v0;
	v1 =	vshll.u32 v2, $0x10  }
0x6b: {  	v2 =	vand.u32 $0xFFFF0000, v2;
	v1 =	vadd.f32 v1, v4;
	v4 =	vld [tilespmem:s8+$0x1300]  }
0x6c: {  	v0 =	vadd.f32 v2, v0;
	v2 =	vshll.u32 v3, $0x10  }
0x6d: {  	v3 =	vand.u32 $0xFFFF0000, v3;
	v1 =	vadd.f32 v2, v1;
	v2 =	vld [tilespmem:s8+$0x1380]  }
0x6e: {  	v0 =	vadd.f32 v3, v0;
	v3 =	vshll.u32 v5, $0x10  }
0x6f: {  	v5 =	vand.u32 $0xFFFF0000, v5;
	v1 =	vadd.f32 v3, v1;
	v3 =	vld [tilespmem:s8+$0x1400]  }
0x70: {  	v0 =	vadd.f32 v5, v0;
	v5 =	vshll.u32 v4, $0x10  }
0x71: {  	v4 =	vand.u32 $0xFFFF0000, v4;
	v1 =	vadd.f32 v5, v1;
	v5 =	vld [tilespmem:s8+$0x1480]  }
0x72: {  	v0 =	vadd.f32 v4, v0;
	v4 =	vshll.u32 v2, $0x10  }
0x73: {  	v2 =	vand.u32 $0xFFFF0000, v2;
	v1 =	vadd.f32 v4, v1;
	v4 =	vld [tilespmem:s8+$0x1500]  }
0x74: {  	v2 =	vadd.f32 v2, v0;
	v0 =	vshll.u32 v3, $0x10  }
0x75: {  	v3 =	vand.u32 $0xFFFF0000, v3;
	v1 =	vadd.f32 v0, v1  }
0x76: {  	v0 =	vmov s5;
	v2 =	vadd.f32 v3, v2;
	v3 =	vshll.u32 v5, $0x10  }
0x77: {  	v5 =	vand.u32 $0xFFFF0000, v5;
	v1 =	vadd.f32 v3, v1  }
0x78: {  	v2 =	vadd.f32 v5, v2;
	v3 =	vshll.u32 v4, $0x10  }
0x79: {  	v4 =	vand.u32 $0xFFFF0000, v4;
	v1 =	vadd.f32 v3, v1  }
0x7a: {  	v2 =	vadd.f32 v4, v2  }
0x7b: {  	[tilespmem:v0+s8+$0xFFFFFB00 ss:$0x1] =	vst.idx.msk $0xffff, v1  }
0x7c: {  	[tilespmem:v0+s8+$0xFFFFFF00 ss:$0x1] =	vst.idx.msk $0xffff, v2  }
0x7d: {  	v1 =	vld [tilespmem:s8+$0x1580]  }
0x7e: {  	v2 =	vld [tilespmem:s8+$0x1600];
	_ =	sdelay $0x1  }
0x7f: {  	v3 =	vld [tilespmem:s8+$0x1680];
	_ =	sdelay $0x1  }
0x80: {  	v4 =	vld [tilespmem:s8+$0x1700]  }
0x81: {  	v5 =	vshll.u32 v1, $0x10;
	v6 =	vshll.u32 v2, $0x10  }
0x82: {  	v1 =	vand.u32 $0xFFFF0000, v1;
	v2 =	vand.u32 $0xFFFF0000, v2;
	v5 =	vadd.f32 v6, v5;
	v6 =	vld [tilespmem:s8+$0x1780]  }
0x83: {  	v1 =	vadd.f32 v2, v1;
	v2 =	vshll.u32 v3, $0x10  }
0x84: {  	v3 =	vand.u32 $0xFFFF0000, v3;
	v2 =	vadd.f32 v2, v5;
	v5 =	vld [tilespmem:s8+$0x1800]  }
0x85: {  	v1 =	vadd.f32 v3, v1;
	v3 =	vshll.u32 v4, $0x10  }
0x86: {  	v4 =	vand.u32 $0xFFFF0000, v4;
	v2 =	vadd.f32 v3, v2;
	v3 =	vld [tilespmem:s8+$0x1880]  }
0x87: {  	v1 =	vadd.f32 v4, v1;
	v4 =	vshll.u32 v6, $0x10  }
0x88: {  	v6 =	vand.u32 $0xFFFF0000, v6;
	v2 =	vadd.f32 v4, v2;
	v4 =	vld [tilespmem:s8+$0x1900]  }
0x89: {  	v1 =	vadd.f32 v6, v1;
	v6 =	vshll.u32 v5, $0x10  }
0x8a: {  	v5 =	vand.u32 $0xFFFF0000, v5;
	v2 =	vadd.f32 v6, v2;
	v6 =	vld [tilespmem:s8+$0x1980]  }
0x8b: {  	v1 =	vadd.f32 v5, v1;
	v5 =	vshll.u32 v3, $0x10  }
0x8c: {  	v3 =	vand.u32 $0xFFFF0000, v3;
	v2 =	vadd.f32 v5, v2;
	v5 =	vld [tilespmem:s8+$0x1A00]  }
0x8d: {  	v1 =	vadd.f32 v3, v1;
	v3 =	vshll.u32 v4, $0x10  }
0x8e: {  	v4 =	vand.u32 $0xFFFF0000, v4;
	v2 =	vadd.f32 v3, v2  }
0x8f: {  	v1 =	vadd.f32 v4, v1;
	v3 =	vshll.u32 v6, $0x10  }
0x90: {  	v4 =	vand.u32 $0xFFFF0000, v6;
	v2 =	vadd.f32 v3, v2  }
0x91: {  	v1 =	vadd.f32 v4, v1;
	v3 =	vshll.u32 v5, $0x10  }
0x92: {  	v4 =	vand.u32 $0xFFFF0000, v5;
	v2 =	vadd.f32 v3, v2  }
0x93: {  	v1 =	vadd.f32 v4, v1  }
0x94: {  	[tilespmem:v0+s8+$0xFFFFFB80 ss:$0x1] =	vst.idx.msk $0xffff, v2  }
0x95: {  	[tilespmem:v0+s8+$0xFFFFFF80 ss:$0x1] =	vst.idx.msk $0xffff, v1  }
0x96: {  	v1 =	vld [tilespmem:s8+$0x1A80]  }
0x97: {  	v2 =	vld [tilespmem:s8+$0x1B00];
	_ =	sdelay $0x1  }
0x98: {  	v3 =	vld [tilespmem:s8+$0x1B80];
	_ =	sdelay $0x1  }
0x99: {  	v4 =	vld [tilespmem:s8+$0x1C00]  }
0x9a: {  	v5 =	vshll.u32 v1, $0x10;
	v6 =	vshll.u32 v2, $0x10  }
0x9b: {  	v7 =	vld [tilespmem:s8+$0x1C80];
	v1 =	vand.u32 $0xFFFF0000, v1;
	v2 =	vand.u32 $0xFFFF0000, v2;
	v5 =	vadd.f32 v6, v5  }
0x9c: {  	v1 =	vadd.f32 v2, v1;
	v2 =	vshll.u32 v3, $0x10  }
0x9d: {  	v6 =	vld [tilespmem:s8+$0x1D00];
	v3 =	vand.u32 $0xFFFF0000, v3;
	v2 =	vadd.f32 v2, v5  }
0x9e: {  	v1 =	vadd.f32 v3, v1;
	v3 =	vshll.u32 v4, $0x10  }
0x9f: {  	v5 =	vld [tilespmem:s8+$0x1D80];
	v4 =	vand.u32 $0xFFFF0000, v4;
	v2 =	vadd.f32 v3, v2  }
0xa0: {  	v1 =	vadd.f32 v4, v1;
	v3 =	vshll.u32 v7, $0x10  }
0xa1: {  	v4 =	vld [tilespmem:s8+$0x1E00];
	v7 =	vand.u32 $0xFFFF0000, v7;
	v2 =	vadd.f32 v3, v2  }
0xa2: {  	v1 =	vadd.f32 v7, v1;
	v3 =	vshll.u32 v6, $0x10  }
0xa3: {  	v7 =	vld [tilespmem:s8+$0x1E80];
	v6 =	vand.u32 $0xFFFF0000, v6;
	v2 =	vadd.f32 v3, v2  }
0xa4: {  	v1 =	vadd.f32 v6, v1;
	v3 =	vshll.u32 v5, $0x10  }
0xa5: {  	v6 =	vld [tilespmem:s8+$0x1F00];
	v5 =	vand.u32 $0xFFFF0000, v5;
	v2 =	vadd.f32 v3, v2  }
0xa6: {  	v1 =	vadd.f32 v5, v1;
	v3 =	vshll.u32 v4, $0x10  }
0xa7: {  	v4 =	vand.u32 $0xFFFF0000, v4;
	v2 =	vadd.f32 v3, v2  }
0xa8: {  	v1 =	vadd.f32 v4, v1;
	v3 =	vshll.u32 v7, $0x10  }
0xa9: {  	v4 =	vand.u32 $0xFFFF0000, v7;
	v2 =	vadd.f32 v3, v2  }
0xaa: {  	v1 =	vadd.f32 v4, v1;
	v3 =	vshll.u32 v6, $0x10  }
0xab: {  	v4 =	vand.u32 $0xFFFF0000, v6;
	v2 =	vadd.f32 v3, v2  }
0xac: {  	v1 =	vadd.f32 v4, v1  }
0xad: {  	[tilespmem:v0+s8+$0xFFFFFC00 ss:$0x1] =	vst.idx.msk $0xffff, v2  }
0xae: {  	[tilespmem:v0+s8+$0x0 ss:$0x1] =	vst.idx.msk $0xffff, v1  }
0xaf: {  	v1 =	vld [tilespmem:s8+$0x1F80]  }
0xb0: {  	v2 =	vld [tilespmem:s8+$0x2000];
	_ =	sdelay $0x1  }
0xb1: {  	v3 =	vld [tilespmem:s8+$0x2080];
	_ =	sdelay $0x1  }
0xb2: {  	v5 =	vld [tilespmem:s8+$0x2100];
	v4 =	vshll.u32 v1, $0x10  }
0xb3: {  	v6 =	vld [tilespmem:s8+$0x2180];
	v1 =	vand.u32 $0xFFFF0000, v1;
	v7 =	vshll.u32 v2, $0x10;
	v2 =	vand.u32 $0xFFFF0000, v2  }
0xb4: {  	v8 =	vld [tilespmem:s8+$0x2200];
	v4 =	vadd.f32 v7, v4;
	v1 =	vadd.f32 v2, v1  }
0xb5: {  	v2 =	vshll.u32 v3, $0x10;
	v3 =	vand.u32 $0xFFFF0000, v3  }
0xb6: {  	v2 =	vadd.f32 v2, v4;
	v1 =	vadd.f32 v3, v1  }
0xb7: {  	v7 =	vshll.u32 v5, $0x10;
	v5 =	vand.u32 $0xFFFF0000, v5;
	v4 =	vld [tilespmem:s8+$0x2280]  }
0xb8: {  	v3 =	vld [tilespmem:s8+$0x2300];
	v7 =	vadd.f32 v7, v2;
	v9 =	vadd.f32 v5, v1  }
0xb9: {  	v10 =	vshll.u32 v6, $0x10;
	v11 =	vand.u32 $0xFFFF0000, v6;
	v2 =	vld [tilespmem:s8+$0x2380];
	v5 =	vand.u32 $0xFFFF0000, v8  }
0xba: {  	s7 =	simm.s32 $0xFFFFFE40;
	v1 =	vld [tilespmem:s8+$0x2400];
	v8 =	vshll.u32 v8, $0x10;
	v6 =	vadd.f32 v10, v7;
	v7 =	vadd.f32 v11, v9  }
.LBB2_5:
0xbb: {  	p1 =	sne.s32 s7, $0xFFFFFFC0;
	s9 =	smov.u32 s7;
	s7 =	sadd.s32 $0x40, s7  }
0xbc: {  	v6 =	vadd.f32 v8, v6;
	v5 =	vadd.f32 v5, v7;
	v7 =	vshll.u32 v4, $0x10  }
0xbd: {  	v4 =	vand.u32 $0xFFFF0000, v4  }
0xbe: {  	v6 =	vadd.f32 v7, v6;
	v4 =	vadd.f32 v4, v5;
	v5 =	vshll.u32 v3, $0x10  }
0xbf: {  	v3 =	vand.u32 $0xFFFF0000, v3  }
0xc0: {  	v5 =	vadd.f32 v5, v6;
	v3 =	vadd.f32 v3, v4;
	v4 =	vshll.u32 v2, $0x10  }
0xc1: {  	v2 =	vand.u32 $0xFFFF0000, v2  }
0xc2: {  	s9 =	sshra.s32 s9, $0x2;
	v4 =	vadd.f32 v4, v5;
	v2 =	vadd.f32 v2, v3;
	v3 =	vshll.u32 v1, $0x10  }
0xc3: {  	v1 =	vand.u32 $0xFFFF0000, v1  }
0xc4: {  	v3 =	vadd.f32 v3, v4;
	v1 =	vadd.f32 v1, v2;
	_ =	sdelay $0x1  }
0xc5: {  	[tilespmem:v0+s8+$0xFFFFFC80 ss:$0x1] =	vst.idx.msk $0xffff, v3  }
0xc6: {  	[tilespmem:v0+s8+$0x80 ss:$0x1] =	vst.idx.msk $0xffff, v1;
	s8 =	smov.u32 s9  }
0xc7: {  	v1 =	vld [tilespmem:s8+$0x1080]  }
0xc8: {  	v2 =	vld [tilespmem:s8+$0x1100];
	_ =	sdelay $0x1  }
0xc9: {  	v3 =	vld [tilespmem:s8+$0x1180]  }
0xca: {  	v4 =	vld [tilespmem:s8+$0x1200]  }
0xcb: {  	v5 =	vand.u32 $0xFFFF0000, v1  }
0xcc: {  	v1 =	vshll.u32 v1, $0x10;
	v6 =	vshll.u32 v2, $0x10;
	v2 =	vand.u32 $0xFFFF0000, v2  }
0xcd: {  	v1 =	vadd.f32 v6, v1;
	v2 =	vadd.f32 v2, v5;
	v5 =	vld [tilespmem:s8+$0x1280]  }
0xce: {  	v6 =	vshll.u32 v3, $0x10;
	v3 =	vand.u32 $0xFFFF0000, v3  }
0xcf: {  	v1 =	vadd.f32 v6, v1;
	v2 =	vadd.f32 v3, v2;
	v3 =	vshll.u32 v4, $0x10;
	v6 =	vld [tilespmem:s8+$0x1300]  }
0xd0: {  	v4 =	vand.u32 $0xFFFF0000, v4  }
0xd1: {  	v1 =	vadd.f32 v3, v1;
	v2 =	vadd.f32 v4, v2;
	v3 =	vld [tilespmem:s8+$0x1380]  }
0xd2: {  	v4 =	vshll.u32 v5, $0x10;
	v5 =	vand.u32 $0xFFFF0000, v5  }
0xd3: {  	v1 =	vadd.f32 v4, v1;
	v2 =	vadd.f32 v5, v2;
	v4 =	vld [tilespmem:s8+$0x1400]  }
0xd4: {  	v5 =	vshll.u32 v6, $0x10;
	v6 =	vand.u32 $0xFFFF0000, v6  }
0xd5: {  	v1 =	vadd.f32 v5, v1;
	v2 =	vadd.f32 v6, v2;
	v5 =	vld [tilespmem:s8+$0x1480]  }
0xd6: {  	v6 =	vshll.u32 v3, $0x10;
	v3 =	vand.u32 $0xFFFF0000, v3  }
0xd7: {  	v1 =	vadd.f32 v6, v1;
	v2 =	vadd.f32 v3, v2;
	v3 =	vld [tilespmem:s8+$0x1500]  }
0xd8: {  	v6 =	vshll.u32 v4, $0x10;
	v4 =	vand.u32 $0xFFFF0000, v4  }
0xd9: {  	v1 =	vadd.f32 v6, v1;
	v2 =	vadd.f32 v4, v2  }
0xda: {  	v4 =	vshll.u32 v5, $0x10;
	v5 =	vand.u32 $0xFFFF0000, v5  }
0xdb: {  	v1 =	vadd.f32 v4, v1;
	v2 =	vadd.f32 v5, v2  }
0xdc: {  	v4 =	vshll.u32 v3, $0x10;
	v3 =	vand.u32 $0xFFFF0000, v3  }
0xdd: {  	v1 =	vadd.f32 v4, v1;
	v2 =	vadd.f32 v3, v2;
	_ =	sdelay $0x1  }
0xde: {  	[tilespmem:v0+s8+$0xFFFFFB00 ss:$0x1] =	vst.idx.msk $0xffff, v1  }
0xdf: {  	[tilespmem:v0+s8+$0xFFFFFF00 ss:$0x1] =	vst.idx.msk $0xffff, v2  }
0xe0: {  	v1 =	vld [tilespmem:s8+$0x1580]  }
0xe1: {  	v2 =	vld [tilespmem:s8+$0x1600]  }
0xe2: {  	v3 =	vld [tilespmem:s8+$0x1680];
	_ =	sdelay $0x2  }
0xe3: {  	v4 =	vand.u32 $0xFFFF0000, v1;
	v5 =	vld [tilespmem:s8+$0x1700]  }
0xe4: {  	v1 =	vshll.u32 v1, $0x10;
	v6 =	vshll.u32 v2, $0x10;
	v2 =	vand.u32 $0xFFFF0000, v2  }
0xe5: {  	v1 =	vadd.f32 v6, v1;
	v2 =	vadd.f32 v2, v4;
	v4 =	vld [tilespmem:s8+$0x1780]  }
0xe6: {  	v6 =	vshll.u32 v3, $0x10;
	v3 =	vand.u32 $0xFFFF0000, v3  }
0xe7: {  	v1 =	vadd.f32 v6, v1;
	v2 =	vadd.f32 v3, v2;
	v3 =	vld [tilespmem:s8+$0x1800]  }
0xe8: {  	v6 =	vshll.u32 v5, $0x10;
	v5 =	vand.u32 $0xFFFF0000, v5  }
0xe9: {  	v1 =	vadd.f32 v6, v1;
	v2 =	vadd.f32 v5, v2;
	v5 =	vld [tilespmem:s8+$0x1880]  }
0xea: {  	v6 =	vshll.u32 v4, $0x10;
	v4 =	vand.u32 $0xFFFF0000, v4  }
0xeb: {  	v1 =	vadd.f32 v6, v1;
	v2 =	vadd.f32 v4, v2;
	v4 =	vld [tilespmem:s8+$0x1900]  }
0xec: {  	v6 =	vshll.u32 v3, $0x10;
	v3 =	vand.u32 $0xFFFF0000, v3  }
0xed: {  	v1 =	vadd.f32 v6, v1;
	v2 =	vadd.f32 v3, v2;
	v3 =	vld [tilespmem:s8+$0x1980]  }
0xee: {  	v6 =	vshll.u32 v5, $0x10;
	v5 =	vand.u32 $0xFFFF0000, v5  }
0xef: {  	v1 =	vadd.f32 v6, v1;
	v2 =	vadd.f32 v5, v2;
	v5 =	vld [tilespmem:s8+$0x1A00]  }
0xf0: {  	v6 =	vshll.u32 v4, $0x10;
	v4 =	vand.u32 $0xFFFF0000, v4  }
0xf1: {  	v1 =	vadd.f32 v6, v1;
	v2 =	vadd.f32 v4, v2  }
0xf2: {  	v4 =	vshll.u32 v3, $0x10;
	v3 =	vand.u32 $0xFFFF0000, v3  }
0xf3: {  	v1 =	vadd.f32 v4, v1;
	v2 =	vadd.f32 v3, v2  }
0xf4: {  	v3 =	vshll.u32 v5, $0x10;
	v4 =	vand.u32 $0xFFFF0000, v5  }
0xf5: {  	v1 =	vadd.f32 v3, v1;
	v2 =	vadd.f32 v4, v2;
	_ =	sdelay $0x1  }
0xf6: {  	[tilespmem:v0+s8+$0xFFFFFB80 ss:$0x1] =	vst.idx.msk $0xffff, v1  }
0xf7: {  	[tilespmem:v0+s8+$0xFFFFFF80 ss:$0x1] =	vst.idx.msk $0xffff, v2  }
0xf8: {  	v1 =	vld [tilespmem:s8+$0x1A80]  }
0xf9: {  	v2 =	vld [tilespmem:s8+$0x1B00]  }
0xfa: {  	v3 =	vld [tilespmem:s8+$0x1B80]  }
0xfb: {  	v4 =	vld [tilespmem:s8+$0x1C00]  }
0xfc: {  	v5 =	vld [tilespmem:s8+$0x1C80]  }
0xfd: {  	v6 =	vshll.u32 v1, $0x10;
	v7 =	vld [tilespmem:s8+$0x1D00]  }
0xfe: {  	v1 =	vand.u32 $0xFFFF0000, v1;
	v8 =	vshll.u32 v2, $0x10;
	v2 =	vand.u32 $0xFFFF0000, v2;
	v9 =	vld [tilespmem:s8+$0x1D80]  }
0xff: {  	v6 =	vadd.f32 v8, v6;
	v1 =	vadd.f32 v2, v1;
	v2 =	vld [tilespmem:s8+$0x1E00]  }
0x100: {  	v8 =	vshll.u32 v3, $0x10;
	v3 =	vand.u32 $0xFFFF0000, v3;
	v10 =	vld [tilespmem:s8+$0x1E80]  }
0x101: {  	v6 =	vadd.f32 v8, v6;
	v1 =	vadd.f32 v3, v1;
	v3 =	vld [tilespmem:s8+$0x1F00]  }
0x102: {  	v8 =	vshll.u32 v4, $0x10;
	v4 =	vand.u32 $0xFFFF0000, v4  }
0x103: {  	v6 =	vadd.f32 v8, v6;
	v1 =	vadd.f32 v4, v1  }
0x104: {  	v4 =	vshll.u32 v5, $0x10;
	v5 =	vand.u32 $0xFFFF0000, v5  }
0x105: {  	v4 =	vadd.f32 v4, v6;
	v1 =	vadd.f32 v5, v1  }
0x106: {  	v5 =	vshll.u32 v7, $0x10;
	v6 =	vand.u32 $0xFFFF0000, v7  }
0x107: {  	v4 =	vadd.f32 v5, v4;
	v1 =	vadd.f32 v6, v1  }
0x108: {  	v5 =	vshll.u32 v9, $0x10;
	v6 =	vand.u32 $0xFFFF0000, v9  }
0x109: {  	v4 =	vadd.f32 v5, v4;
	v1 =	vadd.f32 v6, v1  }
0x10a: {  	v5 =	vshll.u32 v2, $0x10;
	v2 =	vand.u32 $0xFFFF0000, v2  }
0x10b: {  	v4 =	vadd.f32 v5, v4;
	v1 =	vadd.f32 v2, v1  }
0x10c: {  	v2 =	vshll.u32 v10, $0x10;
	v5 =	vand.u32 $0xFFFF0000, v10  }
0x10d: {  	v2 =	vadd.f32 v2, v4;
	v1 =	vadd.f32 v5, v1  }
0x10e: {  	v4 =	vshll.u32 v3, $0x10;
	v3 =	vand.u32 $0xFFFF0000, v3  }
0x10f: {  	v2 =	vadd.f32 v4, v2;
	v1 =	vadd.f32 v3, v1;
	_ =	sdelay $0x1  }
0x110: {  	[tilespmem:v0+s8+$0xFFFFFC00 ss:$0x1] =	vst.idx.msk $0xffff, v2  }
0x111: {  	[tilespmem:v0+s8+$0x0 ss:$0x1] =	vst.idx.msk $0xffff, v1  }
0x112: {  	v1 =	vld [tilespmem:s8+$0x1F80]  }
0x113: {  	v2 =	vld [tilespmem:s8+$0x2000]  }
0x114: {  	v5 =	vld [tilespmem:s8+$0x2080]  }
0x115: {  	v6 =	vld [tilespmem:s8+$0x2100]  }
0x116: {  	v7 =	vld [tilespmem:s8+$0x2180]  }
0x117: {  	v3 =	vshll.u32 v1, $0x10;
	v8 =	vld [tilespmem:s8+$0x2200]  }
0x118: {  	v1 =	vand.u32 $0xFFFF0000, v1;
	v9 =	vshll.u32 v2, $0x10;
	v2 =	vand.u32 $0xFFFF0000, v2;
	v4 =	vld [tilespmem:s8+$0x2280]  }
0x119: {  	v9 =	vadd.f32 v9, v3;
	v1 =	vadd.f32 v2, v1;
	v10 =	vshll.u32 v5, $0x10;
	v3 =	vld [tilespmem:s8+$0x2300]  }
0x11a: {  	v5 =	vand.u32 $0xFFFF0000, v5;
	v2 =	vld [tilespmem:s8+$0x2380]  }
.Ltmp3:
0x11b: {  	v11 =	vshll.u32 v6, $0x10;
	v9 =	vadd.f32 v10, v9;
	v10 =	vadd.f32 v5, v1;
	v1 =	vld [tilespmem:s8+$0x2400];
	(pc) =	sbr.rel @p1 .LBB2_5-.Ltmp3, $4  }
0x11c: {  	v6 =	vand.u32 $0xFFFF0000, v6;
	v5 =	vand.u32 $0xFFFF0000, v8  }
0x11d: {  	v9 =	vadd.f32 v11, v9;
	v10 =	vadd.f32 v6, v10;
	v6 =	vshll.u32 v7, $0x10  }
0x11e: {  	v7 =	vand.u32 $0xFFFF0000, v7  }
0x11f: {  	v8 =	vshll.u32 v8, $0x10;
	v6 =	vadd.f32 v6, v9;
	v7 =	vadd.f32 v7, v10  }
0x120: {  	_ = 	snop  }
0x121: {  	v6 =	vadd.f32 v8, v6  }
0x122: {  	v5 =	vadd.f32 v5, v7;
	v7 =	vshll.u32 v4, $0x10  }
0x123: {  	v4 =	vand.u32 $0xFFFF0000, v4;
	v6 =	vadd.f32 v7, v6  }
0x124: {  	v4 =	vadd.f32 v4, v5;
	v5 =	vshll.u32 v3, $0x10  }
0x125: {  	v3 =	vand.u32 $0xFFFF0000, v3;
	v5 =	vadd.f32 v5, v6  }
0x126: {  	v3 =	vadd.f32 v3, v4;
	v4 =	vshll.u32 v2, $0x10  }
0x127: {  	v2 =	vand.u32 $0xFFFF0000, v2;
	v4 =	vadd.f32 v4, v5  }
0x128: {  	v2 =	vadd.f32 v2, v3;
	v3 =	vshll.u32 v1, $0x10  }
0x129: {  	v1 =	vand.u32 $0xFFFF0000, v1;
	v3 =	vadd.f32 v3, v4  }
0x12a: {  	s7 =	sshll.u32 s0, $0xA;
	p1 =	seq.s32 s0, $0xF;
	v1 =	vadd.f32 v1, v2  }
0x12b: {  	s9 =	sshrl.u32 @!p1 s7, $0x2;
	[tilespmem:v0+s8+$0xFFFFFC80 ss:$0x1] =	vst.idx.msk $0xffff, v3  }
0x12c: {  	s10 =	simm.s32 @!p1 $0x1000;
	[tilespmem:v0+s8+$0x80 ss:$0x1] =	vst.idx.msk $0xffff, v1;
	s8 =	sadd.s32 @!p1 $0x100, s9;
	s9 =	simm.s32 @!p1 $0x28  }
0x12d: {  	[tilespmem:s10], [sflag:$0x1] =	stream.indirect.gather @!p1 [spmem:s2], $0x80, s8, s9, $0xb8;
	[tilespmem:$0x1F080] =	vst v63  }
0x12e: {  	_ =	swait.ge [sflag:s29], $0x1400  }
0x12f: {  	[sflag:s29] =	ssyncset.done $0x0  }
0x130: {  	s8 =	simm.s32 $0xFFFFFF80;
	[sflag:s29] =	ssyncadd.s32 $0xFFFFEC00  }
0x131: {  	v0 =	vld [tilespmem:s8+$0x2480]  }
0x132: {  	v1 =	vld [tilespmem:s8+$0x2500];
	_ =	sdelay $0x1  }
0x133: {  	v2 =	vld [tilespmem:s8+$0x2580];
	_ =	sdelay $0x1  }
0x134: {  	v3 =	vld [tilespmem:s8+$0x2600]  }
0x135: {  	v4 =	vshll.u32 v0, $0x10;
	v5 =	vshll.u32 v1, $0x10  }
0x136: {  	v0 =	vand.u32 $0xFFFF0000, v0;
	v1 =	vand.u32 $0xFFFF0000, v1;
	v4 =	vadd.f32 v5, v4;
	v5 =	vld [tilespmem:s8+$0x2680]  }
0x137: {  	v0 =	vadd.f32 v1, v0;
	v1 =	vshll.u32 v2, $0x10  }
0x138: {  	v2 =	vand.u32 $0xFFFF0000, v2;
	v1 =	vadd.f32 v1, v4;
	v4 =	vld [tilespmem:s8+$0x2700]  }
0x139: {  	v0 =	vadd.f32 v2, v0;
	v2 =	vshll.u32 v3, $0x10  }
0x13a: {  	v3 =	vand.u32 $0xFFFF0000, v3;
	v1 =	vadd.f32 v2, v1;
	v2 =	vld [tilespmem:s8+$0x2780]  }
0x13b: {  	v0 =	vadd.f32 v3, v0;
	v3 =	vshll.u32 v5, $0x10  }
0x13c: {  	v5 =	vand.u32 $0xFFFF0000, v5;
	v1 =	vadd.f32 v3, v1;
	v3 =	vld [tilespmem:s8+$0x2800]  }
0x13d: {  	v0 =	vadd.f32 v5, v0;
	v5 =	vshll.u32 v4, $0x10  }
0x13e: {  	v4 =	vand.u32 $0xFFFF0000, v4;
	v1 =	vadd.f32 v5, v1;
	v5 =	vld [tilespmem:s8+$0x2880]  }
0x13f: {  	v0 =	vadd.f32 v4, v0;
	v4 =	vshll.u32 v2, $0x10  }
0x140: {  	v2 =	vand.u32 $0xFFFF0000, v2;
	v1 =	vadd.f32 v4, v1;
	v4 =	vld [tilespmem:s8+$0x2900]  }
0x141: {  	v2 =	vadd.f32 v2, v0;
	v0 =	vshll.u32 v3, $0x10  }
0x142: {  	v3 =	vand.u32 $0xFFFF0000, v3;
	v1 =	vadd.f32 v0, v1  }
0x143: {  	v0 =	vmov s6;
	v2 =	vadd.f32 v3, v2;
	v3 =	vshll.u32 v5, $0x10  }
0x144: {  	v5 =	vand.u32 $0xFFFF0000, v5;
	v1 =	vadd.f32 v3, v1  }
0x145: {  	v2 =	vadd.f32 v5, v2;
	v3 =	vshll.u32 v4, $0x10  }
0x146: {  	v4 =	vand.u32 $0xFFFF0000, v4;
	v1 =	vadd.f32 v3, v1  }
0x147: {  	v2 =	vadd.f32 v4, v2  }
0x148: {  	[tilespmem:v0+s8+$0xFFFFFB00 ss:$0x1] =	vst.idx.msk $0xffff, v1  }
0x149: {  	[tilespmem:v0+s8+$0xFFFFFF00 ss:$0x1] =	vst.idx.msk $0xffff, v2  }
0x14a: {  	v1 =	vld [tilespmem:s8+$0x2980]  }
0x14b: {  	v2 =	vld [tilespmem:s8+$0x2A00];
	_ =	sdelay $0x1  }
0x14c: {  	v3 =	vld [tilespmem:s8+$0x2A80];
	_ =	sdelay $0x1  }
0x14d: {  	v4 =	vld [tilespmem:s8+$0x2B00]  }
0x14e: {  	v5 =	vshll.u32 v1, $0x10;
	v6 =	vshll.u32 v2, $0x10  }
0x14f: {  	v1 =	vand.u32 $0xFFFF0000, v1;
	v2 =	vand.u32 $0xFFFF0000, v2;
	v5 =	vadd.f32 v6, v5;
	v6 =	vld [tilespmem:s8+$0x2B80]  }
0x150: {  	v1 =	vadd.f32 v2, v1;
	v2 =	vshll.u32 v3, $0x10  }
0x151: {  	v3 =	vand.u32 $0xFFFF0000, v3;
	v2 =	vadd.f32 v2, v5;
	v5 =	vld [tilespmem:s8+$0x2C00]  }
0x152: {  	v1 =	vadd.f32 v3, v1;
	v3 =	vshll.u32 v4, $0x10  }
0x153: {  	v4 =	vand.u32 $0xFFFF0000, v4;
	v2 =	vadd.f32 v3, v2;
	v3 =	vld [tilespmem:s8+$0x2C80]  }
0x154: {  	v1 =	vadd.f32 v4, v1;
	v4 =	vshll.u32 v6, $0x10  }
0x155: {  	v6 =	vand.u32 $0xFFFF0000, v6;
	v2 =	vadd.f32 v4, v2;
	v4 =	vld [tilespmem:s8+$0x2D00]  }
0x156: {  	v1 =	vadd.f32 v6, v1;
	v6 =	vshll.u32 v5, $0x10  }
0x157: {  	v5 =	vand.u32 $0xFFFF0000, v5;
	v2 =	vadd.f32 v6, v2;
	v6 =	vld [tilespmem:s8+$0x2D80]  }
0x158: {  	v1 =	vadd.f32 v5, v1;
	v5 =	vshll.u32 v3, $0x10  }
0x159: {  	v3 =	vand.u32 $0xFFFF0000, v3;
	v2 =	vadd.f32 v5, v2;
	v5 =	vld [tilespmem:s8+$0x2E00]  }
0x15a: {  	v1 =	vadd.f32 v3, v1;
	v3 =	vshll.u32 v4, $0x10  }
0x15b: {  	v4 =	vand.u32 $0xFFFF0000, v4;
	v2 =	vadd.f32 v3, v2  }
0x15c: {  	v1 =	vadd.f32 v4, v1;
	v3 =	vshll.u32 v6, $0x10  }
0x15d: {  	v4 =	vand.u32 $0xFFFF0000, v6;
	v2 =	vadd.f32 v3, v2  }
0x15e: {  	v1 =	vadd.f32 v4, v1;
	v3 =	vshll.u32 v5, $0x10  }
0x15f: {  	v4 =	vand.u32 $0xFFFF0000, v5;
	v2 =	vadd.f32 v3, v2  }
0x160: {  	v1 =	vadd.f32 v4, v1  }
0x161: {  	[tilespmem:v0+s8+$0xFFFFFB80 ss:$0x1] =	vst.idx.msk $0xffff, v2  }
0x162: {  	[tilespmem:v0+s8+$0xFFFFFF80 ss:$0x1] =	vst.idx.msk $0xffff, v1  }
0x163: {  	v1 =	vld [tilespmem:s8+$0x2E80]  }
0x164: {  	v2 =	vld [tilespmem:s8+$0x2F00];
	_ =	sdelay $0x1  }
0x165: {  	v3 =	vld [tilespmem:s8+$0x2F80];
	_ =	sdelay $0x1  }
0x166: {  	v4 =	vld [tilespmem:s8+$0x3000]  }
0x167: {  	v5 =	vshll.u32 v1, $0x10;
	v6 =	vshll.u32 v2, $0x10  }
0x168: {  	v7 =	vld [tilespmem:s8+$0x3080];
	v1 =	vand.u32 $0xFFFF0000, v1;
	v2 =	vand.u32 $0xFFFF0000, v2;
	v5 =	vadd.f32 v6, v5  }
0x169: {  	v1 =	vadd.f32 v2, v1;
	v2 =	vshll.u32 v3, $0x10  }
0x16a: {  	v6 =	vld [tilespmem:s8+$0x3100];
	v3 =	vand.u32 $0xFFFF0000, v3;
	v2 =	vadd.f32 v2, v5  }
0x16b: {  	v1 =	vadd.f32 v3, v1;
	v3 =	vshll.u32 v4, $0x10  }
0x16c: {  	v5 =	vld [tilespmem:s8+$0x3180];
	v4 =	vand.u32 $0xFFFF0000, v4;
	v2 =	vadd.f32 v3, v2  }
0x16d: {  	v1 =	vadd.f32 v4, v1;
	v3 =	vshll.u32 v7, $0x10  }
0x16e: {  	v4 =	vld [tilespmem:s8+$0x3200];
	v7 =	vand.u32 $0xFFFF0000, v7;
	v2 =	vadd.f32 v3, v2  }
0x16f: {  	v1 =	vadd.f32 v7, v1;
	v3 =	vshll.u32 v6, $0x10  }
0x170: {  	v7 =	vld [tilespmem:s8+$0x3280];
	v6 =	vand.u32 $0xFFFF0000, v6;
	v2 =	vadd.f32 v3, v2  }
0x171: {  	v1 =	vadd.f32 v6, v1;
	v3 =	vshll.u32 v5, $0x10  }
0x172: {  	v6 =	vld [tilespmem:s8+$0x3300];
	v5 =	vand.u32 $0xFFFF0000, v5;
	v2 =	vadd.f32 v3, v2  }
0x173: {  	v1 =	vadd.f32 v5, v1;
	v3 =	vshll.u32 v4, $0x10  }
0x174: {  	v4 =	vand.u32 $0xFFFF0000, v4;
	v2 =	vadd.f32 v3, v2  }
0x175: {  	v1 =	vadd.f32 v4, v1;
	v3 =	vshll.u32 v7, $0x10  }
0x176: {  	v4 =	vand.u32 $0xFFFF0000, v7;
	v2 =	vadd.f32 v3, v2  }
0x177: {  	v1 =	vadd.f32 v4, v1;
	v3 =	vshll.u32 v6, $0x10  }
0x178: {  	v4 =	vand.u32 $0xFFFF0000, v6;
	v2 =	vadd.f32 v3, v2  }
0x179: {  	v1 =	vadd.f32 v4, v1  }
0x17a: {  	[tilespmem:v0+s8+$0xFFFFFC00 ss:$0x1] =	vst.idx.msk $0xffff, v2  }
0x17b: {  	[tilespmem:v0+s8+$0x0 ss:$0x1] =	vst.idx.msk $0xffff, v1  }
0x17c: {  	v1 =	vld [tilespmem:s8+$0x3380]  }
0x17d: {  	v2 =	vld [tilespmem:s8+$0x3400];
	_ =	sdelay $0x1  }
0x17e: {  	v3 =	vld [tilespmem:s8+$0x3480];
	_ =	sdelay $0x1  }
0x17f: {  	v5 =	vld [tilespmem:s8+$0x3500];
	v4 =	vshll.u32 v1, $0x10  }
0x180: {  	v6 =	vld [tilespmem:s8+$0x3580];
	v1 =	vand.u32 $0xFFFF0000, v1;
	v7 =	vshll.u32 v2, $0x10;
	v2 =	vand.u32 $0xFFFF0000, v2  }
0x181: {  	v8 =	vld [tilespmem:s8+$0x3600];
	v4 =	vadd.f32 v7, v4;
	v1 =	vadd.f32 v2, v1  }
0x182: {  	v2 =	vshll.u32 v3, $0x10;
	v3 =	vand.u32 $0xFFFF0000, v3  }
0x183: {  	v2 =	vadd.f32 v2, v4;
	v1 =	vadd.f32 v3, v1  }
0x184: {  	v7 =	vshll.u32 v5, $0x10;
	v5 =	vand.u32 $0xFFFF0000, v5;
	v4 =	vld [tilespmem:s8+$0x3680]  }
0x185: {  	v3 =	vld [tilespmem:s8+$0x3700];
	v7 =	vadd.f32 v7, v2;
	v9 =	vadd.f32 v5, v1  }
0x186: {  	v10 =	vshll.u32 v6, $0x10;
	v11 =	vand.u32 $0xFFFF0000, v6;
	v2 =	vld [tilespmem:s8+$0x3780];
	v5 =	vand.u32 $0xFFFF0000, v8  }
0x187: {  	s9 =	simm.s32 $0xFFFFFE40;
	v1 =	vld [tilespmem:s8+$0x3800];
	v8 =	vshll.u32 v8, $0x10;
	v6 =	vadd.f32 v10, v7;
	v7 =	vadd.f32 v11, v9  }
.LBB2_7:
0x188: {  	p2 =	sne.s32 s9, $0xFFFFFFC0;
	s10 =	smov.u32 s9;
	s9 =	sadd.s32 $0x40, s9  }
0x189: {  	v6 =	vadd.f32 v8, v6;
	v5 =	vadd.f32 v5, v7;
	v7 =	vshll.u32 v4, $0x10  }
0x18a: {  	v4 =	vand.u32 $0xFFFF0000, v4  }
0x18b: {  	v6 =	vadd.f32 v7, v6;
	v4 =	vadd.f32 v4, v5;
	v5 =	vshll.u32 v3, $0x10  }
0x18c: {  	v3 =	vand.u32 $0xFFFF0000, v3  }
0x18d: {  	v5 =	vadd.f32 v5, v6;
	v3 =	vadd.f32 v3, v4;
	v4 =	vshll.u32 v2, $0x10  }
0x18e: {  	v2 =	vand.u32 $0xFFFF0000, v2  }
0x18f: {  	s10 =	sshra.s32 s10, $0x2;
	v4 =	vadd.f32 v4, v5;
	v2 =	vadd.f32 v2, v3;
	v3 =	vshll.u32 v1, $0x10  }
0x190: {  	v1 =	vand.u32 $0xFFFF0000, v1  }
0x191: {  	v3 =	vadd.f32 v3, v4;
	v1 =	vadd.f32 v1, v2;
	_ =	sdelay $0x1  }
0x192: {  	[tilespmem:v0+s8+$0xFFFFFC80 ss:$0x1] =	vst.idx.msk $0xffff, v3  }
0x193: {  	[tilespmem:v0+s8+$0x80 ss:$0x1] =	vst.idx.msk $0xffff, v1;
	s8 =	smov.u32 s10  }
0x194: {  	v1 =	vld [tilespmem:s8+$0x2480]  }
0x195: {  	v2 =	vld [tilespmem:s8+$0x2500];
	_ =	sdelay $0x1  }
0x196: {  	v3 =	vld [tilespmem:s8+$0x2580]  }
0x197: {  	v4 =	vld [tilespmem:s8+$0x2600]  }
0x198: {  	v5 =	vand.u32 $0xFFFF0000, v1  }
0x199: {  	v1 =	vshll.u32 v1, $0x10;
	v6 =	vshll.u32 v2, $0x10;
	v2 =	vand.u32 $0xFFFF0000, v2  }
0x19a: {  	v1 =	vadd.f32 v6, v1;
	v2 =	vadd.f32 v2, v5;
	v5 =	vld [tilespmem:s8+$0x2680]  }
0x19b: {  	v6 =	vshll.u32 v3, $0x10;
	v3 =	vand.u32 $0xFFFF0000, v3  }
0x19c: {  	v1 =	vadd.f32 v6, v1;
	v2 =	vadd.f32 v3, v2;
	v3 =	vshll.u32 v4, $0x10;
	v6 =	vld [tilespmem:s8+$0x2700]  }
0x19d: {  	v4 =	vand.u32 $0xFFFF0000, v4  }
0x19e: {  	v1 =	vadd.f32 v3, v1;
	v2 =	vadd.f32 v4, v2;
	v3 =	vld [tilespmem:s8+$0x2780]  }
0x19f: {  	v4 =	vshll.u32 v5, $0x10;
	v5 =	vand.u32 $0xFFFF0000, v5  }
0x1a0: {  	v1 =	vadd.f32 v4, v1;
	v2 =	vadd.f32 v5, v2;
	v4 =	vld [tilespmem:s8+$0x2800]  }
0x1a1: {  	v5 =	vshll.u32 v6, $0x10;
	v6 =	vand.u32 $0xFFFF0000, v6  }
0x1a2: {  	v1 =	vadd.f32 v5, v1;
	v2 =	vadd.f32 v6, v2;
	v5 =	vld [tilespmem:s8+$0x2880]  }
0x1a3: {  	v6 =	vshll.u32 v3, $0x10;
	v3 =	vand.u32 $0xFFFF0000, v3  }
0x1a4: {  	v1 =	vadd.f32 v6, v1;
	v2 =	vadd.f32 v3, v2;
	v3 =	vld [tilespmem:s8+$0x2900]  }
0x1a5: {  	v6 =	vshll.u32 v4, $0x10;
	v4 =	vand.u32 $0xFFFF0000, v4  }
0x1a6: {  	v1 =	vadd.f32 v6, v1;
	v2 =	vadd.f32 v4, v2  }
0x1a7: {  	v4 =	vshll.u32 v5, $0x10;
	v5 =	vand.u32 $0xFFFF0000, v5  }
0x1a8: {  	v1 =	vadd.f32 v4, v1;
	v2 =	vadd.f32 v5, v2  }
0x1a9: {  	v4 =	vshll.u32 v3, $0x10;
	v3 =	vand.u32 $0xFFFF0000, v3  }
0x1aa: {  	v1 =	vadd.f32 v4, v1;
	v2 =	vadd.f32 v3, v2;
	_ =	sdelay $0x1  }
0x1ab: {  	[tilespmem:v0+s8+$0xFFFFFB00 ss:$0x1] =	vst.idx.msk $0xffff, v1  }
0x1ac: {  	[tilespmem:v0+s8+$0xFFFFFF00 ss:$0x1] =	vst.idx.msk $0xffff, v2  }
0x1ad: {  	v1 =	vld [tilespmem:s8+$0x2980]  }
0x1ae: {  	v2 =	vld [tilespmem:s8+$0x2A00]  }
0x1af: {  	v3 =	vld [tilespmem:s8+$0x2A80];
	_ =	sdelay $0x2  }
0x1b0: {  	v4 =	vand.u32 $0xFFFF0000, v1;
	v5 =	vld [tilespmem:s8+$0x2B00]  }
0x1b1: {  	v1 =	vshll.u32 v1, $0x10;
	v6 =	vshll.u32 v2, $0x10;
	v2 =	vand.u32 $0xFFFF0000, v2  }
0x1b2: {  	v1 =	vadd.f32 v6, v1;
	v2 =	vadd.f32 v2, v4;
	v4 =	vld [tilespmem:s8+$0x2B80]  }
0x1b3: {  	v6 =	vshll.u32 v3, $0x10;
	v3 =	vand.u32 $0xFFFF0000, v3  }
0x1b4: {  	v1 =	vadd.f32 v6, v1;
	v2 =	vadd.f32 v3, v2;
	v3 =	vld [tilespmem:s8+$0x2C00]  }
0x1b5: {  	v6 =	vshll.u32 v5, $0x10;
	v5 =	vand.u32 $0xFFFF0000, v5  }
0x1b6: {  	v1 =	vadd.f32 v6, v1;
	v2 =	vadd.f32 v5, v2;
	v5 =	vld [tilespmem:s8+$0x2C80]  }
0x1b7: {  	v6 =	vshll.u32 v4, $0x10;
	v4 =	vand.u32 $0xFFFF0000, v4  }
0x1b8: {  	v1 =	vadd.f32 v6, v1;
	v2 =	vadd.f32 v4, v2;
	v4 =	vld [tilespmem:s8+$0x2D00]  }
0x1b9: {  	v6 =	vshll.u32 v3, $0x10;
	v3 =	vand.u32 $0xFFFF0000, v3  }
0x1ba: {  	v1 =	vadd.f32 v6, v1;
	v2 =	vadd.f32 v3, v2;
	v3 =	vld [tilespmem:s8+$0x2D80]  }
0x1bb: {  	v6 =	vshll.u32 v5, $0x10;
	v5 =	vand.u32 $0xFFFF0000, v5  }
0x1bc: {  	v1 =	vadd.f32 v6, v1;
	v2 =	vadd.f32 v5, v2;
	v5 =	vld [tilespmem:s8+$0x2E00]  }
0x1bd: {  	v6 =	vshll.u32 v4, $0x10;
	v4 =	vand.u32 $0xFFFF0000, v4  }
0x1be: {  	v1 =	vadd.f32 v6, v1;
	v2 =	vadd.f32 v4, v2  }
0x1bf: {  	v4 =	vshll.u32 v3, $0x10;
	v3 =	vand.u32 $0xFFFF0000, v3  }
0x1c0: {  	v1 =	vadd.f32 v4, v1;
	v2 =	vadd.f32 v3, v2  }
0x1c1: {  	v3 =	vshll.u32 v5, $0x10;
	v4 =	vand.u32 $0xFFFF0000, v5  }
0x1c2: {  	v1 =	vadd.f32 v3, v1;
	v2 =	vadd.f32 v4, v2;
	_ =	sdelay $0x1  }
0x1c3: {  	[tilespmem:v0+s8+$0xFFFFFB80 ss:$0x1] =	vst.idx.msk $0xffff, v1  }
0x1c4: {  	[tilespmem:v0+s8+$0xFFFFFF80 ss:$0x1] =	vst.idx.msk $0xffff, v2  }
0x1c5: {  	v1 =	vld [tilespmem:s8+$0x2E80]  }
0x1c6: {  	v2 =	vld [tilespmem:s8+$0x2F00]  }
0x1c7: {  	v3 =	vld [tilespmem:s8+$0x2F80]  }
0x1c8: {  	v4 =	vld [tilespmem:s8+$0x3000]  }
0x1c9: {  	v5 =	vld [tilespmem:s8+$0x3080]  }
0x1ca: {  	v6 =	vshll.u32 v1, $0x10;
	v7 =	vld [tilespmem:s8+$0x3100]  }
0x1cb: {  	v1 =	vand.u32 $0xFFFF0000, v1;
	v8 =	vshll.u32 v2, $0x10;
	v2 =	vand.u32 $0xFFFF0000, v2;
	v9 =	vld [tilespmem:s8+$0x3180]  }
0x1cc: {  	v6 =	vadd.f32 v8, v6;
	v1 =	vadd.f32 v2, v1;
	v2 =	vld [tilespmem:s8+$0x3200]  }
0x1cd: {  	v8 =	vshll.u32 v3, $0x10;
	v3 =	vand.u32 $0xFFFF0000, v3;
	v10 =	vld [tilespmem:s8+$0x3280]  }
0x1ce: {  	v6 =	vadd.f32 v8, v6;
	v1 =	vadd.f32 v3, v1;
	v3 =	vld [tilespmem:s8+$0x3300]  }
0x1cf: {  	v8 =	vshll.u32 v4, $0x10;
	v4 =	vand.u32 $0xFFFF0000, v4  }
0x1d0: {  	v6 =	vadd.f32 v8, v6;
	v1 =	vadd.f32 v4, v1  }
0x1d1: {  	v4 =	vshll.u32 v5, $0x10;
	v5 =	vand.u32 $0xFFFF0000, v5  }
0x1d2: {  	v4 =	vadd.f32 v4, v6;
	v1 =	vadd.f32 v5, v1  }
0x1d3: {  	v5 =	vshll.u32 v7, $0x10;
	v6 =	vand.u32 $0xFFFF0000, v7  }
0x1d4: {  	v4 =	vadd.f32 v5, v4;
	v1 =	vadd.f32 v6, v1  }
0x1d5: {  	v5 =	vshll.u32 v9, $0x10;
	v6 =	vand.u32 $0xFFFF0000, v9  }
0x1d6: {  	v4 =	vadd.f32 v5, v4;
	v1 =	vadd.f32 v6, v1  }
0x1d7: {  	v5 =	vshll.u32 v2, $0x10;
	v2 =	vand.u32 $0xFFFF0000, v2  }
0x1d8: {  	v4 =	vadd.f32 v5, v4;
	v1 =	vadd.f32 v2, v1  }
0x1d9: {  	v2 =	vshll.u32 v10, $0x10;
	v5 =	vand.u32 $0xFFFF0000, v10  }
0x1da: {  	v2 =	vadd.f32 v2, v4;
	v1 =	vadd.f32 v5, v1  }
0x1db: {  	v4 =	vshll.u32 v3, $0x10;
	v3 =	vand.u32 $0xFFFF0000, v3  }
0x1dc: {  	v2 =	vadd.f32 v4, v2;
	v1 =	vadd.f32 v3, v1;
	_ =	sdelay $0x1  }
0x1dd: {  	[tilespmem:v0+s8+$0xFFFFFC00 ss:$0x1] =	vst.idx.msk $0xffff, v2  }
0x1de: {  	[tilespmem:v0+s8+$0x0 ss:$0x1] =	vst.idx.msk $0xffff, v1  }
0x1df: {  	v1 =	vld [tilespmem:s8+$0x3380]  }
0x1e0: {  	v2 =	vld [tilespmem:s8+$0x3400]  }
0x1e1: {  	v5 =	vld [tilespmem:s8+$0x3480]  }
0x1e2: {  	v6 =	vld [tilespmem:s8+$0x3500]  }
0x1e3: {  	v7 =	vld [tilespmem:s8+$0x3580]  }
0x1e4: {  	v3 =	vshll.u32 v1, $0x10;
	v8 =	vld [tilespmem:s8+$0x3600]  }
0x1e5: {  	v1 =	vand.u32 $0xFFFF0000, v1;
	v9 =	vshll.u32 v2, $0x10;
	v2 =	vand.u32 $0xFFFF0000, v2;
	v4 =	vld [tilespmem:s8+$0x3680]  }
0x1e6: {  	v9 =	vadd.f32 v9, v3;
	v1 =	vadd.f32 v2, v1;
	v10 =	vshll.u32 v5, $0x10;
	v3 =	vld [tilespmem:s8+$0x3700]  }
0x1e7: {  	v5 =	vand.u32 $0xFFFF0000, v5;
	v2 =	vld [tilespmem:s8+$0x3780]  }
.Ltmp4:
0x1e8: {  	v11 =	vshll.u32 v6, $0x10;
	v9 =	vadd.f32 v10, v9;
	v10 =	vadd.f32 v5, v1;
	v1 =	vld [tilespmem:s8+$0x3800];
	(pc) =	sbr.rel @p2 .LBB2_7-.Ltmp4, $4  }
0x1e9: {  	v6 =	vand.u32 $0xFFFF0000, v6;
	v5 =	vand.u32 $0xFFFF0000, v8  }
0x1ea: {  	v9 =	vadd.f32 v11, v9;
	v10 =	vadd.f32 v6, v10;
	v6 =	vshll.u32 v7, $0x10  }
0x1eb: {  	v7 =	vand.u32 $0xFFFF0000, v7  }
0x1ec: {  	v8 =	vshll.u32 v8, $0x10;
	v6 =	vadd.f32 v6, v9;
	v7 =	vadd.f32 v7, v10  }
0x1ed: {  	_ = 	snop  }
0x1ee: {  	v6 =	vadd.f32 v8, v6  }
0x1ef: {  	v56 =	vshll.u32 v4, $0x10;
	v5 =	vadd.f32 v5, v7  }
0x1f0: {  	v57 =	vand.u32 $0xFFFF0000, v4;
	v6 =	vadd.f32 v56, v6  }
0x1f1: {  	v58 =	vshll.u32 v3, $0x10;
	v4 =	vadd.f32 v57, v5  }
0x1f2: {  	v59 =	vand.u32 $0xFFFF0000, v3;
	v5 =	vadd.f32 v58, v6  }
0x1f3: {  	v60 =	vshll.u32 v2, $0x10;
	v3 =	vadd.f32 v59, v4  }
0x1f4: {  	v61 =	vand.u32 $0xFFFF0000, v2;
	v4 =	vadd.f32 v60, v5  }
.Ltmp5:
0x1f5: {  	v62 =	vshll.u32 v1, $0x10;
	v2 =	vadd.f32 v61, v3;
	(pc) =	sbr.rel @p1 .LBB2_10-.Ltmp5, $4  }
0x1f6: {  	v63 =	vand.u32 $0xFFFF0000, v1;
	v3 =	vadd.f32 v62, v4  }
0x1f7: {  	v1 =	vadd.f32 v63, v2  }
0x1f8: {  	[tilespmem:v0+s8+$0xFFFFFC80 ss:$0x1] =	vst.idx.msk $0xffff, v3  }
0x1f9: {  	[tilespmem:v0+s8+$0x80 ss:$0x1] =	vst.idx.msk $0xffff, v1  }
.Ltmp6:
0x1fa: {  	(pc) =	sbr.rel .LBB2_4-.Ltmp6, $4  }
0x1fb: {  	_ = 	snop  }
0x1fc: {  	s7 =	sshrl.u32 s7, $0x2;
	s0 =	sadd.s32 $0x1, s0  }
0x1fd: {  	s5 =	sadd.s32 $0x800, s5;
	s6 =	sadd.s32 $0x800, s6;
	s7 =	sadd.s32 $0x180, s7  }
0x1fe: {  	[tilespmem:s25], [sflag:$0x2] =	stream.indirect.gather [spmem:s2], $0x80, s7, s31, $0xb8;
	[tilespmem:$0x1F080] =	vst v63  }
.LBB2_10:
0x1ff: {  	[bflag:$0x0] =	sbarrier.arrive $0xFFFF  }
0x200: {  	s0 =	simm.s32 $0x0;
	s5 =	rddreg [dreg:$0x9]  }
0x201: {  	[tilespmem:s24], [sflag:$0x1] =	stream.linear.gather [hbm4b:s5+s0], $0x1400, $0x38;
	[tilespmem:$0x1F080] =	vst v63  }
0x202: {  	s9 =	sadd.s32 $0xFFFFFD80, s23  }
0x203: {  	[tilespmem:s25], [sflag:$0x2] =	stream.linear.gather [hbm4b:s9+s3], $0x1400, $0x38;
	[tilespmem:$0x1F080] =	vst v63  }
0x204: {  	_ =	swait.ge [sflag:s26], $0x1400  }
0x205: {  	[sflag:s26] =	ssyncset.done $0x0  }
0x206: {  	s10 =	sadd.s32 $0x0, s19;
	[sflag:s26] =	ssyncadd.s32 $0xFFFFEC00  }
0x207: {  	[spmem:s10] =	stream.linear.scatter [tilespmem:s24], [sflag:$0x4], $0x1400, $0x38;
	[tilespmem:$0x1F080] =	vst v63  }
0x208: {  	_ =	swait.ge [sflag:s28], $0x1400  }
0x209: {  	[sflag:s28] =	ssyncset.done $0x0  }
0x20a: {  	[sflag:s28] =	ssyncadd.s32 $0xFFFFEC00  }
0x20b: {  	[tilespmem:s24], [sflag:$0x1] =	stream.linear.gather [hbm4b:s23+s3], $0x1400, $0x38;
	[tilespmem:$0x1F080] =	vst v63  }
0x20c: {  	_ =	swait.ge [sflag:s29], $0x1400  }
0x20d: {  	[sflag:s29] =	ssyncset.done $0x0  }
0x20e: {  	s0 =	sadd.s32 $0x1400, s10;
	[sflag:s29] =	ssyncadd.s32 $0xFFFFEC00  }
0x20f: {  	[spmem:s0] =	stream.linear.scatter [tilespmem:s25], [sflag:$0x3], $0x1400, $0x38;
	[tilespmem:$0x1F080] =	vst v63  }
0x210: {  	s6 =	simm.s32 $0x14000;
	_ =	swait.ge [sflag:s30], $0x1400  }
0x211: {  	s5 =	simm.s32 $0xA000;
	s0 =	sadd.s32 $0x500, s23;
	[sflag:s30] =	ssyncset.done $0x0  }
.LBB2_11:
0x212: {  	p1 =	sne.s32 s6, $0x32000;
	s7 =	sadd.s32 $0xFFFFFD80, s0;
	[sflag:s30] =	ssyncadd.s32 $0xFFFFEC00  }
0x213: {  	[tilespmem:s25], [sflag:$0x2] =	stream.linear.gather [hbm4b:s7+s3], $0x1400, $0x38;
	[tilespmem:$0x1F080] =	vst v63  }
0x214: {  	s7 =	smov.u32 s6;
	s6 =	sadd.s32 $0xA000, s6;
	_ =	swait.ge [sflag:s26], $0x1400  }
0x215: {  	s8 =	sshra.s32 s5, $0x2;
	s5 =	smov.u32 s7;
	[sflag:s26] =	ssyncset.done $0x0  }
0x216: {  	s7 =	sadd.s32 s8, s19;
	[sflag:s26] =	ssyncadd.s32 $0xFFFFEC00  }
0x217: {  	[spmem:s7] =	stream.linear.scatter [tilespmem:s24], [sflag:$0x4], $0x1400, $0x38;
	[tilespmem:$0x1F080] =	vst v63  }
0x218: {  	_ =	swait.ge [sflag:s28], $0x1400  }
0x219: {  	[sflag:s28] =	ssyncset.done $0x0  }
0x21a: {  	[sflag:s28] =	ssyncadd.s32 $0xFFFFEC00  }
0x21b: {  	[tilespmem:s24], [sflag:$0x1] =	stream.linear.gather [hbm4b:s0+s3], $0x1400, $0x38;
	[tilespmem:$0x1F080] =	vst v63  }
0x21c: {  	_ =	swait.ge [sflag:s29], $0x1400  }
.Ltmp7:
0x21d: {  	[sflag:s29] =	ssyncset.done $0x0;
	(pc) =	sbr.rel @p1 .LBB2_11-.Ltmp7, $4  }
0x21e: {  	s7 =	sadd.s32 $0x1400, s7;
	[sflag:s29] =	ssyncadd.s32 $0xFFFFEC00  }
0x21f: {  	[spmem:s7] =	stream.linear.scatter [tilespmem:s25], [sflag:$0x3], $0x1400, $0x38;
	[tilespmem:$0x1F080] =	vst v63  }
0x220: {  	_ =	swait.ge [sflag:s30], $0x1400  }
0x221: {  	s0 =	sadd.s32 $0x500, s0;
	[sflag:s30] =	ssyncset.done $0x0  }
0x222: {  	s6 =	sadd.s32 $0xFFFFFD80, s0;
	[sflag:s30] =	ssyncadd.s32 $0xFFFFEC00  }
0x223: {  	[tilespmem:s25], [sflag:$0x2] =	stream.linear.gather [hbm4b:s6+s3], $0x1400, $0x38;
	[tilespmem:$0x1F080] =	vst v63  }
0x224: {  	_ =	swait.ge [sflag:s26], $0x1400  }
0x225: {  	s5 =	sshra.s32 s5, $0x2;
	[sflag:s26] =	ssyncset.done $0x0  }
0x226: {  	s5 =	sadd.s32 s5, s19;
	[sflag:s26] =	ssyncadd.s32 $0xFFFFEC00  }
0x227: {  	[spmem:s5] =	stream.linear.scatter [tilespmem:s24], [sflag:$0x4], $0x1400, $0x38;
	[tilespmem:$0x1F080] =	vst v63  }
0x228: {  	_ =	swait.ge [sflag:s28], $0x1400  }
0x229: {  	[sflag:s28] =	ssyncset.done $0x0  }
0x22a: {  	[sflag:s28] =	ssyncadd.s32 $0xFFFFEC00  }
0x22b: {  	[tilespmem:s24], [sflag:$0x1] =	stream.linear.gather [hbm4b:s0+s3], $0x1400, $0x38;
	[tilespmem:$0x1F080] =	vst v63  }
0x22c: {  	_ =	swait.ge [sflag:s29], $0x1400  }
0x22d: {  	[sflag:s29] =	ssyncset.done $0x0  }
0x22e: {  	s9 =	sadd.s32 $0x1400, s5;
	[sflag:s29] =	ssyncadd.s32 $0xFFFFEC00  }
0x22f: {  	[spmem:s9] =	stream.linear.scatter [tilespmem:s25], [sflag:$0x3], $0x1400, $0x38;
	[tilespmem:$0x1F080] =	vst v63  }
0x230: {  	_ =	swait.ge [sflag:s30], $0x1400  }
0x231: {  	[sflag:s30] =	ssyncset.done $0x0  }
0x232: {  	[sflag:s30] =	ssyncadd.s32 $0xFFFFEC00  }
0x233: {  	[tilespmem:s25], [sflag:$0x2] =	stream.linear.gather [hbm4b:s18+s3], $0x1400, $0x38;
	[tilespmem:$0x1F080] =	vst v63  }
0x234: {  	_ =	swait.ge [sflag:s26], $0x1400  }
0x235: {  	[sflag:s26] =	ssyncset.done $0x0  }
0x236: {  	[sflag:s26] =	ssyncadd.s32 $0xFFFFEC00  }
0x237: {  	[spmem:s20] =	stream.linear.scatter [tilespmem:s24], [sflag:$0x4], $0x1400, $0x38;
	[tilespmem:$0x1F080] =	vst v63  }
0x238: {  	_ =	swait.ge [sflag:s28], $0x1400  }
0x239: {  	[sflag:s28] =	ssyncset.done $0x0  }
0x23a: {  	[sflag:s28] =	ssyncadd.s32 $0xFFFFEC00  }
0x23b: {  	_ =	swait.ge [sflag:s29], $0x1400  }
0x23c: {  	[sflag:s29] =	ssyncset.done $0x0  }
0x23d: {  	[sflag:s29] =	ssyncadd.s32 $0xFFFFEC00  }
0x23e: {  	[spmem:s21] =	stream.linear.scatter [tilespmem:s25], [sflag:$0x3], $0x1400, $0x38;
	[tilespmem:$0x1F080] =	vst v63  }
0x23f: {  	_ =	swait.ge [sflag:s30], $0x1400  }
0x240: {  	[sflag:s30] =	ssyncset.done $0x0  }
0x241: {  	s5 =	simm.s32 @!p0 $0x1000;
	s0 =	simm.s32 @!p0 $0x0;
	[sflag:s30] =	ssyncadd.s32 $0xFFFFEC00  }
0x242: {  	[tilespmem:s5], [sflag:$0x3] =	stream.linear.gather @!p0 [hbm4b:s11+s0], $0x1400, $0x38;
	[tilespmem:$0x1F080] =	vst v63  }
0x243: {  	s0 =	simm.s32 @!p0 $0x3  }
0x244: {  	_ =	swait.ge @!p0 [sflag:s0], $0x1400  }
0x245: {  	[sflag:s0] =	ssyncset.done @!p0 $0x0  }
0x246: {  	[sflag:s0] =	ssyncadd.s32 @!p0 $0xFFFFEC00  }
0x247: {  	[spmem:s12] =	stream.linear.scatter @!p0 [tilespmem:s5], [sflag:$0x3], $0x1400, $0x38;
	[tilespmem:$0x1F080] =	vst v63  }
0x248: {  	_ =	swait.ge @!p0 [sflag:s0], $0x1400  }
0x249: {  	[sflag:s0] =	ssyncset.done @!p0 $0x0  }
0x24a: {  	[sflag:s0] =	ssyncadd.s32 @!p0 $0xFFFFEC00;
	s0 =	simm.s32 $0x0  }
0x24b: {  	[tilespmem:s0], [sflag:$0x3] =	stream.linear.gather [hbm4b:s13+s0], $0x1000, $0x38;
	[tilespmem:$0x1F080] =	vst v63  }
0x24c: {  	_ =	swait.ge [sflag:s30], $0x1000  }
0x24d: {  	[sflag:s30] =	ssyncset.done $0x0  }
0x24e: {  	[sflag:s30] =	ssyncadd.s32 $0xFFFFF000  }
0x24f: {  	[bflag:$0x0] =	sbarrier.arrive $0xFFFF  }
0x250: {  	[tilespmem:s24], [sflag:$0x1] =	stream.indirect.gather [spmem:s2], $0x80, s0, s31, $0xb8;
	[tilespmem:$0x1F080] =	vst v63  }
0x251: {  	s10 =	simm.s32 $0x80;
	s6 =	simm.s32 $0x3F80;
	s5 =	simm.s32 $0x3D80  }
0x252: {  	[tilespmem:s25], [sflag:$0x2] =	stream.indirect.gather [spmem:s2], $0x80, s10, s31, $0xb8;
	[tilespmem:$0x1F080] =	vst v63  }
.LBB2_13:
0x253: {  	_ =	swait.ge [sflag:s26], $0x1400  }
0x254: {  	[sflag:s26] =	ssyncset.done $0x0  }
0x255: {  	s8 =	simm.s32 $0xFFFFFF80;
	[sflag:s26] =	ssyncadd.s32 $0xFFFFEC00  }
0x256: {  	v0 =	vld [tilespmem:s8+$0x1080]  }
0x257: {  	v1 =	vld [tilespmem:s8+$0x1100];
	_ =	sdelay $0x1  }
0x258: {  	v2 =	vld [tilespmem:s8+$0x1180];
	_ =	sdelay $0x1  }
0x259: {  	v3 =	vld [tilespmem:s8+$0x1200]  }
0x25a: {  	v4 =	vshll.u32 v0, $0x10;
	v5 =	vshll.u32 v1, $0x10  }
0x25b: {  	v0 =	vand.u32 $0xFFFF0000, v0;
	v1 =	vand.u32 $0xFFFF0000, v1;
	v4 =	vadd.f32 v5, v4;
	v5 =	vld [tilespmem:s8+$0x1280]  }
0x25c: {  	v6 =	vshll.u32 v2, $0x10;
	v0 =	vadd.f32 v1, v0  }
0x25d: {  	v1 =	vand.u32 $0xFFFF0000, v2;
	v2 =	vadd.f32 v6, v4;
	v4 =	vld [tilespmem:s8+$0x1300]  }
0x25e: {  	v0 =	vadd.f32 v1, v0;
	v1 =	vshll.u32 v3, $0x10  }
0x25f: {  	v1 =	vadd.f32 v1, v2;
	v2 =	vand.u32 $0xFFFF0000, v3;
	v3 =	vld [tilespmem:s8+$0x1380]  }
0x260: {  	v2 =	vadd.f32 v2, v0;
	v6 =	vshll.u32 v5, $0x10  }
0x261: {  	v0 =	vmov s5;
	v5 =	vand.u32 $0xFFFF0000, v5;
	v1 =	vadd.f32 v6, v1;
	v6 =	vld [tilespmem:s8+$0x1400]  }
0x262: {  	v2 =	vadd.f32 v5, v2;
	v5 =	vshll.u32 v4, $0x10  }
0x263: {  	v4 =	vand.u32 $0xFFFF0000, v4;
	v1 =	vadd.f32 v5, v1;
	v5 =	vld [tilespmem:s8+$0x1480]  }
0x264: {  	v2 =	vadd.f32 v4, v2;
	v4 =	vshll.u32 v3, $0x10  }
0x265: {  	v3 =	vand.u32 $0xFFFF0000, v3;
	v1 =	vadd.f32 v4, v1  }
0x266: {  	v4 =	vld.idx.msk [tilespmem:v0+s8+$0xFFFFFB00 ss:$0x1], $0xffff;
	v2 =	vadd.f32 v3, v2;
	v3 =	vshll.u32 v6, $0x10  }
0x267: {  	v7 =	vld.idx.msk [tilespmem:v0+s8+$0xFFFFFF00 ss:$0x1], $0xffff;
	v1 =	vadd.f32 v3, v1;
	v3 =	vand.u32 $0xFFFF0000, v6  }
0x268: {  	v2 =	vadd.f32 v3, v2;
	v3 =	vshll.u32 v5, $0x10  }
0x269: {  	v1 =	vadd.f32 v3, v1;
	v3 =	vand.u32 $0xFFFF0000, v5  }
0x26a: {  	v2 =	vadd.f32 v3, v2  }
0x26b: {  	v1 =	vadd.f32 v1, v4  }
0x26c: {  	v2 =	vadd.f32 v2, v7  }
0x26d: {  	[tilespmem:v0+s8+$0xFFFFFB00 ss:$0x1] =	vst.idx.msk $0xffff, v1  }
0x26e: {  	[tilespmem:v0+s8+$0xFFFFFF00 ss:$0x1] =	vst.idx.msk $0xffff, v2  }
0x26f: {  	v1 =	vld [tilespmem:s8+$0x1500]  }
0x270: {  	v2 =	vld [tilespmem:s8+$0x1580];
	_ =	sdelay $0x1  }
0x271: {  	v3 =	vld [tilespmem:s8+$0x1600];
	_ =	sdelay $0x1  }
0x272: {  	v4 =	vld [tilespmem:s8+$0x1680]  }
0x273: {  	v5 =	vshll.u32 v1, $0x10;
	v6 =	vshll.u32 v2, $0x10  }
0x274: {  	v1 =	vand.u32 $0xFFFF0000, v1;
	v2 =	vand.u32 $0xFFFF0000, v2;
	v5 =	vadd.f32 v6, v5;
	v6 =	vld [tilespmem:s8+$0x1700]  }
0x275: {  	v1 =	vadd.f32 v2, v1;
	v2 =	vshll.u32 v3, $0x10  }
0x276: {  	v3 =	vand.u32 $0xFFFF0000, v3;
	v2 =	vadd.f32 v2, v5;
	v5 =	vld [tilespmem:s8+$0x1780]  }
0x277: {  	v1 =	vadd.f32 v3, v1;
	v3 =	vshll.u32 v4, $0x10  }
0x278: {  	v4 =	vand.u32 $0xFFFF0000, v4;
	v2 =	vadd.f32 v3, v2;
	v3 =	vld [tilespmem:s8+$0x1800]  }
0x279: {  	v1 =	vadd.f32 v4, v1;
	v4 =	vshll.u32 v6, $0x10  }
0x27a: {  	v6 =	vand.u32 $0xFFFF0000, v6;
	v2 =	vadd.f32 v4, v2;
	v4 =	vld [tilespmem:s8+$0x1880]  }
0x27b: {  	v1 =	vadd.f32 v6, v1;
	v6 =	vshll.u32 v5, $0x10  }
0x27c: {  	v5 =	vand.u32 $0xFFFF0000, v5;
	v2 =	vadd.f32 v6, v2;
	v6 =	vld [tilespmem:s8+$0x1900]  }
0x27d: {  	v1 =	vadd.f32 v5, v1;
	v5 =	vshll.u32 v3, $0x10  }
0x27e: {  	v3 =	vand.u32 $0xFFFF0000, v3;
	v2 =	vadd.f32 v5, v2  }
0x27f: {  	v1 =	vadd.f32 v3, v1;
	v3 =	vld.idx.msk [tilespmem:v0+s8+$0xFFFFFB80 ss:$0x1], $0xffff;
	v5 =	vshll.u32 v4, $0x10  }
0x280: {  	v7 =	vld.idx.msk [tilespmem:v0+s8+$0xFFFFFF80 ss:$0x1], $0xffff;
	v4 =	vand.u32 $0xFFFF0000, v4;
	v2 =	vadd.f32 v5, v2  }
0x281: {  	v1 =	vadd.f32 v4, v1;
	v4 =	vshll.u32 v6, $0x10  }
0x282: {  	v5 =	vand.u32 $0xFFFF0000, v6;
	v2 =	vadd.f32 v4, v2  }
0x283: {  	v1 =	vadd.f32 v5, v1  }
0x284: {  	v2 =	vadd.f32 v2, v3  }
0x285: {  	v1 =	vadd.f32 v1, v7  }
0x286: {  	[tilespmem:v0+s8+$0xFFFFFB80 ss:$0x1] =	vst.idx.msk $0xffff, v2  }
0x287: {  	[tilespmem:v0+s8+$0xFFFFFF80 ss:$0x1] =	vst.idx.msk $0xffff, v1  }
0x288: {  	v1 =	vld [tilespmem:s8+$0x1980]  }
0x289: {  	v2 =	vld [tilespmem:s8+$0x1A00];
	_ =	sdelay $0x1  }
0x28a: {  	v3 =	vld [tilespmem:s8+$0x1A80];
	_ =	sdelay $0x1  }
0x28b: {  	v4 =	vld [tilespmem:s8+$0x1B00]  }
0x28c: {  	v5 =	vshll.u32 v1, $0x10;
	v6 =	vshll.u32 v2, $0x10  }
0x28d: {  	v7 =	vld [tilespmem:s8+$0x1B80];
	v1 =	vand.u32 $0xFFFF0000, v1;
	v2 =	vand.u32 $0xFFFF0000, v2;
	v5 =	vadd.f32 v6, v5  }
0x28e: {  	v1 =	vadd.f32 v2, v1;
	v2 =	vshll.u32 v3, $0x10  }
0x28f: {  	v6 =	vld [tilespmem:s8+$0x1C00];
	v3 =	vand.u32 $0xFFFF0000, v3;
	v2 =	vadd.f32 v2, v5  }
0x290: {  	v1 =	vadd.f32 v3, v1;
	v3 =	vshll.u32 v4, $0x10  }
0x291: {  	v5 =	vld [tilespmem:s8+$0x1C80];
	v4 =	vand.u32 $0xFFFF0000, v4;
	v2 =	vadd.f32 v3, v2  }
0x292: {  	v1 =	vadd.f32 v4, v1;
	v3 =	vshll.u32 v7, $0x10  }
0x293: {  	v4 =	vld [tilespmem:s8+$0x1D00];
	v7 =	vand.u32 $0xFFFF0000, v7;
	v2 =	vadd.f32 v3, v2  }
0x294: {  	v1 =	vadd.f32 v7, v1;
	v3 =	vshll.u32 v6, $0x10  }
0x295: {  	v7 =	vld [tilespmem:s8+$0x1D80];
	v6 =	vand.u32 $0xFFFF0000, v6;
	v2 =	vadd.f32 v3, v2  }
0x296: {  	v1 =	vadd.f32 v6, v1;
	v3 =	vshll.u32 v5, $0x10  }
0x297: {  	v5 =	vand.u32 $0xFFFF0000, v5;
	v2 =	vadd.f32 v3, v2  }
0x298: {  	v3 =	vld.idx.msk [tilespmem:v0+s8+$0xFFFFFC00 ss:$0x1], $0xffff;
	v1 =	vadd.f32 v5, v1;
	v5 =	vshll.u32 v4, $0x10  }
0x299: {  	v6 =	vld.idx.msk [tilespmem:v0+s8+$0x0 ss:$0x1], $0xffff;
	v4 =	vand.u32 $0xFFFF0000, v4;
	v2 =	vadd.f32 v5, v2  }
0x29a: {  	v1 =	vadd.f32 v4, v1;
	v4 =	vshll.u32 v7, $0x10  }
0x29b: {  	v5 =	vand.u32 $0xFFFF0000, v7;
	v2 =	vadd.f32 v4, v2  }
0x29c: {  	v1 =	vadd.f32 v5, v1  }
0x29d: {  	v2 =	vadd.f32 v2, v3  }
0x29e: {  	v1 =	vadd.f32 v1, v6  }
0x29f: {  	[tilespmem:v0+s8+$0xFFFFFC00 ss:$0x1] =	vst.idx.msk $0xffff, v2  }
0x2a0: {  	[tilespmem:v0+s8+$0x0 ss:$0x1] =	vst.idx.msk $0xffff, v1  }
0x2a1: {  	v1 =	vld [tilespmem:s8+$0x1E00]  }
0x2a2: {  	v2 =	vld [tilespmem:s8+$0x1E80];
	_ =	sdelay $0x1  }
0x2a3: {  	v5 =	vld [tilespmem:s8+$0x1F00];
	_ =	sdelay $0x1  }
0x2a4: {  	v7 =	vld [tilespmem:s8+$0x1F80];
	v4 =	vshll.u32 v1, $0x10  }
0x2a5: {  	v3 =	vld [tilespmem:s8+$0x2080];
	v6 =	vshll.u32 v2, $0x10;
	v1 =	vand.u32 $0xFFFF0000, v1;
	v2 =	vand.u32 $0xFFFF0000, v2  }
0x2a6: {  	v11 =	vld [tilespmem:s8+$0x2000];
	v8 =	vadd.f32 v6, v4;
	v1 =	vadd.f32 v2, v1  }
0x2a7: {  	v6 =	vld [tilespmem:s8+$0x2100];
	v2 =	vshll.u32 v5, $0x10;
	v5 =	vand.u32 $0xFFFF0000, v5  }
0x2a8: {  	v4 =	vld [tilespmem:s8+$0x2180];
	v8 =	vadd.f32 v2, v8;
	v9 =	vadd.f32 v5, v1  }
0x2a9: {  	v10 =	vand.u32 $0xFFFF0000, v7;
	v2 =	vld [tilespmem:s8+$0x2200];
	v5 =	vshll.u32 v7, $0x10  }
0x2aa: {  	v1 =	vld.idx.msk [tilespmem:v0+s8+$0xFFFFFC80 ss:$0x1], $0xffff;
	v8 =	vadd.f32 v5, v8;
	v9 =	vadd.f32 v10, v9  }
0x2ab: {  	s7 =	simm.s32 $0xFFFFFE40;
	v7 =	vshll.u32 v3, $0x10;
	v5 =	vld.idx.msk [tilespmem:v0+s8+$0x80 ss:$0x1], $0xffff;
	v10 =	vshll.u32 v11, $0x10;
	v11 =	vand.u32 $0xFFFF0000, v11  }
.LBB2_14:
0x2ac: {  	p1 =	sne.s32 s7, $0xFFFFFFC0;
	v8 =	vadd.f32 v10, v8;
	v9 =	vadd.f32 v11, v9;
	s9 =	smov.u32 s7;
	s7 =	sadd.s32 $0x40, s7  }
0x2ad: {  	v3 =	vand.u32 $0xFFFF0000, v3  }
0x2ae: {  	v7 =	vadd.f32 v7, v8;
	v3 =	vadd.f32 v3, v9;
	v8 =	vshll.u32 v6, $0x10  }
0x2af: {  	v6 =	vand.u32 $0xFFFF0000, v6  }
0x2b0: {  	v7 =	vadd.f32 v8, v7;
	v3 =	vadd.f32 v6, v3;
	v6 =	vshll.u32 v4, $0x10  }
0x2b1: {  	v4 =	vand.u32 $0xFFFF0000, v4  }
0x2b2: {  	v6 =	vadd.f32 v6, v7;
	v3 =	vadd.f32 v4, v3;
	v4 =	vshll.u32 v2, $0x10  }
0x2b3: {  	s9 =	sshra.s32 s9, $0x2;
	v2 =	vand.u32 $0xFFFF0000, v2  }
0x2b4: {  	v4 =	vadd.f32 v4, v6;
	v2 =	vadd.f32 v2, v3;
	_ =	sdelay $0x1  }
0x2b5: {  	v1 =	vadd.f32 v4, v1;
	v2 =	vadd.f32 v2, v5;
	_ =	sdelay $0x1  }
0x2b6: {  	[tilespmem:v0+s8+$0xFFFFFC80 ss:$0x1] =	vst.idx.msk $0xffff, v1  }
0x2b7: {  	[tilespmem:v0+s8+$0x80 ss:$0x1] =	vst.idx.msk $0xffff, v2;
	s8 =	smov.u32 s9  }
0x2b8: {  	v1 =	vld [tilespmem:s8+$0x1080]  }
0x2b9: {  	v2 =	vld [tilespmem:s8+$0x1100]  }
0x2ba: {  	v3 =	vld [tilespmem:s8+$0x1180];
	_ =	sdelay $0x2  }
0x2bb: {  	v4 =	vand.u32 $0xFFFF0000, v1;
	v5 =	vld [tilespmem:s8+$0x1200]  }
0x2bc: {  	v1 =	vshll.u32 v1, $0x10;
	v6 =	vshll.u32 v2, $0x10;
	v2 =	vand.u32 $0xFFFF0000, v2  }
0x2bd: {  	v1 =	vadd.f32 v6, v1;
	v6 =	vshll.u32 v3, $0x10;
	v3 =	vand.u32 $0xFFFF0000, v3;
	v7 =	vld [tilespmem:s8+$0x1280]  }
0x2be: {  	v2 =	vadd.f32 v2, v4  }
0x2bf: {  	v1 =	vadd.f32 v6, v1;
	v4 =	vld [tilespmem:s8+$0x1300]  }
0x2c0: {  	v2 =	vadd.f32 v3, v2;
	v3 =	vshll.u32 v5, $0x10  }
0x2c1: {  	v1 =	vadd.f32 v3, v1;
	v3 =	vand.u32 $0xFFFF0000, v5;
	v5 =	vld [tilespmem:s8+$0x1380]  }
0x2c2: {  	v2 =	vadd.f32 v3, v2;
	v3 =	vshll.u32 v7, $0x10  }
0x2c3: {  	v1 =	vadd.f32 v3, v1;
	v3 =	vand.u32 $0xFFFF0000, v7;
	v6 =	vld [tilespmem:s8+$0x1400]  }
0x2c4: {  	v2 =	vadd.f32 v3, v2;
	v3 =	vshll.u32 v4, $0x10  }
0x2c5: {  	v1 =	vadd.f32 v3, v1;
	v3 =	vand.u32 $0xFFFF0000, v4;
	v4 =	vld [tilespmem:s8+$0x1480]  }
0x2c6: {  	v2 =	vadd.f32 v3, v2;
	v3 =	vshll.u32 v5, $0x10  }
0x2c7: {  	v1 =	vadd.f32 v3, v1;
	v3 =	vand.u32 $0xFFFF0000, v5;
	v5 =	vld.idx.msk [tilespmem:v0+s8+$0xFFFFFB00 ss:$0x1], $0xffff  }
0x2c8: {  	v2 =	vadd.f32 v3, v2;
	v3 =	vshll.u32 v6, $0x10;
	v7 =	vld.idx.msk [tilespmem:v0+s8+$0xFFFFFF00 ss:$0x1], $0xffff  }
0x2c9: {  	v1 =	vadd.f32 v3, v1;
	v3 =	vand.u32 $0xFFFF0000, v6  }
0x2ca: {  	v2 =	vadd.f32 v3, v2;
	v3 =	vshll.u32 v4, $0x10  }
0x2cb: {  	v1 =	vadd.f32 v3, v1;
	v3 =	vand.u32 $0xFFFF0000, v4  }
0x2cc: {  	v2 =	vadd.f32 v3, v2  }
0x2cd: {  	v1 =	vadd.f32 v1, v5  }
0x2ce: {  	v2 =	vadd.f32 v2, v7  }
0x2cf: {  	[tilespmem:v0+s8+$0xFFFFFB00 ss:$0x1] =	vst.idx.msk $0xffff, v1  }
0x2d0: {  	[tilespmem:v0+s8+$0xFFFFFF00 ss:$0x1] =	vst.idx.msk $0xffff, v2  }
0x2d1: {  	v1 =	vld [tilespmem:s8+$0x1500]  }
0x2d2: {  	v2 =	vld [tilespmem:s8+$0x1580];
	_ =	sdelay $0x1  }
0x2d3: {  	v3 =	vld [tilespmem:s8+$0x1600];
	_ =	sdelay $0x1  }
0x2d4: {  	v4 =	vand.u32 $0xFFFF0000, v1;
	v5 =	vld [tilespmem:s8+$0x1680]  }
0x2d5: {  	v1 =	vshll.u32 v1, $0x10;
	v6 =	vshll.u32 v2, $0x10;
	v2 =	vand.u32 $0xFFFF0000, v2  }
0x2d6: {  	v1 =	vadd.f32 v6, v1;
	v2 =	vadd.f32 v2, v4;
	v4 =	vld [tilespmem:s8+$0x1700]  }
0x2d7: {  	v6 =	vshll.u32 v3, $0x10;
	v3 =	vand.u32 $0xFFFF0000, v3  }
0x2d8: {  	v1 =	vadd.f32 v6, v1;
	v2 =	vadd.f32 v3, v2;
	v3 =	vld [tilespmem:s8+$0x1780]  }
0x2d9: {  	v6 =	vshll.u32 v5, $0x10;
	v5 =	vand.u32 $0xFFFF0000, v5  }
0x2da: {  	v1 =	vadd.f32 v6, v1;
	v2 =	vadd.f32 v5, v2;
	v5 =	vld [tilespmem:s8+$0x1800]  }
0x2db: {  	v6 =	vshll.u32 v4, $0x10;
	v4 =	vand.u32 $0xFFFF0000, v4  }
0x2dc: {  	v1 =	vadd.f32 v6, v1;
	v2 =	vadd.f32 v4, v2;
	v4 =	vld [tilespmem:s8+$0x1880]  }
0x2dd: {  	v6 =	vshll.u32 v3, $0x10;
	v3 =	vand.u32 $0xFFFF0000, v3  }
0x2de: {  	v1 =	vadd.f32 v6, v1;
	v2 =	vadd.f32 v3, v2;
	v3 =	vld [tilespmem:s8+$0x1900]  }
0x2df: {  	v6 =	vshll.u32 v5, $0x10;
	v5 =	vand.u32 $0xFFFF0000, v5;
	v7 =	vld.idx.msk [tilespmem:v0+s8+$0xFFFFFF80 ss:$0x1], $0xffff  }
0x2e0: {  	v1 =	vadd.f32 v6, v1;
	v2 =	vadd.f32 v5, v2;
	v5 =	vld.idx.msk [tilespmem:v0+s8+$0xFFFFFB80 ss:$0x1], $0xffff  }
0x2e1: {  	v6 =	vshll.u32 v4, $0x10;
	v4 =	vand.u32 $0xFFFF0000, v4  }
0x2e2: {  	v1 =	vadd.f32 v6, v1;
	v2 =	vadd.f32 v4, v2  }
0x2e3: {  	v4 =	vshll.u32 v3, $0x10;
	v3 =	vand.u32 $0xFFFF0000, v3  }
0x2e4: {  	v1 =	vadd.f32 v4, v1;
	v2 =	vadd.f32 v3, v2;
	_ =	sdelay $0x1  }
0x2e5: {  	v1 =	vadd.f32 v1, v5;
	v2 =	vadd.f32 v2, v7;
	_ =	sdelay $0x1  }
0x2e6: {  	[tilespmem:v0+s8+$0xFFFFFB80 ss:$0x1] =	vst.idx.msk $0xffff, v1  }
0x2e7: {  	[tilespmem:v0+s8+$0xFFFFFF80 ss:$0x1] =	vst.idx.msk $0xffff, v2  }
0x2e8: {  	v1 =	vld [tilespmem:s8+$0x1980]  }
0x2e9: {  	v2 =	vld [tilespmem:s8+$0x1A00]  }
0x2ea: {  	v3 =	vld [tilespmem:s8+$0x1A80]  }
0x2eb: {  	v4 =	vld [tilespmem:s8+$0x1B00]  }
0x2ec: {  	v5 =	vld [tilespmem:s8+$0x1B80]  }
0x2ed: {  	v6 =	vshll.u32 v1, $0x10;
	v7 =	vld [tilespmem:s8+$0x1C00]  }
0x2ee: {  	v1 =	vand.u32 $0xFFFF0000, v1;
	v8 =	vshll.u32 v2, $0x10;
	v2 =	vand.u32 $0xFFFF0000, v2;
	v9 =	vld [tilespmem:s8+$0x1C80]  }
0x2ef: {  	v6 =	vadd.f32 v8, v6;
	v1 =	vadd.f32 v2, v1;
	v2 =	vld [tilespmem:s8+$0x1D00]  }
0x2f0: {  	v8 =	vshll.u32 v3, $0x10;
	v3 =	vand.u32 $0xFFFF0000, v3;
	v10 =	vld [tilespmem:s8+$0x1D80]  }
0x2f1: {  	v6 =	vadd.f32 v8, v6;
	v1 =	vadd.f32 v3, v1;
	v3 =	vld.idx.msk [tilespmem:v0+s8+$0xFFFFFC00 ss:$0x1], $0xffff  }
0x2f2: {  	v8 =	vshll.u32 v4, $0x10;
	v4 =	vand.u32 $0xFFFF0000, v4;
	v11 =	vld.idx.msk [tilespmem:v0+s8+$0x0 ss:$0x1], $0xffff  }
0x2f3: {  	v6 =	vadd.f32 v8, v6;
	v1 =	vadd.f32 v4, v1  }
0x2f4: {  	v4 =	vshll.u32 v5, $0x10;
	v5 =	vand.u32 $0xFFFF0000, v5  }
0x2f5: {  	v4 =	vadd.f32 v4, v6;
	v1 =	vadd.f32 v5, v1  }
0x2f6: {  	v5 =	vshll.u32 v7, $0x10;
	v6 =	vand.u32 $0xFFFF0000, v7  }
0x2f7: {  	v4 =	vadd.f32 v5, v4;
	v1 =	vadd.f32 v6, v1  }
0x2f8: {  	v5 =	vshll.u32 v9, $0x10;
	v6 =	vand.u32 $0xFFFF0000, v9  }
0x2f9: {  	v4 =	vadd.f32 v5, v4;
	v1 =	vadd.f32 v6, v1  }
0x2fa: {  	v5 =	vshll.u32 v2, $0x10;
	v2 =	vand.u32 $0xFFFF0000, v2  }
0x2fb: {  	v4 =	vadd.f32 v5, v4;
	v1 =	vadd.f32 v2, v1  }
0x2fc: {  	v2 =	vshll.u32 v10, $0x10;
	v5 =	vand.u32 $0xFFFF0000, v10  }
0x2fd: {  	v2 =	vadd.f32 v2, v4;
	v1 =	vadd.f32 v5, v1;
	_ =	sdelay $0x1  }
0x2fe: {  	v2 =	vadd.f32 v2, v3;
	v1 =	vadd.f32 v1, v11;
	_ =	sdelay $0x1  }
0x2ff: {  	[tilespmem:v0+s8+$0xFFFFFC00 ss:$0x1] =	vst.idx.msk $0xffff, v2  }
0x300: {  	[tilespmem:v0+s8+$0x0 ss:$0x1] =	vst.idx.msk $0xffff, v1  }
0x301: {  	v1 =	vld [tilespmem:s8+$0x1E00]  }
0x302: {  	v2 =	vld [tilespmem:s8+$0x1E80]  }
0x303: {  	v5 =	vld [tilespmem:s8+$0x1F00]  }
0x304: {  	v7 =	vld [tilespmem:s8+$0x1F80]  }
0x305: {  	v11 =	vld [tilespmem:s8+$0x2000]  }
0x306: {  	v4 =	vand.u32 $0xFFFF0000, v1;
	v3 =	vld [tilespmem:s8+$0x2080]  }
0x307: {  	v1 =	vshll.u32 v1, $0x10;
	v8 =	vshll.u32 v2, $0x10;
	v2 =	vand.u32 $0xFFFF0000, v2;
	v6 =	vld [tilespmem:s8+$0x2100]  }
0x308: {  	v1 =	vadd.f32 v8, v1;
	v8 =	vadd.f32 v2, v4;
	v9 =	vshll.u32 v5, $0x10;
	v4 =	vld [tilespmem:s8+$0x2180]  }
.Ltmp8:
0x309: {  	v5 =	vand.u32 $0xFFFF0000, v5;
	v2 =	vld [tilespmem:s8+$0x2200];
	(pc) =	sbr.rel @p1 .LBB2_14-.Ltmp8, $4  }
0x30a: {  	v9 =	vadd.f32 v9, v1;
	v10 =	vadd.f32 v5, v8;
	v8 =	vshll.u32 v7, $0x10;
	v1 =	vld.idx.msk [tilespmem:v0+s8+$0xFFFFFC80 ss:$0x1], $0xffff  }
0x30b: {  	v12 =	vand.u32 $0xFFFF0000, v7;
	v7 =	vshll.u32 v3, $0x10;
	v5 =	vld.idx.msk [tilespmem:v0+s8+$0x80 ss:$0x1], $0xffff  }
0x30c: {  	v8 =	vadd.f32 v8, v9;
	v9 =	vadd.f32 v12, v10;
	v10 =	vshll.u32 v11, $0x10  }
0x30d: {  	v11 =	vand.u32 $0xFFFF0000, v11  }
0x30e: {  	v8 =	vadd.f32 v10, v8  }
0x30f: {  	v9 =	vadd.f32 v11, v9  }
0x310: {  	v3 =	vand.u32 $0xFFFF0000, v3;
	v7 =	vadd.f32 v7, v8  }
0x311: {  	v3 =	vadd.f32 v3, v9;
	v8 =	vshll.u32 v6, $0x10  }
0x312: {  	v6 =	vand.u32 $0xFFFF0000, v6;
	v7 =	vadd.f32 v8, v7  }
0x313: {  	v3 =	vadd.f32 v6, v3;
	v6 =	vshll.u32 v4, $0x10  }
0x314: {  	v4 =	vand.u32 $0xFFFF0000, v4;
	v6 =	vadd.f32 v6, v7  }
0x315: {  	v3 =	vadd.f32 v4, v3;
	v4 =	vshll.u32 v2, $0x10  }
0x316: {  	v2 =	vand.u32 $0xFFFF0000, v2;
	v4 =	vadd.f32 v4, v6  }
0x317: {  	v2 =	vadd.f32 v2, v3  }
0x318: {  	v1 =	vadd.f32 v4, v1  }
0x319: {  	s7 =	sshll.u32 s0, $0xA;
	p1 =	seq.s32 s0, $0xF;
	v2 =	vadd.f32 v2, v5  }
0x31a: {  	s9 =	sshrl.u32 @!p1 s7, $0x2;
	[tilespmem:v0+s8+$0xFFFFFC80 ss:$0x1] =	vst.idx.msk $0xffff, v1  }
0x31b: {  	s10 =	simm.s32 @!p1 $0x1000;
	[tilespmem:v0+s8+$0x80 ss:$0x1] =	vst.idx.msk $0xffff, v2;
	s8 =	sadd.s32 @!p1 $0x100, s9;
	s9 =	simm.s32 @!p1 $0x28  }
0x31c: {  	[tilespmem:s10], [sflag:$0x1] =	stream.indirect.gather @!p1 [spmem:s2], $0x80, s8, s9, $0xb8;
	[tilespmem:$0x1F080] =	vst v63  }
0x31d: {  	_ =	swait.ge [sflag:s29], $0x1400  }
0x31e: {  	[sflag:s29] =	ssyncset.done $0x0  }
0x31f: {  	s8 =	simm.s32 $0xFFFFFF80;
	[sflag:s29] =	ssyncadd.s32 $0xFFFFEC00  }
0x320: {  	v0 =	vld [tilespmem:s8+$0x2480]  }
0x321: {  	v1 =	vld [tilespmem:s8+$0x2500];
	_ =	sdelay $0x1  }
0x322: {  	v2 =	vld [tilespmem:s8+$0x2580];
	_ =	sdelay $0x1  }
0x323: {  	v3 =	vld [tilespmem:s8+$0x2600]  }
0x324: {  	v4 =	vshll.u32 v0, $0x10;
	v5 =	vshll.u32 v1, $0x10  }
0x325: {  	v0 =	vand.u32 $0xFFFF0000, v0;
	v1 =	vand.u32 $0xFFFF0000, v1;
	v4 =	vadd.f32 v5, v4;
	v5 =	vld [tilespmem:s8+$0x2680]  }
0x326: {  	v6 =	vshll.u32 v2, $0x10;
	v0 =	vadd.f32 v1, v0  }
0x327: {  	v1 =	vand.u32 $0xFFFF0000, v2;
	v2 =	vadd.f32 v6, v4;
	v4 =	vld [tilespmem:s8+$0x2700]  }
0x328: {  	v0 =	vadd.f32 v1, v0;
	v1 =	vshll.u32 v3, $0x10  }
0x329: {  	v1 =	vadd.f32 v1, v2;
	v2 =	vand.u32 $0xFFFF0000, v3;
	v3 =	vld [tilespmem:s8+$0x2780]  }
0x32a: {  	v2 =	vadd.f32 v2, v0;
	v6 =	vshll.u32 v5, $0x10  }
0x32b: {  	v0 =	vmov s6;
	v5 =	vand.u32 $0xFFFF0000, v5;
	v1 =	vadd.f32 v6, v1;
	v6 =	vld [tilespmem:s8+$0x2800]  }
0x32c: {  	v2 =	vadd.f32 v5, v2;
	v5 =	vshll.u32 v4, $0x10  }
0x32d: {  	v4 =	vand.u32 $0xFFFF0000, v4;
	v1 =	vadd.f32 v5, v1;
	v5 =	vld [tilespmem:s8+$0x2880]  }
0x32e: {  	v2 =	vadd.f32 v4, v2;
	v4 =	vshll.u32 v3, $0x10  }
0x32f: {  	v3 =	vand.u32 $0xFFFF0000, v3;
	v1 =	vadd.f32 v4, v1  }
0x330: {  	v4 =	vld.idx.msk [tilespmem:v0+s8+$0xFFFFFB00 ss:$0x1], $0xffff;
	v2 =	vadd.f32 v3, v2;
	v3 =	vshll.u32 v6, $0x10  }
0x331: {  	v7 =	vld.idx.msk [tilespmem:v0+s8+$0xFFFFFF00 ss:$0x1], $0xffff;
	v1 =	vadd.f32 v3, v1;
	v3 =	vand.u32 $0xFFFF0000, v6  }
0x332: {  	v2 =	vadd.f32 v3, v2;
	v3 =	vshll.u32 v5, $0x10  }
0x333: {  	v1 =	vadd.f32 v3, v1;
	v3 =	vand.u32 $0xFFFF0000, v5  }
0x334: {  	v2 =	vadd.f32 v3, v2  }
0x335: {  	v1 =	vadd.f32 v1, v4  }
0x336: {  	v2 =	vadd.f32 v2, v7  }
0x337: {  	[tilespmem:v0+s8+$0xFFFFFB00 ss:$0x1] =	vst.idx.msk $0xffff, v1  }
0x338: {  	[tilespmem:v0+s8+$0xFFFFFF00 ss:$0x1] =	vst.idx.msk $0xffff, v2  }
0x339: {  	v1 =	vld [tilespmem:s8+$0x2900]  }
0x33a: {  	v2 =	vld [tilespmem:s8+$0x2980];
	_ =	sdelay $0x1  }
0x33b: {  	v3 =	vld [tilespmem:s8+$0x2A00];
	_ =	sdelay $0x1  }
0x33c: {  	v4 =	vld [tilespmem:s8+$0x2A80]  }
0x33d: {  	v5 =	vshll.u32 v1, $0x10;
	v6 =	vshll.u32 v2, $0x10  }
0x33e: {  	v1 =	vand.u32 $0xFFFF0000, v1;
	v2 =	vand.u32 $0xFFFF0000, v2;
	v5 =	vadd.f32 v6, v5;
	v6 =	vld [tilespmem:s8+$0x2B00]  }
0x33f: {  	v1 =	vadd.f32 v2, v1;
	v2 =	vshll.u32 v3, $0x10  }
0x340: {  	v3 =	vand.u32 $0xFFFF0000, v3;
	v2 =	vadd.f32 v2, v5;
	v5 =	vld [tilespmem:s8+$0x2B80]  }
0x341: {  	v1 =	vadd.f32 v3, v1;
	v3 =	vshll.u32 v4, $0x10  }
0x342: {  	v4 =	vand.u32 $0xFFFF0000, v4;
	v2 =	vadd.f32 v3, v2;
	v3 =	vld [tilespmem:s8+$0x2C00]  }
0x343: {  	v1 =	vadd.f32 v4, v1;
	v4 =	vshll.u32 v6, $0x10  }
0x344: {  	v6 =	vand.u32 $0xFFFF0000, v6;
	v2 =	vadd.f32 v4, v2;
	v4 =	vld [tilespmem:s8+$0x2C80]  }
0x345: {  	v1 =	vadd.f32 v6, v1;
	v6 =	vshll.u32 v5, $0x10  }
0x346: {  	v5 =	vand.u32 $0xFFFF0000, v5;
	v2 =	vadd.f32 v6, v2;
	v6 =	vld [tilespmem:s8+$0x2D00]  }
0x347: {  	v1 =	vadd.f32 v5, v1;
	v5 =	vshll.u32 v3, $0x10  }
0x348: {  	v3 =	vand.u32 $0xFFFF0000, v3;
	v2 =	vadd.f32 v5, v2  }
0x349: {  	v1 =	vadd.f32 v3, v1;
	v3 =	vld.idx.msk [tilespmem:v0+s8+$0xFFFFFB80 ss:$0x1], $0xffff;
	v5 =	vshll.u32 v4, $0x10  }
0x34a: {  	v7 =	vld.idx.msk [tilespmem:v0+s8+$0xFFFFFF80 ss:$0x1], $0xffff;
	v4 =	vand.u32 $0xFFFF0000, v4;
	v2 =	vadd.f32 v5, v2  }
0x34b: {  	v1 =	vadd.f32 v4, v1;
	v4 =	vshll.u32 v6, $0x10  }
0x34c: {  	v5 =	vand.u32 $0xFFFF0000, v6;
	v2 =	vadd.f32 v4, v2  }
0x34d: {  	v1 =	vadd.f32 v5, v1  }
0x34e: {  	v2 =	vadd.f32 v2, v3  }
0x34f: {  	v1 =	vadd.f32 v1, v7  }
0x350: {  	[tilespmem:v0+s8+$0xFFFFFB80 ss:$0x1] =	vst.idx.msk $0xffff, v2  }
0x351: {  	[tilespmem:v0+s8+$0xFFFFFF80 ss:$0x1] =	vst.idx.msk $0xffff, v1  }
0x352: {  	v1 =	vld [tilespmem:s8+$0x2D80]  }
0x353: {  	v2 =	vld [tilespmem:s8+$0x2E00];
	_ =	sdelay $0x1  }
0x354: {  	v3 =	vld [tilespmem:s8+$0x2E80];
	_ =	sdelay $0x1  }
0x355: {  	v4 =	vld [tilespmem:s8+$0x2F00]  }
0x356: {  	v5 =	vshll.u32 v1, $0x10;
	v6 =	vshll.u32 v2, $0x10  }
0x357: {  	v7 =	vld [tilespmem:s8+$0x2F80];
	v1 =	vand.u32 $0xFFFF0000, v1;
	v2 =	vand.u32 $0xFFFF0000, v2;
	v5 =	vadd.f32 v6, v5  }
0x358: {  	v1 =	vadd.f32 v2, v1;
	v2 =	vshll.u32 v3, $0x10  }
0x359: {  	v6 =	vld [tilespmem:s8+$0x3000];
	v3 =	vand.u32 $0xFFFF0000, v3;
	v2 =	vadd.f32 v2, v5  }
0x35a: {  	v1 =	vadd.f32 v3, v1;
	v3 =	vshll.u32 v4, $0x10  }
0x35b: {  	v5 =	vld [tilespmem:s8+$0x3080];
	v4 =	vand.u32 $0xFFFF0000, v4;
	v2 =	vadd.f32 v3, v2  }
0x35c: {  	v1 =	vadd.f32 v4, v1;
	v3 =	vshll.u32 v7, $0x10  }
0x35d: {  	v4 =	vld [tilespmem:s8+$0x3100];
	v7 =	vand.u32 $0xFFFF0000, v7;
	v2 =	vadd.f32 v3, v2  }
0x35e: {  	v1 =	vadd.f32 v7, v1;
	v3 =	vshll.u32 v6, $0x10  }
0x35f: {  	v7 =	vld [tilespmem:s8+$0x3180];
	v6 =	vand.u32 $0xFFFF0000, v6;
	v2 =	vadd.f32 v3, v2  }
0x360: {  	v1 =	vadd.f32 v6, v1;
	v3 =	vshll.u32 v5, $0x10  }
0x361: {  	v5 =	vand.u32 $0xFFFF0000, v5;
	v2 =	vadd.f32 v3, v2  }
0x362: {  	v3 =	vld.idx.msk [tilespmem:v0+s8+$0xFFFFFC00 ss:$0x1], $0xffff;
	v1 =	vadd.f32 v5, v1;
	v5 =	vshll.u32 v4, $0x10  }
0x363: {  	v6 =	vld.idx.msk [tilespmem:v0+s8+$0x0 ss:$0x1], $0xffff;
	v4 =	vand.u32 $0xFFFF0000, v4;
	v2 =	vadd.f32 v5, v2  }
0x364: {  	v1 =	vadd.f32 v4, v1;
	v4 =	vshll.u32 v7, $0x10  }
0x365: {  	v5 =	vand.u32 $0xFFFF0000, v7;
	v2 =	vadd.f32 v4, v2  }
0x366: {  	v1 =	vadd.f32 v5, v1  }
0x367: {  	v2 =	vadd.f32 v2, v3  }
0x368: {  	v1 =	vadd.f32 v1, v6  }
0x369: {  	[tilespmem:v0+s8+$0xFFFFFC00 ss:$0x1] =	vst.idx.msk $0xffff, v2  }
0x36a: {  	[tilespmem:v0+s8+$0x0 ss:$0x1] =	vst.idx.msk $0xffff, v1  }
0x36b: {  	v1 =	vld [tilespmem:s8+$0x3200]  }
0x36c: {  	v2 =	vld [tilespmem:s8+$0x3280];
	_ =	sdelay $0x1  }
0x36d: {  	v5 =	vld [tilespmem:s8+$0x3300];
	_ =	sdelay $0x1  }
0x36e: {  	v7 =	vld [tilespmem:s8+$0x3380];
	v4 =	vshll.u32 v1, $0x10  }
0x36f: {  	v3 =	vld [tilespmem:s8+$0x3480];
	v6 =	vshll.u32 v2, $0x10;
	v1 =	vand.u32 $0xFFFF0000, v1;
	v2 =	vand.u32 $0xFFFF0000, v2  }
0x370: {  	v11 =	vld [tilespmem:s8+$0x3400];
	v8 =	vadd.f32 v6, v4;
	v1 =	vadd.f32 v2, v1  }
0x371: {  	v6 =	vld [tilespmem:s8+$0x3500];
	v2 =	vshll.u32 v5, $0x10;
	v5 =	vand.u32 $0xFFFF0000, v5  }
0x372: {  	v4 =	vld [tilespmem:s8+$0x3580];
	v8 =	vadd.f32 v2, v8;
	v9 =	vadd.f32 v5, v1  }
0x373: {  	v10 =	vand.u32 $0xFFFF0000, v7;
	v2 =	vld [tilespmem:s8+$0x3600];
	v5 =	vshll.u32 v7, $0x10  }
0x374: {  	v1 =	vld.idx.msk [tilespmem:v0+s8+$0xFFFFFC80 ss:$0x1], $0xffff;
	v8 =	vadd.f32 v5, v8;
	v9 =	vadd.f32 v10, v9  }
0x375: {  	s9 =	simm.s32 $0xFFFFFE40;
	v7 =	vshll.u32 v3, $0x10;
	v5 =	vld.idx.msk [tilespmem:v0+s8+$0x80 ss:$0x1], $0xffff;
	v10 =	vshll.u32 v11, $0x10;
	v11 =	vand.u32 $0xFFFF0000, v11  }
.LBB2_16:
0x376: {  	p2 =	sne.s32 s9, $0xFFFFFFC0;
	v8 =	vadd.f32 v10, v8;
	v9 =	vadd.f32 v11, v9;
	s10 =	smov.u32 s9;
	s9 =	sadd.s32 $0x40, s9  }
0x377: {  	v3 =	vand.u32 $0xFFFF0000, v3  }
0x378: {  	v7 =	vadd.f32 v7, v8;
	v3 =	vadd.f32 v3, v9;
	v8 =	vshll.u32 v6, $0x10  }
0x379: {  	v6 =	vand.u32 $0xFFFF0000, v6  }
0x37a: {  	v7 =	vadd.f32 v8, v7;
	v3 =	vadd.f32 v6, v3;
	v6 =	vshll.u32 v4, $0x10  }
0x37b: {  	v4 =	vand.u32 $0xFFFF0000, v4  }
0x37c: {  	v6 =	vadd.f32 v6, v7;
	v3 =	vadd.f32 v4, v3;
	v4 =	vshll.u32 v2, $0x10  }
0x37d: {  	s10 =	sshra.s32 s10, $0x2;
	v2 =	vand.u32 $0xFFFF0000, v2  }
0x37e: {  	v4 =	vadd.f32 v4, v6;
	v2 =	vadd.f32 v2, v3;
	_ =	sdelay $0x1  }
0x37f: {  	v1 =	vadd.f32 v4, v1;
	v2 =	vadd.f32 v2, v5;
	_ =	sdelay $0x1  }
0x380: {  	[tilespmem:v0+s8+$0xFFFFFC80 ss:$0x1] =	vst.idx.msk $0xffff, v1  }
0x381: {  	[tilespmem:v0+s8+$0x80 ss:$0x1] =	vst.idx.msk $0xffff, v2;
	s8 =	smov.u32 s10  }
0x382: {  	v1 =	vld [tilespmem:s8+$0x2480]  }
0x383: {  	v2 =	vld [tilespmem:s8+$0x2500]  }
0x384: {  	v3 =	vld [tilespmem:s8+$0x2580];
	_ =	sdelay $0x2  }
0x385: {  	v4 =	vand.u32 $0xFFFF0000, v1;
	v5 =	vld [tilespmem:s8+$0x2600]  }
0x386: {  	v1 =	vshll.u32 v1, $0x10;
	v6 =	vshll.u32 v2, $0x10;
	v2 =	vand.u32 $0xFFFF0000, v2  }
0x387: {  	v1 =	vadd.f32 v6, v1;
	v6 =	vshll.u32 v3, $0x10;
	v3 =	vand.u32 $0xFFFF0000, v3;
	v7 =	vld [tilespmem:s8+$0x2680]  }
0x388: {  	v2 =	vadd.f32 v2, v4  }
0x389: {  	v1 =	vadd.f32 v6, v1;
	v4 =	vld [tilespmem:s8+$0x2700]  }
0x38a: {  	v2 =	vadd.f32 v3, v2;
	v3 =	vshll.u32 v5, $0x10  }
0x38b: {  	v1 =	vadd.f32 v3, v1;
	v3 =	vand.u32 $0xFFFF0000, v5;
	v5 =	vld [tilespmem:s8+$0x2780]  }
0x38c: {  	v2 =	vadd.f32 v3, v2;
	v3 =	vshll.u32 v7, $0x10  }
0x38d: {  	v1 =	vadd.f32 v3, v1;
	v3 =	vand.u32 $0xFFFF0000, v7;
	v6 =	vld [tilespmem:s8+$0x2800]  }
0x38e: {  	v2 =	vadd.f32 v3, v2;
	v3 =	vshll.u32 v4, $0x10  }
0x38f: {  	v1 =	vadd.f32 v3, v1;
	v3 =	vand.u32 $0xFFFF0000, v4;
	v4 =	vld [tilespmem:s8+$0x2880]  }
0x390: {  	v2 =	vadd.f32 v3, v2;
	v3 =	vshll.u32 v5, $0x10  }
0x391: {  	v1 =	vadd.f32 v3, v1;
	v3 =	vand.u32 $0xFFFF0000, v5;
	v5 =	vld.idx.msk [tilespmem:v0+s8+$0xFFFFFB00 ss:$0x1], $0xffff  }
0x392: {  	v2 =	vadd.f32 v3, v2;
	v3 =	vshll.u32 v6, $0x10;
	v7 =	vld.idx.msk [tilespmem:v0+s8+$0xFFFFFF00 ss:$0x1], $0xffff  }
0x393: {  	v1 =	vadd.f32 v3, v1;
	v3 =	vand.u32 $0xFFFF0000, v6  }
0x394: {  	v2 =	vadd.f32 v3, v2;
	v3 =	vshll.u32 v4, $0x10  }
0x395: {  	v1 =	vadd.f32 v3, v1;
	v3 =	vand.u32 $0xFFFF0000, v4  }
0x396: {  	v2 =	vadd.f32 v3, v2  }
0x397: {  	v1 =	vadd.f32 v1, v5  }
0x398: {  	v2 =	vadd.f32 v2, v7  }
0x399: {  	[tilespmem:v0+s8+$0xFFFFFB00 ss:$0x1] =	vst.idx.msk $0xffff, v1  }
0x39a: {  	[tilespmem:v0+s8+$0xFFFFFF00 ss:$0x1] =	vst.idx.msk $0xffff, v2  }
0x39b: {  	v1 =	vld [tilespmem:s8+$0x2900]  }
0x39c: {  	v2 =	vld [tilespmem:s8+$0x2980];
	_ =	sdelay $0x1  }
0x39d: {  	v3 =	vld [tilespmem:s8+$0x2A00];
	_ =	sdelay $0x1  }
0x39e: {  	v4 =	vand.u32 $0xFFFF0000, v1;
	v5 =	vld [tilespmem:s8+$0x2A80]  }
0x39f: {  	v1 =	vshll.u32 v1, $0x10;
	v6 =	vshll.u32 v2, $0x10;
	v2 =	vand.u32 $0xFFFF0000, v2  }
0x3a0: {  	v1 =	vadd.f32 v6, v1;
	v2 =	vadd.f32 v2, v4;
	v4 =	vld [tilespmem:s8+$0x2B00]  }
0x3a1: {  	v6 =	vshll.u32 v3, $0x10;
	v3 =	vand.u32 $0xFFFF0000, v3  }
0x3a2: {  	v1 =	vadd.f32 v6, v1;
	v2 =	vadd.f32 v3, v2;
	v3 =	vld [tilespmem:s8+$0x2B80]  }
0x3a3: {  	v6 =	vshll.u32 v5, $0x10;
	v5 =	vand.u32 $0xFFFF0000, v5  }
0x3a4: {  	v1 =	vadd.f32 v6, v1;
	v2 =	vadd.f32 v5, v2;
	v5 =	vld [tilespmem:s8+$0x2C00]  }
0x3a5: {  	v6 =	vshll.u32 v4, $0x10;
	v4 =	vand.u32 $0xFFFF0000, v4  }
0x3a6: {  	v1 =	vadd.f32 v6, v1;
	v2 =	vadd.f32 v4, v2;
	v4 =	vld [tilespmem:s8+$0x2C80]  }
0x3a7: {  	v6 =	vshll.u32 v3, $0x10;
	v3 =	vand.u32 $0xFFFF0000, v3  }
0x3a8: {  	v1 =	vadd.f32 v6, v1;
	v2 =	vadd.f32 v3, v2;
	v3 =	vld [tilespmem:s8+$0x2D00]  }
0x3a9: {  	v6 =	vshll.u32 v5, $0x10;
	v5 =	vand.u32 $0xFFFF0000, v5;
	v7 =	vld.idx.msk [tilespmem:v0+s8+$0xFFFFFF80 ss:$0x1], $0xffff  }
0x3aa: {  	v1 =	vadd.f32 v6, v1;
	v2 =	vadd.f32 v5, v2;
	v5 =	vld.idx.msk [tilespmem:v0+s8+$0xFFFFFB80 ss:$0x1], $0xffff  }
0x3ab: {  	v6 =	vshll.u32 v4, $0x10;
	v4 =	vand.u32 $0xFFFF0000, v4  }
0x3ac: {  	v1 =	vadd.f32 v6, v1;
	v2 =	vadd.f32 v4, v2  }
0x3ad: {  	v4 =	vshll.u32 v3, $0x10;
	v3 =	vand.u32 $0xFFFF0000, v3  }
0x3ae: {  	v1 =	vadd.f32 v4, v1;
	v2 =	vadd.f32 v3, v2;
	_ =	sdelay $0x1  }
0x3af: {  	v1 =	vadd.f32 v1, v5;
	v2 =	vadd.f32 v2, v7;
	_ =	sdelay $0x1  }
0x3b0: {  	[tilespmem:v0+s8+$0xFFFFFB80 ss:$0x1] =	vst.idx.msk $0xffff, v1  }
0x3b1: {  	[tilespmem:v0+s8+$0xFFFFFF80 ss:$0x1] =	vst.idx.msk $0xffff, v2  }
0x3b2: {  	v1 =	vld [tilespmem:s8+$0x2D80]  }
0x3b3: {  	v2 =	vld [tilespmem:s8+$0x2E00]  }
0x3b4: {  	v3 =	vld [tilespmem:s8+$0x2E80]  }
0x3b5: {  	v4 =	vld [tilespmem:s8+$0x2F00]  }
0x3b6: {  	v5 =	vld [tilespmem:s8+$0x2F80]  }
0x3b7: {  	v6 =	vshll.u32 v1, $0x10;
	v7 =	vld [tilespmem:s8+$0x3000]  }
0x3b8: {  	v1 =	vand.u32 $0xFFFF0000, v1;
	v8 =	vshll.u32 v2, $0x10;
	v2 =	vand.u32 $0xFFFF0000, v2;
	v9 =	vld [tilespmem:s8+$0x3080]  }
0x3b9: {  	v6 =	vadd.f32 v8, v6;
	v1 =	vadd.f32 v2, v1;
	v2 =	vld [tilespmem:s8+$0x3100]  }
0x3ba: {  	v8 =	vshll.u32 v3, $0x10;
	v3 =	vand.u32 $0xFFFF0000, v3;
	v10 =	vld [tilespmem:s8+$0x3180]  }
0x3bb: {  	v6 =	vadd.f32 v8, v6;
	v1 =	vadd.f32 v3, v1;
	v3 =	vld.idx.msk [tilespmem:v0+s8+$0xFFFFFC00 ss:$0x1], $0xffff  }
0x3bc: {  	v8 =	vshll.u32 v4, $0x10;
	v4 =	vand.u32 $0xFFFF0000, v4;
	v11 =	vld.idx.msk [tilespmem:v0+s8+$0x0 ss:$0x1], $0xffff  }
0x3bd: {  	v6 =	vadd.f32 v8, v6;
	v1 =	vadd.f32 v4, v1  }
0x3be: {  	v4 =	vshll.u32 v5, $0x10;
	v5 =	vand.u32 $0xFFFF0000, v5  }
0x3bf: {  	v4 =	vadd.f32 v4, v6;
	v1 =	vadd.f32 v5, v1  }
0x3c0: {  	v5 =	vshll.u32 v7, $0x10;
	v6 =	vand.u32 $0xFFFF0000, v7  }
0x3c1: {  	v4 =	vadd.f32 v5, v4;
	v1 =	vadd.f32 v6, v1  }
0x3c2: {  	v5 =	vshll.u32 v9, $0x10;
	v6 =	vand.u32 $0xFFFF0000, v9  }
0x3c3: {  	v4 =	vadd.f32 v5, v4;
	v1 =	vadd.f32 v6, v1  }
0x3c4: {  	v5 =	vshll.u32 v2, $0x10;
	v2 =	vand.u32 $0xFFFF0000, v2  }
0x3c5: {  	v4 =	vadd.f32 v5, v4;
	v1 =	vadd.f32 v2, v1  }
0x3c6: {  	v2 =	vshll.u32 v10, $0x10;
	v5 =	vand.u32 $0xFFFF0000, v10  }
0x3c7: {  	v2 =	vadd.f32 v2, v4;
	v1 =	vadd.f32 v5, v1;
	_ =	sdelay $0x1  }
0x3c8: {  	v2 =	vadd.f32 v2, v3;
	v1 =	vadd.f32 v1, v11;
	_ =	sdelay $0x1  }
0x3c9: {  	[tilespmem:v0+s8+$0xFFFFFC00 ss:$0x1] =	vst.idx.msk $0xffff, v2  }
0x3ca: {  	[tilespmem:v0+s8+$0x0 ss:$0x1] =	vst.idx.msk $0xffff, v1  }
0x3cb: {  	v1 =	vld [tilespmem:s8+$0x3200]  }
0x3cc: {  	v2 =	vld [tilespmem:s8+$0x3280]  }
0x3cd: {  	v5 =	vld [tilespmem:s8+$0x3300]  }
0x3ce: {  	v7 =	vld [tilespmem:s8+$0x3380]  }
0x3cf: {  	v11 =	vld [tilespmem:s8+$0x3400]  }
0x3d0: {  	v4 =	vand.u32 $0xFFFF0000, v1;
	v3 =	vld [tilespmem:s8+$0x3480]  }
0x3d1: {  	v1 =	vshll.u32 v1, $0x10;
	v8 =	vshll.u32 v2, $0x10;
	v2 =	vand.u32 $0xFFFF0000, v2;
	v6 =	vld [tilespmem:s8+$0x3500]  }
0x3d2: {  	v1 =	vadd.f32 v8, v1;
	v8 =	vadd.f32 v2, v4;
	v9 =	vshll.u32 v5, $0x10;
	v4 =	vld [tilespmem:s8+$0x3580]  }
.Ltmp9:
0x3d3: {  	v5 =	vand.u32 $0xFFFF0000, v5;
	v2 =	vld [tilespmem:s8+$0x3600];
	(pc) =	sbr.rel @p2 .LBB2_16-.Ltmp9, $4  }
0x3d4: {  	v9 =	vadd.f32 v9, v1;
	v10 =	vadd.f32 v5, v8;
	v8 =	vshll.u32 v7, $0x10;
	v1 =	vld.idx.msk [tilespmem:v0+s8+$0xFFFFFC80 ss:$0x1], $0xffff  }
0x3d5: {  	v12 =	vand.u32 $0xFFFF0000, v7;
	v7 =	vshll.u32 v3, $0x10;
	v5 =	vld.idx.msk [tilespmem:v0+s8+$0x80 ss:$0x1], $0xffff  }
0x3d6: {  	v8 =	vadd.f32 v8, v9;
	v9 =	vadd.f32 v12, v10;
	v10 =	vshll.u32 v11, $0x10  }
0x3d7: {  	v11 =	vand.u32 $0xFFFF0000, v11  }
0x3d8: {  	v8 =	vadd.f32 v10, v8  }
0x3d9: {  	v9 =	vadd.f32 v11, v9  }
0x3da: {  	v3 =	vand.u32 $0xFFFF0000, v3;
	v7 =	vadd.f32 v7, v8  }
0x3db: {  	v58 =	vshll.u32 v6, $0x10;
	v3 =	vadd.f32 v3, v9  }
0x3dc: {  	v59 =	vand.u32 $0xFFFF0000, v6;
	v7 =	vadd.f32 v58, v7  }
0x3dd: {  	v60 =	vshll.u32 v4, $0x10;
	v3 =	vadd.f32 v59, v3  }
0x3de: {  	v61 =	vand.u32 $0xFFFF0000, v4;
	v6 =	vadd.f32 v60, v7  }
0x3df: {  	v62 =	vshll.u32 v2, $0x10;
	v3 =	vadd.f32 v61, v3  }
0x3e0: {  	v63 =	vand.u32 $0xFFFF0000, v2;
	v4 =	vadd.f32 v62, v6  }
.Ltmp10:
0x3e1: {  	v2 =	vadd.f32 v63, v3;
	(pc) =	sbr.rel @p1 .LBB2_19-.Ltmp10, $4  }
0x3e2: {  	v1 =	vadd.f32 v4, v1  }
0x3e3: {  	v2 =	vadd.f32 v2, v5  }
0x3e4: {  	[tilespmem:v0+s8+$0xFFFFFC80 ss:$0x1] =	vst.idx.msk $0xffff, v1  }
0x3e5: {  	[tilespmem:v0+s8+$0x80 ss:$0x1] =	vst.idx.msk $0xffff, v2  }
.Ltmp11:
0x3e6: {  	(pc) =	sbr.rel .LBB2_13-.Ltmp11, $4  }
0x3e7: {  	_ = 	snop  }
0x3e8: {  	s7 =	sshrl.u32 s7, $0x2;
	s0 =	sadd.s32 $0x1, s0  }
0x3e9: {  	s5 =	sadd.s32 $0x800, s5;
	s6 =	sadd.s32 $0x800, s6;
	s7 =	sadd.s32 $0x180, s7  }
0x3ea: {  	[tilespmem:s25], [sflag:$0x2] =	stream.indirect.gather [spmem:s2], $0x80, s7, s31, $0xb8;
	[tilespmem:$0x1F080] =	vst v63  }
.LBB2_20:
0x3eb: {  	_ =	sfence.sel $0x180000  }
0x3ec: {  	[bflag:$0x0] =	sbarrier.arrive $0xFFFF  }
0x3ed: {  	_ =	strace $0x90000047  }
0x3ee: {  	s0 =	stileid.u32;
	[bflag:$0x2] =	sbarrier.arrive $0xFFFF  }
0x3ef: {  	p0 =	sne.s32 s0, $0x0;
	s0 =	rddreg [dreg:$0x3]  }
0x3f0: {  	s0 =	sadd.s32 @!p0 $0x100000, s0  }
0x3f1: {  	[sflag:s0] =	ssyncadd.tile.s32 @!p0 $0x1;
	_ =	shalt  }
.Lfunc_end2:
_tile_overlayer_lowered:
.L_overlay_start_2:
0x3f2: {  	(tag) =	ssettag $0x2  }
0x3f3: {  	s0 =	rddreg [dreg:$0x0];
	s2 =	stileid.u32  }
0x3f4: {  	s1 =	rddreg [dreg:$0x1];
	p0 =	sne.s32 s2, $0x0  }
0x3f5: {  	s3 =	rddreg [dreg:$0x2];
	[bflag:$0x3] =	sbarrier.arrive $0xFFFF;
	s2 =	simm.s32 @!p0 $0x1C03  }
0x3f6: {  	[timem:s3], [sflag:s2] =	dma.local @!p0 [hbm:s0], s1  }
0x3f7: {  	s0 =	simm.s32 @!p0 $0x3  }
0x3f8: {  	_ =	swait.ge @!p0 [sflag:s0], s1  }
0x3f9: {  	s1 =	ssub.s32 @!p0 $0x0, s1;
	[sflag:s0] =	ssyncset.done @!p0 $0x0  }
0x3fa: {  	[sflag:s0] =	ssyncadd.s32 @!p0 s1  }
0x3fb: {  	[bflag:$0x3] =	sbarrier.arrive $0xFFFF  }
0x3fc: {  	_ =	shalt  }

</sc_bundles>
